<compile_context>
chip_gen: v7x
topology: tpu7x:2x2x1
jax: 0.10.2.dev20260603
libtpu: 0.0.44.dev20260713+nightly
codegen_flags: <defaults>
</compile_context>

<pallas_src>
import functools

import jax
import jax.numpy as jnp
from jax import lax
from jax.experimental import pallas as pl
from jax.experimental.pallas import tpu as pltpu
from jax.experimental.pallas import tpu_sc as plsc

K = 20
N = 2048
B_ROWS = 32768
NC, NS, L = 2, 16, 16
NW = NC * NS
CHUNK_ROWS = 8
SC_ROWS = 23040
TC_ROWS = B_ROWS - SC_ROWS
ROWS_PER_W = SC_ROWS // NW
CHUNKS_PER_W = ROWS_PER_W // CHUNK_ROWS
CHUNK_ELEMS = CHUNK_ROWS * N
OUT_PER_W = ROWS_PER_W * K
TC_BLOCK = 256

_INF = float("inf")


def _lane():
    return lax.iota(jnp.int32, L)


def _vsort(v):
    w, _ = plsc.sort_key_val(v, _lane())
    return w


def _exact_sort16(v, i):
    w, j = plsc.sort_key_val(v, i)
    occ, _ = plsc.scan_count(w)
    rs = _lane() - occ
    key2 = rs * jnp.int32(2048) + j
    _, j2 = plsc.sort_key_val(key2, j)
    return w, j2


def _lex_take(av, ai, bv, bi):
    return (av < bv) | ((av == bv) & (ai < bi))


def _merge32(a, b):
    rb = lax.rev(b, (0,))
    lo = jnp.minimum(a, rb)
    hi = jnp.maximum(a, rb)
    return _vsort(lo), _vsort(hi)


def _threshold(a0, a1, a2, a3):
    p0, p1 = _merge32(_vsort(a0), _vsort(a1))
    q0, q1 = _merge32(_vsort(a2), _vsort(a3))
    l0 = jnp.minimum(p0, lax.rev(q1, (0,)))
    l1 = jnp.minimum(p1, lax.rev(q0, (0,)))
    h = _vsort(jnp.maximum(l0, l1))
    return jnp.min(jnp.where(_lane() >= 4, h, _INF))


def _scalar(v16):
    return lax.squeeze(lax.slice(v16, (0,), (1,)), (0,))


R_IL = 4
HALF = N // 2


def _group_body(xb, cands, ob, p, rw_base):
    R = R_IL
    rows = [R * p + k for k in range(R)]

    inf16 = jnp.full((L,), _INF)

    def make_ph1(pair):
        def ph1(i, acc):
            a = list(acc)
            for kk, k in enumerate(pair):
                o = 64 * i
                for q in range(4):
                    a[4 * kk + q] = jnp.minimum(
                        a[4 * kk + q], xb[rows[k], pl.ds(o + 16 * q, L)])
            return tuple(a)
        return ph1

    acc = []
    for h in range(R // 2):
        acc.extend(lax.fori_loop(
            0, 32, make_ph1((2 * h, 2 * h + 1)), (inf16,) * 8))
    tvs = [jnp.full((L,), _threshold(*acc[4 * k:4 * k + 4])) for k in range(R)]

    def make_ph2(pair):
        def ph2(i, carry):
            ca = list(carry[:2])
            cb = list(carry[2:4])
            idxv = carry[4]
            for q in range(2):
                iq = idxv + jnp.int32(16 * q)
                for kk, k in enumerate(pair):
                    va = xb[rows[k], pl.ds(32 * i + 16 * q, L)]
                    vb = xb[rows[k], pl.ds(HALF + 32 * i + 16 * q, L)]
                    ma = va <= tvs[k]
                    mb = vb <= tvs[k]
                    plsc.store_compressed(cands[k].at[pl.ds(ca[kk], L)], iq,
                                          mask=ma)
                    plsc.store_compressed(
                        cands[k].at[pl.ds(jnp.int32(HALF) + cb[kk], L)],
                        iq + jnp.int32(HALF), mask=mb)
                    ca[kk] = ca[kk] + _scalar(
                        plsc.all_reduce_population_count(ma))
                    cb[kk] = cb[kk] + _scalar(
                        plsc.all_reduce_population_count(mb))
            return tuple(ca) + tuple(cb) + (idxv + jnp.int32(32),)
        return ph2

    ca = [None] * R
    cb = [None] * R
    for h in range(R // 2):
        carry = lax.fori_loop(
            0, HALF // 32, make_ph2((2 * h, 2 * h + 1)),
            (jnp.int32(0),) * 4 + (_lane(),))
        ca[2 * h], ca[2 * h + 1] = carry[0], carry[1]
        cb[2 * h], cb[2 * h + 1] = carry[2], carry[3]

    zero16 = jnp.zeros((L,), jnp.int32)
    nva = [(c + jnp.int32(15)) >> 4 for c in ca]
    nvb = [(c + jnp.int32(15)) >> 4 for c in cb]
    nv = nva[0] + nvb[0]
    for k in range(1, R):
        nv = jnp.maximum(nv, nva[k] + nvb[k])

    def merge_step(sv0, sv1, si0, si1, k, jv):
        in_a = jv < nva[k]
        jb = jv - nva[k]
        roff = jnp.where(in_a, 16 * jv, jnp.int32(HALF) + 16 * jb)
        roff = jnp.minimum(roff, jnp.int32(2 * HALF))
        lp = _lane() + jnp.where(in_a, 16 * jv, 16 * jb)
        m = lp < jnp.where(in_a, ca[k], cb[k])
        idx = jnp.where(m, cands[k][pl.ds(roff, L)], 0)
        rsplat = jnp.full((L,), rows[k], jnp.int32)
        vals = plsc.load_gather(xb, [rsplat, idx])
        vals = jnp.where(m, vals, _INF)
        w, j = _exact_sort16(vals, idx)
        rw_, rj_ = lax.rev(w, (0,)), lax.rev(j, (0,))
        take = _lex_take(sv1, si1, rw_, rj_)
        l1v = jnp.where(take, sv1, rw_)
        l1i = jnp.where(take, si1, rj_)
        take2 = _lex_take(sv0, si0, l1v, l1i)
        lv = jnp.where(take2, sv0, l1v)
        li = jnp.where(take2, si0, l1i)
        hv = jnp.where(take2, l1v, sv0)
        hi = jnp.where(take2, l1i, si0)
        sv0, si0 = _exact_sort16(lv, li)
        sv1, si1 = _exact_sort16(hv, hi)
        return sv0, sv1, si0, si1

    def ph3(jv, carry):
        out = []
        for k in range(R):
            out.append(merge_step(*carry[4 * k:4 * k + 4], k, jv))
        return tuple(x for s in out for x in s)

    init = (inf16, inf16, zero16, zero16) * R
    res = lax.fori_loop(0, nv, ph3, init)

    lo_mask = _lane() >= 1
    hi_mask = _lane() < 5
    for k in range(R):
        si0, si1 = res[4 * k + 2], res[4 * k + 3]
        o = 20 * (rw_base + R * p + k)
        plsc.store_compressed(ob.at[pl.ds(o, L)], si0, mask=lo_mask)
        plsc.store_compressed(ob.at[pl.ds(o + 15, L)], si1, mask=hi_mask)


def _process_chunk(xb, cands, ob, g):
    rw_base = CHUNK_ROWS * g

    def groupf(p, _):
        _group_body(xb, cands, ob, p, rw_base)
        return 0
    lax.fori_loop(0, CHUNK_ROWS // R_IL, groupf, 0)


_mesh = plsc.VectorSubcoreMesh(
    core_axis_name="c", subcore_axis_name="s", num_cores=NC, num_subcores=NS)


@functools.partial(
    pl.kernel,
    out_type=jax.ShapeDtypeStruct((SC_ROWS * K,), jnp.int32),
    mesh=_mesh,
    scratch_types=[
        pltpu.VMEM((CHUNK_ROWS, N), jnp.float32),
        pltpu.VMEM((CHUNK_ROWS, N), jnp.float32),
        pltpu.VMEM((OUT_PER_W + 16,), jnp.int32),
        pltpu.VMEM((N + 16,), jnp.int32),
        pltpu.VMEM((N + 16,), jnp.int32),
        pltpu.VMEM((N + 16,), jnp.int32),
        pltpu.VMEM((N + 16,), jnp.int32),
        pltpu.SemaphoreType.DMA,
        pltpu.SemaphoreType.DMA,
    ],
    compiler_params=pltpu.CompilerParams(
        needs_layout_passes=False, use_tc_tiling_on_sc=True),
)
def _sc_topk(x_hbm, o_hbm, xb0, xb1, ob, cand0, cand1, cand2, cand3,
             sem0, sem1):
    cands = [cand0, cand1, cand2, cand3]
    wid = lax.axis_index("s") * NC + lax.axis_index("c")
    row0 = wid * ROWS_PER_W

    def chunk_src(g):
        gc = jnp.minimum(g, CHUNKS_PER_W - 1)
        return x_hbm.at[pl.ds(row0 + CHUNK_ROWS * gc, CHUNK_ROWS), :]

    pltpu.async_copy(chunk_src(jnp.int32(0)), xb0, sem0)
    pltpu.async_copy(chunk_src(jnp.int32(1)), xb1, sem1)

    def pair(g2, _):
        g = 2 * g2
        pltpu.make_async_copy(chunk_src(g), xb0, sem0).wait()
        _process_chunk(xb0, cands, ob, g)
        pltpu.async_copy(chunk_src(g + 2), xb0, sem0)
        pltpu.make_async_copy(chunk_src(g + 1), xb1, sem1).wait()
        _process_chunk(xb1, cands, ob, g + 1)
        pltpu.async_copy(chunk_src(g + 3), xb1, sem1)
        return 0

    lax.fori_loop(0, CHUNKS_PER_W // 2, pair, 0)
    pltpu.make_async_copy(chunk_src(jnp.int32(0)), xb0, sem0).wait()
    pltpu.make_async_copy(chunk_src(jnp.int32(0)), xb1, sem1).wait()

    pltpu.sync_copy(ob.at[pl.ds(0, OUT_PER_W)],
                    o_hbm.at[pl.ds(wid * OUT_PER_W, OUT_PER_W)])


def _tc_topk_body(x_ref, o_ref):
    x = x_ref[...]
    r = x.shape[0]
    iota = lax.broadcasted_iota(jnp.int32, (r, N), 1)
    cols = []
    for t in range(K + 1):
        m = jnp.min(x, axis=1, keepdims=True)
        idx = jnp.min(jnp.where(x == m, iota, N), axis=1, keepdims=True)
        if t > 0:
            cols.append(idx)
        x = jnp.where(iota == idx, jnp.float32(jnp.inf), x)
    o_ref[...] = jnp.concatenate(cols, axis=1)


@jax.jit
def kernel(inputs):
    d = inputs
    b, q, n = d.shape
    rows2d = d.reshape(b * q, n)
    sc_out = _sc_topk(rows2d).reshape(SC_ROWS, K)
    tc_out = pl.pallas_call(
        _tc_topk_body,
        grid=(TC_ROWS // TC_BLOCK,),
        in_specs=[pl.BlockSpec((TC_BLOCK, N),
                               lambda i: (i + SC_ROWS // TC_BLOCK, 0))],
        out_specs=pl.BlockSpec((TC_BLOCK, K), lambda i: (i, 0)),
        out_shape=jax.ShapeDtypeStruct((TC_ROWS, K), jnp.int32),
        compiler_params=pltpu.CompilerParams(
            dimension_semantics=("arbitrary",),
        ),
    )(rows2d)
    return jnp.concatenate([sc_out, tc_out], axis=0).reshape(b, q, K)

# --- scband reference (transcript-rebuilt; emitter-appended) ---
"""Pipeline reference for scband-get-knn-index-70824010711500 (READ-ONLY COPY).

The authoritative reference and input builder live on the scoring server;
editing this copy changes nothing except your own understanding.
"""

import jax, jax.numpy as jnp
import numpy as np

K = 20

def setup_inputs(seed: int = 0) -> dict:
    key = jax.random.key(seed)
    D = jax.random.normal(key, (16, 2048, 2048), dtype=jnp.float32)
    return {"inputs": D}

def reference(inputs):
    # Faithful translation of Get_Knn_Index.call:
    #   _, indices = tf.math.top_k(-D, k=self.k + 1)
    #   return indices[:, :, 1:]
    D = inputs
    _, indices = jax.lax.top_k(-D, K + 1)
    return indices[:, :, 1:]

if __name__ == "__main__":
    import jax
    _d = setup_inputs()
    print(jax.jit(kernel)(*tuple(_d.values())))

</pallas_src>

<mosaic_0001>
#map = affine_map<(d0, d1) -> (0, 0)>
#map1 = affine_map<(d0, d1) -> (0)>
module attributes {stable_mosaic.version = 14 : i64} {
  func.func @_sc_topk(%arg0: i32, %arg1: i32, %arg2: memref<32768x2048xf32, #tpu.memory_space<hbm>>, %arg3: memref<460800xi32, #tpu.memory_space<hbm>>, %arg4: memref<8x2048xf32, #tpu.memory_space<vmem>>, %arg5: memref<8x2048xf32, #tpu.memory_space<vmem>>, %arg6: memref<14416xi32, #tpu.memory_space<vmem>>, %arg7: memref<2064xi32, #tpu.memory_space<vmem>>, %arg8: memref<2064xi32, #tpu.memory_space<vmem>>, %arg9: memref<2064xi32, #tpu.memory_space<vmem>>, %arg10: memref<2064xi32, #tpu.memory_space<vmem>>, %arg11: memref<!tpu.dma_semaphore, #tpu.memory_space<semaphore_mem>>, %arg12: memref<!tpu.dma_semaphore, #tpu.memory_space<semaphore_mem>>) attributes {dimension_semantics = [#tpu.dimension_semantics<core_parallel>, #tpu.dimension_semantics<subcore_parallel>], iteration_bounds = array<i64: 2, 16>, scalar_prefetch = 0 : i64, scratch_operands = 9 : i64, tpu.core_type = #tpu.core_type<sc_vector_subcore>, window_params = [{transform_indices = #map}, {transform_indices = #map1}]} {
    %mul3A = arith.constant 2 : i32
    %mul3A_0 = arith.muli %arg1, %mul3A : i32
    %add3A = arith.addi %mul3A_0, %arg0 : i32
    %mul3A_1 = arith.constant 720 : i32
    %mul3A_2 = arith.muli %add3A, %mul3A_1 : i32
    %min3A = arith.constant 0 : i32
    %min3A_3 = arith.constant 89 : i32
    %min3A_4 = arith.minsi %min3A, %min3A_3 : i32
    %mul3A_5 = arith.constant 8 : i32
    %mul3A_6 = arith.muli %mul3A_5, %min3A_4 : i32
    %add3A_7 = arith.addi %mul3A_2, %mul3A_6 : i32
    %dma_start3A = arith.constant 0 : i32
    %dma_start3A_8 = tpu.memref_slice %arg2[%add3A_7, %dma_start3A] : memref<32768x2048xf32, #tpu.memory_space<hbm>> -> memref<8x2048xf32, #tpu.memory_space<hbm>>
    %dma_start3A_9 = arith.constant 0 : i32
    %dma_start3A_10 = tpu.memref_slice %arg2[%add3A_7, %dma_start3A_9] : memref<32768x2048xf32, #tpu.memory_space<hbm>> -> memref<8x2048xf32, #tpu.memory_space<hbm>>
    tpu.enqueue_dma source(%dma_start3A_10 : memref<8x2048xf32, #tpu.memory_space<hbm>>) target(%arg4 : memref<8x2048xf32, #tpu.memory_space<vmem>>) target_semaphore(%arg11 : memref<!tpu.dma_semaphore, #tpu.memory_space<semaphore_mem>>)
    %min3A_11 = arith.constant 1 : i32
    %min3A_12 = arith.constant 89 : i32
    %min3A_13 = arith.minsi %min3A_11, %min3A_12 : i32
    %mul3A_14 = arith.constant 8 : i32
    %mul3A_15 = arith.muli %mul3A_14, %min3A_13 : i32
    %add3A_16 = arith.addi %mul3A_2, %mul3A_15 : i32
    %dma_start3A_17 = arith.constant 0 : i32
    %dma_start3A_18 = tpu.memref_slice %arg2[%add3A_16, %dma_start3A_17] : memref<32768x2048xf32, #tpu.memory_space<hbm>> -> memref<8x2048xf32, #tpu.memory_space<hbm>>
    %dma_start3A_19 = arith.constant 0 : i32
    %dma_start3A_20 = tpu.memref_slice %arg2[%add3A_16, %dma_start3A_19] : memref<32768x2048xf32, #tpu.memory_space<hbm>> -> memref<8x2048xf32, #tpu.memory_space<hbm>>
    tpu.enqueue_dma source(%dma_start3A_20 : memref<8x2048xf32, #tpu.memory_space<hbm>>) target(%arg5 : memref<8x2048xf32, #tpu.memory_space<vmem>>) target_semaphore(%arg12 : memref<!tpu.dma_semaphore, #tpu.memory_space<semaphore_mem>>)
    %scan3A = arith.constant 0 : i32
    %scan3A_21 = arith.constant 0 : i32
    %scan3A_22 = arith.constant 45 : i32
    %scan3A_23 = arith.addi %scan3A_21, %scan3A_22 : i32
    %scan3A_24 = arith.constant 1 : i32
    %scan3A_25 = scf.for %scan3A_48 = %scan3A_21 to %scan3A_23 step %scan3A_24 iter_args(%scan3A_49 = %scan3A) -> (i32)  : i32 {
      %mul3A_50 = arith.constant 2 : i32
      %mul3A_51 = arith.muli %mul3A_50, %scan3A_48 : i32
      %min3A_52 = arith.constant 89 : i32
      %min3A_53 = arith.minsi %mul3A_51, %min3A_52 : i32
      %mul3A_54 = arith.constant 8 : i32
      %mul3A_55 = arith.muli %mul3A_54, %min3A_53 : i32
      %add3A_56 = arith.addi %mul3A_2, %mul3A_55 : i32
      %dma_wait3A_57 = arith.constant 0 : i32
      %dma_wait3A_58 = tpu.memref_slice %arg2[%add3A_56, %dma_wait3A_57] : memref<32768x2048xf32, #tpu.memory_space<hbm>> -> memref<8x2048xf32, #tpu.memory_space<hbm>>
      %dma_wait3A_59 = arith.constant 0 : i32
      %dma_wait3A_60 = tpu.memref_slice %arg2[%add3A_56, %dma_wait3A_59] : memref<32768x2048xf32, #tpu.memory_space<hbm>> -> memref<8x2048xf32, #tpu.memory_space<hbm>>
      tpu.wait_dma2 semaphore(%arg11 : memref<!tpu.dma_semaphore, #tpu.memory_space<semaphore_mem>>) src(%dma_wait3A_60 : memref<8x2048xf32, #tpu.memory_space<hbm>>) dst(%arg4 : memref<8x2048xf32, #tpu.memory_space<vmem>>)
      %mul3A_61 = arith.constant 8 : i32
      %mul3A_62 = arith.muli %mul3A_61, %mul3A_51 : i32
      %scan3A_63 = arith.constant 0 : i32
      %scan3A_64 = arith.constant 0 : i32
      %scan3A_65 = arith.constant 2 : i32
      %scan3A_66 = arith.addi %scan3A_64, %scan3A_65 : i32
      %scan3A_67 = arith.constant 1 : i32
      %scan3A_68 = scf.for %scan3A_115 = %scan3A_64 to %scan3A_66 step %scan3A_67 iter_args(%scan3A_116 = %scan3A_63) -> (i32)  : i32 {
        %mul3A_117 = arith.constant 4 : i32
        %mul3A_118 = arith.muli %mul3A_117, %scan3A_115 : i32
        %add3A_119 = arith.constant 0 : i32
        %add3A_120 = arith.addi %mul3A_118, %add3A_119 : i32
        %mul3A_121 = arith.constant 4 : i32
        %mul3A_122 = arith.muli %mul3A_121, %scan3A_115 : i32
        %add3A_123 = arith.constant 1 : i32
        %add3A_124 = arith.addi %mul3A_122, %add3A_123 : i32
        %mul3A_125 = arith.constant 4 : i32
        %mul3A_126 = arith.muli %mul3A_125, %scan3A_115 : i32
        %add3A_127 = arith.constant 2 : i32
        %add3A_128 = arith.addi %mul3A_126, %add3A_127 : i32
        %mul3A_129 = arith.constant 4 : i32
        %mul3A_130 = arith.muli %mul3A_129, %scan3A_115 : i32
        %add3A_131 = arith.constant 3 : i32
        %add3A_132 = arith.addi %mul3A_130, %add3A_131 : i32
        %broadcast_in_dim3A = arith.constant 0x7F800000 : f32
        %broadcast_in_dim3A_133 = vector.broadcast %broadcast_in_dim3A : f32 to vector<16xf32>
        %scan3A_134 = arith.constant 0 : i32
        %scan3A_135 = arith.constant 32 : i32
        %scan3A_136 = arith.addi %scan3A_134, %scan3A_135 : i32
        %scan3A_137 = arith.constant 1 : i32
        %scan3A_138:8 = scf.for %scan3A_605 = %scan3A_134 to %scan3A_136 step %scan3A_137 iter_args(%scan3A_606 = %broadcast_in_dim3A_133, %scan3A_607 = %broadcast_in_dim3A_133, %scan3A_608 = %broadcast_in_dim3A_133, %scan3A_609 = %broadcast_in_dim3A_133, %scan3A_610 = %broadcast_in_dim3A_133, %scan3A_611 = %broadcast_in_dim3A_133, %scan3A_612 = %broadcast_in_dim3A_133, %scan3A_613 = %broadcast_in_dim3A_133) -> (vector<16xf32>, vector<16xf32>, vector<16xf32>, vector<16xf32>, vector<16xf32>, vector<16xf32>, vector<16xf32>, vector<16xf32>)  : i32 {
          %mul3A_614 = arith.constant 64 : i32
          %mul3A_615 = arith.muli %mul3A_614, %scan3A_605 : i32
          %add3A_616 = arith.constant 0 : i32
          %add3A_617 = arith.addi %mul3A_615, %add3A_616 : i32
          %get3A = arith.index_cast %add3A_120 : i32 to index
          %get3A_618 = arith.index_cast %add3A_617 : i32 to index
          %get3A_619 = tpu.vector_load %arg4[%get3A, %get3A_618] {strides = array<i32>} : memref<8x2048xf32, #tpu.memory_space<vmem>>, vector<16xf32>,
          %min3A_620 = arith.minimumf %scan3A_606, %get3A_619 : vector<16xf32>
          %add3A_621 = arith.constant 16 : i32
          %add3A_622 = arith.addi %mul3A_615, %add3A_621 : i32
          %get3A_623 = arith.index_cast %add3A_120 : i32 to index
          %get3A_624 = arith.index_cast %add3A_622 : i32 to index
          %get3A_625 = tpu.vector_load %arg4[%get3A_623, %get3A_624] {strides = array<i32>} : memref<8x2048xf32, #tpu.memory_space<vmem>>, vector<16xf32>,
          %min3A_626 = arith.minimumf %scan3A_607, %get3A_625 : vector<16xf32>
          %add3A_627 = arith.constant 32 : i32
          %add3A_628 = arith.addi %mul3A_615, %add3A_627 : i32
          %get3A_629 = arith.index_cast %add3A_120 : i32 to index
          %get3A_630 = arith.index_cast %add3A_628 : i32 to index
          %get3A_631 = tpu.vector_load %arg4[%get3A_629, %get3A_630] {strides = array<i32>} : memref<8x2048xf32, #tpu.memory_space<vmem>>, vector<16xf32>,
          %min3A_632 = arith.minimumf %scan3A_608, %get3A_631 : vector<16xf32>
          %add3A_633 = arith.constant 48 : i32
          %add3A_634 = arith.addi %mul3A_615, %add3A_633 : i32
          %get3A_635 = arith.index_cast %add3A_120 : i32 to index
          %get3A_636 = arith.index_cast %add3A_634 : i32 to index
          %get3A_637 = tpu.vector_load %arg4[%get3A_635, %get3A_636] {strides = array<i32>} : memref<8x2048xf32, #tpu.memory_space<vmem>>, vector<16xf32>,
          %min3A_638 = arith.minimumf %scan3A_609, %get3A_637 : vector<16xf32>
          %mul3A_639 = arith.constant 64 : i32
          %mul3A_640 = arith.muli %mul3A_639, %scan3A_605 : i32
          %add3A_641 = arith.constant 0 : i32
          %add3A_642 = arith.addi %mul3A_640, %add3A_641 : i32
          %get3A_643 = arith.index_cast %add3A_124 : i32 to index
          %get3A_644 = arith.index_cast %add3A_642 : i32 to index
          %get3A_645 = tpu.vector_load %arg4[%get3A_643, %get3A_644] {strides = array<i32>} : memref<8x2048xf32, #tpu.memory_space<vmem>>, vector<16xf32>,
          %min3A_646 = arith.minimumf %scan3A_610, %get3A_645 : vector<16xf32>
          %add3A_647 = arith.constant 16 : i32
          %add3A_648 = arith.addi %mul3A_640, %add3A_647 : i32
          %get3A_649 = arith.index_cast %add3A_124 : i32 to index
          %get3A_650 = arith.index_cast %add3A_648 : i32 to index
          %get3A_651 = tpu.vector_load %arg4[%get3A_649, %get3A_650] {strides = array<i32>} : memref<8x2048xf32, #tpu.memory_space<vmem>>, vector<16xf32>,
          %min3A_652 = arith.minimumf %scan3A_611, %get3A_651 : vector<16xf32>
          %add3A_653 = arith.constant 32 : i32
          %add3A_654 = arith.addi %mul3A_640, %add3A_653 : i32
          %get3A_655 = arith.index_cast %add3A_124 : i32 to index
          %get3A_656 = arith.index_cast %add3A_654 : i32 to index
          %get3A_657 = tpu.vector_load %arg4[%get3A_655, %get3A_656] {strides = array<i32>} : memref<8x2048xf32, #tpu.memory_space<vmem>>, vector<16xf32>,
          %min3A_658 = arith.minimumf %scan3A_612, %get3A_657 : vector<16xf32>
          %add3A_659 = arith.constant 48 : i32
          %add3A_660 = arith.addi %mul3A_640, %add3A_659 : i32
          %get3A_661 = arith.index_cast %add3A_124 : i32 to index
          %get3A_662 = arith.index_cast %add3A_660 : i32 to index
          %get3A_663 = tpu.vector_load %arg4[%get3A_661, %get3A_662] {strides = array<i32>} : memref<8x2048xf32, #tpu.memory_space<vmem>>, vector<16xf32>,
          %min3A_664 = arith.minimumf %scan3A_613, %get3A_663 : vector<16xf32>
          scf.yield %min3A_620, %min3A_626, %min3A_632, %min3A_638, %min3A_646, %min3A_652, %min3A_658, %min3A_664 : vector<16xf32>, vector<16xf32>, vector<16xf32>, vector<16xf32>, vector<16xf32>, vector<16xf32>, vector<16xf32>, vector<16xf32>
        }
        %scan3A_139 = arith.constant 32 : i32
        %scan3A_140 = arith.constant 0 : i32
        %scan3A_141 = arith.constant 32 : i32
        %scan3A_142 = arith.addi %scan3A_140, %scan3A_141 : i32
        %scan3A_143 = arith.constant 1 : i32
        %scan3A_144:8 = scf.for %scan3A_605 = %scan3A_140 to %scan3A_142 step %scan3A_143 iter_args(%scan3A_606 = %broadcast_in_dim3A_133, %scan3A_607 = %broadcast_in_dim3A_133, %scan3A_608 = %broadcast_in_dim3A_133, %scan3A_609 = %broadcast_in_dim3A_133, %scan3A_610 = %broadcast_in_dim3A_133, %scan3A_611 = %broadcast_in_dim3A_133, %scan3A_612 = %broadcast_in_dim3A_133, %scan3A_613 = %broadcast_in_dim3A_133) -> (vector<16xf32>, vector<16xf32>, vector<16xf32>, vector<16xf32>, vector<16xf32>, vector<16xf32>, vector<16xf32>, vector<16xf32>)  : i32 {
          %mul3A_614 = arith.constant 64 : i32
          %mul3A_615 = arith.muli %mul3A_614, %scan3A_605 : i32
          %add3A_616 = arith.constant 0 : i32
          %add3A_617 = arith.addi %mul3A_615, %add3A_616 : i32
          %get3A = arith.index_cast %add3A_128 : i32 to index
          %get3A_618 = arith.index_cast %add3A_617 : i32 to index
          %get3A_619 = tpu.vector_load %arg4[%get3A, %get3A_618] {strides = array<i32>} : memref<8x2048xf32, #tpu.memory_space<vmem>>, vector<16xf32>,
          %min3A_620 = arith.minimumf %scan3A_606, %get3A_619 : vector<16xf32>
          %add3A_621 = arith.constant 16 : i32
          %add3A_622 = arith.addi %mul3A_615, %add3A_621 : i32
          %get3A_623 = arith.index_cast %add3A_128 : i32 to index
          %get3A_624 = arith.index_cast %add3A_622 : i32 to index
          %get3A_625 = tpu.vector_load %arg4[%get3A_623, %get3A_624] {strides = array<i32>} : memref<8x2048xf32, #tpu.memory_space<vmem>>, vector<16xf32>,
          %min3A_626 = arith.minimumf %scan3A_607, %get3A_625 : vector<16xf32>
          %add3A_627 = arith.constant 32 : i32
          %add3A_628 = arith.addi %mul3A_615, %add3A_627 : i32
          %get3A_629 = arith.index_cast %add3A_128 : i32 to index
          %get3A_630 = arith.index_cast %add3A_628 : i32 to index
          %get3A_631 = tpu.vector_load %arg4[%get3A_629, %get3A_630] {strides = array<i32>} : memref<8x2048xf32, #tpu.memory_space<vmem>>, vector<16xf32>,
          %min3A_632 = arith.minimumf %scan3A_608, %get3A_631 : vector<16xf32>
          %add3A_633 = arith.constant 48 : i32
          %add3A_634 = arith.addi %mul3A_615, %add3A_633 : i32
          %get3A_635 = arith.index_cast %add3A_128 : i32 to index
          %get3A_636 = arith.index_cast %add3A_634 : i32 to index
          %get3A_637 = tpu.vector_load %arg4[%get3A_635, %get3A_636] {strides = array<i32>} : memref<8x2048xf32, #tpu.memory_space<vmem>>, vector<16xf32>,
          %min3A_638 = arith.minimumf %scan3A_609, %get3A_637 : vector<16xf32>
          %mul3A_639 = arith.constant 64 : i32
          %mul3A_640 = arith.muli %mul3A_639, %scan3A_605 : i32
          %add3A_641 = arith.constant 0 : i32
          %add3A_642 = arith.addi %mul3A_640, %add3A_641 : i32
          %get3A_643 = arith.index_cast %add3A_132 : i32 to index
          %get3A_644 = arith.index_cast %add3A_642 : i32 to index
          %get3A_645 = tpu.vector_load %arg4[%get3A_643, %get3A_644] {strides = array<i32>} : memref<8x2048xf32, #tpu.memory_space<vmem>>, vector<16xf32>,
          %min3A_646 = arith.minimumf %scan3A_610, %get3A_645 : vector<16xf32>
          %add3A_647 = arith.constant 16 : i32
          %add3A_648 = arith.addi %mul3A_640, %add3A_647 : i32
          %get3A_649 = arith.index_cast %add3A_132 : i32 to index
          %get3A_650 = arith.index_cast %add3A_648 : i32 to index
          %get3A_651 = tpu.vector_load %arg4[%get3A_649, %get3A_650] {strides = array<i32>} : memref<8x2048xf32, #tpu.memory_space<vmem>>, vector<16xf32>,
          %min3A_652 = arith.minimumf %scan3A_611, %get3A_651 : vector<16xf32>
          %add3A_653 = arith.constant 32 : i32
          %add3A_654 = arith.addi %mul3A_640, %add3A_653 : i32
          %get3A_655 = arith.index_cast %add3A_132 : i32 to index
          %get3A_656 = arith.index_cast %add3A_654 : i32 to index
          %get3A_657 = tpu.vector_load %arg4[%get3A_655, %get3A_656] {strides = array<i32>} : memref<8x2048xf32, #tpu.memory_space<vmem>>, vector<16xf32>,
          %min3A_658 = arith.minimumf %scan3A_612, %get3A_657 : vector<16xf32>
          %add3A_659 = arith.constant 48 : i32
          %add3A_660 = arith.addi %mul3A_640, %add3A_659 : i32
          %get3A_661 = arith.index_cast %add3A_132 : i32 to index
          %get3A_662 = arith.index_cast %add3A_660 : i32 to index
          %get3A_663 = tpu.vector_load %arg4[%get3A_661, %get3A_662] {strides = array<i32>} : memref<8x2048xf32, #tpu.memory_space<vmem>>, vector<16xf32>,
          %min3A_664 = arith.minimumf %scan3A_613, %get3A_663 : vector<16xf32>
          scf.yield %min3A_620, %min3A_626, %min3A_632, %min3A_638, %min3A_646, %min3A_652, %min3A_658, %min3A_664 : vector<16xf32>, vector<16xf32>, vector<16xf32>, vector<16xf32>, vector<16xf32>, vector<16xf32>, vector<16xf32>, vector<16xf32>
        }
        %scan3A_145 = arith.constant 32 : i32
        %iota3A = tpu.iota {dimensions = array<i32: 0>} : vector<16xi32>
        %masked_sort3A = arith.constant dense<true> : vector<16xi1>
        %masked_sort3A_146, %masked_sort3A_147, %masked_sort3A_148 = tpu.sort %scan3A_138#0, %iota3A masked %masked_sort3A : (vector<16xf32>, vector<16xi32>, vector<16xi1>) -> (vector<16xi1>, vector<16xf32>, vector<16xi32>)
        %iota3A_149 = tpu.iota {dimensions = array<i32: 0>} : vector<16xi32>
        %masked_sort3A_150 = arith.constant dense<true> : vector<16xi1>
        %masked_sort3A_151, %masked_sort3A_152, %masked_sort3A_153 = tpu.sort %scan3A_138#1, %iota3A_149 masked %masked_sort3A_150 : (vector<16xf32>, vector<16xi32>, vector<16xi1>) -> (vector<16xi1>, vector<16xf32>, vector<16xi32>)
        %rev3A = arith.constant 15 : i32
        %rev3A_154 = vector.broadcast %rev3A : i32 to vector<16xi32>
        %rev3A_155 = tpu.iota {dimensions = array<i32: 0>} : vector<16xi32>
        %rev3A_156 = arith.subi %rev3A_154, %rev3A_155 : vector<16xi32>
        %rev3A_157 = tpu.dynamic_gather %masked_sort3A_152[%rev3A_156] in [0] : vector<16xf32>, vector<16xi32> -> vector<16xf32>
        %min3A_158 = arith.minimumf %masked_sort3A_147, %rev3A_157 : vector<16xf32>
        %max3A = arith.maximumf %masked_sort3A_147, %rev3A_157 : vector<16xf32>
        %iota3A_159 = tpu.iota {dimensions = array<i32: 0>} : vector<16xi32>
        %masked_sort3A_160 = arith.constant dense<true> : vector<16xi1>
        %masked_sort3A_161, %masked_sort3A_162, %masked_sort3A_163 = tpu.sort %min3A_158, %iota3A_159 masked %masked_sort3A_160 : (vector<16xf32>, vector<16xi32>, vector<16xi1>) -> (vector<16xi1>, vector<16xf32>, vector<16xi32>)
        %iota3A_164 = tpu.iota {dimensions = array<i32: 0>} : vector<16xi32>
        %masked_sort3A_165 = arith.constant dense<true> : vector<16xi1>
        %masked_sort3A_166, %masked_sort3A_167, %masked_sort3A_168 = tpu.sort %max3A, %iota3A_164 masked %masked_sort3A_165 : (vector<16xf32>, vector<16xi32>, vector<16xi1>) -> (vector<16xi1>, vector<16xf32>, vector<16xi32>)
        %iota3A_169 = tpu.iota {dimensions = array<i32: 0>} : vector<16xi32>
        %masked_sort3A_170 = arith.constant dense<true> : vector<16xi1>
        %masked_sort3A_171, %masked_sort3A_172, %masked_sort3A_173 = tpu.sort %scan3A_138#2, %iota3A_169 masked %masked_sort3A_170 : (vector<16xf32>, vector<16xi32>, vector<16xi1>) -> (vector<16xi1>, vector<16xf32>, vector<16xi32>)
        %iota3A_174 = tpu.iota {dimensions = array<i32: 0>} : vector<16xi32>
        %masked_sort3A_175 = arith.constant dense<true> : vector<16xi1>
        %masked_sort3A_176, %masked_sort3A_177, %masked_sort3A_178 = tpu.sort %scan3A_138#3, %iota3A_174 masked %masked_sort3A_175 : (vector<16xf32>, vector<16xi32>, vector<16xi1>) -> (vector<16xi1>, vector<16xf32>, vector<16xi32>)
        %rev3A_179 = arith.constant 15 : i32
        %rev3A_180 = vector.broadcast %rev3A_179 : i32 to vector<16xi32>
        %rev3A_181 = tpu.iota {dimensions = array<i32: 0>} : vector<16xi32>
        %rev3A_182 = arith.subi %rev3A_180, %rev3A_181 : vector<16xi32>
        %rev3A_183 = tpu.dynamic_gather %masked_sort3A_177[%rev3A_182] in [0] : vector<16xf32>, vector<16xi32> -> vector<16xf32>
        %min3A_184 = arith.minimumf %masked_sort3A_172, %rev3A_183 : vector<16xf32>
        %max3A_185 = arith.maximumf %masked_sort3A_172, %rev3A_183 : vector<16xf32>
        %iota3A_186 = tpu.iota {dimensions = array<i32: 0>} : vector<16xi32>
        %masked_sort3A_187 = arith.constant dense<true> : vector<16xi1>
        %masked_sort3A_188, %masked_sort3A_189, %masked_sort3A_190 = tpu.sort %min3A_184, %iota3A_186 masked %masked_sort3A_187 : (vector<16xf32>, vector<16xi32>, vector<16xi1>) -> (vector<16xi1>, vector<16xf32>, vector<16xi32>)
        %iota3A_191 = tpu.iota {dimensions = array<i32: 0>} : vector<16xi32>
        %masked_sort3A_192 = arith.constant dense<true> : vector<16xi1>
        %masked_sort3A_193, %masked_sort3A_194, %masked_sort3A_195 = tpu.sort %max3A_185, %iota3A_191 masked %masked_sort3A_192 : (vector<16xf32>, vector<16xi32>, vector<16xi1>) -> (vector<16xi1>, vector<16xf32>, vector<16xi32>)
        %rev3A_196 = arith.constant 15 : i32
        %rev3A_197 = vector.broadcast %rev3A_196 : i32 to vector<16xi32>
        %rev3A_198 = tpu.iota {dimensions = array<i32: 0>} : vector<16xi32>
        %rev3A_199 = arith.subi %rev3A_197, %rev3A_198 : vector<16xi32>
        %rev3A_200 = tpu.dynamic_gather %masked_sort3A_194[%rev3A_199] in [0] : vector<16xf32>, vector<16xi32> -> vector<16xf32>
        %min3A_201 = arith.minimumf %masked_sort3A_162, %rev3A_200 : vector<16xf32>
        %rev3A_202 = arith.constant 15 : i32
        %rev3A_203 = vector.broadcast %rev3A_202 : i32 to vector<16xi32>
        %rev3A_204 = tpu.iota {dimensions = array<i32: 0>} : vector<16xi32>
        %rev3A_205 = arith.subi %rev3A_203, %rev3A_204 : vector<16xi32>
        %rev3A_206 = tpu.dynamic_gather %masked_sort3A_189[%rev3A_205] in [0] : vector<16xf32>, vector<16xi32> -> vector<16xf32>
        %min3A_207 = arith.minimumf %masked_sort3A_167, %rev3A_206 : vector<16xf32>
        %max3A_208 = arith.maximumf %min3A_201, %min3A_207 : vector<16xf32>
        %iota3A_209 = tpu.iota {dimensions = array<i32: 0>} : vector<16xi32>
        %masked_sort3A_210 = arith.constant dense<true> : vector<16xi1>
        %masked_sort3A_211, %masked_sort3A_212, %masked_sort3A_213 = tpu.sort %max3A_208, %iota3A_209 masked %masked_sort3A_210 : (vector<16xf32>, vector<16xi32>, vector<16xi1>) -> (vector<16xi1>, vector<16xf32>, vector<16xi32>)
        %iota3A_214 = tpu.iota {dimensions = array<i32: 0>} : vector<16xi32>
        %ge3A = arith.constant 4 : i32
        %ge3A_215 = vector.broadcast %ge3A : i32 to vector<16xi32>
        %ge3A_216 = arith.cmpi sge, %iota3A_214, %ge3A_215 : vector<16xi32>
        %jit3A = arith.constant 0x7F800000 : f32
        %broadcast_in_dim3A_217 = vector.broadcast %jit3A : f32 to vector<16xf32>
        %select_n3A = arith.select %ge3A_216, %masked_sort3A_212, %broadcast_in_dim3A_217 : vector<16xi1>, vector<16xf32>
        %reduce_min3A = arith.constant true
        %reduce_min3A_218 = vector.broadcast %reduce_min3A : i1 to vector<16xi1>
        %reduce_min3A_219 = tpu.scan <min>, %select_n3A masked %reduce_min3A_218 : vector<16xf32>, vector<16xi1> -> vector<16xf32>
        %reduce_min3A_220 = vector.extract %reduce_min3A_219[15] : f32 from vector<16xf32>
        %broadcast_in_dim3A_221 = vector.broadcast %reduce_min3A_220 : f32 to vector<16xf32>
        %iota3A_222 = tpu.iota {dimensions = array<i32: 0>} : vector<16xi32>
        %masked_sort3A_223 = arith.constant dense<true> : vector<16xi1>
        %masked_sort3A_224, %masked_sort3A_225, %masked_sort3A_226 = tpu.sort %scan3A_138#4, %iota3A_222 masked %masked_sort3A_223 : (vector<16xf32>, vector<16xi32>, vector<16xi1>) -> (vector<16xi1>, vector<16xf32>, vector<16xi32>)
        %iota3A_227 = tpu.iota {dimensions = array<i32: 0>} : vector<16xi32>
        %masked_sort3A_228 = arith.constant dense<true> : vector<16xi1>
        %masked_sort3A_229, %masked_sort3A_230, %masked_sort3A_231 = tpu.sort %scan3A_138#5, %iota3A_227 masked %masked_sort3A_228 : (vector<16xf32>, vector<16xi32>, vector<16xi1>) -> (vector<16xi1>, vector<16xf32>, vector<16xi32>)
        %rev3A_232 = arith.constant 15 : i32
        %rev3A_233 = vector.broadcast %rev3A_232 : i32 to vector<16xi32>
        %rev3A_234 = tpu.iota {dimensions = array<i32: 0>} : vector<16xi32>
        %rev3A_235 = arith.subi %rev3A_233, %rev3A_234 : vector<16xi32>
        %rev3A_236 = tpu.dynamic_gather %masked_sort3A_230[%rev3A_235] in [0] : vector<16xf32>, vector<16xi32> -> vector<16xf32>
        %min3A_237 = arith.minimumf %masked_sort3A_225, %rev3A_236 : vector<16xf32>
        %max3A_238 = arith.maximumf %masked_sort3A_225, %rev3A_236 : vector<16xf32>
        %iota3A_239 = tpu.iota {dimensions = array<i32: 0>} : vector<16xi32>
        %masked_sort3A_240 = arith.constant dense<true> : vector<16xi1>
        %masked_sort3A_241, %masked_sort3A_242, %masked_sort3A_243 = tpu.sort %min3A_237, %iota3A_239 masked %masked_sort3A_240 : (vector<16xf32>, vector<16xi32>, vector<16xi1>) -> (vector<16xi1>, vector<16xf32>, vector<16xi32>)
        %iota3A_244 = tpu.iota {dimensions = array<i32: 0>} : vector<16xi32>
        %masked_sort3A_245 = arith.constant dense<true> : vector<16xi1>
        %masked_sort3A_246, %masked_sort3A_247, %masked_sort3A_248 = tpu.sort %max3A_238, %iota3A_244 masked %masked_sort3A_245 : (vector<16xf32>, vector<16xi32>, vector<16xi1>) -> (vector<16xi1>, vector<16xf32>, vector<16xi32>)
        %iota3A_249 = tpu.iota {dimensions = array<i32: 0>} : vector<16xi32>
        %masked_sort3A_250 = arith.constant dense<true> : vector<16xi1>
        %masked_sort3A_251, %masked_sort3A_252, %masked_sort3A_253 = tpu.sort %scan3A_138#6, %iota3A_249 masked %masked_sort3A_250 : (vector<16xf32>, vector<16xi32>, vector<16xi1>) -> (vector<16xi1>, vector<16xf32>, vector<16xi32>)
        %iota3A_254 = tpu.iota {dimensions = array<i32: 0>} : vector<16xi32>
        %masked_sort3A_255 = arith.constant dense<true> : vector<16xi1>
        %masked_sort3A_256, %masked_sort3A_257, %masked_sort3A_258 = tpu.sort %scan3A_138#7, %iota3A_254 masked %masked_sort3A_255 : (vector<16xf32>, vector<16xi32>, vector<16xi1>) -> (vector<16xi1>, vector<16xf32>, vector<16xi32>)
        %rev3A_259 = arith.constant 15 : i32
        %rev3A_260 = vector.broadcast %rev3A_259 : i32 to vector<16xi32>
        %rev3A_261 = tpu.iota {dimensions = array<i32: 0>} : vector<16xi32>
        %rev3A_262 = arith.subi %rev3A_260, %rev3A_261 : vector<16xi32>
        %rev3A_263 = tpu.dynamic_gather %masked_sort3A_257[%rev3A_262] in [0] : vector<16xf32>, vector<16xi32> -> vector<16xf32>
        %min3A_264 = arith.minimumf %masked_sort3A_252, %rev3A_263 : vector<16xf32>
        %max3A_265 = arith.maximumf %masked_sort3A_252, %rev3A_263 : vector<16xf32>
        %iota3A_266 = tpu.iota {dimensions = array<i32: 0>} : vector<16xi32>
        %masked_sort3A_267 = arith.constant dense<true> : vector<16xi1>
        %masked_sort3A_268, %masked_sort3A_269, %masked_sort3A_270 = tpu.sort %min3A_264, %iota3A_266 masked %masked_sort3A_267 : (vector<16xf32>, vector<16xi32>, vector<16xi1>) -> (vector<16xi1>, vector<16xf32>, vector<16xi32>)
        %iota3A_271 = tpu.iota {dimensions = array<i32: 0>} : vector<16xi32>
        %masked_sort3A_272 = arith.constant dense<true> : vector<16xi1>
        %masked_sort3A_273, %masked_sort3A_274, %masked_sort3A_275 = tpu.sort %max3A_265, %iota3A_271 masked %masked_sort3A_272 : (vector<16xf32>, vector<16xi32>, vector<16xi1>) -> (vector<16xi1>, vector<16xf32>, vector<16xi32>)
        %rev3A_276 = arith.constant 15 : i32
        %rev3A_277 = vector.broadcast %rev3A_276 : i32 to vector<16xi32>
        %rev3A_278 = tpu.iota {dimensions = array<i32: 0>} : vector<16xi32>
        %rev3A_279 = arith.subi %rev3A_277, %rev3A_278 : vector<16xi32>
        %rev3A_280 = tpu.dynamic_gather %masked_sort3A_274[%rev3A_279] in [0] : vector<16xf32>, vector<16xi32> -> vector<16xf32>
        %min3A_281 = arith.minimumf %masked_sort3A_242, %rev3A_280 : vector<16xf32>
        %rev3A_282 = arith.constant 15 : i32
        %rev3A_283 = vector.broadcast %rev3A_282 : i32 to vector<16xi32>
        %rev3A_284 = tpu.iota {dimensions = array<i32: 0>} : vector<16xi32>
        %rev3A_285 = arith.subi %rev3A_283, %rev3A_284 : vector<16xi32>
        %rev3A_286 = tpu.dynamic_gather %masked_sort3A_269[%rev3A_285] in [0] : vector<16xf32>, vector<16xi32> -> vector<16xf32>
        %min3A_287 = arith.minimumf %masked_sort3A_247, %rev3A_286 : vector<16xf32>
        %max3A_288 = arith.maximumf %min3A_281, %min3A_287 : vector<16xf32>
        %iota3A_289 = tpu.iota {dimensions = array<i32: 0>} : vector<16xi32>
        %masked_sort3A_290 = arith.constant dense<true> : vector<16xi1>
        %masked_sort3A_291, %masked_sort3A_292, %masked_sort3A_293 = tpu.sort %max3A_288, %iota3A_289 masked %masked_sort3A_290 : (vector<16xf32>, vector<16xi32>, vector<16xi1>) -> (vector<16xi1>, vector<16xf32>, vector<16xi32>)
        %iota3A_294 = tpu.iota {dimensions = array<i32: 0>} : vector<16xi32>
        %ge3A_295 = arith.constant 4 : i32
        %ge3A_296 = vector.broadcast %ge3A_295 : i32 to vector<16xi32>
        %ge3A_297 = arith.cmpi sge, %iota3A_294, %ge3A_296 : vector<16xi32>
        %jit3A_298 = arith.constant 0x7F800000 : f32
        %broadcast_in_dim3A_299 = vector.broadcast %jit3A_298 : f32 to vector<16xf32>
        %select_n3A_300 = arith.select %ge3A_297, %masked_sort3A_292, %broadcast_in_dim3A_299 : vector<16xi1>, vector<16xf32>
        %reduce_min3A_301 = arith.constant true
        %reduce_min3A_302 = vector.broadcast %reduce_min3A_301 : i1 to vector<16xi1>
        %reduce_min3A_303 = tpu.scan <min>, %select_n3A_300 masked %reduce_min3A_302 : vector<16xf32>, vector<16xi1> -> vector<16xf32>
        %reduce_min3A_304 = vector.extract %reduce_min3A_303[15] : f32 from vector<16xf32>
        %broadcast_in_dim3A_305 = vector.broadcast %reduce_min3A_304 : f32 to vector<16xf32>
        %iota3A_306 = tpu.iota {dimensions = array<i32: 0>} : vector<16xi32>
        %masked_sort3A_307 = arith.constant dense<true> : vector<16xi1>
        %masked_sort3A_308, %masked_sort3A_309, %masked_sort3A_310 = tpu.sort %scan3A_144#0, %iota3A_306 masked %masked_sort3A_307 : (vector<16xf32>, vector<16xi32>, vector<16xi1>) -> (vector<16xi1>, vector<16xf32>, vector<16xi32>)
        %iota3A_311 = tpu.iota {dimensions = array<i32: 0>} : vector<16xi32>
        %masked_sort3A_312 = arith.constant dense<true> : vector<16xi1>
        %masked_sort3A_313, %masked_sort3A_314, %masked_sort3A_315 = tpu.sort %scan3A_144#1, %iota3A_311 masked %masked_sort3A_312 : (vector<16xf32>, vector<16xi32>, vector<16xi1>) -> (vector<16xi1>, vector<16xf32>, vector<16xi32>)
        %rev3A_316 = arith.constant 15 : i32
        %rev3A_317 = vector.broadcast %rev3A_316 : i32 to vector<16xi32>
        %rev3A_318 = tpu.iota {dimensions = array<i32: 0>} : vector<16xi32>
        %rev3A_319 = arith.subi %rev3A_317, %rev3A_318 : vector<16xi32>
        %rev3A_320 = tpu.dynamic_gather %masked_sort3A_314[%rev3A_319] in [0] : vector<16xf32>, vector<16xi32> -> vector<16xf32>
        %min3A_321 = arith.minimumf %masked_sort3A_309, %rev3A_320 : vector<16xf32>
        %max3A_322 = arith.maximumf %masked_sort3A_309, %rev3A_320 : vector<16xf32>
        %iota3A_323 = tpu.iota {dimensions = array<i32: 0>} : vector<16xi32>
        %masked_sort3A_324 = arith.constant dense<true> : vector<16xi1>
        %masked_sort3A_325, %masked_sort3A_326, %masked_sort3A_327 = tpu.sort %min3A_321, %iota3A_323 masked %masked_sort3A_324 : (vector<16xf32>, vector<16xi32>, vector<16xi1>) -> (vector<16xi1>, vector<16xf32>, vector<16xi32>)
        %iota3A_328 = tpu.iota {dimensions = array<i32: 0>} : vector<16xi32>
        %masked_sort3A_329 = arith.constant dense<true> : vector<16xi1>
        %masked_sort3A_330, %masked_sort3A_331, %masked_sort3A_332 = tpu.sort %max3A_322, %iota3A_328 masked %masked_sort3A_329 : (vector<16xf32>, vector<16xi32>, vector<16xi1>) -> (vector<16xi1>, vector<16xf32>, vector<16xi32>)
        %iota3A_333 = tpu.iota {dimensions = array<i32: 0>} : vector<16xi32>
        %masked_sort3A_334 = arith.constant dense<true> : vector<16xi1>
        %masked_sort3A_335, %masked_sort3A_336, %masked_sort3A_337 = tpu.sort %scan3A_144#2, %iota3A_333 masked %masked_sort3A_334 : (vector<16xf32>, vector<16xi32>, vector<16xi1>) -> (vector<16xi1>, vector<16xf32>, vector<16xi32>)
        %iota3A_338 = tpu.iota {dimensions = array<i32: 0>} : vector<16xi32>
        %masked_sort3A_339 = arith.constant dense<true> : vector<16xi1>
        %masked_sort3A_340, %masked_sort3A_341, %masked_sort3A_342 = tpu.sort %scan3A_144#3, %iota3A_338 masked %masked_sort3A_339 : (vector<16xf32>, vector<16xi32>, vector<16xi1>) -> (vector<16xi1>, vector<16xf32>, vector<16xi32>)
        %rev3A_343 = arith.constant 15 : i32
        %rev3A_344 = vector.broadcast %rev3A_343 : i32 to vector<16xi32>
        %rev3A_345 = tpu.iota {dimensions = array<i32: 0>} : vector<16xi32>
        %rev3A_346 = arith.subi %rev3A_344, %rev3A_345 : vector<16xi32>
        %rev3A_347 = tpu.dynamic_gather %masked_sort3A_341[%rev3A_346] in [0] : vector<16xf32>, vector<16xi32> -> vector<16xf32>
        %min3A_348 = arith.minimumf %masked_sort3A_336, %rev3A_347 : vector<16xf32>
        %max3A_349 = arith.maximumf %masked_sort3A_336, %rev3A_347 : vector<16xf32>
        %iota3A_350 = tpu.iota {dimensions = array<i32: 0>} : vector<16xi32>
        %masked_sort3A_351 = arith.constant dense<true> : vector<16xi1>
        %masked_sort3A_352, %masked_sort3A_353, %masked_sort3A_354 = tpu.sort %min3A_348, %iota3A_350 masked %masked_sort3A_351 : (vector<16xf32>, vector<16xi32>, vector<16xi1>) -> (vector<16xi1>, vector<16xf32>, vector<16xi32>)
        %iota3A_355 = tpu.iota {dimensions = array<i32: 0>} : vector<16xi32>
        %masked_sort3A_356 = arith.constant dense<true> : vector<16xi1>
        %masked_sort3A_357, %masked_sort3A_358, %masked_sort3A_359 = tpu.sort %max3A_349, %iota3A_355 masked %masked_sort3A_356 : (vector<16xf32>, vector<16xi32>, vector<16xi1>) -> (vector<16xi1>, vector<16xf32>, vector<16xi32>)
        %rev3A_360 = arith.constant 15 : i32
        %rev3A_361 = vector.broadcast %rev3A_360 : i32 to vector<16xi32>
        %rev3A_362 = tpu.iota {dimensions = array<i32: 0>} : vector<16xi32>
        %rev3A_363 = arith.subi %rev3A_361, %rev3A_362 : vector<16xi32>
        %rev3A_364 = tpu.dynamic_gather %masked_sort3A_358[%rev3A_363] in [0] : vector<16xf32>, vector<16xi32> -> vector<16xf32>
        %min3A_365 = arith.minimumf %masked_sort3A_326, %rev3A_364 : vector<16xf32>
        %rev3A_366 = arith.constant 15 : i32
        %rev3A_367 = vector.broadcast %rev3A_366 : i32 to vector<16xi32>
        %rev3A_368 = tpu.iota {dimensions = array<i32: 0>} : vector<16xi32>
        %rev3A_369 = arith.subi %rev3A_367, %rev3A_368 : vector<16xi32>
        %rev3A_370 = tpu.dynamic_gather %masked_sort3A_353[%rev3A_369] in [0] : vector<16xf32>, vector<16xi32> -> vector<16xf32>
        %min3A_371 = arith.minimumf %masked_sort3A_331, %rev3A_370 : vector<16xf32>
        %max3A_372 = arith.maximumf %min3A_365, %min3A_371 : vector<16xf32>
        %iota3A_373 = tpu.iota {dimensions = array<i32: 0>} : vector<16xi32>
        %masked_sort3A_374 = arith.constant dense<true> : vector<16xi1>
        %masked_sort3A_375, %masked_sort3A_376, %masked_sort3A_377 = tpu.sort %max3A_372, %iota3A_373 masked %masked_sort3A_374 : (vector<16xf32>, vector<16xi32>, vector<16xi1>) -> (vector<16xi1>, vector<16xf32>, vector<16xi32>)
        %iota3A_378 = tpu.iota {dimensions = array<i32: 0>} : vector<16xi32>
        %ge3A_379 = arith.constant 4 : i32
        %ge3A_380 = vector.broadcast %ge3A_379 : i32 to vector<16xi32>
        %ge3A_381 = arith.cmpi sge, %iota3A_378, %ge3A_380 : vector<16xi32>
        %jit3A_382 = arith.constant 0x7F800000 : f32
        %broadcast_in_dim3A_383 = vector.broadcast %jit3A_382 : f32 to vector<16xf32>
        %select_n3A_384 = arith.select %ge3A_381, %masked_sort3A_376, %broadcast_in_dim3A_383 : vector<16xi1>, vector<16xf32>
        %reduce_min3A_385 = arith.constant true
        %reduce_min3A_386 = vector.broadcast %reduce_min3A_385 : i1 to vector<16xi1>
        %reduce_min3A_387 = tpu.scan <min>, %select_n3A_384 masked %reduce_min3A_386 : vector<16xf32>, vector<16xi1> -> vector<16xf32>
        %reduce_min3A_388 = vector.extract %reduce_min3A_387[15] : f32 from vector<16xf32>
        %broadcast_in_dim3A_389 = vector.broadcast %reduce_min3A_388 : f32 to vector<16xf32>
        %iota3A_390 = tpu.iota {dimensions = array<i32: 0>} : vector<16xi32>
        %masked_sort3A_391 = arith.constant dense<true> : vector<16xi1>
        %masked_sort3A_392, %masked_sort3A_393, %masked_sort3A_394 = tpu.sort %scan3A_144#4, %iota3A_390 masked %masked_sort3A_391 : (vector<16xf32>, vector<16xi32>, vector<16xi1>) -> (vector<16xi1>, vector<16xf32>, vector<16xi32>)
        %iota3A_395 = tpu.iota {dimensions = array<i32: 0>} : vector<16xi32>
        %masked_sort3A_396 = arith.constant dense<true> : vector<16xi1>
        %masked_sort3A_397, %masked_sort3A_398, %masked_sort3A_399 = tpu.sort %scan3A_144#5, %iota3A_395 masked %masked_sort3A_396 : (vector<16xf32>, vector<16xi32>, vector<16xi1>) -> (vector<16xi1>, vector<16xf32>, vector<16xi32>)
        %rev3A_400 = arith.constant 15 : i32
        %rev3A_401 = vector.broadcast %rev3A_400 : i32 to vector<16xi32>
        %rev3A_402 = tpu.iota {dimensions = array<i32: 0>} : vector<16xi32>
        %rev3A_403 = arith.subi %rev3A_401, %rev3A_402 : vector<16xi32>
        %rev3A_404 = tpu.dynamic_gather %masked_sort3A_398[%rev3A_403] in [0] : vector<16xf32>, vector<16xi32> -> vector<16xf32>
        %min3A_405 = arith.minimumf %masked_sort3A_393, %rev3A_404 : vector<16xf32>
        %max3A_406 = arith.maximumf %masked_sort3A_393, %rev3A_404 : vector<16xf32>
        %iota3A_407 = tpu.iota {dimensions = array<i32: 0>} : vector<16xi32>
        %masked_sort3A_408 = arith.constant dense<true> : vector<16xi1>
        %masked_sort3A_409, %masked_sort3A_410, %masked_sort3A_411 = tpu.sort %min3A_405, %iota3A_407 masked %masked_sort3A_408 : (vector<16xf32>, vector<16xi32>, vector<16xi1>) -> (vector<16xi1>, vector<16xf32>, vector<16xi32>)
        %iota3A_412 = tpu.iota {dimensions = array<i32: 0>} : vector<16xi32>
        %masked_sort3A_413 = arith.constant dense<true> : vector<16xi1>
        %masked_sort3A_414, %masked_sort3A_415, %masked_sort3A_416 = tpu.sort %max3A_406, %iota3A_412 masked %masked_sort3A_413 : (vector<16xf32>, vector<16xi32>, vector<16xi1>) -> (vector<16xi1>, vector<16xf32>, vector<16xi32>)
        %iota3A_417 = tpu.iota {dimensions = array<i32: 0>} : vector<16xi32>
        %masked_sort3A_418 = arith.constant dense<true> : vector<16xi1>
        %masked_sort3A_419, %masked_sort3A_420, %masked_sort3A_421 = tpu.sort %scan3A_144#6, %iota3A_417 masked %masked_sort3A_418 : (vector<16xf32>, vector<16xi32>, vector<16xi1>) -> (vector<16xi1>, vector<16xf32>, vector<16xi32>)
        %iota3A_422 = tpu.iota {dimensions = array<i32: 0>} : vector<16xi32>
        %masked_sort3A_423 = arith.constant dense<true> : vector<16xi1>
        %masked_sort3A_424, %masked_sort3A_425, %masked_sort3A_426 = tpu.sort %scan3A_144#7, %iota3A_422 masked %masked_sort3A_423 : (vector<16xf32>, vector<16xi32>, vector<16xi1>) -> (vector<16xi1>, vector<16xf32>, vector<16xi32>)
        %rev3A_427 = arith.constant 15 : i32
        %rev3A_428 = vector.broadcast %rev3A_427 : i32 to vector<16xi32>
        %rev3A_429 = tpu.iota {dimensions = array<i32: 0>} : vector<16xi32>
        %rev3A_430 = arith.subi %rev3A_428, %rev3A_429 : vector<16xi32>
        %rev3A_431 = tpu.dynamic_gather %masked_sort3A_425[%rev3A_430] in [0] : vector<16xf32>, vector<16xi32> -> vector<16xf32>
        %min3A_432 = arith.minimumf %masked_sort3A_420, %rev3A_431 : vector<16xf32>
        %max3A_433 = arith.maximumf %masked_sort3A_420, %rev3A_431 : vector<16xf32>
        %iota3A_434 = tpu.iota {dimensions = array<i32: 0>} : vector<16xi32>
        %masked_sort3A_435 = arith.constant dense<true> : vector<16xi1>
        %masked_sort3A_436, %masked_sort3A_437, %masked_sort3A_438 = tpu.sort %min3A_432, %iota3A_434 masked %masked_sort3A_435 : (vector<16xf32>, vector<16xi32>, vector<16xi1>) -> (vector<16xi1>, vector<16xf32>, vector<16xi32>)
        %iota3A_439 = tpu.iota {dimensions = array<i32: 0>} : vector<16xi32>
        %masked_sort3A_440 = arith.constant dense<true> : vector<16xi1>
        %masked_sort3A_441, %masked_sort3A_442, %masked_sort3A_443 = tpu.sort %max3A_433, %iota3A_439 masked %masked_sort3A_440 : (vector<16xf32>, vector<16xi32>, vector<16xi1>) -> (vector<16xi1>, vector<16xf32>, vector<16xi32>)
        %rev3A_444 = arith.constant 15 : i32
        %rev3A_445 = vector.broadcast %rev3A_444 : i32 to vector<16xi32>
        %rev3A_446 = tpu.iota {dimensions = array<i32: 0>} : vector<16xi32>
        %rev3A_447 = arith.subi %rev3A_445, %rev3A_446 : vector<16xi32>
        %rev3A_448 = tpu.dynamic_gather %masked_sort3A_442[%rev3A_447] in [0] : vector<16xf32>, vector<16xi32> -> vector<16xf32>
        %min3A_449 = arith.minimumf %masked_sort3A_410, %rev3A_448 : vector<16xf32>
        %rev3A_450 = arith.constant 15 : i32
        %rev3A_451 = vector.broadcast %rev3A_450 : i32 to vector<16xi32>
        %rev3A_452 = tpu.iota {dimensions = array<i32: 0>} : vector<16xi32>
        %rev3A_453 = arith.subi %rev3A_451, %rev3A_452 : vector<16xi32>
        %rev3A_454 = tpu.dynamic_gather %masked_sort3A_437[%rev3A_453] in [0] : vector<16xf32>, vector<16xi32> -> vector<16xf32>
        %min3A_455 = arith.minimumf %masked_sort3A_415, %rev3A_454 : vector<16xf32>
        %max3A_456 = arith.maximumf %min3A_449, %min3A_455 : vector<16xf32>
        %iota3A_457 = tpu.iota {dimensions = array<i32: 0>} : vector<16xi32>
        %masked_sort3A_458 = arith.constant dense<true> : vector<16xi1>
        %masked_sort3A_459, %masked_sort3A_460, %masked_sort3A_461 = tpu.sort %max3A_456, %iota3A_457 masked %masked_sort3A_458 : (vector<16xf32>, vector<16xi32>, vector<16xi1>) -> (vector<16xi1>, vector<16xf32>, vector<16xi32>)
        %iota3A_462 = tpu.iota {dimensions = array<i32: 0>} : vector<16xi32>
        %ge3A_463 = arith.constant 4 : i32
        %ge3A_464 = vector.broadcast %ge3A_463 : i32 to vector<16xi32>
        %ge3A_465 = arith.cmpi sge, %iota3A_462, %ge3A_464 : vector<16xi32>
        %jit3A_466 = arith.constant 0x7F800000 : f32
        %broadcast_in_dim3A_467 = vector.broadcast %jit3A_466 : f32 to vector<16xf32>
        %select_n3A_468 = arith.select %ge3A_465, %masked_sort3A_460, %broadcast_in_dim3A_467 : vector<16xi1>, vector<16xf32>
        %reduce_min3A_469 = arith.constant true
        %reduce_min3A_470 = vector.broadcast %reduce_min3A_469 : i1 to vector<16xi1>
        %reduce_min3A_471 = tpu.scan <min>, %select_n3A_468 masked %reduce_min3A_470 : vector<16xf32>, vector<16xi1> -> vector<16xf32>
        %reduce_min3A_472 = vector.extract %reduce_min3A_471[15] : f32 from vector<16xf32>
        %broadcast_in_dim3A_473 = vector.broadcast %reduce_min3A_472 : f32 to vector<16xf32>
        %iota3A_474 = tpu.iota {dimensions = array<i32: 0>} : vector<16xi32>
        %scan3A_475 = arith.constant 0 : i32
        %scan3A_476 = arith.constant 0 : i32
        %scan3A_477 = arith.constant 0 : i32
        %scan3A_478 = arith.constant 0 : i32
        %scan3A_479 = arith.constant 0 : i32
        %scan3A_480 = arith.constant 32 : i32
        %scan3A_481 = arith.addi %scan3A_479, %scan3A_480 : i32
        %scan3A_482 = arith.constant 1 : i32
        %scan3A_483:5 = scf.for %scan3A_605 = %scan3A_479 to %scan3A_481 step %scan3A_482 iter_args(%scan3A_606 = %scan3A_475, %scan3A_607 = %scan3A_476, %scan3A_608 = %scan3A_477, %scan3A_609 = %scan3A_478, %scan3A_610 = %iota3A_474) -> (i32, i32, i32, i32, vector<16xi32>)  : i32 {
          %add3A_611 = arith.constant 0 : i32
          %add3A_612 = vector.broadcast %add3A_611 : i32 to vector<16xi32>
          %add3A_613 = arith.addi %scan3A_610, %add3A_612 : vector<16xi32>
          %mul3A_614 = arith.constant 32 : i32
          %mul3A_615 = arith.muli %mul3A_614, %scan3A_605 : i32
          %add3A_616 = arith.constant 0 : i32
          %add3A_617 = arith.addi %mul3A_615, %add3A_616 : i32
          %get3A = arith.index_cast %add3A_120 : i32 to index
          %get3A_618 = arith.index_cast %add3A_617 : i32 to index
          %get3A_619 = tpu.vector_load %arg4[%get3A, %get3A_618] {strides = array<i32>} : memref<8x2048xf32, #tpu.memory_space<vmem>>, vector<16xf32>,
          %mul3A_620 = arith.constant 32 : i32
          %mul3A_621 = arith.muli %mul3A_620, %scan3A_605 : i32
          %add3A_622 = arith.constant 1024 : i32
          %add3A_623 = arith.addi %add3A_622, %mul3A_621 : i32
          %add3A_624 = arith.constant 0 : i32
          %add3A_625 = arith.addi %add3A_623, %add3A_624 : i32
          %get3A_626 = arith.index_cast %add3A_120 : i32 to index
          %get3A_627 = arith.index_cast %add3A_625 : i32 to index
          %get3A_628 = tpu.vector_load %arg4[%get3A_626, %get3A_627] {strides = array<i32>} : memref<8x2048xf32, #tpu.memory_space<vmem>>, vector<16xf32>,
          %le3A = arith.cmpf ole, %get3A_619, %broadcast_in_dim3A_221 : vector<16xf32>
          %le3A_629 = arith.cmpf ole, %get3A_628, %broadcast_in_dim3A_221 : vector<16xf32>
          %swap3A_630 = arith.index_cast %scan3A_606 : i32 to index
          %swap3A_631 = tpu.vector_load %arg7[%swap3A_630] masked %le3A {strides = array<i32>} : memref<2064xi32, #tpu.memory_space<vmem>>, vector<16xi32>, vector<16xi1>
          tpu.vector_store %arg7[%swap3A_630], %add3A_613 masked %le3A {strides = array<i32>} : memref<2064xi32, #tpu.memory_space<vmem>>, vector<16xi32>, vector<16xi1>
          %add3A_632 = arith.constant 1024 : i32
          %add3A_633 = arith.addi %add3A_632, %scan3A_608 : i32
          %add3A_634 = arith.constant 1024 : i32
          %add3A_635 = vector.broadcast %add3A_634 : i32 to vector<16xi32>
          %add3A_636 = arith.addi %add3A_613, %add3A_635 : vector<16xi32>
          %swap3A_637 = arith.index_cast %add3A_633 : i32 to index
          %swap3A_638 = tpu.vector_load %arg7[%swap3A_637] masked %le3A_629 {strides = array<i32>} : memref<2064xi32, #tpu.memory_space<vmem>>, vector<16xi32>, vector<16xi1>
          tpu.vector_store %arg7[%swap3A_637], %add3A_636 masked %le3A_629 {strides = array<i32>} : memref<2064xi32, #tpu.memory_space<vmem>>, vector<16xi32>, vector<16xi1>
          %all_reduce_population_count3A = tpu.all_reduce %le3A {dim = 0 : i64, kind = #tpu.reduction_kind<sum>} : vector<16xi1> -> vector<16xi32>
          %slice3A = vector.extract_strided_slice %all_reduce_population_count3A {offsets = [0], sizes = [1], strides = [1]} : vector<16xi32> to vector<1xi32>
          %squeeze3A = vector.extract %slice3A[0] : i32 from vector<1xi32>
          %add3A_639 = arith.addi %scan3A_606, %squeeze3A : i32
          %all_reduce_population_count3A_640 = tpu.all_reduce %le3A_629 {dim = 0 : i64, kind = #tpu.reduction_kind<sum>} : vector<16xi1> -> vector<16xi32>
          %slice3A_641 = vector.extract_strided_slice %all_reduce_population_count3A_640 {offsets = [0], sizes = [1], strides = [1]} : vector<16xi32> to vector<1xi32>
          %squeeze3A_642 = vector.extract %slice3A_641[0] : i32 from vector<1xi32>
          %add3A_643 = arith.addi %scan3A_608, %squeeze3A_642 : i32
          %mul3A_644 = arith.constant 32 : i32
          %mul3A_645 = arith.muli %mul3A_644, %scan3A_605 : i32
          %add3A_646 = arith.constant 0 : i32
          %add3A_647 = arith.addi %mul3A_645, %add3A_646 : i32
          %get3A_648 = arith.index_cast %add3A_124 : i32 to index
          %get3A_649 = arith.index_cast %add3A_647 : i32 to index
          %get3A_650 = tpu.vector_load %arg4[%get3A_648, %get3A_649] {strides = array<i32>} : memref<8x2048xf32, #tpu.memory_space<vmem>>, vector<16xf32>,
          %mul3A_651 = arith.constant 32 : i32
          %mul3A_652 = arith.muli %mul3A_651, %scan3A_605 : i32
          %add3A_653 = arith.constant 1024 : i32
          %add3A_654 = arith.addi %add3A_653, %mul3A_652 : i32
          %add3A_655 = arith.constant 0 : i32
          %add3A_656 = arith.addi %add3A_654, %add3A_655 : i32
          %get3A_657 = arith.index_cast %add3A_124 : i32 to index
          %get3A_658 = arith.index_cast %add3A_656 : i32 to index
          %get3A_659 = tpu.vector_load %arg4[%get3A_657, %get3A_658] {strides = array<i32>} : memref<8x2048xf32, #tpu.memory_space<vmem>>, vector<16xf32>,
          %le3A_660 = arith.cmpf ole, %get3A_650, %broadcast_in_dim3A_305 : vector<16xf32>
          %le3A_661 = arith.cmpf ole, %get3A_659, %broadcast_in_dim3A_305 : vector<16xf32>
          %swap3A_662 = arith.index_cast %scan3A_607 : i32 to index
          %swap3A_663 = tpu.vector_load %arg8[%swap3A_662] masked %le3A_660 {strides = array<i32>} : memref<2064xi32, #tpu.memory_space<vmem>>, vector<16xi32>, vector<16xi1>
          tpu.vector_store %arg8[%swap3A_662], %add3A_613 masked %le3A_660 {strides = array<i32>} : memref<2064xi32, #tpu.memory_space<vmem>>, vector<16xi32>, vector<16xi1>
          %add3A_664 = arith.constant 1024 : i32
          %add3A_665 = arith.addi %add3A_664, %scan3A_609 : i32
          %add3A_666 = arith.constant 1024 : i32
          %add3A_667 = vector.broadcast %add3A_666 : i32 to vector<16xi32>
          %add3A_668 = arith.addi %add3A_613, %add3A_667 : vector<16xi32>
          %swap3A_669 = arith.index_cast %add3A_665 : i32 to index
          %swap3A_670 = tpu.vector_load %arg8[%swap3A_669] masked %le3A_661 {strides = array<i32>} : memref<2064xi32, #tpu.memory_space<vmem>>, vector<16xi32>, vector<16xi1>
          tpu.vector_store %arg8[%swap3A_669], %add3A_668 masked %le3A_661 {strides = array<i32>} : memref<2064xi32, #tpu.memory_space<vmem>>, vector<16xi32>, vector<16xi1>
          %all_reduce_population_count3A_671 = tpu.all_reduce %le3A_660 {dim = 0 : i64, kind = #tpu.reduction_kind<sum>} : vector<16xi1> -> vector<16xi32>
          %slice3A_672 = vector.extract_strided_slice %all_reduce_population_count3A_671 {offsets = [0], sizes = [1], strides = [1]} : vector<16xi32> to vector<1xi32>
          %squeeze3A_673 = vector.extract %slice3A_672[0] : i32 from vector<1xi32>
          %add3A_674 = arith.addi %scan3A_607, %squeeze3A_673 : i32
          %all_reduce_population_count3A_675 = tpu.all_reduce %le3A_661 {dim = 0 : i64, kind = #tpu.reduction_kind<sum>} : vector<16xi1> -> vector<16xi32>
          %slice3A_676 = vector.extract_strided_slice %all_reduce_population_count3A_675 {offsets = [0], sizes = [1], strides = [1]} : vector<16xi32> to vector<1xi32>
          %squeeze3A_677 = vector.extract %slice3A_676[0] : i32 from vector<1xi32>
          %add3A_678 = arith.addi %scan3A_609, %squeeze3A_677 : i32
          %add3A_679 = arith.constant 16 : i32
          %add3A_680 = vector.broadcast %add3A_679 : i32 to vector<16xi32>
          %add3A_681 = arith.addi %scan3A_610, %add3A_680 : vector<16xi32>
          %mul3A_682 = arith.constant 32 : i32
          %mul3A_683 = arith.muli %mul3A_682, %scan3A_605 : i32
          %add3A_684 = arith.constant 16 : i32
          %add3A_685 = arith.addi %mul3A_683, %add3A_684 : i32
          %get3A_686 = arith.index_cast %add3A_120 : i32 to index
          %get3A_687 = arith.index_cast %add3A_685 : i32 to index
          %get3A_688 = tpu.vector_load %arg4[%get3A_686, %get3A_687] {strides = array<i32>} : memref<8x2048xf32, #tpu.memory_space<vmem>>, vector<16xf32>,
          %mul3A_689 = arith.constant 32 : i32
          %mul3A_690 = arith.muli %mul3A_689, %scan3A_605 : i32
          %add3A_691 = arith.constant 1024 : i32
          %add3A_692 = arith.addi %add3A_691, %mul3A_690 : i32
          %add3A_693 = arith.constant 16 : i32
          %add3A_694 = arith.addi %add3A_692, %add3A_693 : i32
          %get3A_695 = arith.index_cast %add3A_120 : i32 to index
          %get3A_696 = arith.index_cast %add3A_694 : i32 to index
          %get3A_697 = tpu.vector_load %arg4[%get3A_695, %get3A_696] {strides = array<i32>} : memref<8x2048xf32, #tpu.memory_space<vmem>>, vector<16xf32>,
          %le3A_698 = arith.cmpf ole, %get3A_688, %broadcast_in_dim3A_221 : vector<16xf32>
          %le3A_699 = arith.cmpf ole, %get3A_697, %broadcast_in_dim3A_221 : vector<16xf32>
          %swap3A_700 = arith.index_cast %add3A_639 : i32 to index
          %swap3A_701 = tpu.vector_load %arg7[%swap3A_700] masked %le3A_698 {strides = array<i32>} : memref<2064xi32, #tpu.memory_space<vmem>>, vector<16xi32>, vector<16xi1>
          tpu.vector_store %arg7[%swap3A_700], %add3A_681 masked %le3A_698 {strides = array<i32>} : memref<2064xi32, #tpu.memory_space<vmem>>, vector<16xi32>, vector<16xi1>
          %add3A_702 = arith.constant 1024 : i32
          %add3A_703 = arith.addi %add3A_702, %add3A_643 : i32
          %add3A_704 = arith.constant 1024 : i32
          %add3A_705 = vector.broadcast %add3A_704 : i32 to vector<16xi32>
          %add3A_706 = arith.addi %add3A_681, %add3A_705 : vector<16xi32>
          %swap3A_707 = arith.index_cast %add3A_703 : i32 to index
          %swap3A_708 = tpu.vector_load %arg7[%swap3A_707] masked %le3A_699 {strides = array<i32>} : memref<2064xi32, #tpu.memory_space<vmem>>, vector<16xi32>, vector<16xi1>
          tpu.vector_store %arg7[%swap3A_707], %add3A_706 masked %le3A_699 {strides = array<i32>} : memref<2064xi32, #tpu.memory_space<vmem>>, vector<16xi32>, vector<16xi1>
          %all_reduce_population_count3A_709 = tpu.all_reduce %le3A_698 {dim = 0 : i64, kind = #tpu.reduction_kind<sum>} : vector<16xi1> -> vector<16xi32>
          %slice3A_710 = vector.extract_strided_slice %all_reduce_population_count3A_709 {offsets = [0], sizes = [1], strides = [1]} : vector<16xi32> to vector<1xi32>
          %squeeze3A_711 = vector.extract %slice3A_710[0] : i32 from vector<1xi32>
          %add3A_712 = arith.addi %add3A_639, %squeeze3A_711 : i32
          %all_reduce_population_count3A_713 = tpu.all_reduce %le3A_699 {dim = 0 : i64, kind = #tpu.reduction_kind<sum>} : vector<16xi1> -> vector<16xi32>
          %slice3A_714 = vector.extract_strided_slice %all_reduce_population_count3A_713 {offsets = [0], sizes = [1], strides = [1]} : vector<16xi32> to vector<1xi32>
          %squeeze3A_715 = vector.extract %slice3A_714[0] : i32 from vector<1xi32>
          %add3A_716 = arith.addi %add3A_643, %squeeze3A_715 : i32
          %mul3A_717 = arith.constant 32 : i32
          %mul3A_718 = arith.muli %mul3A_717, %scan3A_605 : i32
          %add3A_719 = arith.constant 16 : i32
          %add3A_720 = arith.addi %mul3A_718, %add3A_719 : i32
          %get3A_721 = arith.index_cast %add3A_124 : i32 to index
          %get3A_722 = arith.index_cast %add3A_720 : i32 to index
          %get3A_723 = tpu.vector_load %arg4[%get3A_721, %get3A_722] {strides = array<i32>} : memref<8x2048xf32, #tpu.memory_space<vmem>>, vector<16xf32>,
          %mul3A_724 = arith.constant 32 : i32
          %mul3A_725 = arith.muli %mul3A_724, %scan3A_605 : i32
          %add3A_726 = arith.constant 1024 : i32
          %add3A_727 = arith.addi %add3A_726, %mul3A_725 : i32
          %add3A_728 = arith.constant 16 : i32
          %add3A_729 = arith.addi %add3A_727, %add3A_728 : i32
          %get3A_730 = arith.index_cast %add3A_124 : i32 to index
          %get3A_731 = arith.index_cast %add3A_729 : i32 to index
          %get3A_732 = tpu.vector_load %arg4[%get3A_730, %get3A_731] {strides = array<i32>} : memref<8x2048xf32, #tpu.memory_space<vmem>>, vector<16xf32>,
          %le3A_733 = arith.cmpf ole, %get3A_723, %broadcast_in_dim3A_305 : vector<16xf32>
          %le3A_734 = arith.cmpf ole, %get3A_732, %broadcast_in_dim3A_305 : vector<16xf32>
          %swap3A_735 = arith.index_cast %add3A_674 : i32 to index
          %swap3A_736 = tpu.vector_load %arg8[%swap3A_735] masked %le3A_733 {strides = array<i32>} : memref<2064xi32, #tpu.memory_space<vmem>>, vector<16xi32>, vector<16xi1>
          tpu.vector_store %arg8[%swap3A_735], %add3A_681 masked %le3A_733 {strides = array<i32>} : memref<2064xi32, #tpu.memory_space<vmem>>, vector<16xi32>, vector<16xi1>
          %add3A_737 = arith.constant 1024 : i32
          %add3A_738 = arith.addi %add3A_737, %add3A_678 : i32
          %add3A_739 = arith.constant 1024 : i32
          %add3A_740 = vector.broadcast %add3A_739 : i32 to vector<16xi32>
          %add3A_741 = arith.addi %add3A_681, %add3A_740 : vector<16xi32>
          %swap3A_742 = arith.index_cast %add3A_738 : i32 to index
          %swap3A_743 = tpu.vector_load %arg8[%swap3A_742] masked %le3A_734 {strides = array<i32>} : memref<2064xi32, #tpu.memory_space<vmem>>, vector<16xi32>, vector<16xi1>
          tpu.vector_store %arg8[%swap3A_742], %add3A_741 masked %le3A_734 {strides = array<i32>} : memref<2064xi32, #tpu.memory_space<vmem>>, vector<16xi32>, vector<16xi1>
          %all_reduce_population_count3A_744 = tpu.all_reduce %le3A_733 {dim = 0 : i64, kind = #tpu.reduction_kind<sum>} : vector<16xi1> -> vector<16xi32>
          %slice3A_745 = vector.extract_strided_slice %all_reduce_population_count3A_744 {offsets = [0], sizes = [1], strides = [1]} : vector<16xi32> to vector<1xi32>
          %squeeze3A_746 = vector.extract %slice3A_745[0] : i32 from vector<1xi32>
          %add3A_747 = arith.addi %add3A_674, %squeeze3A_746 : i32
          %all_reduce_population_count3A_748 = tpu.all_reduce %le3A_734 {dim = 0 : i64, kind = #tpu.reduction_kind<sum>} : vector<16xi1> -> vector<16xi32>
          %slice3A_749 = vector.extract_strided_slice %all_reduce_population_count3A_748 {offsets = [0], sizes = [1], strides = [1]} : vector<16xi32> to vector<1xi32>
          %squeeze3A_750 = vector.extract %slice3A_749[0] : i32 from vector<1xi32>
          %add3A_751 = arith.addi %add3A_678, %squeeze3A_750 : i32
          %add3A_752 = arith.constant 32 : i32
          %add3A_753 = vector.broadcast %add3A_752 : i32 to vector<16xi32>
          %add3A_754 = arith.addi %scan3A_610, %add3A_753 : vector<16xi32>
          scf.yield %add3A_712, %add3A_747, %add3A_716, %add3A_751, %add3A_754 : i32, i32, i32, i32, vector<16xi32>
        }
        %scan3A_484 = arith.constant 32 : i32
        %iota3A_485 = tpu.iota {dimensions = array<i32: 0>} : vector<16xi32>
        %scan3A_486 = arith.constant 0 : i32
        %scan3A_487 = arith.constant 0 : i32
        %scan3A_488 = arith.constant 0 : i32
        %scan3A_489 = arith.constant 0 : i32
        %scan3A_490 = arith.constant 0 : i32
        %scan3A_491 = arith.constant 32 : i32
        %scan3A_492 = arith.addi %scan3A_490, %scan3A_491 : i32
        %scan3A_493 = arith.constant 1 : i32
        %scan3A_494:5 = scf.for %scan3A_605 = %scan3A_490 to %scan3A_492 step %scan3A_493 iter_args(%scan3A_606 = %scan3A_486, %scan3A_607 = %scan3A_487, %scan3A_608 = %scan3A_488, %scan3A_609 = %scan3A_489, %scan3A_610 = %iota3A_485) -> (i32, i32, i32, i32, vector<16xi32>)  : i32 {
          %add3A_611 = arith.constant 0 : i32
          %add3A_612 = vector.broadcast %add3A_611 : i32 to vector<16xi32>
          %add3A_613 = arith.addi %scan3A_610, %add3A_612 : vector<16xi32>
          %mul3A_614 = arith.constant 32 : i32
          %mul3A_615 = arith.muli %mul3A_614, %scan3A_605 : i32
          %add3A_616 = arith.constant 0 : i32
          %add3A_617 = arith.addi %mul3A_615, %add3A_616 : i32
          %get3A = arith.index_cast %add3A_128 : i32 to index
          %get3A_618 = arith.index_cast %add3A_617 : i32 to index
          %get3A_619 = tpu.vector_load %arg4[%get3A, %get3A_618] {strides = array<i32>} : memref<8x2048xf32, #tpu.memory_space<vmem>>, vector<16xf32>,
          %mul3A_620 = arith.constant 32 : i32
          %mul3A_621 = arith.muli %mul3A_620, %scan3A_605 : i32
          %add3A_622 = arith.constant 1024 : i32
          %add3A_623 = arith.addi %add3A_622, %mul3A_621 : i32
          %add3A_624 = arith.constant 0 : i32
          %add3A_625 = arith.addi %add3A_623, %add3A_624 : i32
          %get3A_626 = arith.index_cast %add3A_128 : i32 to index
          %get3A_627 = arith.index_cast %add3A_625 : i32 to index
          %get3A_628 = tpu.vector_load %arg4[%get3A_626, %get3A_627] {strides = array<i32>} : memref<8x2048xf32, #tpu.memory_space<vmem>>, vector<16xf32>,
          %le3A = arith.cmpf ole, %get3A_619, %broadcast_in_dim3A_389 : vector<16xf32>
          %le3A_629 = arith.cmpf ole, %get3A_628, %broadcast_in_dim3A_389 : vector<16xf32>
          %swap3A_630 = arith.index_cast %scan3A_606 : i32 to index
          %swap3A_631 = tpu.vector_load %arg9[%swap3A_630] masked %le3A {strides = array<i32>} : memref<2064xi32, #tpu.memory_space<vmem>>, vector<16xi32>, vector<16xi1>
          tpu.vector_store %arg9[%swap3A_630], %add3A_613 masked %le3A {strides = array<i32>} : memref<2064xi32, #tpu.memory_space<vmem>>, vector<16xi32>, vector<16xi1>
          %add3A_632 = arith.constant 1024 : i32
          %add3A_633 = arith.addi %add3A_632, %scan3A_608 : i32
          %add3A_634 = arith.constant 1024 : i32
          %add3A_635 = vector.broadcast %add3A_634 : i32 to vector<16xi32>
          %add3A_636 = arith.addi %add3A_613, %add3A_635 : vector<16xi32>
          %swap3A_637 = arith.index_cast %add3A_633 : i32 to index
          %swap3A_638 = tpu.vector_load %arg9[%swap3A_637] masked %le3A_629 {strides = array<i32>} : memref<2064xi32, #tpu.memory_space<vmem>>, vector<16xi32>, vector<16xi1>
          tpu.vector_store %arg9[%swap3A_637], %add3A_636 masked %le3A_629 {strides = array<i32>} : memref<2064xi32, #tpu.memory_space<vmem>>, vector<16xi32>, vector<16xi1>
          %all_reduce_population_count3A = tpu.all_reduce %le3A {dim = 0 : i64, kind = #tpu.reduction_kind<sum>} : vector<16xi1> -> vector<16xi32>
          %slice3A = vector.extract_strided_slice %all_reduce_population_count3A {offsets = [0], sizes = [1], strides = [1]} : vector<16xi32> to vector<1xi32>
          %squeeze3A = vector.extract %slice3A[0] : i32 from vector<1xi32>
          %add3A_639 = arith.addi %scan3A_606, %squeeze3A : i32
          %all_reduce_population_count3A_640 = tpu.all_reduce %le3A_629 {dim = 0 : i64, kind = #tpu.reduction_kind<sum>} : vector<16xi1> -> vector<16xi32>
          %slice3A_641 = vector.extract_strided_slice %all_reduce_population_count3A_640 {offsets = [0], sizes = [1], strides = [1]} : vector<16xi32> to vector<1xi32>
          %squeeze3A_642 = vector.extract %slice3A_641[0] : i32 from vector<1xi32>
          %add3A_643 = arith.addi %scan3A_608, %squeeze3A_642 : i32
          %mul3A_644 = arith.constant 32 : i32
          %mul3A_645 = arith.muli %mul3A_644, %scan3A_605 : i32
          %add3A_646 = arith.constant 0 : i32
          %add3A_647 = arith.addi %mul3A_645, %add3A_646 : i32
          %get3A_648 = arith.index_cast %add3A_132 : i32 to index
          %get3A_649 = arith.index_cast %add3A_647 : i32 to index
          %get3A_650 = tpu.vector_load %arg4[%get3A_648, %get3A_649] {strides = array<i32>} : memref<8x2048xf32, #tpu.memory_space<vmem>>, vector<16xf32>,
          %mul3A_651 = arith.constant 32 : i32
          %mul3A_652 = arith.muli %mul3A_651, %scan3A_605 : i32
          %add3A_653 = arith.constant 1024 : i32
          %add3A_654 = arith.addi %add3A_653, %mul3A_652 : i32
          %add3A_655 = arith.constant 0 : i32
          %add3A_656 = arith.addi %add3A_654, %add3A_655 : i32
          %get3A_657 = arith.index_cast %add3A_132 : i32 to index
          %get3A_658 = arith.index_cast %add3A_656 : i32 to index
          %get3A_659 = tpu.vector_load %arg4[%get3A_657, %get3A_658] {strides = array<i32>} : memref<8x2048xf32, #tpu.memory_space<vmem>>, vector<16xf32>,
          %le3A_660 = arith.cmpf ole, %get3A_650, %broadcast_in_dim3A_473 : vector<16xf32>
          %le3A_661 = arith.cmpf ole, %get3A_659, %broadcast_in_dim3A_473 : vector<16xf32>
          %swap3A_662 = arith.index_cast %scan3A_607 : i32 to index
          %swap3A_663 = tpu.vector_load %arg10[%swap3A_662] masked %le3A_660 {strides = array<i32>} : memref<2064xi32, #tpu.memory_space<vmem>>, vector<16xi32>, vector<16xi1>
          tpu.vector_store %arg10[%swap3A_662], %add3A_613 masked %le3A_660 {strides = array<i32>} : memref<2064xi32, #tpu.memory_space<vmem>>, vector<16xi32>, vector<16xi1>
          %add3A_664 = arith.constant 1024 : i32
          %add3A_665 = arith.addi %add3A_664, %scan3A_609 : i32
          %add3A_666 = arith.constant 1024 : i32
          %add3A_667 = vector.broadcast %add3A_666 : i32 to vector<16xi32>
          %add3A_668 = arith.addi %add3A_613, %add3A_667 : vector<16xi32>
          %swap3A_669 = arith.index_cast %add3A_665 : i32 to index
          %swap3A_670 = tpu.vector_load %arg10[%swap3A_669] masked %le3A_661 {strides = array<i32>} : memref<2064xi32, #tpu.memory_space<vmem>>, vector<16xi32>, vector<16xi1>
          tpu.vector_store %arg10[%swap3A_669], %add3A_668 masked %le3A_661 {strides = array<i32>} : memref<2064xi32, #tpu.memory_space<vmem>>, vector<16xi32>, vector<16xi1>
          %all_reduce_population_count3A_671 = tpu.all_reduce %le3A_660 {dim = 0 : i64, kind = #tpu.reduction_kind<sum>} : vector<16xi1> -> vector<16xi32>
          %slice3A_672 = vector.extract_strided_slice %all_reduce_population_count3A_671 {offsets = [0], sizes = [1], strides = [1]} : vector<16xi32> to vector<1xi32>
          %squeeze3A_673 = vector.extract %slice3A_672[0] : i32 from vector<1xi32>
          %add3A_674 = arith.addi %scan3A_607, %squeeze3A_673 : i32
          %all_reduce_population_count3A_675 = tpu.all_reduce %le3A_661 {dim = 0 : i64, kind = #tpu.reduction_kind<sum>} : vector<16xi1> -> vector<16xi32>
          %slice3A_676 = vector.extract_strided_slice %all_reduce_population_count3A_675 {offsets = [0], sizes = [1], strides = [1]} : vector<16xi32> to vector<1xi32>
          %squeeze3A_677 = vector.extract %slice3A_676[0] : i32 from vector<1xi32>
          %add3A_678 = arith.addi %scan3A_609, %squeeze3A_677 : i32
          %add3A_679 = arith.constant 16 : i32
          %add3A_680 = vector.broadcast %add3A_679 : i32 to vector<16xi32>
          %add3A_681 = arith.addi %scan3A_610, %add3A_680 : vector<16xi32>
          %mul3A_682 = arith.constant 32 : i32
          %mul3A_683 = arith.muli %mul3A_682, %scan3A_605 : i32
          %add3A_684 = arith.constant 16 : i32
          %add3A_685 = arith.addi %mul3A_683, %add3A_684 : i32
          %get3A_686 = arith.index_cast %add3A_128 : i32 to index
          %get3A_687 = arith.index_cast %add3A_685 : i32 to index
          %get3A_688 = tpu.vector_load %arg4[%get3A_686, %get3A_687] {strides = array<i32>} : memref<8x2048xf32, #tpu.memory_space<vmem>>, vector<16xf32>,
          %mul3A_689 = arith.constant 32 : i32
          %mul3A_690 = arith.muli %mul3A_689, %scan3A_605 : i32
          %add3A_691 = arith.constant 1024 : i32
          %add3A_692 = arith.addi %add3A_691, %mul3A_690 : i32
          %add3A_693 = arith.constant 16 : i32
          %add3A_694 = arith.addi %add3A_692, %add3A_693 : i32
          %get3A_695 = arith.index_cast %add3A_128 : i32 to index
          %get3A_696 = arith.index_cast %add3A_694 : i32 to index
          %get3A_697 = tpu.vector_load %arg4[%get3A_695, %get3A_696] {strides = array<i32>} : memref<8x2048xf32, #tpu.memory_space<vmem>>, vector<16xf32>,
          %le3A_698 = arith.cmpf ole, %get3A_688, %broadcast_in_dim3A_389 : vector<16xf32>
          %le3A_699 = arith.cmpf ole, %get3A_697, %broadcast_in_dim3A_389 : vector<16xf32>
          %swap3A_700 = arith.index_cast %add3A_639 : i32 to index
          %swap3A_701 = tpu.vector_load %arg9[%swap3A_700] masked %le3A_698 {strides = array<i32>} : memref<2064xi32, #tpu.memory_space<vmem>>, vector<16xi32>, vector<16xi1>
          tpu.vector_store %arg9[%swap3A_700], %add3A_681 masked %le3A_698 {strides = array<i32>} : memref<2064xi32, #tpu.memory_space<vmem>>, vector<16xi32>, vector<16xi1>
          %add3A_702 = arith.constant 1024 : i32
          %add3A_703 = arith.addi %add3A_702, %add3A_643 : i32
          %add3A_704 = arith.constant 1024 : i32
          %add3A_705 = vector.broadcast %add3A_704 : i32 to vector<16xi32>
          %add3A_706 = arith.addi %add3A_681, %add3A_705 : vector<16xi32>
          %swap3A_707 = arith.index_cast %add3A_703 : i32 to index
          %swap3A_708 = tpu.vector_load %arg9[%swap3A_707] masked %le3A_699 {strides = array<i32>} : memref<2064xi32, #tpu.memory_space<vmem>>, vector<16xi32>, vector<16xi1>
          tpu.vector_store %arg9[%swap3A_707], %add3A_706 masked %le3A_699 {strides = array<i32>} : memref<2064xi32, #tpu.memory_space<vmem>>, vector<16xi32>, vector<16xi1>
          %all_reduce_population_count3A_709 = tpu.all_reduce %le3A_698 {dim = 0 : i64, kind = #tpu.reduction_kind<sum>} : vector<16xi1> -> vector<16xi32>
          %slice3A_710 = vector.extract_strided_slice %all_reduce_population_count3A_709 {offsets = [0], sizes = [1], strides = [1]} : vector<16xi32> to vector<1xi32>
          %squeeze3A_711 = vector.extract %slice3A_710[0] : i32 from vector<1xi32>
          %add3A_712 = arith.addi %add3A_639, %squeeze3A_711 : i32
          %all_reduce_population_count3A_713 = tpu.all_reduce %le3A_699 {dim = 0 : i64, kind = #tpu.reduction_kind<sum>} : vector<16xi1> -> vector<16xi32>
          %slice3A_714 = vector.extract_strided_slice %all_reduce_population_count3A_713 {offsets = [0], sizes = [1], strides = [1]} : vector<16xi32> to vector<1xi32>
          %squeeze3A_715 = vector.extract %slice3A_714[0] : i32 from vector<1xi32>
          %add3A_716 = arith.addi %add3A_643, %squeeze3A_715 : i32
          %mul3A_717 = arith.constant 32 : i32
          %mul3A_718 = arith.muli %mul3A_717, %scan3A_605 : i32
          %add3A_719 = arith.constant 16 : i32
          %add3A_720 = arith.addi %mul3A_718, %add3A_719 : i32
          %get3A_721 = arith.index_cast %add3A_132 : i32 to index
          %get3A_722 = arith.index_cast %add3A_720 : i32 to index
          %get3A_723 = tpu.vector_load %arg4[%get3A_721, %get3A_722] {strides = array<i32>} : memref<8x2048xf32, #tpu.memory_space<vmem>>, vector<16xf32>,
          %mul3A_724 = arith.constant 32 : i32
          %mul3A_725 = arith.muli %mul3A_724, %scan3A_605 : i32
          %add3A_726 = arith.constant 1024 : i32
          %add3A_727 = arith.addi %add3A_726, %mul3A_725 : i32
          %add3A_728 = arith.constant 16 : i32
          %add3A_729 = arith.addi %add3A_727, %add3A_728 : i32
          %get3A_730 = arith.index_cast %add3A_132 : i32 to index
          %get3A_731 = arith.index_cast %add3A_729 : i32 to index
          %get3A_732 = tpu.vector_load %arg4[%get3A_730, %get3A_731] {strides = array<i32>} : memref<8x2048xf32, #tpu.memory_space<vmem>>, vector<16xf32>,
          %le3A_733 = arith.cmpf ole, %get3A_723, %broadcast_in_dim3A_473 : vector<16xf32>
          %le3A_734 = arith.cmpf ole, %get3A_732, %broadcast_in_dim3A_473 : vector<16xf32>
          %swap3A_735 = arith.index_cast %add3A_674 : i32 to index
          %swap3A_736 = tpu.vector_load %arg10[%swap3A_735] masked %le3A_733 {strides = array<i32>} : memref<2064xi32, #tpu.memory_space<vmem>>, vector<16xi32>, vector<16xi1>
          tpu.vector_store %arg10[%swap3A_735], %add3A_681 masked %le3A_733 {strides = array<i32>} : memref<2064xi32, #tpu.memory_space<vmem>>, vector<16xi32>, vector<16xi1>
          %add3A_737 = arith.constant 1024 : i32
          %add3A_738 = arith.addi %add3A_737, %add3A_678 : i32
          %add3A_739 = arith.constant 1024 : i32
          %add3A_740 = vector.broadcast %add3A_739 : i32 to vector<16xi32>
          %add3A_741 = arith.addi %add3A_681, %add3A_740 : vector<16xi32>
          %swap3A_742 = arith.index_cast %add3A_738 : i32 to index
          %swap3A_743 = tpu.vector_load %arg10[%swap3A_742] masked %le3A_734 {strides = array<i32>} : memref<2064xi32, #tpu.memory_space<vmem>>, vector<16xi32>, vector<16xi1>
          tpu.vector_store %arg10[%swap3A_742], %add3A_741 masked %le3A_734 {strides = array<i32>} : memref<2064xi32, #tpu.memory_space<vmem>>, vector<16xi32>, vector<16xi1>
          %all_reduce_population_count3A_744 = tpu.all_reduce %le3A_733 {dim = 0 : i64, kind = #tpu.reduction_kind<sum>} : vector<16xi1> -> vector<16xi32>
          %slice3A_745 = vector.extract_strided_slice %all_reduce_population_count3A_744 {offsets = [0], sizes = [1], strides = [1]} : vector<16xi32> to vector<1xi32>
          %squeeze3A_746 = vector.extract %slice3A_745[0] : i32 from vector<1xi32>
          %add3A_747 = arith.addi %add3A_674, %squeeze3A_746 : i32
          %all_reduce_population_count3A_748 = tpu.all_reduce %le3A_734 {dim = 0 : i64, kind = #tpu.reduction_kind<sum>} : vector<16xi1> -> vector<16xi32>
          %slice3A_749 = vector.extract_strided_slice %all_reduce_population_count3A_748 {offsets = [0], sizes = [1], strides = [1]} : vector<16xi32> to vector<1xi32>
          %squeeze3A_750 = vector.extract %slice3A_749[0] : i32 from vector<1xi32>
          %add3A_751 = arith.addi %add3A_678, %squeeze3A_750 : i32
          %add3A_752 = arith.constant 32 : i32
          %add3A_753 = vector.broadcast %add3A_752 : i32 to vector<16xi32>
          %add3A_754 = arith.addi %scan3A_610, %add3A_753 : vector<16xi32>
          scf.yield %add3A_712, %add3A_747, %add3A_716, %add3A_751, %add3A_754 : i32, i32, i32, i32, vector<16xi32>
        }
        %scan3A_495 = arith.constant 32 : i32
        %broadcast_in_dim3A_496 = arith.constant 0 : i32
        %broadcast_in_dim3A_497 = vector.broadcast %broadcast_in_dim3A_496 : i32 to vector<16xi32>
        %add3A_498 = arith.constant 15 : i32
        %add3A_499 = arith.addi %scan3A_483#0, %add3A_498 : i32
        %shift_right_arithmetic3A = arith.constant 4 : i32
        %shift_right_arithmetic3A_500 = arith.shrsi %add3A_499, %shift_right_arithmetic3A : i32
        %add3A_501 = arith.constant 15 : i32
        %add3A_502 = arith.addi %scan3A_483#1, %add3A_501 : i32
        %shift_right_arithmetic3A_503 = arith.constant 4 : i32
        %shift_right_arithmetic3A_504 = arith.shrsi %add3A_502, %shift_right_arithmetic3A_503 : i32
        %add3A_505 = arith.constant 15 : i32
        %add3A_506 = arith.addi %scan3A_494#0, %add3A_505 : i32
        %shift_right_arithmetic3A_507 = arith.constant 4 : i32
        %shift_right_arithmetic3A_508 = arith.shrsi %add3A_506, %shift_right_arithmetic3A_507 : i32
        %add3A_509 = arith.constant 15 : i32
        %add3A_510 = arith.addi %scan3A_494#1, %add3A_509 : i32
        %shift_right_arithmetic3A_511 = arith.constant 4 : i32
        %shift_right_arithmetic3A_512 = arith.shrsi %add3A_510, %shift_right_arithmetic3A_511 : i32
        %add3A_513 = arith.constant 15 : i32
        %add3A_514 = arith.addi %scan3A_483#2, %add3A_513 : i32
        %shift_right_arithmetic3A_515 = arith.constant 4 : i32
        %shift_right_arithmetic3A_516 = arith.shrsi %add3A_514, %shift_right_arithmetic3A_515 : i32
        %add3A_517 = arith.constant 15 : i32
        %add3A_518 = arith.addi %scan3A_483#3, %add3A_517 : i32
        %shift_right_arithmetic3A_519 = arith.constant 4 : i32
        %shift_right_arithmetic3A_520 = arith.shrsi %add3A_518, %shift_right_arithmetic3A_519 : i32
        %add3A_521 = arith.constant 15 : i32
        %add3A_522 = arith.addi %scan3A_494#2, %add3A_521 : i32
        %shift_right_arithmetic3A_523 = arith.constant 4 : i32
        %shift_right_arithmetic3A_524 = arith.shrsi %add3A_522, %shift_right_arithmetic3A_523 : i32
        %add3A_525 = arith.constant 15 : i32
        %add3A_526 = arith.addi %scan3A_494#3, %add3A_525 : i32
        %shift_right_arithmetic3A_527 = arith.constant 4 : i32
        %shift_right_arithmetic3A_528 = arith.shrsi %add3A_526, %shift_right_arithmetic3A_527 : i32
        %add3A_529 = arith.addi %shift_right_arithmetic3A_500, %shift_right_arithmetic3A_516 : i32
        %add3A_530 = arith.addi %shift_right_arithmetic3A_504, %shift_right_arithmetic3A_520 : i32
        %max3A_531 = arith.maxsi %add3A_529, %add3A_530 : i32
        %add3A_532 = arith.addi %shift_right_arithmetic3A_508, %shift_right_arithmetic3A_524 : i32
        %max3A_533 = arith.maxsi %max3A_531, %add3A_532 : i32
        %add3A_534 = arith.addi %shift_right_arithmetic3A_512, %shift_right_arithmetic3A_528 : i32
        %max3A_535 = arith.maxsi %max3A_533, %add3A_534 : i32
        %while3A = arith.constant 0 : i32
        %while3A_536 = arith.subi %max3A_535, %while3A : i32
        %while3A_537 = arith.addi %while3A, %while3A_536 : i32
        %while3A_538 = arith.constant 1 : i32
        %while3A_539 = arith.divsi %while3A_536, %while3A_538 : i32
        %while3A_540 = arith.muli %while3A_539, %while3A_538 : i32
        %while3A_541 = arith.addi %while3A, %while3A_540 : i32
        %while3A_542 = arith.constant 1 : i32
        %while3A_543:16 = scf.for %while3A_605 = %while3A to %while3A_541 step %while3A_542 iter_args(%while3A_606 = %broadcast_in_dim3A_133, %while3A_607 = %broadcast_in_dim3A_133, %while3A_608 = %broadcast_in_dim3A_497, %while3A_609 = %broadcast_in_dim3A_497, %while3A_610 = %broadcast_in_dim3A_133, %while3A_611 = %broadcast_in_dim3A_133, %while3A_612 = %broadcast_in_dim3A_497, %while3A_613 = %broadcast_in_dim3A_497, %while3A_614 = %broadcast_in_dim3A_133, %while3A_615 = %broadcast_in_dim3A_133, %while3A_616 = %broadcast_in_dim3A_497, %while3A_617 = %broadcast_in_dim3A_497, %while3A_618 = %broadcast_in_dim3A_133, %while3A_619 = %broadcast_in_dim3A_133, %while3A_620 = %broadcast_in_dim3A_497, %while3A_621 = %broadcast_in_dim3A_497) -> (vector<16xf32>, vector<16xf32>, vector<16xi32>, vector<16xi32>, vector<16xf32>, vector<16xf32>, vector<16xi32>, vector<16xi32>, vector<16xf32>, vector<16xf32>, vector<16xi32>, vector<16xi32>, vector<16xf32>, vector<16xf32>, vector<16xi32>, vector<16xi32>)  : i32 {
          %lt3A_622 = arith.cmpi slt, %while3A_605, %shift_right_arithmetic3A_500 : i32
          %sub3A = arith.subi %while3A_605, %shift_right_arithmetic3A_500 : i32
          %mul3A_623 = arith.constant 16 : i32
          %mul3A_624 = arith.muli %mul3A_623, %while3A_605 : i32
          %mul3A_625 = arith.constant 16 : i32
          %mul3A_626 = arith.muli %mul3A_625, %sub3A : i32
          %add3A_627 = arith.constant 1024 : i32
          %add3A_628 = arith.addi %add3A_627, %mul3A_626 : i32
          %select_n3A_629 = arith.select %lt3A_622, %mul3A_624, %add3A_628 : i32
          %min3A_630 = arith.constant 2048 : i32
          %min3A_631 = arith.minsi %select_n3A_629, %min3A_630 : i32
          %iota3A_632 = tpu.iota {dimensions = array<i32: 0>} : vector<16xi32>
          %mul3A_633 = arith.constant 16 : i32
          %mul3A_634 = arith.muli %mul3A_633, %while3A_605 : i32
          %mul3A_635 = arith.constant 16 : i32
          %mul3A_636 = arith.muli %mul3A_635, %sub3A : i32
          %select_n3A_637 = arith.select %lt3A_622, %mul3A_634, %mul3A_636 : i32
          %add3A_638 = vector.broadcast %select_n3A_637 : i32 to vector<16xi32>
          %add3A_639 = arith.addi %iota3A_632, %add3A_638 : vector<16xi32>
          %select_n3A_640 = arith.select %lt3A_622, %scan3A_483#0, %scan3A_483#2 : i32
          %lt3A_641 = vector.broadcast %select_n3A_640 : i32 to vector<16xi32>
          %lt3A_642 = arith.cmpi slt, %add3A_639, %lt3A_641 : vector<16xi32>
          %get3A = arith.index_cast %min3A_631 : i32 to index
          %get3A_643 = tpu.vector_load %arg7[%get3A] {strides = array<i32>} : memref<2064xi32, #tpu.memory_space<vmem>>, vector<16xi32>,
          %jit3A_644 = arith.constant 0 : i32
          %broadcast_in_dim3A_645 = vector.broadcast %jit3A_644 : i32 to vector<16xi32>
          %select_n3A_646 = arith.select %lt3A_642, %get3A_643, %broadcast_in_dim3A_645 : vector<16xi1>, vector<16xi32>
          %broadcast_in_dim3A_647 = vector.broadcast %add3A_120 : i32 to vector<16xi32>
          %gather3A = tpu.vector_load_idx %arg4[%broadcast_in_dim3A_647, %select_n3A_646] : memref<8x2048xf32, #tpu.memory_space<vmem>>[vector<16xi32>, vector<16xi32>], vector<16xf32>,
          %jit3A_648 = arith.constant 0x7F800000 : f32
          %broadcast_in_dim3A_649 = vector.broadcast %jit3A_648 : f32 to vector<16xf32>
          %select_n3A_650 = arith.select %lt3A_642, %gather3A, %broadcast_in_dim3A_649 : vector<16xi1>, vector<16xf32>
          %masked_sort3A_651 = arith.constant dense<true> : vector<16xi1>
          %masked_sort3A_652, %masked_sort3A_653, %masked_sort3A_654 = tpu.sort %select_n3A_650, %select_n3A_646 masked %masked_sort3A_651 : (vector<16xf32>, vector<16xi32>, vector<16xi1>) -> (vector<16xi1>, vector<16xf32>, vector<16xi32>)
          %broadcast_in_dim3A_655 = arith.constant true
          %broadcast_in_dim3A_656 = vector.broadcast %broadcast_in_dim3A_655 : i1 to vector<16xi1>
          %unique3A, %unique3A_657 = tpu.scan_count mask(%broadcast_in_dim3A_656 : vector<16xi1>) value(%masked_sort3A_653 : vector<16xf32>) : vector<16xi1>, vector<16xi32>
          %iota3A_658 = tpu.iota {dimensions = array<i32: 0>} : vector<16xi32>
          %sub3A_659 = arith.subi %iota3A_658, %unique3A_657 : vector<16xi32>
          %mul3A_660 = arith.constant 2048 : i32
          %mul3A_661 = vector.broadcast %mul3A_660 : i32 to vector<16xi32>
          %mul3A_662 = arith.muli %sub3A_659, %mul3A_661 : vector<16xi32>
          %add3A_663 = arith.addi %mul3A_662, %masked_sort3A_654 : vector<16xi32>
          %masked_sort3A_664 = arith.constant dense<true> : vector<16xi1>
          %masked_sort3A_665 = arith.constant -2147483648 : i32
          %masked_sort3A_666 = vector.broadcast %masked_sort3A_665 : i32 to vector<16xi32>
          %masked_sort3A_667 = arith.xori %add3A_663, %masked_sort3A_666 : vector<16xi32>
          %masked_sort3A_668, %masked_sort3A_669, %masked_sort3A_670 = tpu.sort %masked_sort3A_667, %masked_sort3A_654 masked %masked_sort3A_664 : (vector<16xi32>, vector<16xi32>, vector<16xi1>) -> (vector<16xi1>, vector<16xi32>, vector<16xi32>)
          %masked_sort3A_671 = arith.xori %masked_sort3A_669, %masked_sort3A_666 : vector<16xi32>
          %rev3A_672 = arith.constant 15 : i32
          %rev3A_673 = vector.broadcast %rev3A_672 : i32 to vector<16xi32>
          %rev3A_674 = tpu.iota {dimensions = array<i32: 0>} : vector<16xi32>
          %rev3A_675 = arith.subi %rev3A_673, %rev3A_674 : vector<16xi32>
          %rev3A_676 = tpu.dynamic_gather %masked_sort3A_653[%rev3A_675] in [0] : vector<16xf32>, vector<16xi32> -> vector<16xf32>
          %rev3A_677 = arith.constant 15 : i32
          %rev3A_678 = vector.broadcast %rev3A_677 : i32 to vector<16xi32>
          %rev3A_679 = tpu.iota {dimensions = array<i32: 0>} : vector<16xi32>
          %rev3A_680 = arith.subi %rev3A_678, %rev3A_679 : vector<16xi32>
          %rev3A_681 = tpu.dynamic_gather %masked_sort3A_670[%rev3A_680] in [0] : vector<16xi32>, vector<16xi32> -> vector<16xi32>
          %lt3A_682 = arith.cmpf olt, %while3A_607, %rev3A_676 : vector<16xf32>
          %eq3A = arith.cmpf oeq, %while3A_607, %rev3A_676 : vector<16xf32>
          %lt3A_683 = arith.cmpi slt, %while3A_609, %rev3A_681 : vector<16xi32>
          %and3A = arith.andi %eq3A, %lt3A_683 : vector<16xi1>
          %or3A = arith.ori %lt3A_682, %and3A : vector<16xi1>
          %select_n3A_684 = arith.select %or3A, %while3A_607, %rev3A_676 : vector<16xi1>, vector<16xf32>
          %select_n3A_685 = arith.select %or3A, %while3A_609, %rev3A_681 : vector<16xi1>, vector<16xi32>
          %lt3A_686 = arith.cmpf olt, %while3A_606, %select_n3A_684 : vector<16xf32>
          %eq3A_687 = arith.cmpf oeq, %while3A_606, %select_n3A_684 : vector<16xf32>
          %lt3A_688 = arith.cmpi slt, %while3A_608, %select_n3A_685 : vector<16xi32>
          %and3A_689 = arith.andi %eq3A_687, %lt3A_688 : vector<16xi1>
          %or3A_690 = arith.ori %lt3A_686, %and3A_689 : vector<16xi1>
          %select_n3A_691 = arith.select %or3A_690, %while3A_606, %select_n3A_684 : vector<16xi1>, vector<16xf32>
          %select_n3A_692 = arith.select %or3A_690, %while3A_608, %select_n3A_685 : vector<16xi1>, vector<16xi32>
          %select_n3A_693 = arith.select %or3A_690, %select_n3A_684, %while3A_606 : vector<16xi1>, vector<16xf32>
          %select_n3A_694 = arith.select %or3A_690, %select_n3A_685, %while3A_608 : vector<16xi1>, vector<16xi32>
          %masked_sort3A_695 = arith.constant dense<true> : vector<16xi1>
          %masked_sort3A_696, %masked_sort3A_697, %masked_sort3A_698 = tpu.sort %select_n3A_691, %select_n3A_692 masked %masked_sort3A_695 : (vector<16xf32>, vector<16xi32>, vector<16xi1>) -> (vector<16xi1>, vector<16xf32>, vector<16xi32>)
          %broadcast_in_dim3A_699 = arith.constant true
          %broadcast_in_dim3A_700 = vector.broadcast %broadcast_in_dim3A_699 : i1 to vector<16xi1>
          %unique3A_701, %unique3A_702 = tpu.scan_count mask(%broadcast_in_dim3A_700 : vector<16xi1>) value(%masked_sort3A_697 : vector<16xf32>) : vector<16xi1>, vector<16xi32>
          %iota3A_703 = tpu.iota {dimensions = array<i32: 0>} : vector<16xi32>
          %sub3A_704 = arith.subi %iota3A_703, %unique3A_702 : vector<16xi32>
          %mul3A_705 = arith.constant 2048 : i32
          %mul3A_706 = vector.broadcast %mul3A_705 : i32 to vector<16xi32>
          %mul3A_707 = arith.muli %sub3A_704, %mul3A_706 : vector<16xi32>
          %add3A_708 = arith.addi %mul3A_707, %masked_sort3A_698 : vector<16xi32>
          %masked_sort3A_709 = arith.constant dense<true> : vector<16xi1>
          %masked_sort3A_710 = arith.constant -2147483648 : i32
          %masked_sort3A_711 = vector.broadcast %masked_sort3A_710 : i32 to vector<16xi32>
          %masked_sort3A_712 = arith.xori %add3A_708, %masked_sort3A_711 : vector<16xi32>
          %masked_sort3A_713, %masked_sort3A_714, %masked_sort3A_715 = tpu.sort %masked_sort3A_712, %masked_sort3A_698 masked %masked_sort3A_709 : (vector<16xi32>, vector<16xi32>, vector<16xi1>) -> (vector<16xi1>, vector<16xi32>, vector<16xi32>)
          %masked_sort3A_716 = arith.xori %masked_sort3A_714, %masked_sort3A_711 : vector<16xi32>
          %masked_sort3A_717 = arith.constant dense<true> : vector<16xi1>
          %masked_sort3A_718, %masked_sort3A_719, %masked_sort3A_720 = tpu.sort %select_n3A_693, %select_n3A_694 masked %masked_sort3A_717 : (vector<16xf32>, vector<16xi32>, vector<16xi1>) -> (vector<16xi1>, vector<16xf32>, vector<16xi32>)
          %broadcast_in_dim3A_721 = arith.constant true
          %broadcast_in_dim3A_722 = vector.broadcast %broadcast_in_dim3A_721 : i1 to vector<16xi1>
          %unique3A_723, %unique3A_724 = tpu.scan_count mask(%broadcast_in_dim3A_722 : vector<16xi1>) value(%masked_sort3A_719 : vector<16xf32>) : vector<16xi1>, vector<16xi32>
          %iota3A_725 = tpu.iota {dimensions = array<i32: 0>} : vector<16xi32>
          %sub3A_726 = arith.subi %iota3A_725, %unique3A_724 : vector<16xi32>
          %mul3A_727 = arith.constant 2048 : i32
          %mul3A_728 = vector.broadcast %mul3A_727 : i32 to vector<16xi32>
          %mul3A_729 = arith.muli %sub3A_726, %mul3A_728 : vector<16xi32>
          %add3A_730 = arith.addi %mul3A_729, %masked_sort3A_720 : vector<16xi32>
          %masked_sort3A_731 = arith.constant dense<true> : vector<16xi1>
          %masked_sort3A_732 = arith.constant -2147483648 : i32
          %masked_sort3A_733 = vector.broadcast %masked_sort3A_732 : i32 to vector<16xi32>
          %masked_sort3A_734 = arith.xori %add3A_730, %masked_sort3A_733 : vector<16xi32>
          %masked_sort3A_735, %masked_sort3A_736, %masked_sort3A_737 = tpu.sort %masked_sort3A_734, %masked_sort3A_720 masked %masked_sort3A_731 : (vector<16xi32>, vector<16xi32>, vector<16xi1>) -> (vector<16xi1>, vector<16xi32>, vector<16xi32>)
          %masked_sort3A_738 = arith.xori %masked_sort3A_736, %masked_sort3A_733 : vector<16xi32>
          %lt3A_739 = arith.cmpi slt, %while3A_605, %shift_right_arithmetic3A_504 : i32
          %sub3A_740 = arith.subi %while3A_605, %shift_right_arithmetic3A_504 : i32
          %mul3A_741 = arith.constant 16 : i32
          %mul3A_742 = arith.muli %mul3A_741, %while3A_605 : i32
          %mul3A_743 = arith.constant 16 : i32
          %mul3A_744 = arith.muli %mul3A_743, %sub3A_740 : i32
          %add3A_745 = arith.constant 1024 : i32
          %add3A_746 = arith.addi %add3A_745, %mul3A_744 : i32
          %select_n3A_747 = arith.select %lt3A_739, %mul3A_742, %add3A_746 : i32
          %min3A_748 = arith.constant 2048 : i32
          %min3A_749 = arith.minsi %select_n3A_747, %min3A_748 : i32
          %iota3A_750 = tpu.iota {dimensions = array<i32: 0>} : vector<16xi32>
          %mul3A_751 = arith.constant 16 : i32
          %mul3A_752 = arith.muli %mul3A_751, %while3A_605 : i32
          %mul3A_753 = arith.constant 16 : i32
          %mul3A_754 = arith.muli %mul3A_753, %sub3A_740 : i32
          %select_n3A_755 = arith.select %lt3A_739, %mul3A_752, %mul3A_754 : i32
          %add3A_756 = vector.broadcast %select_n3A_755 : i32 to vector<16xi32>
          %add3A_757 = arith.addi %iota3A_750, %add3A_756 : vector<16xi32>
          %select_n3A_758 = arith.select %lt3A_739, %scan3A_483#1, %scan3A_483#3 : i32
          %lt3A_759 = vector.broadcast %select_n3A_758 : i32 to vector<16xi32>
          %lt3A_760 = arith.cmpi slt, %add3A_757, %lt3A_759 : vector<16xi32>
          %get3A_761 = arith.index_cast %min3A_749 : i32 to index
          %get3A_762 = tpu.vector_load %arg8[%get3A_761] {strides = array<i32>} : memref<2064xi32, #tpu.memory_space<vmem>>, vector<16xi32>,
          %jit3A_763 = arith.constant 0 : i32
          %broadcast_in_dim3A_764 = vector.broadcast %jit3A_763 : i32 to vector<16xi32>
          %select_n3A_765 = arith.select %lt3A_760, %get3A_762, %broadcast_in_dim3A_764 : vector<16xi1>, vector<16xi32>
          %broadcast_in_dim3A_766 = vector.broadcast %add3A_124 : i32 to vector<16xi32>
          %gather3A_767 = tpu.vector_load_idx %arg4[%broadcast_in_dim3A_766, %select_n3A_765] : memref<8x2048xf32, #tpu.memory_space<vmem>>[vector<16xi32>, vector<16xi32>], vector<16xf32>,
          %jit3A_768 = arith.constant 0x7F800000 : f32
          %broadcast_in_dim3A_769 = vector.broadcast %jit3A_768 : f32 to vector<16xf32>
          %select_n3A_770 = arith.select %lt3A_760, %gather3A_767, %broadcast_in_dim3A_769 : vector<16xi1>, vector<16xf32>
          %masked_sort3A_771 = arith.constant dense<true> : vector<16xi1>
          %masked_sort3A_772, %masked_sort3A_773, %masked_sort3A_774 = tpu.sort %select_n3A_770, %select_n3A_765 masked %masked_sort3A_771 : (vector<16xf32>, vector<16xi32>, vector<16xi1>) -> (vector<16xi1>, vector<16xf32>, vector<16xi32>)
          %broadcast_in_dim3A_775 = arith.constant true
          %broadcast_in_dim3A_776 = vector.broadcast %broadcast_in_dim3A_775 : i1 to vector<16xi1>
          %unique3A_777, %unique3A_778 = tpu.scan_count mask(%broadcast_in_dim3A_776 : vector<16xi1>) value(%masked_sort3A_773 : vector<16xf32>) : vector<16xi1>, vector<16xi32>
          %iota3A_779 = tpu.iota {dimensions = array<i32: 0>} : vector<16xi32>
          %sub3A_780 = arith.subi %iota3A_779, %unique3A_778 : vector<16xi32>
          %mul3A_781 = arith.constant 2048 : i32
          %mul3A_782 = vector.broadcast %mul3A_781 : i32 to vector<16xi32>
          %mul3A_783 = arith.muli %sub3A_780, %mul3A_782 : vector<16xi32>
          %add3A_784 = arith.addi %mul3A_783, %masked_sort3A_774 : vector<16xi32>
          %masked_sort3A_785 = arith.constant dense<true> : vector<16xi1>
          %masked_sort3A_786 = arith.constant -2147483648 : i32
          %masked_sort3A_787 = vector.broadcast %masked_sort3A_786 : i32 to vector<16xi32>
          %masked_sort3A_788 = arith.xori %add3A_784, %masked_sort3A_787 : vector<16xi32>
          %masked_sort3A_789, %masked_sort3A_790, %masked_sort3A_791 = tpu.sort %masked_sort3A_788, %masked_sort3A_774 masked %masked_sort3A_785 : (vector<16xi32>, vector<16xi32>, vector<16xi1>) -> (vector<16xi1>, vector<16xi32>, vector<16xi32>)
          %masked_sort3A_792 = arith.xori %masked_sort3A_790, %masked_sort3A_787 : vector<16xi32>
          %rev3A_793 = arith.constant 15 : i32
          %rev3A_794 = vector.broadcast %rev3A_793 : i32 to vector<16xi32>
          %rev3A_795 = tpu.iota {dimensions = array<i32: 0>} : vector<16xi32>
          %rev3A_796 = arith.subi %rev3A_794, %rev3A_795 : vector<16xi32>
          %rev3A_797 = tpu.dynamic_gather %masked_sort3A_773[%rev3A_796] in [0] : vector<16xf32>, vector<16xi32> -> vector<16xf32>
          %rev3A_798 = arith.constant 15 : i32
          %rev3A_799 = vector.broadcast %rev3A_798 : i32 to vector<16xi32>
          %rev3A_800 = tpu.iota {dimensions = array<i32: 0>} : vector<16xi32>
          %rev3A_801 = arith.subi %rev3A_799, %rev3A_800 : vector<16xi32>
          %rev3A_802 = tpu.dynamic_gather %masked_sort3A_791[%rev3A_801] in [0] : vector<16xi32>, vector<16xi32> -> vector<16xi32>
          %lt3A_803 = arith.cmpf olt, %while3A_611, %rev3A_797 : vector<16xf32>
          %eq3A_804 = arith.cmpf oeq, %while3A_611, %rev3A_797 : vector<16xf32>
          %lt3A_805 = arith.cmpi slt, %while3A_613, %rev3A_802 : vector<16xi32>
          %and3A_806 = arith.andi %eq3A_804, %lt3A_805 : vector<16xi1>
          %or3A_807 = arith.ori %lt3A_803, %and3A_806 : vector<16xi1>
          %select_n3A_808 = arith.select %or3A_807, %while3A_611, %rev3A_797 : vector<16xi1>, vector<16xf32>
          %select_n3A_809 = arith.select %or3A_807, %while3A_613, %rev3A_802 : vector<16xi1>, vector<16xi32>
          %lt3A_810 = arith.cmpf olt, %while3A_610, %select_n3A_808 : vector<16xf32>
          %eq3A_811 = arith.cmpf oeq, %while3A_610, %select_n3A_808 : vector<16xf32>
          %lt3A_812 = arith.cmpi slt, %while3A_612, %select_n3A_809 : vector<16xi32>
          %and3A_813 = arith.andi %eq3A_811, %lt3A_812 : vector<16xi1>
          %or3A_814 = arith.ori %lt3A_810, %and3A_813 : vector<16xi1>
          %select_n3A_815 = arith.select %or3A_814, %while3A_610, %select_n3A_808 : vector<16xi1>, vector<16xf32>
          %select_n3A_816 = arith.select %or3A_814, %while3A_612, %select_n3A_809 : vector<16xi1>, vector<16xi32>
          %select_n3A_817 = arith.select %or3A_814, %select_n3A_808, %while3A_610 : vector<16xi1>, vector<16xf32>
          %select_n3A_818 = arith.select %or3A_814, %select_n3A_809, %while3A_612 : vector<16xi1>, vector<16xi32>
          %masked_sort3A_819 = arith.constant dense<true> : vector<16xi1>
          %masked_sort3A_820, %masked_sort3A_821, %masked_sort3A_822 = tpu.sort %select_n3A_815, %select_n3A_816 masked %masked_sort3A_819 : (vector<16xf32>, vector<16xi32>, vector<16xi1>) -> (vector<16xi1>, vector<16xf32>, vector<16xi32>)
          %broadcast_in_dim3A_823 = arith.constant true
          %broadcast_in_dim3A_824 = vector.broadcast %broadcast_in_dim3A_823 : i1 to vector<16xi1>
          %unique3A_825, %unique3A_826 = tpu.scan_count mask(%broadcast_in_dim3A_824 : vector<16xi1>) value(%masked_sort3A_821 : vector<16xf32>) : vector<16xi1>, vector<16xi32>
          %iota3A_827 = tpu.iota {dimensions = array<i32: 0>} : vector<16xi32>
          %sub3A_828 = arith.subi %iota3A_827, %unique3A_826 : vector<16xi32>
          %mul3A_829 = arith.constant 2048 : i32
          %mul3A_830 = vector.broadcast %mul3A_829 : i32 to vector<16xi32>
          %mul3A_831 = arith.muli %sub3A_828, %mul3A_830 : vector<16xi32>
          %add3A_832 = arith.addi %mul3A_831, %masked_sort3A_822 : vector<16xi32>
          %masked_sort3A_833 = arith.constant dense<true> : vector<16xi1>
          %masked_sort3A_834 = arith.constant -2147483648 : i32
          %masked_sort3A_835 = vector.broadcast %masked_sort3A_834 : i32 to vector<16xi32>
          %masked_sort3A_836 = arith.xori %add3A_832, %masked_sort3A_835 : vector<16xi32>
          %masked_sort3A_837, %masked_sort3A_838, %masked_sort3A_839 = tpu.sort %masked_sort3A_836, %masked_sort3A_822 masked %masked_sort3A_833 : (vector<16xi32>, vector<16xi32>, vector<16xi1>) -> (vector<16xi1>, vector<16xi32>, vector<16xi32>)
          %masked_sort3A_840 = arith.xori %masked_sort3A_838, %masked_sort3A_835 : vector<16xi32>
          %masked_sort3A_841 = arith.constant dense<true> : vector<16xi1>
          %masked_sort3A_842, %masked_sort3A_843, %masked_sort3A_844 = tpu.sort %select_n3A_817, %select_n3A_818 masked %masked_sort3A_841 : (vector<16xf32>, vector<16xi32>, vector<16xi1>) -> (vector<16xi1>, vector<16xf32>, vector<16xi32>)
          %broadcast_in_dim3A_845 = arith.constant true
          %broadcast_in_dim3A_846 = vector.broadcast %broadcast_in_dim3A_845 : i1 to vector<16xi1>
          %unique3A_847, %unique3A_848 = tpu.scan_count mask(%broadcast_in_dim3A_846 : vector<16xi1>) value(%masked_sort3A_843 : vector<16xf32>) : vector<16xi1>, vector<16xi32>
          %iota3A_849 = tpu.iota {dimensions = array<i32: 0>} : vector<16xi32>
          %sub3A_850 = arith.subi %iota3A_849, %unique3A_848 : vector<16xi32>
          %mul3A_851 = arith.constant 2048 : i32
          %mul3A_852 = vector.broadcast %mul3A_851 : i32 to vector<16xi32>
          %mul3A_853 = arith.muli %sub3A_850, %mul3A_852 : vector<16xi32>
          %add3A_854 = arith.addi %mul3A_853, %masked_sort3A_844 : vector<16xi32>
          %masked_sort3A_855 = arith.constant dense<true> : vector<16xi1>
          %masked_sort3A_856 = arith.constant -2147483648 : i32
          %masked_sort3A_857 = vector.broadcast %masked_sort3A_856 : i32 to vector<16xi32>
          %masked_sort3A_858 = arith.xori %add3A_854, %masked_sort3A_857 : vector<16xi32>
          %masked_sort3A_859, %masked_sort3A_860, %masked_sort3A_861 = tpu.sort %masked_sort3A_858, %masked_sort3A_844 masked %masked_sort3A_855 : (vector<16xi32>, vector<16xi32>, vector<16xi1>) -> (vector<16xi1>, vector<16xi32>, vector<16xi32>)
          %masked_sort3A_862 = arith.xori %masked_sort3A_860, %masked_sort3A_857 : vector<16xi32>
          %lt3A_863 = arith.cmpi slt, %while3A_605, %shift_right_arithmetic3A_508 : i32
          %sub3A_864 = arith.subi %while3A_605, %shift_right_arithmetic3A_508 : i32
          %mul3A_865 = arith.constant 16 : i32
          %mul3A_866 = arith.muli %mul3A_865, %while3A_605 : i32
          %mul3A_867 = arith.constant 16 : i32
          %mul3A_868 = arith.muli %mul3A_867, %sub3A_864 : i32
          %add3A_869 = arith.constant 1024 : i32
          %add3A_870 = arith.addi %add3A_869, %mul3A_868 : i32
          %select_n3A_871 = arith.select %lt3A_863, %mul3A_866, %add3A_870 : i32
          %min3A_872 = arith.constant 2048 : i32
          %min3A_873 = arith.minsi %select_n3A_871, %min3A_872 : i32
          %iota3A_874 = tpu.iota {dimensions = array<i32: 0>} : vector<16xi32>
          %mul3A_875 = arith.constant 16 : i32
          %mul3A_876 = arith.muli %mul3A_875, %while3A_605 : i32
          %mul3A_877 = arith.constant 16 : i32
          %mul3A_878 = arith.muli %mul3A_877, %sub3A_864 : i32
          %select_n3A_879 = arith.select %lt3A_863, %mul3A_876, %mul3A_878 : i32
          %add3A_880 = vector.broadcast %select_n3A_879 : i32 to vector<16xi32>
          %add3A_881 = arith.addi %iota3A_874, %add3A_880 : vector<16xi32>
          %select_n3A_882 = arith.select %lt3A_863, %scan3A_494#0, %scan3A_494#2 : i32
          %lt3A_883 = vector.broadcast %select_n3A_882 : i32 to vector<16xi32>
          %lt3A_884 = arith.cmpi slt, %add3A_881, %lt3A_883 : vector<16xi32>
          %get3A_885 = arith.index_cast %min3A_873 : i32 to index
          %get3A_886 = tpu.vector_load %arg9[%get3A_885] {strides = array<i32>} : memref<2064xi32, #tpu.memory_space<vmem>>, vector<16xi32>,
          %jit3A_887 = arith.constant 0 : i32
          %broadcast_in_dim3A_888 = vector.broadcast %jit3A_887 : i32 to vector<16xi32>
          %select_n3A_889 = arith.select %lt3A_884, %get3A_886, %broadcast_in_dim3A_888 : vector<16xi1>, vector<16xi32>
          %broadcast_in_dim3A_890 = vector.broadcast %add3A_128 : i32 to vector<16xi32>
          %gather3A_891 = tpu.vector_load_idx %arg4[%broadcast_in_dim3A_890, %select_n3A_889] : memref<8x2048xf32, #tpu.memory_space<vmem>>[vector<16xi32>, vector<16xi32>], vector<16xf32>,
          %jit3A_892 = arith.constant 0x7F800000 : f32
          %broadcast_in_dim3A_893 = vector.broadcast %jit3A_892 : f32 to vector<16xf32>
          %select_n3A_894 = arith.select %lt3A_884, %gather3A_891, %broadcast_in_dim3A_893 : vector<16xi1>, vector<16xf32>
          %masked_sort3A_895 = arith.constant dense<true> : vector<16xi1>
          %masked_sort3A_896, %masked_sort3A_897, %masked_sort3A_898 = tpu.sort %select_n3A_894, %select_n3A_889 masked %masked_sort3A_895 : (vector<16xf32>, vector<16xi32>, vector<16xi1>) -> (vector<16xi1>, vector<16xf32>, vector<16xi32>)
          %broadcast_in_dim3A_899 = arith.constant true
          %broadcast_in_dim3A_900 = vector.broadcast %broadcast_in_dim3A_899 : i1 to vector<16xi1>
          %unique3A_901, %unique3A_902 = tpu.scan_count mask(%broadcast_in_dim3A_900 : vector<16xi1>) value(%masked_sort3A_897 : vector<16xf32>) : vector<16xi1>, vector<16xi32>
          %iota3A_903 = tpu.iota {dimensions = array<i32: 0>} : vector<16xi32>
          %sub3A_904 = arith.subi %iota3A_903, %unique3A_902 : vector<16xi32>
          %mul3A_905 = arith.constant 2048 : i32
          %mul3A_906 = vector.broadcast %mul3A_905 : i32 to vector<16xi32>
          %mul3A_907 = arith.muli %sub3A_904, %mul3A_906 : vector<16xi32>
          %add3A_908 = arith.addi %mul3A_907, %masked_sort3A_898 : vector<16xi32>
          %masked_sort3A_909 = arith.constant dense<true> : vector<16xi1>
          %masked_sort3A_910 = arith.constant -2147483648 : i32
          %masked_sort3A_911 = vector.broadcast %masked_sort3A_910 : i32 to vector<16xi32>
          %masked_sort3A_912 = arith.xori %add3A_908, %masked_sort3A_911 : vector<16xi32>
          %masked_sort3A_913, %masked_sort3A_914, %masked_sort3A_915 = tpu.sort %masked_sort3A_912, %masked_sort3A_898 masked %masked_sort3A_909 : (vector<16xi32>, vector<16xi32>, vector<16xi1>) -> (vector<16xi1>, vector<16xi32>, vector<16xi32>)
          %masked_sort3A_916 = arith.xori %masked_sort3A_914, %masked_sort3A_911 : vector<16xi32>
          %rev3A_917 = arith.constant 15 : i32
          %rev3A_918 = vector.broadcast %rev3A_917 : i32 to vector<16xi32>
          %rev3A_919 = tpu.iota {dimensions = array<i32: 0>} : vector<16xi32>
          %rev3A_920 = arith.subi %rev3A_918, %rev3A_919 : vector<16xi32>
          %rev3A_921 = tpu.dynamic_gather %masked_sort3A_897[%rev3A_920] in [0] : vector<16xf32>, vector<16xi32> -> vector<16xf32>
          %rev3A_922 = arith.constant 15 : i32
          %rev3A_923 = vector.broadcast %rev3A_922 : i32 to vector<16xi32>
          %rev3A_924 = tpu.iota {dimensions = array<i32: 0>} : vector<16xi32>
          %rev3A_925 = arith.subi %rev3A_923, %rev3A_924 : vector<16xi32>
          %rev3A_926 = tpu.dynamic_gather %masked_sort3A_915[%rev3A_925] in [0] : vector<16xi32>, vector<16xi32> -> vector<16xi32>
          %lt3A_927 = arith.cmpf olt, %while3A_615, %rev3A_921 : vector<16xf32>
          %eq3A_928 = arith.cmpf oeq, %while3A_615, %rev3A_921 : vector<16xf32>
          %lt3A_929 = arith.cmpi slt, %while3A_617, %rev3A_926 : vector<16xi32>
          %and3A_930 = arith.andi %eq3A_928, %lt3A_929 : vector<16xi1>
          %or3A_931 = arith.ori %lt3A_927, %and3A_930 : vector<16xi1>
          %select_n3A_932 = arith.select %or3A_931, %while3A_615, %rev3A_921 : vector<16xi1>, vector<16xf32>
          %select_n3A_933 = arith.select %or3A_931, %while3A_617, %rev3A_926 : vector<16xi1>, vector<16xi32>
          %lt3A_934 = arith.cmpf olt, %while3A_614, %select_n3A_932 : vector<16xf32>
          %eq3A_935 = arith.cmpf oeq, %while3A_614, %select_n3A_932 : vector<16xf32>
          %lt3A_936 = arith.cmpi slt, %while3A_616, %select_n3A_933 : vector<16xi32>
          %and3A_937 = arith.andi %eq3A_935, %lt3A_936 : vector<16xi1>
          %or3A_938 = arith.ori %lt3A_934, %and3A_937 : vector<16xi1>
          %select_n3A_939 = arith.select %or3A_938, %while3A_614, %select_n3A_932 : vector<16xi1>, vector<16xf32>
          %select_n3A_940 = arith.select %or3A_938, %while3A_616, %select_n3A_933 : vector<16xi1>, vector<16xi32>
          %select_n3A_941 = arith.select %or3A_938, %select_n3A_932, %while3A_614 : vector<16xi1>, vector<16xf32>
          %select_n3A_942 = arith.select %or3A_938, %select_n3A_933, %while3A_616 : vector<16xi1>, vector<16xi32>
          %masked_sort3A_943 = arith.constant dense<true> : vector<16xi1>
          %masked_sort3A_944, %masked_sort3A_945, %masked_sort3A_946 = tpu.sort %select_n3A_939, %select_n3A_940 masked %masked_sort3A_943 : (vector<16xf32>, vector<16xi32>, vector<16xi1>) -> (vector<16xi1>, vector<16xf32>, vector<16xi32>)
          %broadcast_in_dim3A_947 = arith.constant true
          %broadcast_in_dim3A_948 = vector.broadcast %broadcast_in_dim3A_947 : i1 to vector<16xi1>
          %unique3A_949, %unique3A_950 = tpu.scan_count mask(%broadcast_in_dim3A_948 : vector<16xi1>) value(%masked_sort3A_945 : vector<16xf32>) : vector<16xi1>, vector<16xi32>
          %iota3A_951 = tpu.iota {dimensions = array<i32: 0>} : vector<16xi32>
          %sub3A_952 = arith.subi %iota3A_951, %unique3A_950 : vector<16xi32>
          %mul3A_953 = arith.constant 2048 : i32
          %mul3A_954 = vector.broadcast %mul3A_953 : i32 to vector<16xi32>
          %mul3A_955 = arith.muli %sub3A_952, %mul3A_954 : vector<16xi32>
          %add3A_956 = arith.addi %mul3A_955, %masked_sort3A_946 : vector<16xi32>
          %masked_sort3A_957 = arith.constant dense<true> : vector<16xi1>
          %masked_sort3A_958 = arith.constant -2147483648 : i32
          %masked_sort3A_959 = vector.broadcast %masked_sort3A_958 : i32 to vector<16xi32>
          %masked_sort3A_960 = arith.xori %add3A_956, %masked_sort3A_959 : vector<16xi32>
          %masked_sort3A_961, %masked_sort3A_962, %masked_sort3A_963 = tpu.sort %masked_sort3A_960, %masked_sort3A_946 masked %masked_sort3A_957 : (vector<16xi32>, vector<16xi32>, vector<16xi1>) -> (vector<16xi1>, vector<16xi32>, vector<16xi32>)
          %masked_sort3A_964 = arith.xori %masked_sort3A_962, %masked_sort3A_959 : vector<16xi32>
          %masked_sort3A_965 = arith.constant dense<true> : vector<16xi1>
          %masked_sort3A_966, %masked_sort3A_967, %masked_sort3A_968 = tpu.sort %select_n3A_941, %select_n3A_942 masked %masked_sort3A_965 : (vector<16xf32>, vector<16xi32>, vector<16xi1>) -> (vector<16xi1>, vector<16xf32>, vector<16xi32>)
          %broadcast_in_dim3A_969 = arith.constant true
          %broadcast_in_dim3A_970 = vector.broadcast %broadcast_in_dim3A_969 : i1 to vector<16xi1>
          %unique3A_971, %unique3A_972 = tpu.scan_count mask(%broadcast_in_dim3A_970 : vector<16xi1>) value(%masked_sort3A_967 : vector<16xf32>) : vector<16xi1>, vector<16xi32>
          %iota3A_973 = tpu.iota {dimensions = array<i32: 0>} : vector<16xi32>
          %sub3A_974 = arith.subi %iota3A_973, %unique3A_972 : vector<16xi32>
          %mul3A_975 = arith.constant 2048 : i32
          %mul3A_976 = vector.broadcast %mul3A_975 : i32 to vector<16xi32>
          %mul3A_977 = arith.muli %sub3A_974, %mul3A_976 : vector<16xi32>
          %add3A_978 = arith.addi %mul3A_977, %masked_sort3A_968 : vector<16xi32>
          %masked_sort3A_979 = arith.constant dense<true> : vector<16xi1>
          %masked_sort3A_980 = arith.constant -2147483648 : i32
          %masked_sort3A_981 = vector.broadcast %masked_sort3A_980 : i32 to vector<16xi32>
          %masked_sort3A_982 = arith.xori %add3A_978, %masked_sort3A_981 : vector<16xi32>
          %masked_sort3A_983, %masked_sort3A_984, %masked_sort3A_985 = tpu.sort %masked_sort3A_982, %masked_sort3A_968 masked %masked_sort3A_979 : (vector<16xi32>, vector<16xi32>, vector<16xi1>) -> (vector<16xi1>, vector<16xi32>, vector<16xi32>)
          %masked_sort3A_986 = arith.xori %masked_sort3A_984, %masked_sort3A_981 : vector<16xi32>
          %lt3A_987 = arith.cmpi slt, %while3A_605, %shift_right_arithmetic3A_512 : i32
          %sub3A_988 = arith.subi %while3A_605, %shift_right_arithmetic3A_512 : i32
          %mul3A_989 = arith.constant 16 : i32
          %mul3A_990 = arith.muli %mul3A_989, %while3A_605 : i32
          %mul3A_991 = arith.constant 16 : i32
          %mul3A_992 = arith.muli %mul3A_991, %sub3A_988 : i32
          %add3A_993 = arith.constant 1024 : i32
          %add3A_994 = arith.addi %add3A_993, %mul3A_992 : i32
          %select_n3A_995 = arith.select %lt3A_987, %mul3A_990, %add3A_994 : i32
          %min3A_996 = arith.constant 2048 : i32
          %min3A_997 = arith.minsi %select_n3A_995, %min3A_996 : i32
          %iota3A_998 = tpu.iota {dimensions = array<i32: 0>} : vector<16xi32>
          %mul3A_999 = arith.constant 16 : i32
          %mul3A_1000 = arith.muli %mul3A_999, %while3A_605 : i32
          %mul3A_1001 = arith.constant 16 : i32
          %mul3A_1002 = arith.muli %mul3A_1001, %sub3A_988 : i32
          %select_n3A_1003 = arith.select %lt3A_987, %mul3A_1000, %mul3A_1002 : i32
          %add3A_1004 = vector.broadcast %select_n3A_1003 : i32 to vector<16xi32>
          %add3A_1005 = arith.addi %iota3A_998, %add3A_1004 : vector<16xi32>
          %select_n3A_1006 = arith.select %lt3A_987, %scan3A_494#1, %scan3A_494#3 : i32
          %lt3A_1007 = vector.broadcast %select_n3A_1006 : i32 to vector<16xi32>
          %lt3A_1008 = arith.cmpi slt, %add3A_1005, %lt3A_1007 : vector<16xi32>
          %get3A_1009 = arith.index_cast %min3A_997 : i32 to index
          %get3A_1010 = tpu.vector_load %arg10[%get3A_1009] {strides = array<i32>} : memref<2064xi32, #tpu.memory_space<vmem>>, vector<16xi32>,
          %jit3A_1011 = arith.constant 0 : i32
          %broadcast_in_dim3A_1012 = vector.broadcast %jit3A_1011 : i32 to vector<16xi32>
          %select_n3A_1013 = arith.select %lt3A_1008, %get3A_1010, %broadcast_in_dim3A_1012 : vector<16xi1>, vector<16xi32>
          %broadcast_in_dim3A_1014 = vector.broadcast %add3A_132 : i32 to vector<16xi32>
          %gather3A_1015 = tpu.vector_load_idx %arg4[%broadcast_in_dim3A_1014, %select_n3A_1013] : memref<8x2048xf32, #tpu.memory_space<vmem>>[vector<16xi32>, vector<16xi32>], vector<16xf32>,
          %jit3A_1016 = arith.constant 0x7F800000 : f32
          %broadcast_in_dim3A_1017 = vector.broadcast %jit3A_1016 : f32 to vector<16xf32>
          %select_n3A_1018 = arith.select %lt3A_1008, %gather3A_1015, %broadcast_in_dim3A_1017 : vector<16xi1>, vector<16xf32>
          %masked_sort3A_1019 = arith.constant dense<true> : vector<16xi1>
          %masked_sort3A_1020, %masked_sort3A_1021, %masked_sort3A_1022 = tpu.sort %select_n3A_1018, %select_n3A_1013 masked %masked_sort3A_1019 : (vector<16xf32>, vector<16xi32>, vector<16xi1>) -> (vector<16xi1>, vector<16xf32>, vector<16xi32>)
          %broadcast_in_dim3A_1023 = arith.constant true
          %broadcast_in_dim3A_1024 = vector.broadcast %broadcast_in_dim3A_1023 : i1 to vector<16xi1>
          %unique3A_1025, %unique3A_1026 = tpu.scan_count mask(%broadcast_in_dim3A_1024 : vector<16xi1>) value(%masked_sort3A_1021 : vector<16xf32>) : vector<16xi1>, vector<16xi32>
          %iota3A_1027 = tpu.iota {dimensions = array<i32: 0>} : vector<16xi32>
          %sub3A_1028 = arith.subi %iota3A_1027, %unique3A_1026 : vector<16xi32>
          %mul3A_1029 = arith.constant 2048 : i32
          %mul3A_1030 = vector.broadcast %mul3A_1029 : i32 to vector<16xi32>
          %mul3A_1031 = arith.muli %sub3A_1028, %mul3A_1030 : vector<16xi32>
          %add3A_1032 = arith.addi %mul3A_1031, %masked_sort3A_1022 : vector<16xi32>
          %masked_sort3A_1033 = arith.constant dense<true> : vector<16xi1>
          %masked_sort3A_1034 = arith.constant -2147483648 : i32
          %masked_sort3A_1035 = vector.broadcast %masked_sort3A_1034 : i32 to vector<16xi32>
          %masked_sort3A_1036 = arith.xori %add3A_1032, %masked_sort3A_1035 : vector<16xi32>
          %masked_sort3A_1037, %masked_sort3A_1038, %masked_sort3A_1039 = tpu.sort %masked_sort3A_1036, %masked_sort3A_1022 masked %masked_sort3A_1033 : (vector<16xi32>, vector<16xi32>, vector<16xi1>) -> (vector<16xi1>, vector<16xi32>, vector<16xi32>)
          %masked_sort3A_1040 = arith.xori %masked_sort3A_1038, %masked_sort3A_1035 : vector<16xi32>
          %rev3A_1041 = arith.constant 15 : i32
          %rev3A_1042 = vector.broadcast %rev3A_1041 : i32 to vector<16xi32>
          %rev3A_1043 = tpu.iota {dimensions = array<i32: 0>} : vector<16xi32>
          %rev3A_1044 = arith.subi %rev3A_1042, %rev3A_1043 : vector<16xi32>
          %rev3A_1045 = tpu.dynamic_gather %masked_sort3A_1021[%rev3A_1044] in [0] : vector<16xf32>, vector<16xi32> -> vector<16xf32>
          %rev3A_1046 = arith.constant 15 : i32
          %rev3A_1047 = vector.broadcast %rev3A_1046 : i32 to vector<16xi32>
          %rev3A_1048 = tpu.iota {dimensions = array<i32: 0>} : vector<16xi32>
          %rev3A_1049 = arith.subi %rev3A_1047, %rev3A_1048 : vector<16xi32>
          %rev3A_1050 = tpu.dynamic_gather %masked_sort3A_1039[%rev3A_1049] in [0] : vector<16xi32>, vector<16xi32> -> vector<16xi32>
          %lt3A_1051 = arith.cmpf olt, %while3A_619, %rev3A_1045 : vector<16xf32>
          %eq3A_1052 = arith.cmpf oeq, %while3A_619, %rev3A_1045 : vector<16xf32>
          %lt3A_1053 = arith.cmpi slt, %while3A_621, %rev3A_1050 : vector<16xi32>
          %and3A_1054 = arith.andi %eq3A_1052, %lt3A_1053 : vector<16xi1>
          %or3A_1055 = arith.ori %lt3A_1051, %and3A_1054 : vector<16xi1>
          %select_n3A_1056 = arith.select %or3A_1055, %while3A_619, %rev3A_1045 : vector<16xi1>, vector<16xf32>
          %select_n3A_1057 = arith.select %or3A_1055, %while3A_621, %rev3A_1050 : vector<16xi1>, vector<16xi32>
          %lt3A_1058 = arith.cmpf olt, %while3A_618, %select_n3A_1056 : vector<16xf32>
          %eq3A_1059 = arith.cmpf oeq, %while3A_618, %select_n3A_1056 : vector<16xf32>
          %lt3A_1060 = arith.cmpi slt, %while3A_620, %select_n3A_1057 : vector<16xi32>
          %and3A_1061 = arith.andi %eq3A_1059, %lt3A_1060 : vector<16xi1>
          %or3A_1062 = arith.ori %lt3A_1058, %and3A_1061 : vector<16xi1>
          %select_n3A_1063 = arith.select %or3A_1062, %while3A_618, %select_n3A_1056 : vector<16xi1>, vector<16xf32>
          %select_n3A_1064 = arith.select %or3A_1062, %while3A_620, %select_n3A_1057 : vector<16xi1>, vector<16xi32>
          %select_n3A_1065 = arith.select %or3A_1062, %select_n3A_1056, %while3A_618 : vector<16xi1>, vector<16xf32>
          %select_n3A_1066 = arith.select %or3A_1062, %select_n3A_1057, %while3A_620 : vector<16xi1>, vector<16xi32>
          %masked_sort3A_1067 = arith.constant dense<true> : vector<16xi1>
          %masked_sort3A_1068, %masked_sort3A_1069, %masked_sort3A_1070 = tpu.sort %select_n3A_1063, %select_n3A_1064 masked %masked_sort3A_1067 : (vector<16xf32>, vector<16xi32>, vector<16xi1>) -> (vector<16xi1>, vector<16xf32>, vector<16xi32>)
          %broadcast_in_dim3A_1071 = arith.constant true
          %broadcast_in_dim3A_1072 = vector.broadcast %broadcast_in_dim3A_1071 : i1 to vector<16xi1>
          %unique3A_1073, %unique3A_1074 = tpu.scan_count mask(%broadcast_in_dim3A_1072 : vector<16xi1>) value(%masked_sort3A_1069 : vector<16xf32>) : vector<16xi1>, vector<16xi32>
          %iota3A_1075 = tpu.iota {dimensions = array<i32: 0>} : vector<16xi32>
          %sub3A_1076 = arith.subi %iota3A_1075, %unique3A_1074 : vector<16xi32>
          %mul3A_1077 = arith.constant 2048 : i32
          %mul3A_1078 = vector.broadcast %mul3A_1077 : i32 to vector<16xi32>
          %mul3A_1079 = arith.muli %sub3A_1076, %mul3A_1078 : vector<16xi32>
          %add3A_1080 = arith.addi %mul3A_1079, %masked_sort3A_1070 : vector<16xi32>
          %masked_sort3A_1081 = arith.constant dense<true> : vector<16xi1>
          %masked_sort3A_1082 = arith.constant -2147483648 : i32
          %masked_sort3A_1083 = vector.broadcast %masked_sort3A_1082 : i32 to vector<16xi32>
          %masked_sort3A_1084 = arith.xori %add3A_1080, %masked_sort3A_1083 : vector<16xi32>
          %masked_sort3A_1085, %masked_sort3A_1086, %masked_sort3A_1087 = tpu.sort %masked_sort3A_1084, %masked_sort3A_1070 masked %masked_sort3A_1081 : (vector<16xi32>, vector<16xi32>, vector<16xi1>) -> (vector<16xi1>, vector<16xi32>, vector<16xi32>)
          %masked_sort3A_1088 = arith.xori %masked_sort3A_1086, %masked_sort3A_1083 : vector<16xi32>
          %masked_sort3A_1089 = arith.constant dense<true> : vector<16xi1>
          %masked_sort3A_1090, %masked_sort3A_1091, %masked_sort3A_1092 = tpu.sort %select_n3A_1065, %select_n3A_1066 masked %masked_sort3A_1089 : (vector<16xf32>, vector<16xi32>, vector<16xi1>) -> (vector<16xi1>, vector<16xf32>, vector<16xi32>)
          %broadcast_in_dim3A_1093 = arith.constant true
          %broadcast_in_dim3A_1094 = vector.broadcast %broadcast_in_dim3A_1093 : i1 to vector<16xi1>
          %unique3A_1095, %unique3A_1096 = tpu.scan_count mask(%broadcast_in_dim3A_1094 : vector<16xi1>) value(%masked_sort3A_1091 : vector<16xf32>) : vector<16xi1>, vector<16xi32>
          %iota3A_1097 = tpu.iota {dimensions = array<i32: 0>} : vector<16xi32>
          %sub3A_1098 = arith.subi %iota3A_1097, %unique3A_1096 : vector<16xi32>
          %mul3A_1099 = arith.constant 2048 : i32
          %mul3A_1100 = vector.broadcast %mul3A_1099 : i32 to vector<16xi32>
          %mul3A_1101 = arith.muli %sub3A_1098, %mul3A_1100 : vector<16xi32>
          %add3A_1102 = arith.addi %mul3A_1101, %masked_sort3A_1092 : vector<16xi32>
          %masked_sort3A_1103 = arith.constant dense<true> : vector<16xi1>
          %masked_sort3A_1104 = arith.constant -2147483648 : i32
          %masked_sort3A_1105 = vector.broadcast %masked_sort3A_1104 : i32 to vector<16xi32>
          %masked_sort3A_1106 = arith.xori %add3A_1102, %masked_sort3A_1105 : vector<16xi32>
          %masked_sort3A_1107, %masked_sort3A_1108, %masked_sort3A_1109 = tpu.sort %masked_sort3A_1106, %masked_sort3A_1092 masked %masked_sort3A_1103 : (vector<16xi32>, vector<16xi32>, vector<16xi1>) -> (vector<16xi1>, vector<16xi32>, vector<16xi32>)
          %masked_sort3A_1110 = arith.xori %masked_sort3A_1108, %masked_sort3A_1105 : vector<16xi32>
          scf.yield %masked_sort3A_697, %masked_sort3A_719, %masked_sort3A_715, %masked_sort3A_737, %masked_sort3A_821, %masked_sort3A_843, %masked_sort3A_839, %masked_sort3A_861, %masked_sort3A_945, %masked_sort3A_967, %masked_sort3A_963, %masked_sort3A_985, %masked_sort3A_1069, %masked_sort3A_1091, %masked_sort3A_1087, %masked_sort3A_1109 : vector<16xf32>, vector<16xf32>, vector<16xi32>, vector<16xi32>, vector<16xf32>, vector<16xf32>, vector<16xi32>, vector<16xi32>, vector<16xf32>, vector<16xf32>, vector<16xi32>, vector<16xi32>, vector<16xf32>, vector<16xf32>, vector<16xi32>, vector<16xi32>
        }
        %while3A_544 = arith.constant 1 : i32
        %while3A_545:16 = scf.for %while3A_605 = %while3A_541 to %while3A_537 step %while3A_544 iter_args(%while3A_606 = %while3A_543#0, %while3A_607 = %while3A_543#1, %while3A_608 = %while3A_543#2, %while3A_609 = %while3A_543#3, %while3A_610 = %while3A_543#4, %while3A_611 = %while3A_543#5, %while3A_612 = %while3A_543#6, %while3A_613 = %while3A_543#7, %while3A_614 = %while3A_543#8, %while3A_615 = %while3A_543#9, %while3A_616 = %while3A_543#10, %while3A_617 = %while3A_543#11, %while3A_618 = %while3A_543#12, %while3A_619 = %while3A_543#13, %while3A_620 = %while3A_543#14, %while3A_621 = %while3A_543#15) -> (vector<16xf32>, vector<16xf32>, vector<16xi32>, vector<16xi32>, vector<16xf32>, vector<16xf32>, vector<16xi32>, vector<16xi32>, vector<16xf32>, vector<16xf32>, vector<16xi32>, vector<16xi32>, vector<16xf32>, vector<16xf32>, vector<16xi32>, vector<16xi32>)  : i32 {
          %lt3A_622 = arith.cmpi slt, %while3A_605, %shift_right_arithmetic3A_500 : i32
          %sub3A = arith.subi %while3A_605, %shift_right_arithmetic3A_500 : i32
          %mul3A_623 = arith.constant 16 : i32
          %mul3A_624 = arith.muli %mul3A_623, %while3A_605 : i32
          %mul3A_625 = arith.constant 16 : i32
          %mul3A_626 = arith.muli %mul3A_625, %sub3A : i32
          %add3A_627 = arith.constant 1024 : i32
          %add3A_628 = arith.addi %add3A_627, %mul3A_626 : i32
          %select_n3A_629 = arith.select %lt3A_622, %mul3A_624, %add3A_628 : i32
          %min3A_630 = arith.constant 2048 : i32
          %min3A_631 = arith.minsi %select_n3A_629, %min3A_630 : i32
          %iota3A_632 = tpu.iota {dimensions = array<i32: 0>} : vector<16xi32>
          %mul3A_633 = arith.constant 16 : i32
          %mul3A_634 = arith.muli %mul3A_633, %while3A_605 : i32
          %mul3A_635 = arith.constant 16 : i32
          %mul3A_636 = arith.muli %mul3A_635, %sub3A : i32
          %select_n3A_637 = arith.select %lt3A_622, %mul3A_634, %mul3A_636 : i32
          %add3A_638 = vector.broadcast %select_n3A_637 : i32 to vector<16xi32>
          %add3A_639 = arith.addi %iota3A_632, %add3A_638 : vector<16xi32>
          %select_n3A_640 = arith.select %lt3A_622, %scan3A_483#0, %scan3A_483#2 : i32
          %lt3A_641 = vector.broadcast %select_n3A_640 : i32 to vector<16xi32>
          %lt3A_642 = arith.cmpi slt, %add3A_639, %lt3A_641 : vector<16xi32>
          %get3A = arith.index_cast %min3A_631 : i32 to index
          %get3A_643 = tpu.vector_load %arg7[%get3A] {strides = array<i32>} : memref<2064xi32, #tpu.memory_space<vmem>>, vector<16xi32>,
          %jit3A_644 = arith.constant 0 : i32
          %broadcast_in_dim3A_645 = vector.broadcast %jit3A_644 : i32 to vector<16xi32>
          %select_n3A_646 = arith.select %lt3A_642, %get3A_643, %broadcast_in_dim3A_645 : vector<16xi1>, vector<16xi32>
          %broadcast_in_dim3A_647 = vector.broadcast %add3A_120 : i32 to vector<16xi32>
          %gather3A = tpu.vector_load_idx %arg4[%broadcast_in_dim3A_647, %select_n3A_646] : memref<8x2048xf32, #tpu.memory_space<vmem>>[vector<16xi32>, vector<16xi32>], vector<16xf32>,
          %jit3A_648 = arith.constant 0x7F800000 : f32
          %broadcast_in_dim3A_649 = vector.broadcast %jit3A_648 : f32 to vector<16xf32>
          %select_n3A_650 = arith.select %lt3A_642, %gather3A, %broadcast_in_dim3A_649 : vector<16xi1>, vector<16xf32>
          %masked_sort3A_651 = arith.constant dense<true> : vector<16xi1>
          %masked_sort3A_652, %masked_sort3A_653, %masked_sort3A_654 = tpu.sort %select_n3A_650, %select_n3A_646 masked %masked_sort3A_651 : (vector<16xf32>, vector<16xi32>, vector<16xi1>) -> (vector<16xi1>, vector<16xf32>, vector<16xi32>)
          %broadcast_in_dim3A_655 = arith.constant true
          %broadcast_in_dim3A_656 = vector.broadcast %broadcast_in_dim3A_655 : i1 to vector<16xi1>
          %unique3A, %unique3A_657 = tpu.scan_count mask(%broadcast_in_dim3A_656 : vector<16xi1>) value(%masked_sort3A_653 : vector<16xf32>) : vector<16xi1>, vector<16xi32>
          %iota3A_658 = tpu.iota {dimensions = array<i32: 0>} : vector<16xi32>
          %sub3A_659 = arith.subi %iota3A_658, %unique3A_657 : vector<16xi32>
          %mul3A_660 = arith.constant 2048 : i32
          %mul3A_661 = vector.broadcast %mul3A_660 : i32 to vector<16xi32>
          %mul3A_662 = arith.muli %sub3A_659, %mul3A_661 : vector<16xi32>
          %add3A_663 = arith.addi %mul3A_662, %masked_sort3A_654 : vector<16xi32>
          %masked_sort3A_664 = arith.constant dense<true> : vector<16xi1>
          %masked_sort3A_665 = arith.constant -2147483648 : i32
          %masked_sort3A_666 = vector.broadcast %masked_sort3A_665 : i32 to vector<16xi32>
          %masked_sort3A_667 = arith.xori %add3A_663, %masked_sort3A_666 : vector<16xi32>
          %masked_sort3A_668, %masked_sort3A_669, %masked_sort3A_670 = tpu.sort %masked_sort3A_667, %masked_sort3A_654 masked %masked_sort3A_664 : (vector<16xi32>, vector<16xi32>, vector<16xi1>) -> (vector<16xi1>, vector<16xi32>, vector<16xi32>)
          %masked_sort3A_671 = arith.xori %masked_sort3A_669, %masked_sort3A_666 : vector<16xi32>
          %rev3A_672 = arith.constant 15 : i32
          %rev3A_673 = vector.broadcast %rev3A_672 : i32 to vector<16xi32>
          %rev3A_674 = tpu.iota {dimensions = array<i32: 0>} : vector<16xi32>
          %rev3A_675 = arith.subi %rev3A_673, %rev3A_674 : vector<16xi32>
          %rev3A_676 = tpu.dynamic_gather %masked_sort3A_653[%rev3A_675] in [0] : vector<16xf32>, vector<16xi32> -> vector<16xf32>
          %rev3A_677 = arith.constant 15 : i32
          %rev3A_678 = vector.broadcast %rev3A_677 : i32 to vector<16xi32>
          %rev3A_679 = tpu.iota {dimensions = array<i32: 0>} : vector<16xi32>
          %rev3A_680 = arith.subi %rev3A_678, %rev3A_679 : vector<16xi32>
          %rev3A_681 = tpu.dynamic_gather %masked_sort3A_670[%rev3A_680] in [0] : vector<16xi32>, vector<16xi32> -> vector<16xi32>
          %lt3A_682 = arith.cmpf olt, %while3A_607, %rev3A_676 : vector<16xf32>
          %eq3A = arith.cmpf oeq, %while3A_607, %rev3A_676 : vector<16xf32>
          %lt3A_683 = arith.cmpi slt, %while3A_609, %rev3A_681 : vector<16xi32>
          %and3A = arith.andi %eq3A, %lt3A_683 : vector<16xi1>
          %or3A = arith.ori %lt3A_682, %and3A : vector<16xi1>
          %select_n3A_684 = arith.select %or3A, %while3A_607, %rev3A_676 : vector<16xi1>, vector<16xf32>
          %select_n3A_685 = arith.select %or3A, %while3A_609, %rev3A_681 : vector<16xi1>, vector<16xi32>
          %lt3A_686 = arith.cmpf olt, %while3A_606, %select_n3A_684 : vector<16xf32>
          %eq3A_687 = arith.cmpf oeq, %while3A_606, %select_n3A_684 : vector<16xf32>
          %lt3A_688 = arith.cmpi slt, %while3A_608, %select_n3A_685 : vector<16xi32>
          %and3A_689 = arith.andi %eq3A_687, %lt3A_688 : vector<16xi1>
          %or3A_690 = arith.ori %lt3A_686, %and3A_689 : vector<16xi1>
          %select_n3A_691 = arith.select %or3A_690, %while3A_606, %select_n3A_684 : vector<16xi1>, vector<16xf32>
          %select_n3A_692 = arith.select %or3A_690, %while3A_608, %select_n3A_685 : vector<16xi1>, vector<16xi32>
          %select_n3A_693 = arith.select %or3A_690, %select_n3A_684, %while3A_606 : vector<16xi1>, vector<16xf32>
          %select_n3A_694 = arith.select %or3A_690, %select_n3A_685, %while3A_608 : vector<16xi1>, vector<16xi32>
          %masked_sort3A_695 = arith.constant dense<true> : vector<16xi1>
          %masked_sort3A_696, %masked_sort3A_697, %masked_sort3A_698 = tpu.sort %select_n3A_691, %select_n3A_692 masked %masked_sort3A_695 : (vector<16xf32>, vector<16xi32>, vector<16xi1>) -> (vector<16xi1>, vector<16xf32>, vector<16xi32>)
          %broadcast_in_dim3A_699 = arith.constant true
          %broadcast_in_dim3A_700 = vector.broadcast %broadcast_in_dim3A_699 : i1 to vector<16xi1>
          %unique3A_701, %unique3A_702 = tpu.scan_count mask(%broadcast_in_dim3A_700 : vector<16xi1>) value(%masked_sort3A_697 : vector<16xf32>) : vector<16xi1>, vector<16xi32>
          %iota3A_703 = tpu.iota {dimensions = array<i32: 0>} : vector<16xi32>
          %sub3A_704 = arith.subi %iota3A_703, %unique3A_702 : vector<16xi32>
          %mul3A_705 = arith.constant 2048 : i32
          %mul3A_706 = vector.broadcast %mul3A_705 : i32 to vector<16xi32>
          %mul3A_707 = arith.muli %sub3A_704, %mul3A_706 : vector<16xi32>
          %add3A_708 = arith.addi %mul3A_707, %masked_sort3A_698 : vector<16xi32>
          %masked_sort3A_709 = arith.constant dense<true> : vector<16xi1>
          %masked_sort3A_710 = arith.constant -2147483648 : i32
          %masked_sort3A_711 = vector.broadcast %masked_sort3A_710 : i32 to vector<16xi32>
          %masked_sort3A_712 = arith.xori %add3A_708, %masked_sort3A_711 : vector<16xi32>
          %masked_sort3A_713, %masked_sort3A_714, %masked_sort3A_715 = tpu.sort %masked_sort3A_712, %masked_sort3A_698 masked %masked_sort3A_709 : (vector<16xi32>, vector<16xi32>, vector<16xi1>) -> (vector<16xi1>, vector<16xi32>, vector<16xi32>)
          %masked_sort3A_716 = arith.xori %masked_sort3A_714, %masked_sort3A_711 : vector<16xi32>
          %masked_sort3A_717 = arith.constant dense<true> : vector<16xi1>
          %masked_sort3A_718, %masked_sort3A_719, %masked_sort3A_720 = tpu.sort %select_n3A_693, %select_n3A_694 masked %masked_sort3A_717 : (vector<16xf32>, vector<16xi32>, vector<16xi1>) -> (vector<16xi1>, vector<16xf32>, vector<16xi32>)
          %broadcast_in_dim3A_721 = arith.constant true
          %broadcast_in_dim3A_722 = vector.broadcast %broadcast_in_dim3A_721 : i1 to vector<16xi1>
          %unique3A_723, %unique3A_724 = tpu.scan_count mask(%broadcast_in_dim3A_722 : vector<16xi1>) value(%masked_sort3A_719 : vector<16xf32>) : vector<16xi1>, vector<16xi32>
          %iota3A_725 = tpu.iota {dimensions = array<i32: 0>} : vector<16xi32>
          %sub3A_726 = arith.subi %iota3A_725, %unique3A_724 : vector<16xi32>
          %mul3A_727 = arith.constant 2048 : i32
          %mul3A_728 = vector.broadcast %mul3A_727 : i32 to vector<16xi32>
          %mul3A_729 = arith.muli %sub3A_726, %mul3A_728 : vector<16xi32>
          %add3A_730 = arith.addi %mul3A_729, %masked_sort3A_720 : vector<16xi32>
          %masked_sort3A_731 = arith.constant dense<true> : vector<16xi1>
          %masked_sort3A_732 = arith.constant -2147483648 : i32
          %masked_sort3A_733 = vector.broadcast %masked_sort3A_732 : i32 to vector<16xi32>
          %masked_sort3A_734 = arith.xori %add3A_730, %masked_sort3A_733 : vector<16xi32>
          %masked_sort3A_735, %masked_sort3A_736, %masked_sort3A_737 = tpu.sort %masked_sort3A_734, %masked_sort3A_720 masked %masked_sort3A_731 : (vector<16xi32>, vector<16xi32>, vector<16xi1>) -> (vector<16xi1>, vector<16xi32>, vector<16xi32>)
          %masked_sort3A_738 = arith.xori %masked_sort3A_736, %masked_sort3A_733 : vector<16xi32>
          %lt3A_739 = arith.cmpi slt, %while3A_605, %shift_right_arithmetic3A_504 : i32
          %sub3A_740 = arith.subi %while3A_605, %shift_right_arithmetic3A_504 : i32
          %mul3A_741 = arith.constant 16 : i32
          %mul3A_742 = arith.muli %mul3A_741, %while3A_605 : i32
          %mul3A_743 = arith.constant 16 : i32
          %mul3A_744 = arith.muli %mul3A_743, %sub3A_740 : i32
          %add3A_745 = arith.constant 1024 : i32
          %add3A_746 = arith.addi %add3A_745, %mul3A_744 : i32
          %select_n3A_747 = arith.select %lt3A_739, %mul3A_742, %add3A_746 : i32
          %min3A_748 = arith.constant 2048 : i32
          %min3A_749 = arith.minsi %select_n3A_747, %min3A_748 : i32
          %iota3A_750 = tpu.iota {dimensions = array<i32: 0>} : vector<16xi32>
          %mul3A_751 = arith.constant 16 : i32
          %mul3A_752 = arith.muli %mul3A_751, %while3A_605 : i32
          %mul3A_753 = arith.constant 16 : i32
          %mul3A_754 = arith.muli %mul3A_753, %sub3A_740 : i32
          %select_n3A_755 = arith.select %lt3A_739, %mul3A_752, %mul3A_754 : i32
          %add3A_756 = vector.broadcast %select_n3A_755 : i32 to vector<16xi32>
          %add3A_757 = arith.addi %iota3A_750, %add3A_756 : vector<16xi32>
          %select_n3A_758 = arith.select %lt3A_739, %scan3A_483#1, %scan3A_483#3 : i32
          %lt3A_759 = vector.broadcast %select_n3A_758 : i32 to vector<16xi32>
          %lt3A_760 = arith.cmpi slt, %add3A_757, %lt3A_759 : vector<16xi32>
          %get3A_761 = arith.index_cast %min3A_749 : i32 to index
          %get3A_762 = tpu.vector_load %arg8[%get3A_761] {strides = array<i32>} : memref<2064xi32, #tpu.memory_space<vmem>>, vector<16xi32>,
          %jit3A_763 = arith.constant 0 : i32
          %broadcast_in_dim3A_764 = vector.broadcast %jit3A_763 : i32 to vector<16xi32>
          %select_n3A_765 = arith.select %lt3A_760, %get3A_762, %broadcast_in_dim3A_764 : vector<16xi1>, vector<16xi32>
          %broadcast_in_dim3A_766 = vector.broadcast %add3A_124 : i32 to vector<16xi32>
          %gather3A_767 = tpu.vector_load_idx %arg4[%broadcast_in_dim3A_766, %select_n3A_765] : memref<8x2048xf32, #tpu.memory_space<vmem>>[vector<16xi32>, vector<16xi32>], vector<16xf32>,
          %jit3A_768 = arith.constant 0x7F800000 : f32
          %broadcast_in_dim3A_769 = vector.broadcast %jit3A_768 : f32 to vector<16xf32>
          %select_n3A_770 = arith.select %lt3A_760, %gather3A_767, %broadcast_in_dim3A_769 : vector<16xi1>, vector<16xf32>
          %masked_sort3A_771 = arith.constant dense<true> : vector<16xi1>
          %masked_sort3A_772, %masked_sort3A_773, %masked_sort3A_774 = tpu.sort %select_n3A_770, %select_n3A_765 masked %masked_sort3A_771 : (vector<16xf32>, vector<16xi32>, vector<16xi1>) -> (vector<16xi1>, vector<16xf32>, vector<16xi32>)
          %broadcast_in_dim3A_775 = arith.constant true
          %broadcast_in_dim3A_776 = vector.broadcast %broadcast_in_dim3A_775 : i1 to vector<16xi1>
          %unique3A_777, %unique3A_778 = tpu.scan_count mask(%broadcast_in_dim3A_776 : vector<16xi1>) value(%masked_sort3A_773 : vector<16xf32>) : vector<16xi1>, vector<16xi32>
          %iota3A_779 = tpu.iota {dimensions = array<i32: 0>} : vector<16xi32>
          %sub3A_780 = arith.subi %iota3A_779, %unique3A_778 : vector<16xi32>
          %mul3A_781 = arith.constant 2048 : i32
          %mul3A_782 = vector.broadcast %mul3A_781 : i32 to vector<16xi32>
          %mul3A_783 = arith.muli %sub3A_780, %mul3A_782 : vector<16xi32>
          %add3A_784 = arith.addi %mul3A_783, %masked_sort3A_774 : vector<16xi32>
          %masked_sort3A_785 = arith.constant dense<true> : vector<16xi1>
          %masked_sort3A_786 = arith.constant -2147483648 : i32
          %masked_sort3A_787 = vector.broadcast %masked_sort3A_786 : i32 to vector<16xi32>
          %masked_sort3A_788 = arith.xori %add3A_784, %masked_sort3A_787 : vector<16xi32>
          %masked_sort3A_789, %masked_sort3A_790, %masked_sort3A_791 = tpu.sort %masked_sort3A_788, %masked_sort3A_774 masked %masked_sort3A_785 : (vector<16xi32>, vector<16xi32>, vector<16xi1>) -> (vector<16xi1>, vector<16xi32>, vector<16xi32>)
          %masked_sort3A_792 = arith.xori %masked_sort3A_790, %masked_sort3A_787 : vector<16xi32>
          %rev3A_793 = arith.constant 15 : i32
          %rev3A_794 = vector.broadcast %rev3A_793 : i32 to vector<16xi32>
          %rev3A_795 = tpu.iota {dimensions = array<i32: 0>} : vector<16xi32>
          %rev3A_796 = arith.subi %rev3A_794, %rev3A_795 : vector<16xi32>
          %rev3A_797 = tpu.dynamic_gather %masked_sort3A_773[%rev3A_796] in [0] : vector<16xf32>, vector<16xi32> -> vector<16xf32>
          %rev3A_798 = arith.constant 15 : i32
          %rev3A_799 = vector.broadcast %rev3A_798 : i32 to vector<16xi32>
          %rev3A_800 = tpu.iota {dimensions = array<i32: 0>} : vector<16xi32>
          %rev3A_801 = arith.subi %rev3A_799, %rev3A_800 : vector<16xi32>
          %rev3A_802 = tpu.dynamic_gather %masked_sort3A_791[%rev3A_801] in [0] : vector<16xi32>, vector<16xi32> -> vector<16xi32>
          %lt3A_803 = arith.cmpf olt, %while3A_611, %rev3A_797 : vector<16xf32>
          %eq3A_804 = arith.cmpf oeq, %while3A_611, %rev3A_797 : vector<16xf32>
          %lt3A_805 = arith.cmpi slt, %while3A_613, %rev3A_802 : vector<16xi32>
          %and3A_806 = arith.andi %eq3A_804, %lt3A_805 : vector<16xi1>
          %or3A_807 = arith.ori %lt3A_803, %and3A_806 : vector<16xi1>
          %select_n3A_808 = arith.select %or3A_807, %while3A_611, %rev3A_797 : vector<16xi1>, vector<16xf32>
          %select_n3A_809 = arith.select %or3A_807, %while3A_613, %rev3A_802 : vector<16xi1>, vector<16xi32>
          %lt3A_810 = arith.cmpf olt, %while3A_610, %select_n3A_808 : vector<16xf32>
          %eq3A_811 = arith.cmpf oeq, %while3A_610, %select_n3A_808 : vector<16xf32>
          %lt3A_812 = arith.cmpi slt, %while3A_612, %select_n3A_809 : vector<16xi32>
          %and3A_813 = arith.andi %eq3A_811, %lt3A_812 : vector<16xi1>
          %or3A_814 = arith.ori %lt3A_810, %and3A_813 : vector<16xi1>
          %select_n3A_815 = arith.select %or3A_814, %while3A_610, %select_n3A_808 : vector<16xi1>, vector<16xf32>
          %select_n3A_816 = arith.select %or3A_814, %while3A_612, %select_n3A_809 : vector<16xi1>, vector<16xi32>
          %select_n3A_817 = arith.select %or3A_814, %select_n3A_808, %while3A_610 : vector<16xi1>, vector<16xf32>
          %select_n3A_818 = arith.select %or3A_814, %select_n3A_809, %while3A_612 : vector<16xi1>, vector<16xi32>
          %masked_sort3A_819 = arith.constant dense<true> : vector<16xi1>
          %masked_sort3A_820, %masked_sort3A_821, %masked_sort3A_822 = tpu.sort %select_n3A_815, %select_n3A_816 masked %masked_sort3A_819 : (vector<16xf32>, vector<16xi32>, vector<16xi1>) -> (vector<16xi1>, vector<16xf32>, vector<16xi32>)
          %broadcast_in_dim3A_823 = arith.constant true
          %broadcast_in_dim3A_824 = vector.broadcast %broadcast_in_dim3A_823 : i1 to vector<16xi1>
          %unique3A_825, %unique3A_826 = tpu.scan_count mask(%broadcast_in_dim3A_824 : vector<16xi1>) value(%masked_sort3A_821 : vector<16xf32>) : vector<16xi1>, vector<16xi32>
          %iota3A_827 = tpu.iota {dimensions = array<i32: 0>} : vector<16xi32>
          %sub3A_828 = arith.subi %iota3A_827, %unique3A_826 : vector<16xi32>
          %mul3A_829 = arith.constant 2048 : i32
          %mul3A_830 = vector.broadcast %mul3A_829 : i32 to vector<16xi32>
          %mul3A_831 = arith.muli %sub3A_828, %mul3A_830 : vector<16xi32>
          %add3A_832 = arith.addi %mul3A_831, %masked_sort3A_822 : vector<16xi32>
          %masked_sort3A_833 = arith.constant dense<true> : vector<16xi1>
          %masked_sort3A_834 = arith.constant -2147483648 : i32
          %masked_sort3A_835 = vector.broadcast %masked_sort3A_834 : i32 to vector<16xi32>
          %masked_sort3A_836 = arith.xori %add3A_832, %masked_sort3A_835 : vector<16xi32>
          %masked_sort3A_837, %masked_sort3A_838, %masked_sort3A_839 = tpu.sort %masked_sort3A_836, %masked_sort3A_822 masked %masked_sort3A_833 : (vector<16xi32>, vector<16xi32>, vector<16xi1>) -> (vector<16xi1>, vector<16xi32>, vector<16xi32>)
          %masked_sort3A_840 = arith.xori %masked_sort3A_838, %masked_sort3A_835 : vector<16xi32>
          %masked_sort3A_841 = arith.constant dense<true> : vector<16xi1>
          %masked_sort3A_842, %masked_sort3A_843, %masked_sort3A_844 = tpu.sort %select_n3A_817, %select_n3A_818 masked %masked_sort3A_841 : (vector<16xf32>, vector<16xi32>, vector<16xi1>) -> (vector<16xi1>, vector<16xf32>, vector<16xi32>)
          %broadcast_in_dim3A_845 = arith.constant true
          %broadcast_in_dim3A_846 = vector.broadcast %broadcast_in_dim3A_845 : i1 to vector<16xi1>
          %unique3A_847, %unique3A_848 = tpu.scan_count mask(%broadcast_in_dim3A_846 : vector<16xi1>) value(%masked_sort3A_843 : vector<16xf32>) : vector<16xi1>, vector<16xi32>
          %iota3A_849 = tpu.iota {dimensions = array<i32: 0>} : vector<16xi32>
          %sub3A_850 = arith.subi %iota3A_849, %unique3A_848 : vector<16xi32>
          %mul3A_851 = arith.constant 2048 : i32
          %mul3A_852 = vector.broadcast %mul3A_851 : i32 to vector<16xi32>
          %mul3A_853 = arith.muli %sub3A_850, %mul3A_852 : vector<16xi32>
          %add3A_854 = arith.addi %mul3A_853, %masked_sort3A_844 : vector<16xi32>
          %masked_sort3A_855 = arith.constant dense<true> : vector<16xi1>
          %masked_sort3A_856 = arith.constant -2147483648 : i32
          %masked_sort3A_857 = vector.broadcast %masked_sort3A_856 : i32 to vector<16xi32>
          %masked_sort3A_858 = arith.xori %add3A_854, %masked_sort3A_857 : vector<16xi32>
          %masked_sort3A_859, %masked_sort3A_860, %masked_sort3A_861 = tpu.sort %masked_sort3A_858, %masked_sort3A_844 masked %masked_sort3A_855 : (vector<16xi32>, vector<16xi32>, vector<16xi1>) -> (vector<16xi1>, vector<16xi32>, vector<16xi32>)
          %masked_sort3A_862 = arith.xori %masked_sort3A_860, %masked_sort3A_857 : vector<16xi32>
          %lt3A_863 = arith.cmpi slt, %while3A_605, %shift_right_arithmetic3A_508 : i32
          %sub3A_864 = arith.subi %while3A_605, %shift_right_arithmetic3A_508 : i32
          %mul3A_865 = arith.constant 16 : i32
          %mul3A_866 = arith.muli %mul3A_865, %while3A_605 : i32
          %mul3A_867 = arith.constant 16 : i32
          %mul3A_868 = arith.muli %mul3A_867, %sub3A_864 : i32
          %add3A_869 = arith.constant 1024 : i32
          %add3A_870 = arith.addi %add3A_869, %mul3A_868 : i32
          %select_n3A_871 = arith.select %lt3A_863, %mul3A_866, %add3A_870 : i32
          %min3A_872 = arith.constant 2048 : i32
          %min3A_873 = arith.minsi %select_n3A_871, %min3A_872 : i32
          %iota3A_874 = tpu.iota {dimensions = array<i32: 0>} : vector<16xi32>
          %mul3A_875 = arith.constant 16 : i32
          %mul3A_876 = arith.muli %mul3A_875, %while3A_605 : i32
          %mul3A_877 = arith.constant 16 : i32
          %mul3A_878 = arith.muli %mul3A_877, %sub3A_864 : i32
          %select_n3A_879 = arith.select %lt3A_863, %mul3A_876, %mul3A_878 : i32
          %add3A_880 = vector.broadcast %select_n3A_879 : i32 to vector<16xi32>
          %add3A_881 = arith.addi %iota3A_874, %add3A_880 : vector<16xi32>
          %select_n3A_882 = arith.select %lt3A_863, %scan3A_494#0, %scan3A_494#2 : i32
          %lt3A_883 = vector.broadcast %select_n3A_882 : i32 to vector<16xi32>
          %lt3A_884 = arith.cmpi slt, %add3A_881, %lt3A_883 : vector<16xi32>
          %get3A_885 = arith.index_cast %min3A_873 : i32 to index
          %get3A_886 = tpu.vector_load %arg9[%get3A_885] {strides = array<i32>} : memref<2064xi32, #tpu.memory_space<vmem>>, vector<16xi32>,
          %jit3A_887 = arith.constant 0 : i32
          %broadcast_in_dim3A_888 = vector.broadcast %jit3A_887 : i32 to vector<16xi32>
          %select_n3A_889 = arith.select %lt3A_884, %get3A_886, %broadcast_in_dim3A_888 : vector<16xi1>, vector<16xi32>
          %broadcast_in_dim3A_890 = vector.broadcast %add3A_128 : i32 to vector<16xi32>
          %gather3A_891 = tpu.vector_load_idx %arg4[%broadcast_in_dim3A_890, %select_n3A_889] : memref<8x2048xf32, #tpu.memory_space<vmem>>[vector<16xi32>, vector<16xi32>], vector<16xf32>,
          %jit3A_892 = arith.constant 0x7F800000 : f32
          %broadcast_in_dim3A_893 = vector.broadcast %jit3A_892 : f32 to vector<16xf32>
          %select_n3A_894 = arith.select %lt3A_884, %gather3A_891, %broadcast_in_dim3A_893 : vector<16xi1>, vector<16xf32>
          %masked_sort3A_895 = arith.constant dense<true> : vector<16xi1>
          %masked_sort3A_896, %masked_sort3A_897, %masked_sort3A_898 = tpu.sort %select_n3A_894, %select_n3A_889 masked %masked_sort3A_895 : (vector<16xf32>, vector<16xi32>, vector<16xi1>) -> (vector<16xi1>, vector<16xf32>, vector<16xi32>)
          %broadcast_in_dim3A_899 = arith.constant true
          %broadcast_in_dim3A_900 = vector.broadcast %broadcast_in_dim3A_899 : i1 to vector<16xi1>
          %unique3A_901, %unique3A_902 = tpu.scan_count mask(%broadcast_in_dim3A_900 : vector<16xi1>) value(%masked_sort3A_897 : vector<16xf32>) : vector<16xi1>, vector<16xi32>
          %iota3A_903 = tpu.iota {dimensions = array<i32: 0>} : vector<16xi32>
          %sub3A_904 = arith.subi %iota3A_903, %unique3A_902 : vector<16xi32>
          %mul3A_905 = arith.constant 2048 : i32
          %mul3A_906 = vector.broadcast %mul3A_905 : i32 to vector<16xi32>
          %mul3A_907 = arith.muli %sub3A_904, %mul3A_906 : vector<16xi32>
          %add3A_908 = arith.addi %mul3A_907, %masked_sort3A_898 : vector<16xi32>
          %masked_sort3A_909 = arith.constant dense<true> : vector<16xi1>
          %masked_sort3A_910 = arith.constant -2147483648 : i32
          %masked_sort3A_911 = vector.broadcast %masked_sort3A_910 : i32 to vector<16xi32>
          %masked_sort3A_912 = arith.xori %add3A_908, %masked_sort3A_911 : vector<16xi32>
          %masked_sort3A_913, %masked_sort3A_914, %masked_sort3A_915 = tpu.sort %masked_sort3A_912, %masked_sort3A_898 masked %masked_sort3A_909 : (vector<16xi32>, vector<16xi32>, vector<16xi1>) -> (vector<16xi1>, vector<16xi32>, vector<16xi32>)
          %masked_sort3A_916 = arith.xori %masked_sort3A_914, %masked_sort3A_911 : vector<16xi32>
          %rev3A_917 = arith.constant 15 : i32
          %rev3A_918 = vector.broadcast %rev3A_917 : i32 to vector<16xi32>
          %rev3A_919 = tpu.iota {dimensions = array<i32: 0>} : vector<16xi32>
          %rev3A_920 = arith.subi %rev3A_918, %rev3A_919 : vector<16xi32>
          %rev3A_921 = tpu.dynamic_gather %masked_sort3A_897[%rev3A_920] in [0] : vector<16xf32>, vector<16xi32> -> vector<16xf32>
          %rev3A_922 = arith.constant 15 : i32
          %rev3A_923 = vector.broadcast %rev3A_922 : i32 to vector<16xi32>
          %rev3A_924 = tpu.iota {dimensions = array<i32: 0>} : vector<16xi32>
          %rev3A_925 = arith.subi %rev3A_923, %rev3A_924 : vector<16xi32>
          %rev3A_926 = tpu.dynamic_gather %masked_sort3A_915[%rev3A_925] in [0] : vector<16xi32>, vector<16xi32> -> vector<16xi32>
          %lt3A_927 = arith.cmpf olt, %while3A_615, %rev3A_921 : vector<16xf32>
          %eq3A_928 = arith.cmpf oeq, %while3A_615, %rev3A_921 : vector<16xf32>
          %lt3A_929 = arith.cmpi slt, %while3A_617, %rev3A_926 : vector<16xi32>
          %and3A_930 = arith.andi %eq3A_928, %lt3A_929 : vector<16xi1>
          %or3A_931 = arith.ori %lt3A_927, %and3A_930 : vector<16xi1>
          %select_n3A_932 = arith.select %or3A_931, %while3A_615, %rev3A_921 : vector<16xi1>, vector<16xf32>
          %select_n3A_933 = arith.select %or3A_931, %while3A_617, %rev3A_926 : vector<16xi1>, vector<16xi32>
          %lt3A_934 = arith.cmpf olt, %while3A_614, %select_n3A_932 : vector<16xf32>
          %eq3A_935 = arith.cmpf oeq, %while3A_614, %select_n3A_932 : vector<16xf32>
          %lt3A_936 = arith.cmpi slt, %while3A_616, %select_n3A_933 : vector<16xi32>
          %and3A_937 = arith.andi %eq3A_935, %lt3A_936 : vector<16xi1>
          %or3A_938 = arith.ori %lt3A_934, %and3A_937 : vector<16xi1>
          %select_n3A_939 = arith.select %or3A_938, %while3A_614, %select_n3A_932 : vector<16xi1>, vector<16xf32>
          %select_n3A_940 = arith.select %or3A_938, %while3A_616, %select_n3A_933 : vector<16xi1>, vector<16xi32>
          %select_n3A_941 = arith.select %or3A_938, %select_n3A_932, %while3A_614 : vector<16xi1>, vector<16xf32>
          %select_n3A_942 = arith.select %or3A_938, %select_n3A_933, %while3A_616 : vector<16xi1>, vector<16xi32>
          %masked_sort3A_943 = arith.constant dense<true> : vector<16xi1>
          %masked_sort3A_944, %masked_sort3A_945, %masked_sort3A_946 = tpu.sort %select_n3A_939, %select_n3A_940 masked %masked_sort3A_943 : (vector<16xf32>, vector<16xi32>, vector<16xi1>) -> (vector<16xi1>, vector<16xf32>, vector<16xi32>)
          %broadcast_in_dim3A_947 = arith.constant true
          %broadcast_in_dim3A_948 = vector.broadcast %broadcast_in_dim3A_947 : i1 to vector<16xi1>
          %unique3A_949, %unique3A_950 = tpu.scan_count mask(%broadcast_in_dim3A_948 : vector<16xi1>) value(%masked_sort3A_945 : vector<16xf32>) : vector<16xi1>, vector<16xi32>
          %iota3A_951 = tpu.iota {dimensions = array<i32: 0>} : vector<16xi32>
          %sub3A_952 = arith.subi %iota3A_951, %unique3A_950 : vector<16xi32>
          %mul3A_953 = arith.constant 2048 : i32
          %mul3A_954 = vector.broadcast %mul3A_953 : i32 to vector<16xi32>
          %mul3A_955 = arith.muli %sub3A_952, %mul3A_954 : vector<16xi32>
          %add3A_956 = arith.addi %mul3A_955, %masked_sort3A_946 : vector<16xi32>
          %masked_sort3A_957 = arith.constant dense<true> : vector<16xi1>
          %masked_sort3A_958 = arith.constant -2147483648 : i32
          %masked_sort3A_959 = vector.broadcast %masked_sort3A_958 : i32 to vector<16xi32>
          %masked_sort3A_960 = arith.xori %add3A_956, %masked_sort3A_959 : vector<16xi32>
          %masked_sort3A_961, %masked_sort3A_962, %masked_sort3A_963 = tpu.sort %masked_sort3A_960, %masked_sort3A_946 masked %masked_sort3A_957 : (vector<16xi32>, vector<16xi32>, vector<16xi1>) -> (vector<16xi1>, vector<16xi32>, vector<16xi32>)
          %masked_sort3A_964 = arith.xori %masked_sort3A_962, %masked_sort3A_959 : vector<16xi32>
          %masked_sort3A_965 = arith.constant dense<true> : vector<16xi1>
          %masked_sort3A_966, %masked_sort3A_967, %masked_sort3A_968 = tpu.sort %select_n3A_941, %select_n3A_942 masked %masked_sort3A_965 : (vector<16xf32>, vector<16xi32>, vector<16xi1>) -> (vector<16xi1>, vector<16xf32>, vector<16xi32>)
          %broadcast_in_dim3A_969 = arith.constant true
          %broadcast_in_dim3A_970 = vector.broadcast %broadcast_in_dim3A_969 : i1 to vector<16xi1>
          %unique3A_971, %unique3A_972 = tpu.scan_count mask(%broadcast_in_dim3A_970 : vector<16xi1>) value(%masked_sort3A_967 : vector<16xf32>) : vector<16xi1>, vector<16xi32>
          %iota3A_973 = tpu.iota {dimensions = array<i32: 0>} : vector<16xi32>
          %sub3A_974 = arith.subi %iota3A_973, %unique3A_972 : vector<16xi32>
          %mul3A_975 = arith.constant 2048 : i32
          %mul3A_976 = vector.broadcast %mul3A_975 : i32 to vector<16xi32>
          %mul3A_977 = arith.muli %sub3A_974, %mul3A_976 : vector<16xi32>
          %add3A_978 = arith.addi %mul3A_977, %masked_sort3A_968 : vector<16xi32>
          %masked_sort3A_979 = arith.constant dense<true> : vector<16xi1>
          %masked_sort3A_980 = arith.constant -2147483648 : i32
          %masked_sort3A_981 = vector.broadcast %masked_sort3A_980 : i32 to vector<16xi32>
          %masked_sort3A_982 = arith.xori %add3A_978, %masked_sort3A_981 : vector<16xi32>
          %masked_sort3A_983, %masked_sort3A_984, %masked_sort3A_985 = tpu.sort %masked_sort3A_982, %masked_sort3A_968 masked %masked_sort3A_979 : (vector<16xi32>, vector<16xi32>, vector<16xi1>) -> (vector<16xi1>, vector<16xi32>, vector<16xi32>)
          %masked_sort3A_986 = arith.xori %masked_sort3A_984, %masked_sort3A_981 : vector<16xi32>
          %lt3A_987 = arith.cmpi slt, %while3A_605, %shift_right_arithmetic3A_512 : i32
          %sub3A_988 = arith.subi %while3A_605, %shift_right_arithmetic3A_512 : i32
          %mul3A_989 = arith.constant 16 : i32
          %mul3A_990 = arith.muli %mul3A_989, %while3A_605 : i32
          %mul3A_991 = arith.constant 16 : i32
          %mul3A_992 = arith.muli %mul3A_991, %sub3A_988 : i32
          %add3A_993 = arith.constant 1024 : i32
          %add3A_994 = arith.addi %add3A_993, %mul3A_992 : i32
          %select_n3A_995 = arith.select %lt3A_987, %mul3A_990, %add3A_994 : i32
          %min3A_996 = arith.constant 2048 : i32
          %min3A_997 = arith.minsi %select_n3A_995, %min3A_996 : i32
          %iota3A_998 = tpu.iota {dimensions = array<i32: 0>} : vector<16xi32>
          %mul3A_999 = arith.constant 16 : i32
          %mul3A_1000 = arith.muli %mul3A_999, %while3A_605 : i32
          %mul3A_1001 = arith.constant 16 : i32
          %mul3A_1002 = arith.muli %mul3A_1001, %sub3A_988 : i32
          %select_n3A_1003 = arith.select %lt3A_987, %mul3A_1000, %mul3A_1002 : i32
          %add3A_1004 = vector.broadcast %select_n3A_1003 : i32 to vector<16xi32>
          %add3A_1005 = arith.addi %iota3A_998, %add3A_1004 : vector<16xi32>
          %select_n3A_1006 = arith.select %lt3A_987, %scan3A_494#1, %scan3A_494#3 : i32
          %lt3A_1007 = vector.broadcast %select_n3A_1006 : i32 to vector<16xi32>
          %lt3A_1008 = arith.cmpi slt, %add3A_1005, %lt3A_1007 : vector<16xi32>
          %get3A_1009 = arith.index_cast %min3A_997 : i32 to index
          %get3A_1010 = tpu.vector_load %arg10[%get3A_1009] {strides = array<i32>} : memref<2064xi32, #tpu.memory_space<vmem>>, vector<16xi32>,
          %jit3A_1011 = arith.constant 0 : i32
          %broadcast_in_dim3A_1012 = vector.broadcast %jit3A_1011 : i32 to vector<16xi32>
          %select_n3A_1013 = arith.select %lt3A_1008, %get3A_1010, %broadcast_in_dim3A_1012 : vector<16xi1>, vector<16xi32>
          %broadcast_in_dim3A_1014 = vector.broadcast %add3A_132 : i32 to vector<16xi32>
          %gather3A_1015 = tpu.vector_load_idx %arg4[%broadcast_in_dim3A_1014, %select_n3A_1013] : memref<8x2048xf32, #tpu.memory_space<vmem>>[vector<16xi32>, vector<16xi32>], vector<16xf32>,
          %jit3A_1016 = arith.constant 0x7F800000 : f32
          %broadcast_in_dim3A_1017 = vector.broadcast %jit3A_1016 : f32 to vector<16xf32>
          %select_n3A_1018 = arith.select %lt3A_1008, %gather3A_1015, %broadcast_in_dim3A_1017 : vector<16xi1>, vector<16xf32>
          %masked_sort3A_1019 = arith.constant dense<true> : vector<16xi1>
          %masked_sort3A_1020, %masked_sort3A_1021, %masked_sort3A_1022 = tpu.sort %select_n3A_1018, %select_n3A_1013 masked %masked_sort3A_1019 : (vector<16xf32>, vector<16xi32>, vector<16xi1>) -> (vector<16xi1>, vector<16xf32>, vector<16xi32>)
          %broadcast_in_dim3A_1023 = arith.constant true
          %broadcast_in_dim3A_1024 = vector.broadcast %broadcast_in_dim3A_1023 : i1 to vector<16xi1>
          %unique3A_1025, %unique3A_1026 = tpu.scan_count mask(%broadcast_in_dim3A_1024 : vector<16xi1>) value(%masked_sort3A_1021 : vector<16xf32>) : vector<16xi1>, vector<16xi32>
          %iota3A_1027 = tpu.iota {dimensions = array<i32: 0>} : vector<16xi32>
          %sub3A_1028 = arith.subi %iota3A_1027, %unique3A_1026 : vector<16xi32>
          %mul3A_1029 = arith.constant 2048 : i32
          %mul3A_1030 = vector.broadcast %mul3A_1029 : i32 to vector<16xi32>
          %mul3A_1031 = arith.muli %sub3A_1028, %mul3A_1030 : vector<16xi32>
          %add3A_1032 = arith.addi %mul3A_1031, %masked_sort3A_1022 : vector<16xi32>
          %masked_sort3A_1033 = arith.constant dense<true> : vector<16xi1>
          %masked_sort3A_1034 = arith.constant -2147483648 : i32
          %masked_sort3A_1035 = vector.broadcast %masked_sort3A_1034 : i32 to vector<16xi32>
          %masked_sort3A_1036 = arith.xori %add3A_1032, %masked_sort3A_1035 : vector<16xi32>
          %masked_sort3A_1037, %masked_sort3A_1038, %masked_sort3A_1039 = tpu.sort %masked_sort3A_1036, %masked_sort3A_1022 masked %masked_sort3A_1033 : (vector<16xi32>, vector<16xi32>, vector<16xi1>) -> (vector<16xi1>, vector<16xi32>, vector<16xi32>)
          %masked_sort3A_1040 = arith.xori %masked_sort3A_1038, %masked_sort3A_1035 : vector<16xi32>
          %rev3A_1041 = arith.constant 15 : i32
          %rev3A_1042 = vector.broadcast %rev3A_1041 : i32 to vector<16xi32>
          %rev3A_1043 = tpu.iota {dimensions = array<i32: 0>} : vector<16xi32>
          %rev3A_1044 = arith.subi %rev3A_1042, %rev3A_1043 : vector<16xi32>
          %rev3A_1045 = tpu.dynamic_gather %masked_sort3A_1021[%rev3A_1044] in [0] : vector<16xf32>, vector<16xi32> -> vector<16xf32>
          %rev3A_1046 = arith.constant 15 : i32
          %rev3A_1047 = vector.broadcast %rev3A_1046 : i32 to vector<16xi32>
          %rev3A_1048 = tpu.iota {dimensions = array<i32: 0>} : vector<16xi32>
          %rev3A_1049 = arith.subi %rev3A_1047, %rev3A_1048 : vector<16xi32>
          %rev3A_1050 = tpu.dynamic_gather %masked_sort3A_1039[%rev3A_1049] in [0] : vector<16xi32>, vector<16xi32> -> vector<16xi32>
          %lt3A_1051 = arith.cmpf olt, %while3A_619, %rev3A_1045 : vector<16xf32>
          %eq3A_1052 = arith.cmpf oeq, %while3A_619, %rev3A_1045 : vector<16xf32>
          %lt3A_1053 = arith.cmpi slt, %while3A_621, %rev3A_1050 : vector<16xi32>
          %and3A_1054 = arith.andi %eq3A_1052, %lt3A_1053 : vector<16xi1>
          %or3A_1055 = arith.ori %lt3A_1051, %and3A_1054 : vector<16xi1>
          %select_n3A_1056 = arith.select %or3A_1055, %while3A_619, %rev3A_1045 : vector<16xi1>, vector<16xf32>
          %select_n3A_1057 = arith.select %or3A_1055, %while3A_621, %rev3A_1050 : vector<16xi1>, vector<16xi32>
          %lt3A_1058 = arith.cmpf olt, %while3A_618, %select_n3A_1056 : vector<16xf32>
          %eq3A_1059 = arith.cmpf oeq, %while3A_618, %select_n3A_1056 : vector<16xf32>
          %lt3A_1060 = arith.cmpi slt, %while3A_620, %select_n3A_1057 : vector<16xi32>
          %and3A_1061 = arith.andi %eq3A_1059, %lt3A_1060 : vector<16xi1>
          %or3A_1062 = arith.ori %lt3A_1058, %and3A_1061 : vector<16xi1>
          %select_n3A_1063 = arith.select %or3A_1062, %while3A_618, %select_n3A_1056 : vector<16xi1>, vector<16xf32>
          %select_n3A_1064 = arith.select %or3A_1062, %while3A_620, %select_n3A_1057 : vector<16xi1>, vector<16xi32>
          %select_n3A_1065 = arith.select %or3A_1062, %select_n3A_1056, %while3A_618 : vector<16xi1>, vector<16xf32>
          %select_n3A_1066 = arith.select %or3A_1062, %select_n3A_1057, %while3A_620 : vector<16xi1>, vector<16xi32>
          %masked_sort3A_1067 = arith.constant dense<true> : vector<16xi1>
          %masked_sort3A_1068, %masked_sort3A_1069, %masked_sort3A_1070 = tpu.sort %select_n3A_1063, %select_n3A_1064 masked %masked_sort3A_1067 : (vector<16xf32>, vector<16xi32>, vector<16xi1>) -> (vector<16xi1>, vector<16xf32>, vector<16xi32>)
          %broadcast_in_dim3A_1071 = arith.constant true
          %broadcast_in_dim3A_1072 = vector.broadcast %broadcast_in_dim3A_1071 : i1 to vector<16xi1>
          %unique3A_1073, %unique3A_1074 = tpu.scan_count mask(%broadcast_in_dim3A_1072 : vector<16xi1>) value(%masked_sort3A_1069 : vector<16xf32>) : vector<16xi1>, vector<16xi32>
          %iota3A_1075 = tpu.iota {dimensions = array<i32: 0>} : vector<16xi32>
          %sub3A_1076 = arith.subi %iota3A_1075, %unique3A_1074 : vector<16xi32>
          %mul3A_1077 = arith.constant 2048 : i32
          %mul3A_1078 = vector.broadcast %mul3A_1077 : i32 to vector<16xi32>
          %mul3A_1079 = arith.muli %sub3A_1076, %mul3A_1078 : vector<16xi32>
          %add3A_1080 = arith.addi %mul3A_1079, %masked_sort3A_1070 : vector<16xi32>
          %masked_sort3A_1081 = arith.constant dense<true> : vector<16xi1>
          %masked_sort3A_1082 = arith.constant -2147483648 : i32
          %masked_sort3A_1083 = vector.broadcast %masked_sort3A_1082 : i32 to vector<16xi32>
          %masked_sort3A_1084 = arith.xori %add3A_1080, %masked_sort3A_1083 : vector<16xi32>
          %masked_sort3A_1085, %masked_sort3A_1086, %masked_sort3A_1087 = tpu.sort %masked_sort3A_1084, %masked_sort3A_1070 masked %masked_sort3A_1081 : (vector<16xi32>, vector<16xi32>, vector<16xi1>) -> (vector<16xi1>, vector<16xi32>, vector<16xi32>)
          %masked_sort3A_1088 = arith.xori %masked_sort3A_1086, %masked_sort3A_1083 : vector<16xi32>
          %masked_sort3A_1089 = arith.constant dense<true> : vector<16xi1>
          %masked_sort3A_1090, %masked_sort3A_1091, %masked_sort3A_1092 = tpu.sort %select_n3A_1065, %select_n3A_1066 masked %masked_sort3A_1089 : (vector<16xf32>, vector<16xi32>, vector<16xi1>) -> (vector<16xi1>, vector<16xf32>, vector<16xi32>)
          %broadcast_in_dim3A_1093 = arith.constant true
          %broadcast_in_dim3A_1094 = vector.broadcast %broadcast_in_dim3A_1093 : i1 to vector<16xi1>
          %unique3A_1095, %unique3A_1096 = tpu.scan_count mask(%broadcast_in_dim3A_1094 : vector<16xi1>) value(%masked_sort3A_1091 : vector<16xf32>) : vector<16xi1>, vector<16xi32>
          %iota3A_1097 = tpu.iota {dimensions = array<i32: 0>} : vector<16xi32>
          %sub3A_1098 = arith.subi %iota3A_1097, %unique3A_1096 : vector<16xi32>
          %mul3A_1099 = arith.constant 2048 : i32
          %mul3A_1100 = vector.broadcast %mul3A_1099 : i32 to vector<16xi32>
          %mul3A_1101 = arith.muli %sub3A_1098, %mul3A_1100 : vector<16xi32>
          %add3A_1102 = arith.addi %mul3A_1101, %masked_sort3A_1092 : vector<16xi32>
          %masked_sort3A_1103 = arith.constant dense<true> : vector<16xi1>
          %masked_sort3A_1104 = arith.constant -2147483648 : i32
          %masked_sort3A_1105 = vector.broadcast %masked_sort3A_1104 : i32 to vector<16xi32>
          %masked_sort3A_1106 = arith.xori %add3A_1102, %masked_sort3A_1105 : vector<16xi32>
          %masked_sort3A_1107, %masked_sort3A_1108, %masked_sort3A_1109 = tpu.sort %masked_sort3A_1106, %masked_sort3A_1092 masked %masked_sort3A_1103 : (vector<16xi32>, vector<16xi32>, vector<16xi1>) -> (vector<16xi1>, vector<16xi32>, vector<16xi32>)
          %masked_sort3A_1110 = arith.xori %masked_sort3A_1108, %masked_sort3A_1105 : vector<16xi32>
          scf.yield %masked_sort3A_697, %masked_sort3A_719, %masked_sort3A_715, %masked_sort3A_737, %masked_sort3A_821, %masked_sort3A_843, %masked_sort3A_839, %masked_sort3A_861, %masked_sort3A_945, %masked_sort3A_967, %masked_sort3A_963, %masked_sort3A_985, %masked_sort3A_1069, %masked_sort3A_1091, %masked_sort3A_1087, %masked_sort3A_1109 : vector<16xf32>, vector<16xf32>, vector<16xi32>, vector<16xi32>, vector<16xf32>, vector<16xf32>, vector<16xi32>, vector<16xi32>, vector<16xf32>, vector<16xf32>, vector<16xi32>, vector<16xi32>, vector<16xf32>, vector<16xf32>, vector<16xi32>, vector<16xi32>
        }
        %iota3A_546 = tpu.iota {dimensions = array<i32: 0>} : vector<16xi32>
        %ge3A_547 = arith.constant 1 : i32
        %ge3A_548 = vector.broadcast %ge3A_547 : i32 to vector<16xi32>
        %ge3A_549 = arith.cmpi sge, %iota3A_546, %ge3A_548 : vector<16xi32>
        %iota3A_550 = tpu.iota {dimensions = array<i32: 0>} : vector<16xi32>
        %lt3A = arith.constant 5 : i32
        %lt3A_551 = vector.broadcast %lt3A : i32 to vector<16xi32>
        %lt3A_552 = arith.cmpi slt, %iota3A_550, %lt3A_551 : vector<16xi32>
        %mul3A_553 = arith.constant 4 : i32
        %mul3A_554 = arith.muli %mul3A_553, %scan3A_115 : i32
        %add3A_555 = arith.addi %mul3A_62, %mul3A_554 : i32
        %add3A_556 = arith.constant 0 : i32
        %add3A_557 = arith.addi %add3A_555, %add3A_556 : i32
        %mul3A_558 = arith.constant 20 : i32
        %mul3A_559 = arith.muli %mul3A_558, %add3A_557 : i32
        %swap3A = arith.index_cast %mul3A_559 : i32 to index
        %swap3A_560 = tpu.vector_load %arg6[%swap3A] masked %ge3A_549 {strides = array<i32>} : memref<14416xi32, #tpu.memory_space<vmem>>, vector<16xi32>, vector<16xi1>
        tpu.vector_store %arg6[%swap3A], %while3A_545#2 masked %ge3A_549 {strides = array<i32>} : memref<14416xi32, #tpu.memory_space<vmem>>, vector<16xi32>, vector<16xi1>
        %add3A_561 = arith.constant 15 : i32
        %add3A_562 = arith.addi %mul3A_559, %add3A_561 : i32
        %swap3A_563 = arith.index_cast %add3A_562 : i32 to index
        %swap3A_564 = tpu.vector_load %arg6[%swap3A_563] masked %lt3A_552 {strides = array<i32>} : memref<14416xi32, #tpu.memory_space<vmem>>, vector<16xi32>, vector<16xi1>
        tpu.vector_store %arg6[%swap3A_563], %while3A_545#3 masked %lt3A_552 {strides = array<i32>} : memref<14416xi32, #tpu.memory_space<vmem>>, vector<16xi32>, vector<16xi1>
        %mul3A_565 = arith.constant 4 : i32
        %mul3A_566 = arith.muli %mul3A_565, %scan3A_115 : i32
        %add3A_567 = arith.addi %mul3A_62, %mul3A_566 : i32
        %add3A_568 = arith.constant 1 : i32
        %add3A_569 = arith.addi %add3A_567, %add3A_568 : i32
        %mul3A_570 = arith.constant 20 : i32
        %mul3A_571 = arith.muli %mul3A_570, %add3A_569 : i32
        %swap3A_572 = arith.index_cast %mul3A_571 : i32 to index
        %swap3A_573 = tpu.vector_load %arg6[%swap3A_572] masked %ge3A_549 {strides = array<i32>} : memref<14416xi32, #tpu.memory_space<vmem>>, vector<16xi32>, vector<16xi1>
        tpu.vector_store %arg6[%swap3A_572], %while3A_545#6 masked %ge3A_549 {strides = array<i32>} : memref<14416xi32, #tpu.memory_space<vmem>>, vector<16xi32>, vector<16xi1>
        %add3A_574 = arith.constant 15 : i32
        %add3A_575 = arith.addi %mul3A_571, %add3A_574 : i32
        %swap3A_576 = arith.index_cast %add3A_575 : i32 to index
        %swap3A_577 = tpu.vector_load %arg6[%swap3A_576] masked %lt3A_552 {strides = array<i32>} : memref<14416xi32, #tpu.memory_space<vmem>>, vector<16xi32>, vector<16xi1>
        tpu.vector_store %arg6[%swap3A_576], %while3A_545#7 masked %lt3A_552 {strides = array<i32>} : memref<14416xi32, #tpu.memory_space<vmem>>, vector<16xi32>, vector<16xi1>
        %mul3A_578 = arith.constant 4 : i32
        %mul3A_579 = arith.muli %mul3A_578, %scan3A_115 : i32
        %add3A_580 = arith.addi %mul3A_62, %mul3A_579 : i32
        %add3A_581 = arith.constant 2 : i32
        %add3A_582 = arith.addi %add3A_580, %add3A_581 : i32
        %mul3A_583 = arith.constant 20 : i32
        %mul3A_584 = arith.muli %mul3A_583, %add3A_582 : i32
        %swap3A_585 = arith.index_cast %mul3A_584 : i32 to index
        %swap3A_586 = tpu.vector_load %arg6[%swap3A_585] masked %ge3A_549 {strides = array<i32>} : memref<14416xi32, #tpu.memory_space<vmem>>, vector<16xi32>, vector<16xi1>
        tpu.vector_store %arg6[%swap3A_585], %while3A_545#10 masked %ge3A_549 {strides = array<i32>} : memref<14416xi32, #tpu.memory_space<vmem>>, vector<16xi32>, vector<16xi1>
        %add3A_587 = arith.constant 15 : i32
        %add3A_588 = arith.addi %mul3A_584, %add3A_587 : i32
        %swap3A_589 = arith.index_cast %add3A_588 : i32 to index
        %swap3A_590 = tpu.vector_load %arg6[%swap3A_589] masked %lt3A_552 {strides = array<i32>} : memref<14416xi32, #tpu.memory_space<vmem>>, vector<16xi32>, vector<16xi1>
        tpu.vector_store %arg6[%swap3A_589], %while3A_545#11 masked %lt3A_552 {strides = array<i32>} : memref<14416xi32, #tpu.memory_space<vmem>>, vector<16xi32>, vector<16xi1>
        %mul3A_591 = arith.constant 4 : i32
        %mul3A_592 = arith.muli %mul3A_591, %scan3A_115 : i32
        %add3A_593 = arith.addi %mul3A_62, %mul3A_592 : i32
        %add3A_594 = arith.constant 3 : i32
        %add3A_595 = arith.addi %add3A_593, %add3A_594 : i32
        %mul3A_596 = arith.constant 20 : i32
        %mul3A_597 = arith.muli %mul3A_596, %add3A_595 : i32
        %swap3A_598 = arith.index_cast %mul3A_597 : i32 to index
        %swap3A_599 = tpu.vector_load %arg6[%swap3A_598] masked %ge3A_549 {strides = array<i32>} : memref<14416xi32, #tpu.memory_space<vmem>>, vector<16xi32>, vector<16xi1>
        tpu.vector_store %arg6[%swap3A_598], %while3A_545#14 masked %ge3A_549 {strides = array<i32>} : memref<14416xi32, #tpu.memory_space<vmem>>, vector<16xi32>, vector<16xi1>
        %add3A_600 = arith.constant 15 : i32
        %add3A_601 = arith.addi %mul3A_597, %add3A_600 : i32
        %swap3A_602 = arith.index_cast %add3A_601 : i32 to index
        %swap3A_603 = tpu.vector_load %arg6[%swap3A_602] masked %lt3A_552 {strides = array<i32>} : memref<14416xi32, #tpu.memory_space<vmem>>, vector<16xi32>, vector<16xi1>
        tpu.vector_store %arg6[%swap3A_602], %while3A_545#15 masked %lt3A_552 {strides = array<i32>} : memref<14416xi32, #tpu.memory_space<vmem>>, vector<16xi32>, vector<16xi1>
        %scan3A_604 = arith.constant 0 : i32
        scf.yield %scan3A_604 : i32
      }
      %scan3A_69 = arith.constant 2 : i32
      %add3A_70 = arith.constant 2 : i32
      %add3A_71 = arith.addi %mul3A_51, %add3A_70 : i32
      %min3A_72 = arith.constant 89 : i32
      %min3A_73 = arith.minsi %add3A_71, %min3A_72 : i32
      %mul3A_74 = arith.constant 8 : i32
      %mul3A_75 = arith.muli %mul3A_74, %min3A_73 : i32
      %add3A_76 = arith.addi %mul3A_2, %mul3A_75 : i32
      %dma_start3A_77 = arith.constant 0 : i32
      %dma_start3A_78 = tpu.memref_slice %arg2[%add3A_76, %dma_start3A_77] : memref<32768x2048xf32, #tpu.memory_space<hbm>> -> memref<8x2048xf32, #tpu.memory_space<hbm>>
      %dma_start3A_79 = arith.constant 0 : i32
      %dma_start3A_80 = tpu.memref_slice %arg2[%add3A_76, %dma_start3A_79] : memref<32768x2048xf32, #tpu.memory_space<hbm>> -> memref<8x2048xf32, #tpu.memory_space<hbm>>
      tpu.enqueue_dma source(%dma_start3A_80 : memref<8x2048xf32, #tpu.memory_space<hbm>>) target(%arg4 : memref<8x2048xf32, #tpu.memory_space<vmem>>) target_semaphore(%arg11 : memref<!tpu.dma_semaphore, #tpu.memory_space<semaphore_mem>>)
      %add3A_81 = arith.constant 1 : i32
      %add3A_82 = arith.addi %mul3A_51, %add3A_81 : i32
      %min3A_83 = arith.constant 89 : i32
      %min3A_84 = arith.minsi %add3A_82, %min3A_83 : i32
      %mul3A_85 = arith.constant 8 : i32
      %mul3A_86 = arith.muli %mul3A_85, %min3A_84 : i32
      %add3A_87 = arith.addi %mul3A_2, %mul3A_86 : i32
      %dma_wait3A_88 = arith.constant 0 : i32
      %dma_wait3A_89 = tpu.memref_slice %arg2[%add3A_87, %dma_wait3A_88] : memref<32768x2048xf32, #tpu.memory_space<hbm>> -> memref<8x2048xf32, #tpu.memory_space<hbm>>
      %dma_wait3A_90 = arith.constant 0 : i32
      %dma_wait3A_91 = tpu.memref_slice %arg2[%add3A_87, %dma_wait3A_90] : memref<32768x2048xf32, #tpu.memory_space<hbm>> -> memref<8x2048xf32, #tpu.memory_space<hbm>>
      tpu.wait_dma2 semaphore(%arg12 : memref<!tpu.dma_semaphore, #tpu.memory_space<semaphore_mem>>) src(%dma_wait3A_91 : memref<8x2048xf32, #tpu.memory_space<hbm>>) dst(%arg5 : memref<8x2048xf32, #tpu.memory_space<vmem>>)
      %add3A_92 = arith.constant 1 : i32
      %add3A_93 = arith.addi %mul3A_51, %add3A_92 : i32
      %mul3A_94 = arith.constant 8 : i32
      %mul3A_95 = arith.muli %mul3A_94, %add3A_93 : i32
      %scan3A_96 = arith.constant 0 : i32
      %scan3A_97 = arith.constant 0 : i32
      %scan3A_98 = arith.constant 2 : i32
      %scan3A_99 = arith.addi %scan3A_97, %scan3A_98 : i32
      %scan3A_100 = arith.constant 1 : i32
      %scan3A_101 = scf.for %scan3A_115 = %scan3A_97 to %scan3A_99 step %scan3A_100 iter_args(%scan3A_116 = %scan3A_96) -> (i32)  : i32 {
        %mul3A_117 = arith.constant 4 : i32
        %mul3A_118 = arith.muli %mul3A_117, %scan3A_115 : i32
        %add3A_119 = arith.constant 0 : i32
        %add3A_120 = arith.addi %mul3A_118, %add3A_119 : i32
        %mul3A_121 = arith.constant 4 : i32
        %mul3A_122 = arith.muli %mul3A_121, %scan3A_115 : i32
        %add3A_123 = arith.constant 1 : i32
        %add3A_124 = arith.addi %mul3A_122, %add3A_123 : i32
        %mul3A_125 = arith.constant 4 : i32
        %mul3A_126 = arith.muli %mul3A_125, %scan3A_115 : i32
        %add3A_127 = arith.constant 2 : i32
        %add3A_128 = arith.addi %mul3A_126, %add3A_127 : i32
        %mul3A_129 = arith.constant 4 : i32
        %mul3A_130 = arith.muli %mul3A_129, %scan3A_115 : i32
        %add3A_131 = arith.constant 3 : i32
        %add3A_132 = arith.addi %mul3A_130, %add3A_131 : i32
        %broadcast_in_dim3A = arith.constant 0x7F800000 : f32
        %broadcast_in_dim3A_133 = vector.broadcast %broadcast_in_dim3A : f32 to vector<16xf32>
        %scan3A_134 = arith.constant 0 : i32
        %scan3A_135 = arith.constant 32 : i32
        %scan3A_136 = arith.addi %scan3A_134, %scan3A_135 : i32
        %scan3A_137 = arith.constant 1 : i32
        %scan3A_138:8 = scf.for %scan3A_605 = %scan3A_134 to %scan3A_136 step %scan3A_137 iter_args(%scan3A_606 = %broadcast_in_dim3A_133, %scan3A_607 = %broadcast_in_dim3A_133, %scan3A_608 = %broadcast_in_dim3A_133, %scan3A_609 = %broadcast_in_dim3A_133, %scan3A_610 = %broadcast_in_dim3A_133, %scan3A_611 = %broadcast_in_dim3A_133, %scan3A_612 = %broadcast_in_dim3A_133, %scan3A_613 = %broadcast_in_dim3A_133) -> (vector<16xf32>, vector<16xf32>, vector<16xf32>, vector<16xf32>, vector<16xf32>, vector<16xf32>, vector<16xf32>, vector<16xf32>)  : i32 {
          %mul3A_614 = arith.constant 64 : i32
          %mul3A_615 = arith.muli %mul3A_614, %scan3A_605 : i32
          %add3A_616 = arith.constant 0 : i32
          %add3A_617 = arith.addi %mul3A_615, %add3A_616 : i32
          %get3A = arith.index_cast %add3A_120 : i32 to index
          %get3A_618 = arith.index_cast %add3A_617 : i32 to index
          %get3A_619 = tpu.vector_load %arg5[%get3A, %get3A_618] {strides = array<i32>} : memref<8x2048xf32, #tpu.memory_space<vmem>>, vector<16xf32>,
          %min3A_620 = arith.minimumf %scan3A_606, %get3A_619 : vector<16xf32>
          %add3A_621 = arith.constant 16 : i32
          %add3A_622 = arith.addi %mul3A_615, %add3A_621 : i32
          %get3A_623 = arith.index_cast %add3A_120 : i32 to index
          %get3A_624 = arith.index_cast %add3A_622 : i32 to index
          %get3A_625 = tpu.vector_load %arg5[%get3A_623, %get3A_624] {strides = array<i32>} : memref<8x2048xf32, #tpu.memory_space<vmem>>, vector<16xf32>,
          %min3A_626 = arith.minimumf %scan3A_607, %get3A_625 : vector<16xf32>
          %add3A_627 = arith.constant 32 : i32
          %add3A_628 = arith.addi %mul3A_615, %add3A_627 : i32
          %get3A_629 = arith.index_cast %add3A_120 : i32 to index
          %get3A_630 = arith.index_cast %add3A_628 : i32 to index
          %get3A_631 = tpu.vector_load %arg5[%get3A_629, %get3A_630] {strides = array<i32>} : memref<8x2048xf32, #tpu.memory_space<vmem>>, vector<16xf32>,
          %min3A_632 = arith.minimumf %scan3A_608, %get3A_631 : vector<16xf32>
          %add3A_633 = arith.constant 48 : i32
          %add3A_634 = arith.addi %mul3A_615, %add3A_633 : i32
          %get3A_635 = arith.index_cast %add3A_120 : i32 to index
          %get3A_636 = arith.index_cast %add3A_634 : i32 to index
          %get3A_637 = tpu.vector_load %arg5[%get3A_635, %get3A_636] {strides = array<i32>} : memref<8x2048xf32, #tpu.memory_space<vmem>>, vector<16xf32>,
          %min3A_638 = arith.minimumf %scan3A_609, %get3A_637 : vector<16xf32>
          %mul3A_639 = arith.constant 64 : i32
          %mul3A_640 = arith.muli %mul3A_639, %scan3A_605 : i32
          %add3A_641 = arith.constant 0 : i32
          %add3A_642 = arith.addi %mul3A_640, %add3A_641 : i32
          %get3A_643 = arith.index_cast %add3A_124 : i32 to index
          %get3A_644 = arith.index_cast %add3A_642 : i32 to index
          %get3A_645 = tpu.vector_load %arg5[%get3A_643, %get3A_644] {strides = array<i32>} : memref<8x2048xf32, #tpu.memory_space<vmem>>, vector<16xf32>,
          %min3A_646 = arith.minimumf %scan3A_610, %get3A_645 : vector<16xf32>
          %add3A_647 = arith.constant 16 : i32
          %add3A_648 = arith.addi %mul3A_640, %add3A_647 : i32
          %get3A_649 = arith.index_cast %add3A_124 : i32 to index
          %get3A_650 = arith.index_cast %add3A_648 : i32 to index
          %get3A_651 = tpu.vector_load %arg5[%get3A_649, %get3A_650] {strides = array<i32>} : memref<8x2048xf32, #tpu.memory_space<vmem>>, vector<16xf32>,
          %min3A_652 = arith.minimumf %scan3A_611, %get3A_651 : vector<16xf32>
          %add3A_653 = arith.constant 32 : i32
          %add3A_654 = arith.addi %mul3A_640, %add3A_653 : i32
          %get3A_655 = arith.index_cast %add3A_124 : i32 to index
          %get3A_656 = arith.index_cast %add3A_654 : i32 to index
          %get3A_657 = tpu.vector_load %arg5[%get3A_655, %get3A_656] {strides = array<i32>} : memref<8x2048xf32, #tpu.memory_space<vmem>>, vector<16xf32>,
          %min3A_658 = arith.minimumf %scan3A_612, %get3A_657 : vector<16xf32>
          %add3A_659 = arith.constant 48 : i32
          %add3A_660 = arith.addi %mul3A_640, %add3A_659 : i32
          %get3A_661 = arith.index_cast %add3A_124 : i32 to index
          %get3A_662 = arith.index_cast %add3A_660 : i32 to index
          %get3A_663 = tpu.vector_load %arg5[%get3A_661, %get3A_662] {strides = array<i32>} : memref<8x2048xf32, #tpu.memory_space<vmem>>, vector<16xf32>,
          %min3A_664 = arith.minimumf %scan3A_613, %get3A_663 : vector<16xf32>
          scf.yield %min3A_620, %min3A_626, %min3A_632, %min3A_638, %min3A_646, %min3A_652, %min3A_658, %min3A_664 : vector<16xf32>, vector<16xf32>, vector<16xf32>, vector<16xf32>, vector<16xf32>, vector<16xf32>, vector<16xf32>, vector<16xf32>
        }
        %scan3A_139 = arith.constant 32 : i32
        %scan3A_140 = arith.constant 0 : i32
        %scan3A_141 = arith.constant 32 : i32
        %scan3A_142 = arith.addi %scan3A_140, %scan3A_141 : i32
        %scan3A_143 = arith.constant 1 : i32
        %scan3A_144:8 = scf.for %scan3A_605 = %scan3A_140 to %scan3A_142 step %scan3A_143 iter_args(%scan3A_606 = %broadcast_in_dim3A_133, %scan3A_607 = %broadcast_in_dim3A_133, %scan3A_608 = %broadcast_in_dim3A_133, %scan3A_609 = %broadcast_in_dim3A_133, %scan3A_610 = %broadcast_in_dim3A_133, %scan3A_611 = %broadcast_in_dim3A_133, %scan3A_612 = %broadcast_in_dim3A_133, %scan3A_613 = %broadcast_in_dim3A_133) -> (vector<16xf32>, vector<16xf32>, vector<16xf32>, vector<16xf32>, vector<16xf32>, vector<16xf32>, vector<16xf32>, vector<16xf32>)  : i32 {
          %mul3A_614 = arith.constant 64 : i32
          %mul3A_615 = arith.muli %mul3A_614, %scan3A_605 : i32
          %add3A_616 = arith.constant 0 : i32
          %add3A_617 = arith.addi %mul3A_615, %add3A_616 : i32
          %get3A = arith.index_cast %add3A_128 : i32 to index
          %get3A_618 = arith.index_cast %add3A_617 : i32 to index
          %get3A_619 = tpu.vector_load %arg5[%get3A, %get3A_618] {strides = array<i32>} : memref<8x2048xf32, #tpu.memory_space<vmem>>, vector<16xf32>,
          %min3A_620 = arith.minimumf %scan3A_606, %get3A_619 : vector<16xf32>
          %add3A_621 = arith.constant 16 : i32
          %add3A_622 = arith.addi %mul3A_615, %add3A_621 : i32
          %get3A_623 = arith.index_cast %add3A_128 : i32 to index
          %get3A_624 = arith.index_cast %add3A_622 : i32 to index
          %get3A_625 = tpu.vector_load %arg5[%get3A_623, %get3A_624] {strides = array<i32>} : memref<8x2048xf32, #tpu.memory_space<vmem>>, vector<16xf32>,
          %min3A_626 = arith.minimumf %scan3A_607, %get3A_625 : vector<16xf32>
          %add3A_627 = arith.constant 32 : i32
          %add3A_628 = arith.addi %mul3A_615, %add3A_627 : i32
          %get3A_629 = arith.index_cast %add3A_128 : i32 to index
          %get3A_630 = arith.index_cast %add3A_628 : i32 to index
          %get3A_631 = tpu.vector_load %arg5[%get3A_629, %get3A_630] {strides = array<i32>} : memref<8x2048xf32, #tpu.memory_space<vmem>>, vector<16xf32>,
          %min3A_632 = arith.minimumf %scan3A_608, %get3A_631 : vector<16xf32>
          %add3A_633 = arith.constant 48 : i32
          %add3A_634 = arith.addi %mul3A_615, %add3A_633 : i32
          %get3A_635 = arith.index_cast %add3A_128 : i32 to index
          %get3A_636 = arith.index_cast %add3A_634 : i32 to index
          %get3A_637 = tpu.vector_load %arg5[%get3A_635, %get3A_636] {strides = array<i32>} : memref<8x2048xf32, #tpu.memory_space<vmem>>, vector<16xf32>,
          %min3A_638 = arith.minimumf %scan3A_609, %get3A_637 : vector<16xf32>
          %mul3A_639 = arith.constant 64 : i32
          %mul3A_640 = arith.muli %mul3A_639, %scan3A_605 : i32
          %add3A_641 = arith.constant 0 : i32
          %add3A_642 = arith.addi %mul3A_640, %add3A_641 : i32
          %get3A_643 = arith.index_cast %add3A_132 : i32 to index
          %get3A_644 = arith.index_cast %add3A_642 : i32 to index
          %get3A_645 = tpu.vector_load %arg5[%get3A_643, %get3A_644] {strides = array<i32>} : memref<8x2048xf32, #tpu.memory_space<vmem>>, vector<16xf32>,
          %min3A_646 = arith.minimumf %scan3A_610, %get3A_645 : vector<16xf32>
          %add3A_647 = arith.constant 16 : i32
          %add3A_648 = arith.addi %mul3A_640, %add3A_647 : i32
          %get3A_649 = arith.index_cast %add3A_132 : i32 to index
          %get3A_650 = arith.index_cast %add3A_648 : i32 to index
          %get3A_651 = tpu.vector_load %arg5[%get3A_649, %get3A_650] {strides = array<i32>} : memref<8x2048xf32, #tpu.memory_space<vmem>>, vector<16xf32>,
          %min3A_652 = arith.minimumf %scan3A_611, %get3A_651 : vector<16xf32>
          %add3A_653 = arith.constant 32 : i32
          %add3A_654 = arith.addi %mul3A_640, %add3A_653 : i32
          %get3A_655 = arith.index_cast %add3A_132 : i32 to index
          %get3A_656 = arith.index_cast %add3A_654 : i32 to index
          %get3A_657 = tpu.vector_load %arg5[%get3A_655, %get3A_656] {strides = array<i32>} : memref<8x2048xf32, #tpu.memory_space<vmem>>, vector<16xf32>,
          %min3A_658 = arith.minimumf %scan3A_612, %get3A_657 : vector<16xf32>
          %add3A_659 = arith.constant 48 : i32
          %add3A_660 = arith.addi %mul3A_640, %add3A_659 : i32
          %get3A_661 = arith.index_cast %add3A_132 : i32 to index
          %get3A_662 = arith.index_cast %add3A_660 : i32 to index
          %get3A_663 = tpu.vector_load %arg5[%get3A_661, %get3A_662] {strides = array<i32>} : memref<8x2048xf32, #tpu.memory_space<vmem>>, vector<16xf32>,
          %min3A_664 = arith.minimumf %scan3A_613, %get3A_663 : vector<16xf32>
          scf.yield %min3A_620, %min3A_626, %min3A_632, %min3A_638, %min3A_646, %min3A_652, %min3A_658, %min3A_664 : vector<16xf32>, vector<16xf32>, vector<16xf32>, vector<16xf32>, vector<16xf32>, vector<16xf32>, vector<16xf32>, vector<16xf32>
        }
        %scan3A_145 = arith.constant 32 : i32
        %iota3A = tpu.iota {dimensions = array<i32: 0>} : vector<16xi32>
        %masked_sort3A = arith.constant dense<true> : vector<16xi1>
        %masked_sort3A_146, %masked_sort3A_147, %masked_sort3A_148 = tpu.sort %scan3A_138#0, %iota3A masked %masked_sort3A : (vector<16xf32>, vector<16xi32>, vector<16xi1>) -> (vector<16xi1>, vector<16xf32>, vector<16xi32>)
        %iota3A_149 = tpu.iota {dimensions = array<i32: 0>} : vector<16xi32>
        %masked_sort3A_150 = arith.constant dense<true> : vector<16xi1>
        %masked_sort3A_151, %masked_sort3A_152, %masked_sort3A_153 = tpu.sort %scan3A_138#1, %iota3A_149 masked %masked_sort3A_150 : (vector<16xf32>, vector<16xi32>, vector<16xi1>) -> (vector<16xi1>, vector<16xf32>, vector<16xi32>)
        %rev3A = arith.constant 15 : i32
        %rev3A_154 = vector.broadcast %rev3A : i32 to vector<16xi32>
        %rev3A_155 = tpu.iota {dimensions = array<i32: 0>} : vector<16xi32>
        %rev3A_156 = arith.subi %rev3A_154, %rev3A_155 : vector<16xi32>
        %rev3A_157 = tpu.dynamic_gather %masked_sort3A_152[%rev3A_156] in [0] : vector<16xf32>, vector<16xi32> -> vector<16xf32>
        %min3A_158 = arith.minimumf %masked_sort3A_147, %rev3A_157 : vector<16xf32>
        %max3A = arith.maximumf %masked_sort3A_147, %rev3A_157 : vector<16xf32>
        %iota3A_159 = tpu.iota {dimensions = array<i32: 0>} : vector<16xi32>
        %masked_sort3A_160 = arith.constant dense<true> : vector<16xi1>
        %masked_sort3A_161, %masked_sort3A_162, %masked_sort3A_163 = tpu.sort %min3A_158, %iota3A_159 masked %masked_sort3A_160 : (vector<16xf32>, vector<16xi32>, vector<16xi1>) -> (vector<16xi1>, vector<16xf32>, vector<16xi32>)
        %iota3A_164 = tpu.iota {dimensions = array<i32: 0>} : vector<16xi32>
        %masked_sort3A_165 = arith.constant dense<true> : vector<16xi1>
        %masked_sort3A_166, %masked_sort3A_167, %masked_sort3A_168 = tpu.sort %max3A, %iota3A_164 masked %masked_sort3A_165 : (vector<16xf32>, vector<16xi32>, vector<16xi1>) -> (vector<16xi1>, vector<16xf32>, vector<16xi32>)
        %iota3A_169 = tpu.iota {dimensions = array<i32: 0>} : vector<16xi32>
        %masked_sort3A_170 = arith.constant dense<true> : vector<16xi1>
        %masked_sort3A_171, %masked_sort3A_172, %masked_sort3A_173 = tpu.sort %scan3A_138#2, %iota3A_169 masked %masked_sort3A_170 : (vector<16xf32>, vector<16xi32>, vector<16xi1>) -> (vector<16xi1>, vector<16xf32>, vector<16xi32>)
        %iota3A_174 = tpu.iota {dimensions = array<i32: 0>} : vector<16xi32>
        %masked_sort3A_175 = arith.constant dense<true> : vector<16xi1>
        %masked_sort3A_176, %masked_sort3A_177, %masked_sort3A_178 = tpu.sort %scan3A_138#3, %iota3A_174 masked %masked_sort3A_175 : (vector<16xf32>, vector<16xi32>, vector<16xi1>) -> (vector<16xi1>, vector<16xf32>, vector<16xi32>)
        %rev3A_179 = arith.constant 15 : i32
        %rev3A_180 = vector.broadcast %rev3A_179 : i32 to vector<16xi32>
        %rev3A_181 = tpu.iota {dimensions = array<i32: 0>} : vector<16xi32>
        %rev3A_182 = arith.subi %rev3A_180, %rev3A_181 : vector<16xi32>
        %rev3A_183 = tpu.dynamic_gather %masked_sort3A_177[%rev3A_182] in [0] : vector<16xf32>, vector<16xi32> -> vector<16xf32>
        %min3A_184 = arith.minimumf %masked_sort3A_172, %rev3A_183 : vector<16xf32>
        %max3A_185 = arith.maximumf %masked_sort3A_172, %rev3A_183 : vector<16xf32>
        %iota3A_186 = tpu.iota {dimensions = array<i32: 0>} : vector<16xi32>
        %masked_sort3A_187 = arith.constant dense<true> : vector<16xi1>
        %masked_sort3A_188, %masked_sort3A_189, %masked_sort3A_190 = tpu.sort %min3A_184, %iota3A_186 masked %masked_sort3A_187 : (vector<16xf32>, vector<16xi32>, vector<16xi1>) -> (vector<16xi1>, vector<16xf32>, vector<16xi32>)
        %iota3A_191 = tpu.iota {dimensions = array<i32: 0>} : vector<16xi32>
        %masked_sort3A_192 = arith.constant dense<true> : vector<16xi1>
        %masked_sort3A_193, %masked_sort3A_194, %masked_sort3A_195 = tpu.sort %max3A_185, %iota3A_191 masked %masked_sort3A_192 : (vector<16xf32>, vector<16xi32>, vector<16xi1>) -> (vector<16xi1>, vector<16xf32>, vector<16xi32>)
        %rev3A_196 = arith.constant 15 : i32
        %rev3A_197 = vector.broadcast %rev3A_196 : i32 to vector<16xi32>
        %rev3A_198 = tpu.iota {dimensions = array<i32: 0>} : vector<16xi32>
        %rev3A_199 = arith.subi %rev3A_197, %rev3A_198 : vector<16xi32>
        %rev3A_200 = tpu.dynamic_gather %masked_sort3A_194[%rev3A_199] in [0] : vector<16xf32>, vector<16xi32> -> vector<16xf32>
        %min3A_201 = arith.minimumf %masked_sort3A_162, %rev3A_200 : vector<16xf32>
        %rev3A_202 = arith.constant 15 : i32
        %rev3A_203 = vector.broadcast %rev3A_202 : i32 to vector<16xi32>
        %rev3A_204 = tpu.iota {dimensions = array<i32: 0>} : vector<16xi32>
        %rev3A_205 = arith.subi %rev3A_203, %rev3A_204 : vector<16xi32>
        %rev3A_206 = tpu.dynamic_gather %masked_sort3A_189[%rev3A_205] in [0] : vector<16xf32>, vector<16xi32> -> vector<16xf32>
        %min3A_207 = arith.minimumf %masked_sort3A_167, %rev3A_206 : vector<16xf32>
        %max3A_208 = arith.maximumf %min3A_201, %min3A_207 : vector<16xf32>
        %iota3A_209 = tpu.iota {dimensions = array<i32: 0>} : vector<16xi32>
        %masked_sort3A_210 = arith.constant dense<true> : vector<16xi1>
        %masked_sort3A_211, %masked_sort3A_212, %masked_sort3A_213 = tpu.sort %max3A_208, %iota3A_209 masked %masked_sort3A_210 : (vector<16xf32>, vector<16xi32>, vector<16xi1>) -> (vector<16xi1>, vector<16xf32>, vector<16xi32>)
        %iota3A_214 = tpu.iota {dimensions = array<i32: 0>} : vector<16xi32>
        %ge3A = arith.constant 4 : i32
        %ge3A_215 = vector.broadcast %ge3A : i32 to vector<16xi32>
        %ge3A_216 = arith.cmpi sge, %iota3A_214, %ge3A_215 : vector<16xi32>
        %jit3A = arith.constant 0x7F800000 : f32
        %broadcast_in_dim3A_217 = vector.broadcast %jit3A : f32 to vector<16xf32>
        %select_n3A = arith.select %ge3A_216, %masked_sort3A_212, %broadcast_in_dim3A_217 : vector<16xi1>, vector<16xf32>
        %reduce_min3A = arith.constant true
        %reduce_min3A_218 = vector.broadcast %reduce_min3A : i1 to vector<16xi1>
        %reduce_min3A_219 = tpu.scan <min>, %select_n3A masked %reduce_min3A_218 : vector<16xf32>, vector<16xi1> -> vector<16xf32>
        %reduce_min3A_220 = vector.extract %reduce_min3A_219[15] : f32 from vector<16xf32>
        %broadcast_in_dim3A_221 = vector.broadcast %reduce_min3A_220 : f32 to vector<16xf32>
        %iota3A_222 = tpu.iota {dimensions = array<i32: 0>} : vector<16xi32>
        %masked_sort3A_223 = arith.constant dense<true> : vector<16xi1>
        %masked_sort3A_224, %masked_sort3A_225, %masked_sort3A_226 = tpu.sort %scan3A_138#4, %iota3A_222 masked %masked_sort3A_223 : (vector<16xf32>, vector<16xi32>, vector<16xi1>) -> (vector<16xi1>, vector<16xf32>, vector<16xi32>)
        %iota3A_227 = tpu.iota {dimensions = array<i32: 0>} : vector<16xi32>
        %masked_sort3A_228 = arith.constant dense<true> : vector<16xi1>
        %masked_sort3A_229, %masked_sort3A_230, %masked_sort3A_231 = tpu.sort %scan3A_138#5, %iota3A_227 masked %masked_sort3A_228 : (vector<16xf32>, vector<16xi32>, vector<16xi1>) -> (vector<16xi1>, vector<16xf32>, vector<16xi32>)
        %rev3A_232 = arith.constant 15 : i32
        %rev3A_233 = vector.broadcast %rev3A_232 : i32 to vector<16xi32>
        %rev3A_234 = tpu.iota {dimensions = array<i32: 0>} : vector<16xi32>
        %rev3A_235 = arith.subi %rev3A_233, %rev3A_234 : vector<16xi32>
        %rev3A_236 = tpu.dynamic_gather %masked_sort3A_230[%rev3A_235] in [0] : vector<16xf32>, vector<16xi32> -> vector<16xf32>
        %min3A_237 = arith.minimumf %masked_sort3A_225, %rev3A_236 : vector<16xf32>
        %max3A_238 = arith.maximumf %masked_sort3A_225, %rev3A_236 : vector<16xf32>
        %iota3A_239 = tpu.iota {dimensions = array<i32: 0>} : vector<16xi32>
        %masked_sort3A_240 = arith.constant dense<true> : vector<16xi1>
        %masked_sort3A_241, %masked_sort3A_242, %masked_sort3A_243 = tpu.sort %min3A_237, %iota3A_239 masked %masked_sort3A_240 : (vector<16xf32>, vector<16xi32>, vector<16xi1>) -> (vector<16xi1>, vector<16xf32>, vector<16xi32>)
        %iota3A_244 = tpu.iota {dimensions = array<i32: 0>} : vector<16xi32>
        %masked_sort3A_245 = arith.constant dense<true> : vector<16xi1>
        %masked_sort3A_246, %masked_sort3A_247, %masked_sort3A_248 = tpu.sort %max3A_238, %iota3A_244 masked %masked_sort3A_245 : (vector<16xf32>, vector<16xi32>, vector<16xi1>) -> (vector<16xi1>, vector<16xf32>, vector<16xi32>)
        %iota3A_249 = tpu.iota {dimensions = array<i32: 0>} : vector<16xi32>
        %masked_sort3A_250 = arith.constant dense<true> : vector<16xi1>
        %masked_sort3A_251, %masked_sort3A_252, %masked_sort3A_253 = tpu.sort %scan3A_138#6, %iota3A_249 masked %masked_sort3A_250 : (vector<16xf32>, vector<16xi32>, vector<16xi1>) -> (vector<16xi1>, vector<16xf32>, vector<16xi32>)
        %iota3A_254 = tpu.iota {dimensions = array<i32: 0>} : vector<16xi32>
        %masked_sort3A_255 = arith.constant dense<true> : vector<16xi1>
        %masked_sort3A_256, %masked_sort3A_257, %masked_sort3A_258 = tpu.sort %scan3A_138#7, %iota3A_254 masked %masked_sort3A_255 : (vector<16xf32>, vector<16xi32>, vector<16xi1>) -> (vector<16xi1>, vector<16xf32>, vector<16xi32>)
        %rev3A_259 = arith.constant 15 : i32
        %rev3A_260 = vector.broadcast %rev3A_259 : i32 to vector<16xi32>
        %rev3A_261 = tpu.iota {dimensions = array<i32: 0>} : vector<16xi32>
        %rev3A_262 = arith.subi %rev3A_260, %rev3A_261 : vector<16xi32>
        %rev3A_263 = tpu.dynamic_gather %masked_sort3A_257[%rev3A_262] in [0] : vector<16xf32>, vector<16xi32> -> vector<16xf32>
        %min3A_264 = arith.minimumf %masked_sort3A_252, %rev3A_263 : vector<16xf32>
        %max3A_265 = arith.maximumf %masked_sort3A_252, %rev3A_263 : vector<16xf32>
        %iota3A_266 = tpu.iota {dimensions = array<i32: 0>} : vector<16xi32>
        %masked_sort3A_267 = arith.constant dense<true> : vector<16xi1>
        %masked_sort3A_268, %masked_sort3A_269, %masked_sort3A_270 = tpu.sort %min3A_264, %iota3A_266 masked %masked_sort3A_267 : (vector<16xf32>, vector<16xi32>, vector<16xi1>) -> (vector<16xi1>, vector<16xf32>, vector<16xi32>)
        %iota3A_271 = tpu.iota {dimensions = array<i32: 0>} : vector<16xi32>
        %masked_sort3A_272 = arith.constant dense<true> : vector<16xi1>
        %masked_sort3A_273, %masked_sort3A_274, %masked_sort3A_275 = tpu.sort %max3A_265, %iota3A_271 masked %masked_sort3A_272 : (vector<16xf32>, vector<16xi32>, vector<16xi1>) -> (vector<16xi1>, vector<16xf32>, vector<16xi32>)
        %rev3A_276 = arith.constant 15 : i32
        %rev3A_277 = vector.broadcast %rev3A_276 : i32 to vector<16xi32>
        %rev3A_278 = tpu.iota {dimensions = array<i32: 0>} : vector<16xi32>
        %rev3A_279 = arith.subi %rev3A_277, %rev3A_278 : vector<16xi32>
        %rev3A_280 = tpu.dynamic_gather %masked_sort3A_274[%rev3A_279] in [0] : vector<16xf32>, vector<16xi32> -> vector<16xf32>
        %min3A_281 = arith.minimumf %masked_sort3A_242, %rev3A_280 : vector<16xf32>
        %rev3A_282 = arith.constant 15 : i32
        %rev3A_283 = vector.broadcast %rev3A_282 : i32 to vector<16xi32>
        %rev3A_284 = tpu.iota {dimensions = array<i32: 0>} : vector<16xi32>
        %rev3A_285 = arith.subi %rev3A_283, %rev3A_284 : vector<16xi32>
        %rev3A_286 = tpu.dynamic_gather %masked_sort3A_269[%rev3A_285] in [0] : vector<16xf32>, vector<16xi32> -> vector<16xf32>
        %min3A_287 = arith.minimumf %masked_sort3A_247, %rev3A_286 : vector<16xf32>
        %max3A_288 = arith.maximumf %min3A_281, %min3A_287 : vector<16xf32>
        %iota3A_289 = tpu.iota {dimensions = array<i32: 0>} : vector<16xi32>
        %masked_sort3A_290 = arith.constant dense<true> : vector<16xi1>
        %masked_sort3A_291, %masked_sort3A_292, %masked_sort3A_293 = tpu.sort %max3A_288, %iota3A_289 masked %masked_sort3A_290 : (vector<16xf32>, vector<16xi32>, vector<16xi1>) -> (vector<16xi1>, vector<16xf32>, vector<16xi32>)
        %iota3A_294 = tpu.iota {dimensions = array<i32: 0>} : vector<16xi32>
        %ge3A_295 = arith.constant 4 : i32
        %ge3A_296 = vector.broadcast %ge3A_295 : i32 to vector<16xi32>
        %ge3A_297 = arith.cmpi sge, %iota3A_294, %ge3A_296 : vector<16xi32>
        %jit3A_298 = arith.constant 0x7F800000 : f32
        %broadcast_in_dim3A_299 = vector.broadcast %jit3A_298 : f32 to vector<16xf32>
        %select_n3A_300 = arith.select %ge3A_297, %masked_sort3A_292, %broadcast_in_dim3A_299 : vector<16xi1>, vector<16xf32>
        %reduce_min3A_301 = arith.constant true
        %reduce_min3A_302 = vector.broadcast %reduce_min3A_301 : i1 to vector<16xi1>
        %reduce_min3A_303 = tpu.scan <min>, %select_n3A_300 masked %reduce_min3A_302 : vector<16xf32>, vector<16xi1> -> vector<16xf32>
        %reduce_min3A_304 = vector.extract %reduce_min3A_303[15] : f32 from vector<16xf32>
        %broadcast_in_dim3A_305 = vector.broadcast %reduce_min3A_304 : f32 to vector<16xf32>
        %iota3A_306 = tpu.iota {dimensions = array<i32: 0>} : vector<16xi32>
        %masked_sort3A_307 = arith.constant dense<true> : vector<16xi1>
        %masked_sort3A_308, %masked_sort3A_309, %masked_sort3A_310 = tpu.sort %scan3A_144#0, %iota3A_306 masked %masked_sort3A_307 : (vector<16xf32>, vector<16xi32>, vector<16xi1>) -> (vector<16xi1>, vector<16xf32>, vector<16xi32>)
        %iota3A_311 = tpu.iota {dimensions = array<i32: 0>} : vector<16xi32>
        %masked_sort3A_312 = arith.constant dense<true> : vector<16xi1>
        %masked_sort3A_313, %masked_sort3A_314, %masked_sort3A_315 = tpu.sort %scan3A_144#1, %iota3A_311 masked %masked_sort3A_312 : (vector<16xf32>, vector<16xi32>, vector<16xi1>) -> (vector<16xi1>, vector<16xf32>, vector<16xi32>)
        %rev3A_316 = arith.constant 15 : i32
        %rev3A_317 = vector.broadcast %rev3A_316 : i32 to vector<16xi32>
        %rev3A_318 = tpu.iota {dimensions = array<i32: 0>} : vector<16xi32>
        %rev3A_319 = arith.subi %rev3A_317, %rev3A_318 : vector<16xi32>
        %rev3A_320 = tpu.dynamic_gather %masked_sort3A_314[%rev3A_319] in [0] : vector<16xf32>, vector<16xi32> -> vector<16xf32>
        %min3A_321 = arith.minimumf %masked_sort3A_309, %rev3A_320 : vector<16xf32>
        %max3A_322 = arith.maximumf %masked_sort3A_309, %rev3A_320 : vector<16xf32>
        %iota3A_323 = tpu.iota {dimensions = array<i32: 0>} : vector<16xi32>
        %masked_sort3A_324 = arith.constant dense<true> : vector<16xi1>
        %masked_sort3A_325, %masked_sort3A_326, %masked_sort3A_327 = tpu.sort %min3A_321, %iota3A_323 masked %masked_sort3A_324 : (vector<16xf32>, vector<16xi32>, vector<16xi1>) -> (vector<16xi1>, vector<16xf32>, vector<16xi32>)
        %iota3A_328 = tpu.iota {dimensions = array<i32: 0>} : vector<16xi32>
        %masked_sort3A_329 = arith.constant dense<true> : vector<16xi1>
        %masked_sort3A_330, %masked_sort3A_331, %masked_sort3A_332 = tpu.sort %max3A_322, %iota3A_328 masked %masked_sort3A_329 : (vector<16xf32>, vector<16xi32>, vector<16xi1>) -> (vector<16xi1>, vector<16xf32>, vector<16xi32>)
        %iota3A_333 = tpu.iota {dimensions = array<i32: 0>} : vector<16xi32>
        %masked_sort3A_334 = arith.constant dense<true> : vector<16xi1>
        %masked_sort3A_335, %masked_sort3A_336, %masked_sort3A_337 = tpu.sort %scan3A_144#2, %iota3A_333 masked %masked_sort3A_334 : (vector<16xf32>, vector<16xi32>, vector<16xi1>) -> (vector<16xi1>, vector<16xf32>, vector<16xi32>)
        %iota3A_338 = tpu.iota {dimensions = array<i32: 0>} : vector<16xi32>
        %masked_sort3A_339 = arith.constant dense<true> : vector<16xi1>
        %masked_sort3A_340, %masked_sort3A_341, %masked_sort3A_342 = tpu.sort %scan3A_144#3, %iota3A_338 masked %masked_sort3A_339 : (vector<16xf32>, vector<16xi32>, vector<16xi1>) -> (vector<16xi1>, vector<16xf32>, vector<16xi32>)
        %rev3A_343 = arith.constant 15 : i32
        %rev3A_344 = vector.broadcast %rev3A_343 : i32 to vector<16xi32>
        %rev3A_345 = tpu.iota {dimensions = array<i32: 0>} : vector<16xi32>
        %rev3A_346 = arith.subi %rev3A_344, %rev3A_345 : vector<16xi32>
        %rev3A_347 = tpu.dynamic_gather %masked_sort3A_341[%rev3A_346] in [0] : vector<16xf32>, vector<16xi32> -> vector<16xf32>
        %min3A_348 = arith.minimumf %masked_sort3A_336, %rev3A_347 : vector<16xf32>
        %max3A_349 = arith.maximumf %masked_sort3A_336, %rev3A_347 : vector<16xf32>
        %iota3A_350 = tpu.iota {dimensions = array<i32: 0>} : vector<16xi32>
        %masked_sort3A_351 = arith.constant dense<true> : vector<16xi1>
        %masked_sort3A_352, %masked_sort3A_353, %masked_sort3A_354 = tpu.sort %min3A_348, %iota3A_350 masked %masked_sort3A_351 : (vector<16xf32>, vector<16xi32>, vector<16xi1>) -> (vector<16xi1>, vector<16xf32>, vector<16xi32>)
        %iota3A_355 = tpu.iota {dimensions = array<i32: 0>} : vector<16xi32>
        %masked_sort3A_356 = arith.constant dense<true> : vector<16xi1>
        %masked_sort3A_357, %masked_sort3A_358, %masked_sort3A_359 = tpu.sort %max3A_349, %iota3A_355 masked %masked_sort3A_356 : (vector<16xf32>, vector<16xi32>, vector<16xi1>) -> (vector<16xi1>, vector<16xf32>, vector<16xi32>)
        %rev3A_360 = arith.constant 15 : i32
        %rev3A_361 = vector.broadcast %rev3A_360 : i32 to vector<16xi32>
        %rev3A_362 = tpu.iota {dimensions = array<i32: 0>} : vector<16xi32>
        %rev3A_363 = arith.subi %rev3A_361, %rev3A_362 : vector<16xi32>
        %rev3A_364 = tpu.dynamic_gather %masked_sort3A_358[%rev3A_363] in [0] : vector<16xf32>, vector<16xi32> -> vector<16xf32>
        %min3A_365 = arith.minimumf %masked_sort3A_326, %rev3A_364 : vector<16xf32>
        %rev3A_366 = arith.constant 15 : i32
        %rev3A_367 = vector.broadcast %rev3A_366 : i32 to vector<16xi32>
        %rev3A_368 = tpu.iota {dimensions = array<i32: 0>} : vector<16xi32>
        %rev3A_369 = arith.subi %rev3A_367, %rev3A_368 : vector<16xi32>
        %rev3A_370 = tpu.dynamic_gather %masked_sort3A_353[%rev3A_369] in [0] : vector<16xf32>, vector<16xi32> -> vector<16xf32>
        %min3A_371 = arith.minimumf %masked_sort3A_331, %rev3A_370 : vector<16xf32>
        %max3A_372 = arith.maximumf %min3A_365, %min3A_371 : vector<16xf32>
        %iota3A_373 = tpu.iota {dimensions = array<i32: 0>} : vector<16xi32>
        %masked_sort3A_374 = arith.constant dense<true> : vector<16xi1>
        %masked_sort3A_375, %masked_sort3A_376, %masked_sort3A_377 = tpu.sort %max3A_372, %iota3A_373 masked %masked_sort3A_374 : (vector<16xf32>, vector<16xi32>, vector<16xi1>) -> (vector<16xi1>, vector<16xf32>, vector<16xi32>)
        %iota3A_378 = tpu.iota {dimensions = array<i32: 0>} : vector<16xi32>
        %ge3A_379 = arith.constant 4 : i32
        %ge3A_380 = vector.broadcast %ge3A_379 : i32 to vector<16xi32>
        %ge3A_381 = arith.cmpi sge, %iota3A_378, %ge3A_380 : vector<16xi32>
        %jit3A_382 = arith.constant 0x7F800000 : f32
        %broadcast_in_dim3A_383 = vector.broadcast %jit3A_382 : f32 to vector<16xf32>
        %select_n3A_384 = arith.select %ge3A_381, %masked_sort3A_376, %broadcast_in_dim3A_383 : vector<16xi1>, vector<16xf32>
        %reduce_min3A_385 = arith.constant true
        %reduce_min3A_386 = vector.broadcast %reduce_min3A_385 : i1 to vector<16xi1>
        %reduce_min3A_387 = tpu.scan <min>, %select_n3A_384 masked %reduce_min3A_386 : vector<16xf32>, vector<16xi1> -> vector<16xf32>
        %reduce_min3A_388 = vector.extract %reduce_min3A_387[15] : f32 from vector<16xf32>
        %broadcast_in_dim3A_389 = vector.broadcast %reduce_min3A_388 : f32 to vector<16xf32>
        %iota3A_390 = tpu.iota {dimensions = array<i32: 0>} : vector<16xi32>
        %masked_sort3A_391 = arith.constant dense<true> : vector<16xi1>
        %masked_sort3A_392, %masked_sort3A_393, %masked_sort3A_394 = tpu.sort %scan3A_144#4, %iota3A_390 masked %masked_sort3A_391 : (vector<16xf32>, vector<16xi32>, vector<16xi1>) -> (vector<16xi1>, vector<16xf32>, vector<16xi32>)
        %iota3A_395 = tpu.iota {dimensions = array<i32: 0>} : vector<16xi32>
        %masked_sort3A_396 = arith.constant dense<true> : vector<16xi1>
        %masked_sort3A_397, %masked_sort3A_398, %masked_sort3A_399 = tpu.sort %scan3A_144#5, %iota3A_395 masked %masked_sort3A_396 : (vector<16xf32>, vector<16xi32>, vector<16xi1>) -> (vector<16xi1>, vector<16xf32>, vector<16xi32>)
        %rev3A_400 = arith.constant 15 : i32
        %rev3A_401 = vector.broadcast %rev3A_400 : i32 to vector<16xi32>
        %rev3A_402 = tpu.iota {dimensions = array<i32: 0>} : vector<16xi32>
        %rev3A_403 = arith.subi %rev3A_401, %rev3A_402 : vector<16xi32>
        %rev3A_404 = tpu.dynamic_gather %masked_sort3A_398[%rev3A_403] in [0] : vector<16xf32>, vector<16xi32> -> vector<16xf32>
        %min3A_405 = arith.minimumf %masked_sort3A_393, %rev3A_404 : vector<16xf32>
        %max3A_406 = arith.maximumf %masked_sort3A_393, %rev3A_404 : vector<16xf32>
        %iota3A_407 = tpu.iota {dimensions = array<i32: 0>} : vector<16xi32>
        %masked_sort3A_408 = arith.constant dense<true> : vector<16xi1>
        %masked_sort3A_409, %masked_sort3A_410, %masked_sort3A_411 = tpu.sort %min3A_405, %iota3A_407 masked %masked_sort3A_408 : (vector<16xf32>, vector<16xi32>, vector<16xi1>) -> (vector<16xi1>, vector<16xf32>, vector<16xi32>)
        %iota3A_412 = tpu.iota {dimensions = array<i32: 0>} : vector<16xi32>
        %masked_sort3A_413 = arith.constant dense<true> : vector<16xi1>
        %masked_sort3A_414, %masked_sort3A_415, %masked_sort3A_416 = tpu.sort %max3A_406, %iota3A_412 masked %masked_sort3A_413 : (vector<16xf32>, vector<16xi32>, vector<16xi1>) -> (vector<16xi1>, vector<16xf32>, vector<16xi32>)
        %iota3A_417 = tpu.iota {dimensions = array<i32: 0>} : vector<16xi32>
        %masked_sort3A_418 = arith.constant dense<true> : vector<16xi1>
        %masked_sort3A_419, %masked_sort3A_420, %masked_sort3A_421 = tpu.sort %scan3A_144#6, %iota3A_417 masked %masked_sort3A_418 : (vector<16xf32>, vector<16xi32>, vector<16xi1>) -> (vector<16xi1>, vector<16xf32>, vector<16xi32>)
        %iota3A_422 = tpu.iota {dimensions = array<i32: 0>} : vector<16xi32>
        %masked_sort3A_423 = arith.constant dense<true> : vector<16xi1>
        %masked_sort3A_424, %masked_sort3A_425, %masked_sort3A_426 = tpu.sort %scan3A_144#7, %iota3A_422 masked %masked_sort3A_423 : (vector<16xf32>, vector<16xi32>, vector<16xi1>) -> (vector<16xi1>, vector<16xf32>, vector<16xi32>)
        %rev3A_427 = arith.constant 15 : i32
        %rev3A_428 = vector.broadcast %rev3A_427 : i32 to vector<16xi32>
        %rev3A_429 = tpu.iota {dimensions = array<i32: 0>} : vector<16xi32>
        %rev3A_430 = arith.subi %rev3A_428, %rev3A_429 : vector<16xi32>
        %rev3A_431 = tpu.dynamic_gather %masked_sort3A_425[%rev3A_430] in [0] : vector<16xf32>, vector<16xi32> -> vector<16xf32>
        %min3A_432 = arith.minimumf %masked_sort3A_420, %rev3A_431 : vector<16xf32>
        %max3A_433 = arith.maximumf %masked_sort3A_420, %rev3A_431 : vector<16xf32>
        %iota3A_434 = tpu.iota {dimensions = array<i32: 0>} : vector<16xi32>
        %masked_sort3A_435 = arith.constant dense<true> : vector<16xi1>
        %masked_sort3A_436, %masked_sort3A_437, %masked_sort3A_438 = tpu.sort %min3A_432, %iota3A_434 masked %masked_sort3A_435 : (vector<16xf32>, vector<16xi32>, vector<16xi1>) -> (vector<16xi1>, vector<16xf32>, vector<16xi32>)
        %iota3A_439 = tpu.iota {dimensions = array<i32: 0>} : vector<16xi32>
        %masked_sort3A_440 = arith.constant dense<true> : vector<16xi1>
        %masked_sort3A_441, %masked_sort3A_442, %masked_sort3A_443 = tpu.sort %max3A_433, %iota3A_439 masked %masked_sort3A_440 : (vector<16xf32>, vector<16xi32>, vector<16xi1>) -> (vector<16xi1>, vector<16xf32>, vector<16xi32>)
        %rev3A_444 = arith.constant 15 : i32
        %rev3A_445 = vector.broadcast %rev3A_444 : i32 to vector<16xi32>
        %rev3A_446 = tpu.iota {dimensions = array<i32: 0>} : vector<16xi32>
        %rev3A_447 = arith.subi %rev3A_445, %rev3A_446 : vector<16xi32>
        %rev3A_448 = tpu.dynamic_gather %masked_sort3A_442[%rev3A_447] in [0] : vector<16xf32>, vector<16xi32> -> vector<16xf32>
        %min3A_449 = arith.minimumf %masked_sort3A_410, %rev3A_448 : vector<16xf32>
        %rev3A_450 = arith.constant 15 : i32
        %rev3A_451 = vector.broadcast %rev3A_450 : i32 to vector<16xi32>
        %rev3A_452 = tpu.iota {dimensions = array<i32: 0>} : vector<16xi32>
        %rev3A_453 = arith.subi %rev3A_451, %rev3A_452 : vector<16xi32>
        %rev3A_454 = tpu.dynamic_gather %masked_sort3A_437[%rev3A_453] in [0] : vector<16xf32>, vector<16xi32> -> vector<16xf32>
        %min3A_455 = arith.minimumf %masked_sort3A_415, %rev3A_454 : vector<16xf32>
        %max3A_456 = arith.maximumf %min3A_449, %min3A_455 : vector<16xf32>
        %iota3A_457 = tpu.iota {dimensions = array<i32: 0>} : vector<16xi32>
        %masked_sort3A_458 = arith.constant dense<true> : vector<16xi1>
        %masked_sort3A_459, %masked_sort3A_460, %masked_sort3A_461 = tpu.sort %max3A_456, %iota3A_457 masked %masked_sort3A_458 : (vector<16xf32>, vector<16xi32>, vector<16xi1>) -> (vector<16xi1>, vector<16xf32>, vector<16xi32>)
        %iota3A_462 = tpu.iota {dimensions = array<i32: 0>} : vector<16xi32>
        %ge3A_463 = arith.constant 4 : i32
        %ge3A_464 = vector.broadcast %ge3A_463 : i32 to vector<16xi32>
        %ge3A_465 = arith.cmpi sge, %iota3A_462, %ge3A_464 : vector<16xi32>
        %jit3A_466 = arith.constant 0x7F800000 : f32
        %broadcast_in_dim3A_467 = vector.broadcast %jit3A_466 : f32 to vector<16xf32>
        %select_n3A_468 = arith.select %ge3A_465, %masked_sort3A_460, %broadcast_in_dim3A_467 : vector<16xi1>, vector<16xf32>
        %reduce_min3A_469 = arith.constant true
        %reduce_min3A_470 = vector.broadcast %reduce_min3A_469 : i1 to vector<16xi1>
        %reduce_min3A_471 = tpu.scan <min>, %select_n3A_468 masked %reduce_min3A_470 : vector<16xf32>, vector<16xi1> -> vector<16xf32>
        %reduce_min3A_472 = vector.extract %reduce_min3A_471[15] : f32 from vector<16xf32>
        %broadcast_in_dim3A_473 = vector.broadcast %reduce_min3A_472 : f32 to vector<16xf32>
        %iota3A_474 = tpu.iota {dimensions = array<i32: 0>} : vector<16xi32>
        %scan3A_475 = arith.constant 0 : i32
        %scan3A_476 = arith.constant 0 : i32
        %scan3A_477 = arith.constant 0 : i32
        %scan3A_478 = arith.constant 0 : i32
        %scan3A_479 = arith.constant 0 : i32
        %scan3A_480 = arith.constant 32 : i32
        %scan3A_481 = arith.addi %scan3A_479, %scan3A_480 : i32
        %scan3A_482 = arith.constant 1 : i32
        %scan3A_483:5 = scf.for %scan3A_605 = %scan3A_479 to %scan3A_481 step %scan3A_482 iter_args(%scan3A_606 = %scan3A_475, %scan3A_607 = %scan3A_476, %scan3A_608 = %scan3A_477, %scan3A_609 = %scan3A_478, %scan3A_610 = %iota3A_474) -> (i32, i32, i32, i32, vector<16xi32>)  : i32 {
          %add3A_611 = arith.constant 0 : i32
          %add3A_612 = vector.broadcast %add3A_611 : i32 to vector<16xi32>
          %add3A_613 = arith.addi %scan3A_610, %add3A_612 : vector<16xi32>
          %mul3A_614 = arith.constant 32 : i32
          %mul3A_615 = arith.muli %mul3A_614, %scan3A_605 : i32
          %add3A_616 = arith.constant 0 : i32
          %add3A_617 = arith.addi %mul3A_615, %add3A_616 : i32
          %get3A = arith.index_cast %add3A_120 : i32 to index
          %get3A_618 = arith.index_cast %add3A_617 : i32 to index
          %get3A_619 = tpu.vector_load %arg5[%get3A, %get3A_618] {strides = array<i32>} : memref<8x2048xf32, #tpu.memory_space<vmem>>, vector<16xf32>,
          %mul3A_620 = arith.constant 32 : i32
          %mul3A_621 = arith.muli %mul3A_620, %scan3A_605 : i32
          %add3A_622 = arith.constant 1024 : i32
          %add3A_623 = arith.addi %add3A_622, %mul3A_621 : i32
          %add3A_624 = arith.constant 0 : i32
          %add3A_625 = arith.addi %add3A_623, %add3A_624 : i32
          %get3A_626 = arith.index_cast %add3A_120 : i32 to index
          %get3A_627 = arith.index_cast %add3A_625 : i32 to index
          %get3A_628 = tpu.vector_load %arg5[%get3A_626, %get3A_627] {strides = array<i32>} : memref<8x2048xf32, #tpu.memory_space<vmem>>, vector<16xf32>,
          %le3A = arith.cmpf ole, %get3A_619, %broadcast_in_dim3A_221 : vector<16xf32>
          %le3A_629 = arith.cmpf ole, %get3A_628, %broadcast_in_dim3A_221 : vector<16xf32>
          %swap3A_630 = arith.index_cast %scan3A_606 : i32 to index
          %swap3A_631 = tpu.vector_load %arg7[%swap3A_630] masked %le3A {strides = array<i32>} : memref<2064xi32, #tpu.memory_space<vmem>>, vector<16xi32>, vector<16xi1>
          tpu.vector_store %arg7[%swap3A_630], %add3A_613 masked %le3A {strides = array<i32>} : memref<2064xi32, #tpu.memory_space<vmem>>, vector<16xi32>, vector<16xi1>
          %add3A_632 = arith.constant 1024 : i32
          %add3A_633 = arith.addi %add3A_632, %scan3A_608 : i32
          %add3A_634 = arith.constant 1024 : i32
          %add3A_635 = vector.broadcast %add3A_634 : i32 to vector<16xi32>
          %add3A_636 = arith.addi %add3A_613, %add3A_635 : vector<16xi32>
          %swap3A_637 = arith.index_cast %add3A_633 : i32 to index
          %swap3A_638 = tpu.vector_load %arg7[%swap3A_637] masked %le3A_629 {strides = array<i32>} : memref<2064xi32, #tpu.memory_space<vmem>>, vector<16xi32>, vector<16xi1>
          tpu.vector_store %arg7[%swap3A_637], %add3A_636 masked %le3A_629 {strides = array<i32>} : memref<2064xi32, #tpu.memory_space<vmem>>, vector<16xi32>, vector<16xi1>
          %all_reduce_population_count3A = tpu.all_reduce %le3A {dim = 0 : i64, kind = #tpu.reduction_kind<sum>} : vector<16xi1> -> vector<16xi32>
          %slice3A = vector.extract_strided_slice %all_reduce_population_count3A {offsets = [0], sizes = [1], strides = [1]} : vector<16xi32> to vector<1xi32>
          %squeeze3A = vector.extract %slice3A[0] : i32 from vector<1xi32>
          %add3A_639 = arith.addi %scan3A_606, %squeeze3A : i32
          %all_reduce_population_count3A_640 = tpu.all_reduce %le3A_629 {dim = 0 : i64, kind = #tpu.reduction_kind<sum>} : vector<16xi1> -> vector<16xi32>
          %slice3A_641 = vector.extract_strided_slice %all_reduce_population_count3A_640 {offsets = [0], sizes = [1], strides = [1]} : vector<16xi32> to vector<1xi32>
          %squeeze3A_642 = vector.extract %slice3A_641[0] : i32 from vector<1xi32>
          %add3A_643 = arith.addi %scan3A_608, %squeeze3A_642 : i32
          %mul3A_644 = arith.constant 32 : i32
          %mul3A_645 = arith.muli %mul3A_644, %scan3A_605 : i32
          %add3A_646 = arith.constant 0 : i32
          %add3A_647 = arith.addi %mul3A_645, %add3A_646 : i32
          %get3A_648 = arith.index_cast %add3A_124 : i32 to index
          %get3A_649 = arith.index_cast %add3A_647 : i32 to index
          %get3A_650 = tpu.vector_load %arg5[%get3A_648, %get3A_649] {strides = array<i32>} : memref<8x2048xf32, #tpu.memory_space<vmem>>, vector<16xf32>,
          %mul3A_651 = arith.constant 32 : i32
          %mul3A_652 = arith.muli %mul3A_651, %scan3A_605 : i32
          %add3A_653 = arith.constant 1024 : i32
          %add3A_654 = arith.addi %add3A_653, %mul3A_652 : i32
          %add3A_655 = arith.constant 0 : i32
          %add3A_656 = arith.addi %add3A_654, %add3A_655 : i32
          %get3A_657 = arith.index_cast %add3A_124 : i32 to index
          %get3A_658 = arith.index_cast %add3A_656 : i32 to index
          %get3A_659 = tpu.vector_load %arg5[%get3A_657, %get3A_658] {strides = array<i32>} : memref<8x2048xf32, #tpu.memory_space<vmem>>, vector<16xf32>,
          %le3A_660 = arith.cmpf ole, %get3A_650, %broadcast_in_dim3A_305 : vector<16xf32>
          %le3A_661 = arith.cmpf ole, %get3A_659, %broadcast_in_dim3A_305 : vector<16xf32>
          %swap3A_662 = arith.index_cast %scan3A_607 : i32 to index
          %swap3A_663 = tpu.vector_load %arg8[%swap3A_662] masked %le3A_660 {strides = array<i32>} : memref<2064xi32, #tpu.memory_space<vmem>>, vector<16xi32>, vector<16xi1>
          tpu.vector_store %arg8[%swap3A_662], %add3A_613 masked %le3A_660 {strides = array<i32>} : memref<2064xi32, #tpu.memory_space<vmem>>, vector<16xi32>, vector<16xi1>
          %add3A_664 = arith.constant 1024 : i32
          %add3A_665 = arith.addi %add3A_664, %scan3A_609 : i32
          %add3A_666 = arith.constant 1024 : i32
          %add3A_667 = vector.broadcast %add3A_666 : i32 to vector<16xi32>
          %add3A_668 = arith.addi %add3A_613, %add3A_667 : vector<16xi32>
          %swap3A_669 = arith.index_cast %add3A_665 : i32 to index
          %swap3A_670 = tpu.vector_load %arg8[%swap3A_669] masked %le3A_661 {strides = array<i32>} : memref<2064xi32, #tpu.memory_space<vmem>>, vector<16xi32>, vector<16xi1>
          tpu.vector_store %arg8[%swap3A_669], %add3A_668 masked %le3A_661 {strides = array<i32>} : memref<2064xi32, #tpu.memory_space<vmem>>, vector<16xi32>, vector<16xi1>
          %all_reduce_population_count3A_671 = tpu.all_reduce %le3A_660 {dim = 0 : i64, kind = #tpu.reduction_kind<sum>} : vector<16xi1> -> vector<16xi32>
          %slice3A_672 = vector.extract_strided_slice %all_reduce_population_count3A_671 {offsets = [0], sizes = [1], strides = [1]} : vector<16xi32> to vector<1xi32>
          %squeeze3A_673 = vector.extract %slice3A_672[0] : i32 from vector<1xi32>
          %add3A_674 = arith.addi %scan3A_607, %squeeze3A_673 : i32
          %all_reduce_population_count3A_675 = tpu.all_reduce %le3A_661 {dim = 0 : i64, kind = #tpu.reduction_kind<sum>} : vector<16xi1> -> vector<16xi32>
          %slice3A_676 = vector.extract_strided_slice %all_reduce_population_count3A_675 {offsets = [0], sizes = [1], strides = [1]} : vector<16xi32> to vector<1xi32>
          %squeeze3A_677 = vector.extract %slice3A_676[0] : i32 from vector<1xi32>
          %add3A_678 = arith.addi %scan3A_609, %squeeze3A_677 : i32
          %add3A_679 = arith.constant 16 : i32
          %add3A_680 = vector.broadcast %add3A_679 : i32 to vector<16xi32>
          %add3A_681 = arith.addi %scan3A_610, %add3A_680 : vector<16xi32>
          %mul3A_682 = arith.constant 32 : i32
          %mul3A_683 = arith.muli %mul3A_682, %scan3A_605 : i32
          %add3A_684 = arith.constant 16 : i32
          %add3A_685 = arith.addi %mul3A_683, %add3A_684 : i32
          %get3A_686 = arith.index_cast %add3A_120 : i32 to index
          %get3A_687 = arith.index_cast %add3A_685 : i32 to index
          %get3A_688 = tpu.vector_load %arg5[%get3A_686, %get3A_687] {strides = array<i32>} : memref<8x2048xf32, #tpu.memory_space<vmem>>, vector<16xf32>,
          %mul3A_689 = arith.constant 32 : i32
          %mul3A_690 = arith.muli %mul3A_689, %scan3A_605 : i32
          %add3A_691 = arith.constant 1024 : i32
          %add3A_692 = arith.addi %add3A_691, %mul3A_690 : i32
          %add3A_693 = arith.constant 16 : i32
          %add3A_694 = arith.addi %add3A_692, %add3A_693 : i32
          %get3A_695 = arith.index_cast %add3A_120 : i32 to index
          %get3A_696 = arith.index_cast %add3A_694 : i32 to index
          %get3A_697 = tpu.vector_load %arg5[%get3A_695, %get3A_696] {strides = array<i32>} : memref<8x2048xf32, #tpu.memory_space<vmem>>, vector<16xf32>,
          %le3A_698 = arith.cmpf ole, %get3A_688, %broadcast_in_dim3A_221 : vector<16xf32>
          %le3A_699 = arith.cmpf ole, %get3A_697, %broadcast_in_dim3A_221 : vector<16xf32>
          %swap3A_700 = arith.index_cast %add3A_639 : i32 to index
          %swap3A_701 = tpu.vector_load %arg7[%swap3A_700] masked %le3A_698 {strides = array<i32>} : memref<2064xi32, #tpu.memory_space<vmem>>, vector<16xi32>, vector<16xi1>
          tpu.vector_store %arg7[%swap3A_700], %add3A_681 masked %le3A_698 {strides = array<i32>} : memref<2064xi32, #tpu.memory_space<vmem>>, vector<16xi32>, vector<16xi1>
          %add3A_702 = arith.constant 1024 : i32
          %add3A_703 = arith.addi %add3A_702, %add3A_643 : i32
          %add3A_704 = arith.constant 1024 : i32
          %add3A_705 = vector.broadcast %add3A_704 : i32 to vector<16xi32>
          %add3A_706 = arith.addi %add3A_681, %add3A_705 : vector<16xi32>
          %swap3A_707 = arith.index_cast %add3A_703 : i32 to index
          %swap3A_708 = tpu.vector_load %arg7[%swap3A_707] masked %le3A_699 {strides = array<i32>} : memref<2064xi32, #tpu.memory_space<vmem>>, vector<16xi32>, vector<16xi1>
          tpu.vector_store %arg7[%swap3A_707], %add3A_706 masked %le3A_699 {strides = array<i32>} : memref<2064xi32, #tpu.memory_space<vmem>>, vector<16xi32>, vector<16xi1>
          %all_reduce_population_count3A_709 = tpu.all_reduce %le3A_698 {dim = 0 : i64, kind = #tpu.reduction_kind<sum>} : vector<16xi1> -> vector<16xi32>
          %slice3A_710 = vector.extract_strided_slice %all_reduce_population_count3A_709 {offsets = [0], sizes = [1], strides = [1]} : vector<16xi32> to vector<1xi32>
          %squeeze3A_711 = vector.extract %slice3A_710[0] : i32 from vector<1xi32>
          %add3A_712 = arith.addi %add3A_639, %squeeze3A_711 : i32
          %all_reduce_population_count3A_713 = tpu.all_reduce %le3A_699 {dim = 0 : i64, kind = #tpu.reduction_kind<sum>} : vector<16xi1> -> vector<16xi32>
          %slice3A_714 = vector.extract_strided_slice %all_reduce_population_count3A_713 {offsets = [0], sizes = [1], strides = [1]} : vector<16xi32> to vector<1xi32>
          %squeeze3A_715 = vector.extract %slice3A_714[0] : i32 from vector<1xi32>
          %add3A_716 = arith.addi %add3A_643, %squeeze3A_715 : i32
          %mul3A_717 = arith.constant 32 : i32
          %mul3A_718 = arith.muli %mul3A_717, %scan3A_605 : i32
          %add3A_719 = arith.constant 16 : i32
          %add3A_720 = arith.addi %mul3A_718, %add3A_719 : i32
          %get3A_721 = arith.index_cast %add3A_124 : i32 to index
          %get3A_722 = arith.index_cast %add3A_720 : i32 to index
          %get3A_723 = tpu.vector_load %arg5[%get3A_721, %get3A_722] {strides = array<i32>} : memref<8x2048xf32, #tpu.memory_space<vmem>>, vector<16xf32>,
          %mul3A_724 = arith.constant 32 : i32
          %mul3A_725 = arith.muli %mul3A_724, %scan3A_605 : i32
          %add3A_726 = arith.constant 1024 : i32
          %add3A_727 = arith.addi %add3A_726, %mul3A_725 : i32
          %add3A_728 = arith.constant 16 : i32
          %add3A_729 = arith.addi %add3A_727, %add3A_728 : i32
          %get3A_730 = arith.index_cast %add3A_124 : i32 to index
          %get3A_731 = arith.index_cast %add3A_729 : i32 to index
          %get3A_732 = tpu.vector_load %arg5[%get3A_730, %get3A_731] {strides = array<i32>} : memref<8x2048xf32, #tpu.memory_space<vmem>>, vector<16xf32>,
          %le3A_733 = arith.cmpf ole, %get3A_723, %broadcast_in_dim3A_305 : vector<16xf32>
          %le3A_734 = arith.cmpf ole, %get3A_732, %broadcast_in_dim3A_305 : vector<16xf32>
          %swap3A_735 = arith.index_cast %add3A_674 : i32 to index
          %swap3A_736 = tpu.vector_load %arg8[%swap3A_735] masked %le3A_733 {strides = array<i32>} : memref<2064xi32, #tpu.memory_space<vmem>>, vector<16xi32>, vector<16xi1>
          tpu.vector_store %arg8[%swap3A_735], %add3A_681 masked %le3A_733 {strides = array<i32>} : memref<2064xi32, #tpu.memory_space<vmem>>, vector<16xi32>, vector<16xi1>
          %add3A_737 = arith.constant 1024 : i32
          %add3A_738 = arith.addi %add3A_737, %add3A_678 : i32
          %add3A_739 = arith.constant 1024 : i32
          %add3A_740 = vector.broadcast %add3A_739 : i32 to vector<16xi32>
          %add3A_741 = arith.addi %add3A_681, %add3A_740 : vector<16xi32>
          %swap3A_742 = arith.index_cast %add3A_738 : i32 to index
          %swap3A_743 = tpu.vector_load %arg8[%swap3A_742] masked %le3A_734 {strides = array<i32>} : memref<2064xi32, #tpu.memory_space<vmem>>, vector<16xi32>, vector<16xi1>
          tpu.vector_store %arg8[%swap3A_742], %add3A_741 masked %le3A_734 {strides = array<i32>} : memref<2064xi32, #tpu.memory_space<vmem>>, vector<16xi32>, vector<16xi1>
          %all_reduce_population_count3A_744 = tpu.all_reduce %le3A_733 {dim = 0 : i64, kind = #tpu.reduction_kind<sum>} : vector<16xi1> -> vector<16xi32>
          %slice3A_745 = vector.extract_strided_slice %all_reduce_population_count3A_744 {offsets = [0], sizes = [1], strides = [1]} : vector<16xi32> to vector<1xi32>
          %squeeze3A_746 = vector.extract %slice3A_745[0] : i32 from vector<1xi32>
          %add3A_747 = arith.addi %add3A_674, %squeeze3A_746 : i32
          %all_reduce_population_count3A_748 = tpu.all_reduce %le3A_734 {dim = 0 : i64, kind = #tpu.reduction_kind<sum>} : vector<16xi1> -> vector<16xi32>
          %slice3A_749 = vector.extract_strided_slice %all_reduce_population_count3A_748 {offsets = [0], sizes = [1], strides = [1]} : vector<16xi32> to vector<1xi32>
          %squeeze3A_750 = vector.extract %slice3A_749[0] : i32 from vector<1xi32>
          %add3A_751 = arith.addi %add3A_678, %squeeze3A_750 : i32
          %add3A_752 = arith.constant 32 : i32
          %add3A_753 = vector.broadcast %add3A_752 : i32 to vector<16xi32>
          %add3A_754 = arith.addi %scan3A_610, %add3A_753 : vector<16xi32>
          scf.yield %add3A_712, %add3A_747, %add3A_716, %add3A_751, %add3A_754 : i32, i32, i32, i32, vector<16xi32>
        }
        %scan3A_484 = arith.constant 32 : i32
        %iota3A_485 = tpu.iota {dimensions = array<i32: 0>} : vector<16xi32>
        %scan3A_486 = arith.constant 0 : i32
        %scan3A_487 = arith.constant 0 : i32
        %scan3A_488 = arith.constant 0 : i32
        %scan3A_489 = arith.constant 0 : i32
        %scan3A_490 = arith.constant 0 : i32
        %scan3A_491 = arith.constant 32 : i32
        %scan3A_492 = arith.addi %scan3A_490, %scan3A_491 : i32
        %scan3A_493 = arith.constant 1 : i32
        %scan3A_494:5 = scf.for %scan3A_605 = %scan3A_490 to %scan3A_492 step %scan3A_493 iter_args(%scan3A_606 = %scan3A_486, %scan3A_607 = %scan3A_487, %scan3A_608 = %scan3A_488, %scan3A_609 = %scan3A_489, %scan3A_610 = %iota3A_485) -> (i32, i32, i32, i32, vector<16xi32>)  : i32 {
          %add3A_611 = arith.constant 0 : i32
          %add3A_612 = vector.broadcast %add3A_611 : i32 to vector<16xi32>
          %add3A_613 = arith.addi %scan3A_610, %add3A_612 : vector<16xi32>
          %mul3A_614 = arith.constant 32 : i32
          %mul3A_615 = arith.muli %mul3A_614, %scan3A_605 : i32
          %add3A_616 = arith.constant 0 : i32
          %add3A_617 = arith.addi %mul3A_615, %add3A_616 : i32
          %get3A = arith.index_cast %add3A_128 : i32 to index
          %get3A_618 = arith.index_cast %add3A_617 : i32 to index
          %get3A_619 = tpu.vector_load %arg5[%get3A, %get3A_618] {strides = array<i32>} : memref<8x2048xf32, #tpu.memory_space<vmem>>, vector<16xf32>,
          %mul3A_620 = arith.constant 32 : i32
          %mul3A_621 = arith.muli %mul3A_620, %scan3A_605 : i32
          %add3A_622 = arith.constant 1024 : i32
          %add3A_623 = arith.addi %add3A_622, %mul3A_621 : i32
          %add3A_624 = arith.constant 0 : i32
          %add3A_625 = arith.addi %add3A_623, %add3A_624 : i32
          %get3A_626 = arith.index_cast %add3A_128 : i32 to index
          %get3A_627 = arith.index_cast %add3A_625 : i32 to index
          %get3A_628 = tpu.vector_load %arg5[%get3A_626, %get3A_627] {strides = array<i32>} : memref<8x2048xf32, #tpu.memory_space<vmem>>, vector<16xf32>,
          %le3A = arith.cmpf ole, %get3A_619, %broadcast_in_dim3A_389 : vector<16xf32>
          %le3A_629 = arith.cmpf ole, %get3A_628, %broadcast_in_dim3A_389 : vector<16xf32>
          %swap3A_630 = arith.index_cast %scan3A_606 : i32 to index
          %swap3A_631 = tpu.vector_load %arg9[%swap3A_630] masked %le3A {strides = array<i32>} : memref<2064xi32, #tpu.memory_space<vmem>>, vector<16xi32>, vector<16xi1>
          tpu.vector_store %arg9[%swap3A_630], %add3A_613 masked %le3A {strides = array<i32>} : memref<2064xi32, #tpu.memory_space<vmem>>, vector<16xi32>, vector<16xi1>
          %add3A_632 = arith.constant 1024 : i32
          %add3A_633 = arith.addi %add3A_632, %scan3A_608 : i32
          %add3A_634 = arith.constant 1024 : i32
          %add3A_635 = vector.broadcast %add3A_634 : i32 to vector<16xi32>
          %add3A_636 = arith.addi %add3A_613, %add3A_635 : vector<16xi32>
          %swap3A_637 = arith.index_cast %add3A_633 : i32 to index
          %swap3A_638 = tpu.vector_load %arg9[%swap3A_637] masked %le3A_629 {strides = array<i32>} : memref<2064xi32, #tpu.memory_space<vmem>>, vector<16xi32>, vector<16xi1>
          tpu.vector_store %arg9[%swap3A_637], %add3A_636 masked %le3A_629 {strides = array<i32>} : memref<2064xi32, #tpu.memory_space<vmem>>, vector<16xi32>, vector<16xi1>
          %all_reduce_population_count3A = tpu.all_reduce %le3A {dim = 0 : i64, kind = #tpu.reduction_kind<sum>} : vector<16xi1> -> vector<16xi32>
          %slice3A = vector.extract_strided_slice %all_reduce_population_count3A {offsets = [0], sizes = [1], strides = [1]} : vector<16xi32> to vector<1xi32>
          %squeeze3A = vector.extract %slice3A[0] : i32 from vector<1xi32>
          %add3A_639 = arith.addi %scan3A_606, %squeeze3A : i32
          %all_reduce_population_count3A_640 = tpu.all_reduce %le3A_629 {dim = 0 : i64, kind = #tpu.reduction_kind<sum>} : vector<16xi1> -> vector<16xi32>
          %slice3A_641 = vector.extract_strided_slice %all_reduce_population_count3A_640 {offsets = [0], sizes = [1], strides = [1]} : vector<16xi32> to vector<1xi32>
          %squeeze3A_642 = vector.extract %slice3A_641[0] : i32 from vector<1xi32>
          %add3A_643 = arith.addi %scan3A_608, %squeeze3A_642 : i32
          %mul3A_644 = arith.constant 32 : i32
          %mul3A_645 = arith.muli %mul3A_644, %scan3A_605 : i32
          %add3A_646 = arith.constant 0 : i32
          %add3A_647 = arith.addi %mul3A_645, %add3A_646 : i32
          %get3A_648 = arith.index_cast %add3A_132 : i32 to index
          %get3A_649 = arith.index_cast %add3A_647 : i32 to index
          %get3A_650 = tpu.vector_load %arg5[%get3A_648, %get3A_649] {strides = array<i32>} : memref<8x2048xf32, #tpu.memory_space<vmem>>, vector<16xf32>,
          %mul3A_651 = arith.constant 32 : i32
          %mul3A_652 = arith.muli %mul3A_651, %scan3A_605 : i32
          %add3A_653 = arith.constant 1024 : i32
          %add3A_654 = arith.addi %add3A_653, %mul3A_652 : i32
          %add3A_655 = arith.constant 0 : i32
          %add3A_656 = arith.addi %add3A_654, %add3A_655 : i32
          %get3A_657 = arith.index_cast %add3A_132 : i32 to index
          %get3A_658 = arith.index_cast %add3A_656 : i32 to index
          %get3A_659 = tpu.vector_load %arg5[%get3A_657, %get3A_658] {strides = array<i32>} : memref<8x2048xf32, #tpu.memory_space<vmem>>, vector<16xf32>,
          %le3A_660 = arith.cmpf ole, %get3A_650, %broadcast_in_dim3A_473 : vector<16xf32>
          %le3A_661 = arith.cmpf ole, %get3A_659, %broadcast_in_dim3A_473 : vector<16xf32>
          %swap3A_662 = arith.index_cast %scan3A_607 : i32 to index
          %swap3A_663 = tpu.vector_load %arg10[%swap3A_662] masked %le3A_660 {strides = array<i32>} : memref<2064xi32, #tpu.memory_space<vmem>>, vector<16xi32>, vector<16xi1>
          tpu.vector_store %arg10[%swap3A_662], %add3A_613 masked %le3A_660 {strides = array<i32>} : memref<2064xi32, #tpu.memory_space<vmem>>, vector<16xi32>, vector<16xi1>
          %add3A_664 = arith.constant 1024 : i32
          %add3A_665 = arith.addi %add3A_664, %scan3A_609 : i32
          %add3A_666 = arith.constant 1024 : i32
          %add3A_667 = vector.broadcast %add3A_666 : i32 to vector<16xi32>
          %add3A_668 = arith.addi %add3A_613, %add3A_667 : vector<16xi32>
          %swap3A_669 = arith.index_cast %add3A_665 : i32 to index
          %swap3A_670 = tpu.vector_load %arg10[%swap3A_669] masked %le3A_661 {strides = array<i32>} : memref<2064xi32, #tpu.memory_space<vmem>>, vector<16xi32>, vector<16xi1>
          tpu.vector_store %arg10[%swap3A_669], %add3A_668 masked %le3A_661 {strides = array<i32>} : memref<2064xi32, #tpu.memory_space<vmem>>, vector<16xi32>, vector<16xi1>
          %all_reduce_population_count3A_671 = tpu.all_reduce %le3A_660 {dim = 0 : i64, kind = #tpu.reduction_kind<sum>} : vector<16xi1> -> vector<16xi32>
          %slice3A_672 = vector.extract_strided_slice %all_reduce_population_count3A_671 {offsets = [0], sizes = [1], strides = [1]} : vector<16xi32> to vector<1xi32>
          %squeeze3A_673 = vector.extract %slice3A_672[0] : i32 from vector<1xi32>
          %add3A_674 = arith.addi %scan3A_607, %squeeze3A_673 : i32
          %all_reduce_population_count3A_675 = tpu.all_reduce %le3A_661 {dim = 0 : i64, kind = #tpu.reduction_kind<sum>} : vector<16xi1> -> vector<16xi32>
          %slice3A_676 = vector.extract_strided_slice %all_reduce_population_count3A_675 {offsets = [0], sizes = [1], strides = [1]} : vector<16xi32> to vector<1xi32>
          %squeeze3A_677 = vector.extract %slice3A_676[0] : i32 from vector<1xi32>
          %add3A_678 = arith.addi %scan3A_609, %squeeze3A_677 : i32
          %add3A_679 = arith.constant 16 : i32
          %add3A_680 = vector.broadcast %add3A_679 : i32 to vector<16xi32>
          %add3A_681 = arith.addi %scan3A_610, %add3A_680 : vector<16xi32>
          %mul3A_682 = arith.constant 32 : i32
          %mul3A_683 = arith.muli %mul3A_682, %scan3A_605 : i32
          %add3A_684 = arith.constant 16 : i32
          %add3A_685 = arith.addi %mul3A_683, %add3A_684 : i32
          %get3A_686 = arith.index_cast %add3A_128 : i32 to index
          %get3A_687 = arith.index_cast %add3A_685 : i32 to index
          %get3A_688 = tpu.vector_load %arg5[%get3A_686, %get3A_687] {strides = array<i32>} : memref<8x2048xf32, #tpu.memory_space<vmem>>, vector<16xf32>,
          %mul3A_689 = arith.constant 32 : i32
          %mul3A_690 = arith.muli %mul3A_689, %scan3A_605 : i32
          %add3A_691 = arith.constant 1024 : i32
          %add3A_692 = arith.addi %add3A_691, %mul3A_690 : i32
          %add3A_693 = arith.constant 16 : i32
          %add3A_694 = arith.addi %add3A_692, %add3A_693 : i32
          %get3A_695 = arith.index_cast %add3A_128 : i32 to index
          %get3A_696 = arith.index_cast %add3A_694 : i32 to index
          %get3A_697 = tpu.vector_load %arg5[%get3A_695, %get3A_696] {strides = array<i32>} : memref<8x2048xf32, #tpu.memory_space<vmem>>, vector<16xf32>,
          %le3A_698 = arith.cmpf ole, %get3A_688, %broadcast_in_dim3A_389 : vector<16xf32>
          %le3A_699 = arith.cmpf ole, %get3A_697, %broadcast_in_dim3A_389 : vector<16xf32>
          %swap3A_700 = arith.index_cast %add3A_639 : i32 to index
          %swap3A_701 = tpu.vector_load %arg9[%swap3A_700] masked %le3A_698 {strides = array<i32>} : memref<2064xi32, #tpu.memory_space<vmem>>, vector<16xi32>, vector<16xi1>
          tpu.vector_store %arg9[%swap3A_700], %add3A_681 masked %le3A_698 {strides = array<i32>} : memref<2064xi32, #tpu.memory_space<vmem>>, vector<16xi32>, vector<16xi1>
          %add3A_702 = arith.constant 1024 : i32
          %add3A_703 = arith.addi %add3A_702, %add3A_643 : i32
          %add3A_704 = arith.constant 1024 : i32
          %add3A_705 = vector.broadcast %add3A_704 : i32 to vector<16xi32>
          %add3A_706 = arith.addi %add3A_681, %add3A_705 : vector<16xi32>
          %swap3A_707 = arith.index_cast %add3A_703 : i32 to index
          %swap3A_708 = tpu.vector_load %arg9[%swap3A_707] masked %le3A_699 {strides = array<i32>} : memref<2064xi32, #tpu.memory_space<vmem>>, vector<16xi32>, vector<16xi1>
          tpu.vector_store %arg9[%swap3A_707], %add3A_706 masked %le3A_699 {strides = array<i32>} : memref<2064xi32, #tpu.memory_space<vmem>>, vector<16xi32>, vector<16xi1>
          %all_reduce_population_count3A_709 = tpu.all_reduce %le3A_698 {dim = 0 : i64, kind = #tpu.reduction_kind<sum>} : vector<16xi1> -> vector<16xi32>
          %slice3A_710 = vector.extract_strided_slice %all_reduce_population_count3A_709 {offsets = [0], sizes = [1], strides = [1]} : vector<16xi32> to vector<1xi32>
          %squeeze3A_711 = vector.extract %slice3A_710[0] : i32 from vector<1xi32>
          %add3A_712 = arith.addi %add3A_639, %squeeze3A_711 : i32
          %all_reduce_population_count3A_713 = tpu.all_reduce %le3A_699 {dim = 0 : i64, kind = #tpu.reduction_kind<sum>} : vector<16xi1> -> vector<16xi32>
          %slice3A_714 = vector.extract_strided_slice %all_reduce_population_count3A_713 {offsets = [0], sizes = [1], strides = [1]} : vector<16xi32> to vector<1xi32>
          %squeeze3A_715 = vector.extract %slice3A_714[0] : i32 from vector<1xi32>
          %add3A_716 = arith.addi %add3A_643, %squeeze3A_715 : i32
          %mul3A_717 = arith.constant 32 : i32
          %mul3A_718 = arith.muli %mul3A_717, %scan3A_605 : i32
          %add3A_719 = arith.constant 16 : i32
          %add3A_720 = arith.addi %mul3A_718, %add3A_719 : i32
          %get3A_721 = arith.index_cast %add3A_132 : i32 to index
          %get3A_722 = arith.index_cast %add3A_720 : i32 to index
          %get3A_723 = tpu.vector_load %arg5[%get3A_721, %get3A_722] {strides = array<i32>} : memref<8x2048xf32, #tpu.memory_space<vmem>>, vector<16xf32>,
          %mul3A_724 = arith.constant 32 : i32
          %mul3A_725 = arith.muli %mul3A_724, %scan3A_605 : i32
          %add3A_726 = arith.constant 1024 : i32
          %add3A_727 = arith.addi %add3A_726, %mul3A_725 : i32
          %add3A_728 = arith.constant 16 : i32
          %add3A_729 = arith.addi %add3A_727, %add3A_728 : i32
          %get3A_730 = arith.index_cast %add3A_132 : i32 to index
          %get3A_731 = arith.index_cast %add3A_729 : i32 to index
          %get3A_732 = tpu.vector_load %arg5[%get3A_730, %get3A_731] {strides = array<i32>} : memref<8x2048xf32, #tpu.memory_space<vmem>>, vector<16xf32>,
          %le3A_733 = arith.cmpf ole, %get3A_723, %broadcast_in_dim3A_473 : vector<16xf32>
          %le3A_734 = arith.cmpf ole, %get3A_732, %broadcast_in_dim3A_473 : vector<16xf32>
          %swap3A_735 = arith.index_cast %add3A_674 : i32 to index
          %swap3A_736 = tpu.vector_load %arg10[%swap3A_735] masked %le3A_733 {strides = array<i32>} : memref<2064xi32, #tpu.memory_space<vmem>>, vector<16xi32>, vector<16xi1>
          tpu.vector_store %arg10[%swap3A_735], %add3A_681 masked %le3A_733 {strides = array<i32>} : memref<2064xi32, #tpu.memory_space<vmem>>, vector<16xi32>, vector<16xi1>
          %add3A_737 = arith.constant 1024 : i32
          %add3A_738 = arith.addi %add3A_737, %add3A_678 : i32
          %add3A_739 = arith.constant 1024 : i32
          %add3A_740 = vector.broadcast %add3A_739 : i32 to vector<16xi32>
          %add3A_741 = arith.addi %add3A_681, %add3A_740 : vector<16xi32>
          %swap3A_742 = arith.index_cast %add3A_738 : i32 to index
          %swap3A_743 = tpu.vector_load %arg10[%swap3A_742] masked %le3A_734 {strides = array<i32>} : memref<2064xi32, #tpu.memory_space<vmem>>, vector<16xi32>, vector<16xi1>
          tpu.vector_store %arg10[%swap3A_742], %add3A_741 masked %le3A_734 {strides = array<i32>} : memref<2064xi32, #tpu.memory_space<vmem>>, vector<16xi32>, vector<16xi1>
          %all_reduce_population_count3A_744 = tpu.all_reduce %le3A_733 {dim = 0 : i64, kind = #tpu.reduction_kind<sum>} : vector<16xi1> -> vector<16xi32>
          %slice3A_745 = vector.extract_strided_slice %all_reduce_population_count3A_744 {offsets = [0], sizes = [1], strides = [1]} : vector<16xi32> to vector<1xi32>
          %squeeze3A_746 = vector.extract %slice3A_745[0] : i32 from vector<1xi32>
          %add3A_747 = arith.addi %add3A_674, %squeeze3A_746 : i32
          %all_reduce_population_count3A_748 = tpu.all_reduce %le3A_734 {dim = 0 : i64, kind = #tpu.reduction_kind<sum>} : vector<16xi1> -> vector<16xi32>
          %slice3A_749 = vector.extract_strided_slice %all_reduce_population_count3A_748 {offsets = [0], sizes = [1], strides = [1]} : vector<16xi32> to vector<1xi32>
          %squeeze3A_750 = vector.extract %slice3A_749[0] : i32 from vector<1xi32>
          %add3A_751 = arith.addi %add3A_678, %squeeze3A_750 : i32
          %add3A_752 = arith.constant 32 : i32
          %add3A_753 = vector.broadcast %add3A_752 : i32 to vector<16xi32>
          %add3A_754 = arith.addi %scan3A_610, %add3A_753 : vector<16xi32>
          scf.yield %add3A_712, %add3A_747, %add3A_716, %add3A_751, %add3A_754 : i32, i32, i32, i32, vector<16xi32>
        }
        %scan3A_495 = arith.constant 32 : i32
        %broadcast_in_dim3A_496 = arith.constant 0 : i32
        %broadcast_in_dim3A_497 = vector.broadcast %broadcast_in_dim3A_496 : i32 to vector<16xi32>
        %add3A_498 = arith.constant 15 : i32
        %add3A_499 = arith.addi %scan3A_483#0, %add3A_498 : i32
        %shift_right_arithmetic3A = arith.constant 4 : i32
        %shift_right_arithmetic3A_500 = arith.shrsi %add3A_499, %shift_right_arithmetic3A : i32
        %add3A_501 = arith.constant 15 : i32
        %add3A_502 = arith.addi %scan3A_483#1, %add3A_501 : i32
        %shift_right_arithmetic3A_503 = arith.constant 4 : i32
        %shift_right_arithmetic3A_504 = arith.shrsi %add3A_502, %shift_right_arithmetic3A_503 : i32
        %add3A_505 = arith.constant 15 : i32
        %add3A_506 = arith.addi %scan3A_494#0, %add3A_505 : i32
        %shift_right_arithmetic3A_507 = arith.constant 4 : i32
        %shift_right_arithmetic3A_508 = arith.shrsi %add3A_506, %shift_right_arithmetic3A_507 : i32
        %add3A_509 = arith.constant 15 : i32
        %add3A_510 = arith.addi %scan3A_494#1, %add3A_509 : i32
        %shift_right_arithmetic3A_511 = arith.constant 4 : i32
        %shift_right_arithmetic3A_512 = arith.shrsi %add3A_510, %shift_right_arithmetic3A_511 : i32
        %add3A_513 = arith.constant 15 : i32
        %add3A_514 = arith.addi %scan3A_483#2, %add3A_513 : i32
        %shift_right_arithmetic3A_515 = arith.constant 4 : i32
        %shift_right_arithmetic3A_516 = arith.shrsi %add3A_514, %shift_right_arithmetic3A_515 : i32
        %add3A_517 = arith.constant 15 : i32
        %add3A_518 = arith.addi %scan3A_483#3, %add3A_517 : i32
        %shift_right_arithmetic3A_519 = arith.constant 4 : i32
        %shift_right_arithmetic3A_520 = arith.shrsi %add3A_518, %shift_right_arithmetic3A_519 : i32
        %add3A_521 = arith.constant 15 : i32
        %add3A_522 = arith.addi %scan3A_494#2, %add3A_521 : i32
        %shift_right_arithmetic3A_523 = arith.constant 4 : i32
        %shift_right_arithmetic3A_524 = arith.shrsi %add3A_522, %shift_right_arithmetic3A_523 : i32
        %add3A_525 = arith.constant 15 : i32
        %add3A_526 = arith.addi %scan3A_494#3, %add3A_525 : i32
        %shift_right_arithmetic3A_527 = arith.constant 4 : i32
        %shift_right_arithmetic3A_528 = arith.shrsi %add3A_526, %shift_right_arithmetic3A_527 : i32
        %add3A_529 = arith.addi %shift_right_arithmetic3A_500, %shift_right_arithmetic3A_516 : i32
        %add3A_530 = arith.addi %shift_right_arithmetic3A_504, %shift_right_arithmetic3A_520 : i32
        %max3A_531 = arith.maxsi %add3A_529, %add3A_530 : i32
        %add3A_532 = arith.addi %shift_right_arithmetic3A_508, %shift_right_arithmetic3A_524 : i32
        %max3A_533 = arith.maxsi %max3A_531, %add3A_532 : i32
        %add3A_534 = arith.addi %shift_right_arithmetic3A_512, %shift_right_arithmetic3A_528 : i32
        %max3A_535 = arith.maxsi %max3A_533, %add3A_534 : i32
        %while3A = arith.constant 0 : i32
        %while3A_536 = arith.subi %max3A_535, %while3A : i32
        %while3A_537 = arith.addi %while3A, %while3A_536 : i32
        %while3A_538 = arith.constant 1 : i32
        %while3A_539 = arith.divsi %while3A_536, %while3A_538 : i32
        %while3A_540 = arith.muli %while3A_539, %while3A_538 : i32
        %while3A_541 = arith.addi %while3A, %while3A_540 : i32
        %while3A_542 = arith.constant 1 : i32
        %while3A_543:16 = scf.for %while3A_605 = %while3A to %while3A_541 step %while3A_542 iter_args(%while3A_606 = %broadcast_in_dim3A_133, %while3A_607 = %broadcast_in_dim3A_133, %while3A_608 = %broadcast_in_dim3A_497, %while3A_609 = %broadcast_in_dim3A_497, %while3A_610 = %broadcast_in_dim3A_133, %while3A_611 = %broadcast_in_dim3A_133, %while3A_612 = %broadcast_in_dim3A_497, %while3A_613 = %broadcast_in_dim3A_497, %while3A_614 = %broadcast_in_dim3A_133, %while3A_615 = %broadcast_in_dim3A_133, %while3A_616 = %broadcast_in_dim3A_497, %while3A_617 = %broadcast_in_dim3A_497, %while3A_618 = %broadcast_in_dim3A_133, %while3A_619 = %broadcast_in_dim3A_133, %while3A_620 = %broadcast_in_dim3A_497, %while3A_621 = %broadcast_in_dim3A_497) -> (vector<16xf32>, vector<16xf32>, vector<16xi32>, vector<16xi32>, vector<16xf32>, vector<16xf32>, vector<16xi32>, vector<16xi32>, vector<16xf32>, vector<16xf32>, vector<16xi32>, vector<16xi32>, vector<16xf32>, vector<16xf32>, vector<16xi32>, vector<16xi32>)  : i32 {
          %lt3A_622 = arith.cmpi slt, %while3A_605, %shift_right_arithmetic3A_500 : i32
          %sub3A = arith.subi %while3A_605, %shift_right_arithmetic3A_500 : i32
          %mul3A_623 = arith.constant 16 : i32
          %mul3A_624 = arith.muli %mul3A_623, %while3A_605 : i32
          %mul3A_625 = arith.constant 16 : i32
          %mul3A_626 = arith.muli %mul3A_625, %sub3A : i32
          %add3A_627 = arith.constant 1024 : i32
          %add3A_628 = arith.addi %add3A_627, %mul3A_626 : i32
          %select_n3A_629 = arith.select %lt3A_622, %mul3A_624, %add3A_628 : i32
          %min3A_630 = arith.constant 2048 : i32
          %min3A_631 = arith.minsi %select_n3A_629, %min3A_630 : i32
          %iota3A_632 = tpu.iota {dimensions = array<i32: 0>} : vector<16xi32>
          %mul3A_633 = arith.constant 16 : i32
          %mul3A_634 = arith.muli %mul3A_633, %while3A_605 : i32
          %mul3A_635 = arith.constant 16 : i32
          %mul3A_636 = arith.muli %mul3A_635, %sub3A : i32
          %select_n3A_637 = arith.select %lt3A_622, %mul3A_634, %mul3A_636 : i32
          %add3A_638 = vector.broadcast %select_n3A_637 : i32 to vector<16xi32>
          %add3A_639 = arith.addi %iota3A_632, %add3A_638 : vector<16xi32>
          %select_n3A_640 = arith.select %lt3A_622, %scan3A_483#0, %scan3A_483#2 : i32
          %lt3A_641 = vector.broadcast %select_n3A_640 : i32 to vector<16xi32>
          %lt3A_642 = arith.cmpi slt, %add3A_639, %lt3A_641 : vector<16xi32>
          %get3A = arith.index_cast %min3A_631 : i32 to index
          %get3A_643 = tpu.vector_load %arg7[%get3A] {strides = array<i32>} : memref<2064xi32, #tpu.memory_space<vmem>>, vector<16xi32>,
          %jit3A_644 = arith.constant 0 : i32
          %broadcast_in_dim3A_645 = vector.broadcast %jit3A_644 : i32 to vector<16xi32>
          %select_n3A_646 = arith.select %lt3A_642, %get3A_643, %broadcast_in_dim3A_645 : vector<16xi1>, vector<16xi32>
          %broadcast_in_dim3A_647 = vector.broadcast %add3A_120 : i32 to vector<16xi32>
          %gather3A = tpu.vector_load_idx %arg5[%broadcast_in_dim3A_647, %select_n3A_646] : memref<8x2048xf32, #tpu.memory_space<vmem>>[vector<16xi32>, vector<16xi32>], vector<16xf32>,
          %jit3A_648 = arith.constant 0x7F800000 : f32
          %broadcast_in_dim3A_649 = vector.broadcast %jit3A_648 : f32 to vector<16xf32>
          %select_n3A_650 = arith.select %lt3A_642, %gather3A, %broadcast_in_dim3A_649 : vector<16xi1>, vector<16xf32>
          %masked_sort3A_651 = arith.constant dense<true> : vector<16xi1>
          %masked_sort3A_652, %masked_sort3A_653, %masked_sort3A_654 = tpu.sort %select_n3A_650, %select_n3A_646 masked %masked_sort3A_651 : (vector<16xf32>, vector<16xi32>, vector<16xi1>) -> (vector<16xi1>, vector<16xf32>, vector<16xi32>)
          %broadcast_in_dim3A_655 = arith.constant true
          %broadcast_in_dim3A_656 = vector.broadcast %broadcast_in_dim3A_655 : i1 to vector<16xi1>
          %unique3A, %unique3A_657 = tpu.scan_count mask(%broadcast_in_dim3A_656 : vector<16xi1>) value(%masked_sort3A_653 : vector<16xf32>) : vector<16xi1>, vector<16xi32>
          %iota3A_658 = tpu.iota {dimensions = array<i32: 0>} : vector<16xi32>
          %sub3A_659 = arith.subi %iota3A_658, %unique3A_657 : vector<16xi32>
          %mul3A_660 = arith.constant 2048 : i32
          %mul3A_661 = vector.broadcast %mul3A_660 : i32 to vector<16xi32>
          %mul3A_662 = arith.muli %sub3A_659, %mul3A_661 : vector<16xi32>
          %add3A_663 = arith.addi %mul3A_662, %masked_sort3A_654 : vector<16xi32>
          %masked_sort3A_664 = arith.constant dense<true> : vector<16xi1>
          %masked_sort3A_665 = arith.constant -2147483648 : i32
          %masked_sort3A_666 = vector.broadcast %masked_sort3A_665 : i32 to vector<16xi32>
          %masked_sort3A_667 = arith.xori %add3A_663, %masked_sort3A_666 : vector<16xi32>
          %masked_sort3A_668, %masked_sort3A_669, %masked_sort3A_670 = tpu.sort %masked_sort3A_667, %masked_sort3A_654 masked %masked_sort3A_664 : (vector<16xi32>, vector<16xi32>, vector<16xi1>) -> (vector<16xi1>, vector<16xi32>, vector<16xi32>)
          %masked_sort3A_671 = arith.xori %masked_sort3A_669, %masked_sort3A_666 : vector<16xi32>
          %rev3A_672 = arith.constant 15 : i32
          %rev3A_673 = vector.broadcast %rev3A_672 : i32 to vector<16xi32>
          %rev3A_674 = tpu.iota {dimensions = array<i32: 0>} : vector<16xi32>
          %rev3A_675 = arith.subi %rev3A_673, %rev3A_674 : vector<16xi32>
          %rev3A_676 = tpu.dynamic_gather %masked_sort3A_653[%rev3A_675] in [0] : vector<16xf32>, vector<16xi32> -> vector<16xf32>
          %rev3A_677 = arith.constant 15 : i32
          %rev3A_678 = vector.broadcast %rev3A_677 : i32 to vector<16xi32>
          %rev3A_679 = tpu.iota {dimensions = array<i32: 0>} : vector<16xi32>
          %rev3A_680 = arith.subi %rev3A_678, %rev3A_679 : vector<16xi32>
          %rev3A_681 = tpu.dynamic_gather %masked_sort3A_670[%rev3A_680] in [0] : vector<16xi32>, vector<16xi32> -> vector<16xi32>
          %lt3A_682 = arith.cmpf olt, %while3A_607, %rev3A_676 : vector<16xf32>
          %eq3A = arith.cmpf oeq, %while3A_607, %rev3A_676 : vector<16xf32>
          %lt3A_683 = arith.cmpi slt, %while3A_609, %rev3A_681 : vector<16xi32>
          %and3A = arith.andi %eq3A, %lt3A_683 : vector<16xi1>
          %or3A = arith.ori %lt3A_682, %and3A : vector<16xi1>
          %select_n3A_684 = arith.select %or3A, %while3A_607, %rev3A_676 : vector<16xi1>, vector<16xf32>
          %select_n3A_685 = arith.select %or3A, %while3A_609, %rev3A_681 : vector<16xi1>, vector<16xi32>
          %lt3A_686 = arith.cmpf olt, %while3A_606, %select_n3A_684 : vector<16xf32>
          %eq3A_687 = arith.cmpf oeq, %while3A_606, %select_n3A_684 : vector<16xf32>
          %lt3A_688 = arith.cmpi slt, %while3A_608, %select_n3A_685 : vector<16xi32>
          %and3A_689 = arith.andi %eq3A_687, %lt3A_688 : vector<16xi1>
          %or3A_690 = arith.ori %lt3A_686, %and3A_689 : vector<16xi1>
          %select_n3A_691 = arith.select %or3A_690, %while3A_606, %select_n3A_684 : vector<16xi1>, vector<16xf32>
          %select_n3A_692 = arith.select %or3A_690, %while3A_608, %select_n3A_685 : vector<16xi1>, vector<16xi32>
          %select_n3A_693 = arith.select %or3A_690, %select_n3A_684, %while3A_606 : vector<16xi1>, vector<16xf32>
          %select_n3A_694 = arith.select %or3A_690, %select_n3A_685, %while3A_608 : vector<16xi1>, vector<16xi32>
          %masked_sort3A_695 = arith.constant dense<true> : vector<16xi1>
          %masked_sort3A_696, %masked_sort3A_697, %masked_sort3A_698 = tpu.sort %select_n3A_691, %select_n3A_692 masked %masked_sort3A_695 : (vector<16xf32>, vector<16xi32>, vector<16xi1>) -> (vector<16xi1>, vector<16xf32>, vector<16xi32>)
          %broadcast_in_dim3A_699 = arith.constant true
          %broadcast_in_dim3A_700 = vector.broadcast %broadcast_in_dim3A_699 : i1 to vector<16xi1>
          %unique3A_701, %unique3A_702 = tpu.scan_count mask(%broadcast_in_dim3A_700 : vector<16xi1>) value(%masked_sort3A_697 : vector<16xf32>) : vector<16xi1>, vector<16xi32>
          %iota3A_703 = tpu.iota {dimensions = array<i32: 0>} : vector<16xi32>
          %sub3A_704 = arith.subi %iota3A_703, %unique3A_702 : vector<16xi32>
          %mul3A_705 = arith.constant 2048 : i32
          %mul3A_706 = vector.broadcast %mul3A_705 : i32 to vector<16xi32>
          %mul3A_707 = arith.muli %sub3A_704, %mul3A_706 : vector<16xi32>
          %add3A_708 = arith.addi %mul3A_707, %masked_sort3A_698 : vector<16xi32>
          %masked_sort3A_709 = arith.constant dense<true> : vector<16xi1>
          %masked_sort3A_710 = arith.constant -2147483648 : i32
          %masked_sort3A_711 = vector.broadcast %masked_sort3A_710 : i32 to vector<16xi32>
          %masked_sort3A_712 = arith.xori %add3A_708, %masked_sort3A_711 : vector<16xi32>
          %masked_sort3A_713, %masked_sort3A_714, %masked_sort3A_715 = tpu.sort %masked_sort3A_712, %masked_sort3A_698 masked %masked_sort3A_709 : (vector<16xi32>, vector<16xi32>, vector<16xi1>) -> (vector<16xi1>, vector<16xi32>, vector<16xi32>)
          %masked_sort3A_716 = arith.xori %masked_sort3A_714, %masked_sort3A_711 : vector<16xi32>
          %masked_sort3A_717 = arith.constant dense<true> : vector<16xi1>
          %masked_sort3A_718, %masked_sort3A_719, %masked_sort3A_720 = tpu.sort %select_n3A_693, %select_n3A_694 masked %masked_sort3A_717 : (vector<16xf32>, vector<16xi32>, vector<16xi1>) -> (vector<16xi1>, vector<16xf32>, vector<16xi32>)
          %broadcast_in_dim3A_721 = arith.constant true
          %broadcast_in_dim3A_722 = vector.broadcast %broadcast_in_dim3A_721 : i1 to vector<16xi1>
          %unique3A_723, %unique3A_724 = tpu.scan_count mask(%broadcast_in_dim3A_722 : vector<16xi1>) value(%masked_sort3A_719 : vector<16xf32>) : vector<16xi1>, vector<16xi32>
          %iota3A_725 = tpu.iota {dimensions = array<i32: 0>} : vector<16xi32>
          %sub3A_726 = arith.subi %iota3A_725, %unique3A_724 : vector<16xi32>
          %mul3A_727 = arith.constant 2048 : i32
          %mul3A_728 = vector.broadcast %mul3A_727 : i32 to vector<16xi32>
          %mul3A_729 = arith.muli %sub3A_726, %mul3A_728 : vector<16xi32>
          %add3A_730 = arith.addi %mul3A_729, %masked_sort3A_720 : vector<16xi32>
          %masked_sort3A_731 = arith.constant dense<true> : vector<16xi1>
          %masked_sort3A_732 = arith.constant -2147483648 : i32
          %masked_sort3A_733 = vector.broadcast %masked_sort3A_732 : i32 to vector<16xi32>
          %masked_sort3A_734 = arith.xori %add3A_730, %masked_sort3A_733 : vector<16xi32>
          %masked_sort3A_735, %masked_sort3A_736, %masked_sort3A_737 = tpu.sort %masked_sort3A_734, %masked_sort3A_720 masked %masked_sort3A_731 : (vector<16xi32>, vector<16xi32>, vector<16xi1>) -> (vector<16xi1>, vector<16xi32>, vector<16xi32>)
          %masked_sort3A_738 = arith.xori %masked_sort3A_736, %masked_sort3A_733 : vector<16xi32>
          %lt3A_739 = arith.cmpi slt, %while3A_605, %shift_right_arithmetic3A_504 : i32
          %sub3A_740 = arith.subi %while3A_605, %shift_right_arithmetic3A_504 : i32
          %mul3A_741 = arith.constant 16 : i32
          %mul3A_742 = arith.muli %mul3A_741, %while3A_605 : i32
          %mul3A_743 = arith.constant 16 : i32
          %mul3A_744 = arith.muli %mul3A_743, %sub3A_740 : i32
          %add3A_745 = arith.constant 1024 : i32
          %add3A_746 = arith.addi %add3A_745, %mul3A_744 : i32
          %select_n3A_747 = arith.select %lt3A_739, %mul3A_742, %add3A_746 : i32
          %min3A_748 = arith.constant 2048 : i32
          %min3A_749 = arith.minsi %select_n3A_747, %min3A_748 : i32
          %iota3A_750 = tpu.iota {dimensions = array<i32: 0>} : vector<16xi32>
          %mul3A_751 = arith.constant 16 : i32
          %mul3A_752 = arith.muli %mul3A_751, %while3A_605 : i32
          %mul3A_753 = arith.constant 16 : i32
          %mul3A_754 = arith.muli %mul3A_753, %sub3A_740 : i32
          %select_n3A_755 = arith.select %lt3A_739, %mul3A_752, %mul3A_754 : i32
          %add3A_756 = vector.broadcast %select_n3A_755 : i32 to vector<16xi32>
          %add3A_757 = arith.addi %iota3A_750, %add3A_756 : vector<16xi32>
          %select_n3A_758 = arith.select %lt3A_739, %scan3A_483#1, %scan3A_483#3 : i32
          %lt3A_759 = vector.broadcast %select_n3A_758 : i32 to vector<16xi32>
          %lt3A_760 = arith.cmpi slt, %add3A_757, %lt3A_759 : vector<16xi32>
          %get3A_761 = arith.index_cast %min3A_749 : i32 to index
          %get3A_762 = tpu.vector_load %arg8[%get3A_761] {strides = array<i32>} : memref<2064xi32, #tpu.memory_space<vmem>>, vector<16xi32>,
          %jit3A_763 = arith.constant 0 : i32
          %broadcast_in_dim3A_764 = vector.broadcast %jit3A_763 : i32 to vector<16xi32>
          %select_n3A_765 = arith.select %lt3A_760, %get3A_762, %broadcast_in_dim3A_764 : vector<16xi1>, vector<16xi32>
          %broadcast_in_dim3A_766 = vector.broadcast %add3A_124 : i32 to vector<16xi32>
          %gather3A_767 = tpu.vector_load_idx %arg5[%broadcast_in_dim3A_766, %select_n3A_765] : memref<8x2048xf32, #tpu.memory_space<vmem>>[vector<16xi32>, vector<16xi32>], vector<16xf32>,
          %jit3A_768 = arith.constant 0x7F800000 : f32
          %broadcast_in_dim3A_769 = vector.broadcast %jit3A_768 : f32 to vector<16xf32>
          %select_n3A_770 = arith.select %lt3A_760, %gather3A_767, %broadcast_in_dim3A_769 : vector<16xi1>, vector<16xf32>
          %masked_sort3A_771 = arith.constant dense<true> : vector<16xi1>
          %masked_sort3A_772, %masked_sort3A_773, %masked_sort3A_774 = tpu.sort %select_n3A_770, %select_n3A_765 masked %masked_sort3A_771 : (vector<16xf32>, vector<16xi32>, vector<16xi1>) -> (vector<16xi1>, vector<16xf32>, vector<16xi32>)
          %broadcast_in_dim3A_775 = arith.constant true
          %broadcast_in_dim3A_776 = vector.broadcast %broadcast_in_dim3A_775 : i1 to vector<16xi1>
          %unique3A_777, %unique3A_778 = tpu.scan_count mask(%broadcast_in_dim3A_776 : vector<16xi1>) value(%masked_sort3A_773 : vector<16xf32>) : vector<16xi1>, vector<16xi32>
          %iota3A_779 = tpu.iota {dimensions = array<i32: 0>} : vector<16xi32>
          %sub3A_780 = arith.subi %iota3A_779, %unique3A_778 : vector<16xi32>
          %mul3A_781 = arith.constant 2048 : i32
          %mul3A_782 = vector.broadcast %mul3A_781 : i32 to vector<16xi32>
          %mul3A_783 = arith.muli %sub3A_780, %mul3A_782 : vector<16xi32>
          %add3A_784 = arith.addi %mul3A_783, %masked_sort3A_774 : vector<16xi32>
          %masked_sort3A_785 = arith.constant dense<true> : vector<16xi1>
          %masked_sort3A_786 = arith.constant -2147483648 : i32
          %masked_sort3A_787 = vector.broadcast %masked_sort3A_786 : i32 to vector<16xi32>
          %masked_sort3A_788 = arith.xori %add3A_784, %masked_sort3A_787 : vector<16xi32>
          %masked_sort3A_789, %masked_sort3A_790, %masked_sort3A_791 = tpu.sort %masked_sort3A_788, %masked_sort3A_774 masked %masked_sort3A_785 : (vector<16xi32>, vector<16xi32>, vector<16xi1>) -> (vector<16xi1>, vector<16xi32>, vector<16xi32>)
          %masked_sort3A_792 = arith.xori %masked_sort3A_790, %masked_sort3A_787 : vector<16xi32>
          %rev3A_793 = arith.constant 15 : i32
          %rev3A_794 = vector.broadcast %rev3A_793 : i32 to vector<16xi32>
          %rev3A_795 = tpu.iota {dimensions = array<i32: 0>} : vector<16xi32>
          %rev3A_796 = arith.subi %rev3A_794, %rev3A_795 : vector<16xi32>
          %rev3A_797 = tpu.dynamic_gather %masked_sort3A_773[%rev3A_796] in [0] : vector<16xf32>, vector<16xi32> -> vector<16xf32>
          %rev3A_798 = arith.constant 15 : i32
          %rev3A_799 = vector.broadcast %rev3A_798 : i32 to vector<16xi32>
          %rev3A_800 = tpu.iota {dimensions = array<i32: 0>} : vector<16xi32>
          %rev3A_801 = arith.subi %rev3A_799, %rev3A_800 : vector<16xi32>
          %rev3A_802 = tpu.dynamic_gather %masked_sort3A_791[%rev3A_801] in [0] : vector<16xi32>, vector<16xi32> -> vector<16xi32>
          %lt3A_803 = arith.cmpf olt, %while3A_611, %rev3A_797 : vector<16xf32>
          %eq3A_804 = arith.cmpf oeq, %while3A_611, %rev3A_797 : vector<16xf32>
          %lt3A_805 = arith.cmpi slt, %while3A_613, %rev3A_802 : vector<16xi32>
          %and3A_806 = arith.andi %eq3A_804, %lt3A_805 : vector<16xi1>
          %or3A_807 = arith.ori %lt3A_803, %and3A_806 : vector<16xi1>
          %select_n3A_808 = arith.select %or3A_807, %while3A_611, %rev3A_797 : vector<16xi1>, vector<16xf32>
          %select_n3A_809 = arith.select %or3A_807, %while3A_613, %rev3A_802 : vector<16xi1>, vector<16xi32>
          %lt3A_810 = arith.cmpf olt, %while3A_610, %select_n3A_808 : vector<16xf32>
          %eq3A_811 = arith.cmpf oeq, %while3A_610, %select_n3A_808 : vector<16xf32>
          %lt3A_812 = arith.cmpi slt, %while3A_612, %select_n3A_809 : vector<16xi32>
          %and3A_813 = arith.andi %eq3A_811, %lt3A_812 : vector<16xi1>
          %or3A_814 = arith.ori %lt3A_810, %and3A_813 : vector<16xi1>
          %select_n3A_815 = arith.select %or3A_814, %while3A_610, %select_n3A_808 : vector<16xi1>, vector<16xf32>
          %select_n3A_816 = arith.select %or3A_814, %while3A_612, %select_n3A_809 : vector<16xi1>, vector<16xi32>
          %select_n3A_817 = arith.select %or3A_814, %select_n3A_808, %while3A_610 : vector<16xi1>, vector<16xf32>
          %select_n3A_818 = arith.select %or3A_814, %select_n3A_809, %while3A_612 : vector<16xi1>, vector<16xi32>
          %masked_sort3A_819 = arith.constant dense<true> : vector<16xi1>
          %masked_sort3A_820, %masked_sort3A_821, %masked_sort3A_822 = tpu.sort %select_n3A_815, %select_n3A_816 masked %masked_sort3A_819 : (vector<16xf32>, vector<16xi32>, vector<16xi1>) -> (vector<16xi1>, vector<16xf32>, vector<16xi32>)
          %broadcast_in_dim3A_823 = arith.constant true
          %broadcast_in_dim3A_824 = vector.broadcast %broadcast_in_dim3A_823 : i1 to vector<16xi1>
          %unique3A_825, %unique3A_826 = tpu.scan_count mask(%broadcast_in_dim3A_824 : vector<16xi1>) value(%masked_sort3A_821 : vector<16xf32>) : vector<16xi1>, vector<16xi32>
          %iota3A_827 = tpu.iota {dimensions = array<i32: 0>} : vector<16xi32>
          %sub3A_828 = arith.subi %iota3A_827, %unique3A_826 : vector<16xi32>
          %mul3A_829 = arith.constant 2048 : i32
          %mul3A_830 = vector.broadcast %mul3A_829 : i32 to vector<16xi32>
          %mul3A_831 = arith.muli %sub3A_828, %mul3A_830 : vector<16xi32>
          %add3A_832 = arith.addi %mul3A_831, %masked_sort3A_822 : vector<16xi32>
          %masked_sort3A_833 = arith.constant dense<true> : vector<16xi1>
          %masked_sort3A_834 = arith.constant -2147483648 : i32
          %masked_sort3A_835 = vector.broadcast %masked_sort3A_834 : i32 to vector<16xi32>
          %masked_sort3A_836 = arith.xori %add3A_832, %masked_sort3A_835 : vector<16xi32>
          %masked_sort3A_837, %masked_sort3A_838, %masked_sort3A_839 = tpu.sort %masked_sort3A_836, %masked_sort3A_822 masked %masked_sort3A_833 : (vector<16xi32>, vector<16xi32>, vector<16xi1>) -> (vector<16xi1>, vector<16xi32>, vector<16xi32>)
          %masked_sort3A_840 = arith.xori %masked_sort3A_838, %masked_sort3A_835 : vector<16xi32>
          %masked_sort3A_841 = arith.constant dense<true> : vector<16xi1>
          %masked_sort3A_842, %masked_sort3A_843, %masked_sort3A_844 = tpu.sort %select_n3A_817, %select_n3A_818 masked %masked_sort3A_841 : (vector<16xf32>, vector<16xi32>, vector<16xi1>) -> (vector<16xi1>, vector<16xf32>, vector<16xi32>)
          %broadcast_in_dim3A_845 = arith.constant true
          %broadcast_in_dim3A_846 = vector.broadcast %broadcast_in_dim3A_845 : i1 to vector<16xi1>
          %unique3A_847, %unique3A_848 = tpu.scan_count mask(%broadcast_in_dim3A_846 : vector<16xi1>) value(%masked_sort3A_843 : vector<16xf32>) : vector<16xi1>, vector<16xi32>
          %iota3A_849 = tpu.iota {dimensions = array<i32: 0>} : vector<16xi32>
          %sub3A_850 = arith.subi %iota3A_849, %unique3A_848 : vector<16xi32>
          %mul3A_851 = arith.constant 2048 : i32
          %mul3A_852 = vector.broadcast %mul3A_851 : i32 to vector<16xi32>
          %mul3A_853 = arith.muli %sub3A_850, %mul3A_852 : vector<16xi32>
          %add3A_854 = arith.addi %mul3A_853, %masked_sort3A_844 : vector<16xi32>
          %masked_sort3A_855 = arith.constant dense<true> : vector<16xi1>
          %masked_sort3A_856 = arith.constant -2147483648 : i32
          %masked_sort3A_857 = vector.broadcast %masked_sort3A_856 : i32 to vector<16xi32>
          %masked_sort3A_858 = arith.xori %add3A_854, %masked_sort3A_857 : vector<16xi32>
          %masked_sort3A_859, %masked_sort3A_860, %masked_sort3A_861 = tpu.sort %masked_sort3A_858, %masked_sort3A_844 masked %masked_sort3A_855 : (vector<16xi32>, vector<16xi32>, vector<16xi1>) -> (vector<16xi1>, vector<16xi32>, vector<16xi32>)
          %masked_sort3A_862 = arith.xori %masked_sort3A_860, %masked_sort3A_857 : vector<16xi32>
          %lt3A_863 = arith.cmpi slt, %while3A_605, %shift_right_arithmetic3A_508 : i32
          %sub3A_864 = arith.subi %while3A_605, %shift_right_arithmetic3A_508 : i32
          %mul3A_865 = arith.constant 16 : i32
          %mul3A_866 = arith.muli %mul3A_865, %while3A_605 : i32
          %mul3A_867 = arith.constant 16 : i32
          %mul3A_868 = arith.muli %mul3A_867, %sub3A_864 : i32
          %add3A_869 = arith.constant 1024 : i32
          %add3A_870 = arith.addi %add3A_869, %mul3A_868 : i32
          %select_n3A_871 = arith.select %lt3A_863, %mul3A_866, %add3A_870 : i32
          %min3A_872 = arith.constant 2048 : i32
          %min3A_873 = arith.minsi %select_n3A_871, %min3A_872 : i32
          %iota3A_874 = tpu.iota {dimensions = array<i32: 0>} : vector<16xi32>
          %mul3A_875 = arith.constant 16 : i32
          %mul3A_876 = arith.muli %mul3A_875, %while3A_605 : i32
          %mul3A_877 = arith.constant 16 : i32
          %mul3A_878 = arith.muli %mul3A_877, %sub3A_864 : i32
          %select_n3A_879 = arith.select %lt3A_863, %mul3A_876, %mul3A_878 : i32
          %add3A_880 = vector.broadcast %select_n3A_879 : i32 to vector<16xi32>
          %add3A_881 = arith.addi %iota3A_874, %add3A_880 : vector<16xi32>
          %select_n3A_882 = arith.select %lt3A_863, %scan3A_494#0, %scan3A_494#2 : i32
          %lt3A_883 = vector.broadcast %select_n3A_882 : i32 to vector<16xi32>
          %lt3A_884 = arith.cmpi slt, %add3A_881, %lt3A_883 : vector<16xi32>
          %get3A_885 = arith.index_cast %min3A_873 : i32 to index
          %get3A_886 = tpu.vector_load %arg9[%get3A_885] {strides = array<i32>} : memref<2064xi32, #tpu.memory_space<vmem>>, vector<16xi32>,
          %jit3A_887 = arith.constant 0 : i32
          %broadcast_in_dim3A_888 = vector.broadcast %jit3A_887 : i32 to vector<16xi32>
          %select_n3A_889 = arith.select %lt3A_884, %get3A_886, %broadcast_in_dim3A_888 : vector<16xi1>, vector<16xi32>
          %broadcast_in_dim3A_890 = vector.broadcast %add3A_128 : i32 to vector<16xi32>
          %gather3A_891 = tpu.vector_load_idx %arg5[%broadcast_in_dim3A_890, %select_n3A_889] : memref<8x2048xf32, #tpu.memory_space<vmem>>[vector<16xi32>, vector<16xi32>], vector<16xf32>,
          %jit3A_892 = arith.constant 0x7F800000 : f32
          %broadcast_in_dim3A_893 = vector.broadcast %jit3A_892 : f32 to vector<16xf32>
          %select_n3A_894 = arith.select %lt3A_884, %gather3A_891, %broadcast_in_dim3A_893 : vector<16xi1>, vector<16xf32>
          %masked_sort3A_895 = arith.constant dense<true> : vector<16xi1>
          %masked_sort3A_896, %masked_sort3A_897, %masked_sort3A_898 = tpu.sort %select_n3A_894, %select_n3A_889 masked %masked_sort3A_895 : (vector<16xf32>, vector<16xi32>, vector<16xi1>) -> (vector<16xi1>, vector<16xf32>, vector<16xi32>)
          %broadcast_in_dim3A_899 = arith.constant true
          %broadcast_in_dim3A_900 = vector.broadcast %broadcast_in_dim3A_899 : i1 to vector<16xi1>
          %unique3A_901, %unique3A_902 = tpu.scan_count mask(%broadcast_in_dim3A_900 : vector<16xi1>) value(%masked_sort3A_897 : vector<16xf32>) : vector<16xi1>, vector<16xi32>
          %iota3A_903 = tpu.iota {dimensions = array<i32: 0>} : vector<16xi32>
          %sub3A_904 = arith.subi %iota3A_903, %unique3A_902 : vector<16xi32>
          %mul3A_905 = arith.constant 2048 : i32
          %mul3A_906 = vector.broadcast %mul3A_905 : i32 to vector<16xi32>
          %mul3A_907 = arith.muli %sub3A_904, %mul3A_906 : vector<16xi32>
          %add3A_908 = arith.addi %mul3A_907, %masked_sort3A_898 : vector<16xi32>
          %masked_sort3A_909 = arith.constant dense<true> : vector<16xi1>
          %masked_sort3A_910 = arith.constant -2147483648 : i32
          %masked_sort3A_911 = vector.broadcast %masked_sort3A_910 : i32 to vector<16xi32>
          %masked_sort3A_912 = arith.xori %add3A_908, %masked_sort3A_911 : vector<16xi32>
          %masked_sort3A_913, %masked_sort3A_914, %masked_sort3A_915 = tpu.sort %masked_sort3A_912, %masked_sort3A_898 masked %masked_sort3A_909 : (vector<16xi32>, vector<16xi32>, vector<16xi1>) -> (vector<16xi1>, vector<16xi32>, vector<16xi32>)
          %masked_sort3A_916 = arith.xori %masked_sort3A_914, %masked_sort3A_911 : vector<16xi32>
          %rev3A_917 = arith.constant 15 : i32
          %rev3A_918 = vector.broadcast %rev3A_917 : i32 to vector<16xi32>
          %rev3A_919 = tpu.iota {dimensions = array<i32: 0>} : vector<16xi32>
          %rev3A_920 = arith.subi %rev3A_918, %rev3A_919 : vector<16xi32>
          %rev3A_921 = tpu.dynamic_gather %masked_sort3A_897[%rev3A_920] in [0] : vector<16xf32>, vector<16xi32> -> vector<16xf32>
          %rev3A_922 = arith.constant 15 : i32
          %rev3A_923 = vector.broadcast %rev3A_922 : i32 to vector<16xi32>
          %rev3A_924 = tpu.iota {dimensions = array<i32: 0>} : vector<16xi32>
          %rev3A_925 = arith.subi %rev3A_923, %rev3A_924 : vector<16xi32>
          %rev3A_926 = tpu.dynamic_gather %masked_sort3A_915[%rev3A_925] in [0] : vector<16xi32>, vector<16xi32> -> vector<16xi32>
          %lt3A_927 = arith.cmpf olt, %while3A_615, %rev3A_921 : vector<16xf32>
          %eq3A_928 = arith.cmpf oeq, %while3A_615, %rev3A_921 : vector<16xf32>
          %lt3A_929 = arith.cmpi slt, %while3A_617, %rev3A_926 : vector<16xi32>
          %and3A_930 = arith.andi %eq3A_928, %lt3A_929 : vector<16xi1>
          %or3A_931 = arith.ori %lt3A_927, %and3A_930 : vector<16xi1>
          %select_n3A_932 = arith.select %or3A_931, %while3A_615, %rev3A_921 : vector<16xi1>, vector<16xf32>
          %select_n3A_933 = arith.select %or3A_931, %while3A_617, %rev3A_926 : vector<16xi1>, vector<16xi32>
          %lt3A_934 = arith.cmpf olt, %while3A_614, %select_n3A_932 : vector<16xf32>
          %eq3A_935 = arith.cmpf oeq, %while3A_614, %select_n3A_932 : vector<16xf32>
          %lt3A_936 = arith.cmpi slt, %while3A_616, %select_n3A_933 : vector<16xi32>
          %and3A_937 = arith.andi %eq3A_935, %lt3A_936 : vector<16xi1>
          %or3A_938 = arith.ori %lt3A_934, %and3A_937 : vector<16xi1>
          %select_n3A_939 = arith.select %or3A_938, %while3A_614, %select_n3A_932 : vector<16xi1>, vector<16xf32>
          %select_n3A_940 = arith.select %or3A_938, %while3A_616, %select_n3A_933 : vector<16xi1>, vector<16xi32>
          %select_n3A_941 = arith.select %or3A_938, %select_n3A_932, %while3A_614 : vector<16xi1>, vector<16xf32>
          %select_n3A_942 = arith.select %or3A_938, %select_n3A_933, %while3A_616 : vector<16xi1>, vector<16xi32>
          %masked_sort3A_943 = arith.constant dense<true> : vector<16xi1>
          %masked_sort3A_944, %masked_sort3A_945, %masked_sort3A_946 = tpu.sort %select_n3A_939, %select_n3A_940 masked %masked_sort3A_943 : (vector<16xf32>, vector<16xi32>, vector<16xi1>) -> (vector<16xi1>, vector<16xf32>, vector<16xi32>)
          %broadcast_in_dim3A_947 = arith.constant true
          %broadcast_in_dim3A_948 = vector.broadcast %broadcast_in_dim3A_947 : i1 to vector<16xi1>
          %unique3A_949, %unique3A_950 = tpu.scan_count mask(%broadcast_in_dim3A_948 : vector<16xi1>) value(%masked_sort3A_945 : vector<16xf32>) : vector<16xi1>, vector<16xi32>
          %iota3A_951 = tpu.iota {dimensions = array<i32: 0>} : vector<16xi32>
          %sub3A_952 = arith.subi %iota3A_951, %unique3A_950 : vector<16xi32>
          %mul3A_953 = arith.constant 2048 : i32
          %mul3A_954 = vector.broadcast %mul3A_953 : i32 to vector<16xi32>
          %mul3A_955 = arith.muli %sub3A_952, %mul3A_954 : vector<16xi32>
          %add3A_956 = arith.addi %mul3A_955, %masked_sort3A_946 : vector<16xi32>
          %masked_sort3A_957 = arith.constant dense<true> : vector<16xi1>
          %masked_sort3A_958 = arith.constant -2147483648 : i32
          %masked_sort3A_959 = vector.broadcast %masked_sort3A_958 : i32 to vector<16xi32>
          %masked_sort3A_960 = arith.xori %add3A_956, %masked_sort3A_959 : vector<16xi32>
          %masked_sort3A_961, %masked_sort3A_962, %masked_sort3A_963 = tpu.sort %masked_sort3A_960, %masked_sort3A_946 masked %masked_sort3A_957 : (vector<16xi32>, vector<16xi32>, vector<16xi1>) -> (vector<16xi1>, vector<16xi32>, vector<16xi32>)
          %masked_sort3A_964 = arith.xori %masked_sort3A_962, %masked_sort3A_959 : vector<16xi32>
          %masked_sort3A_965 = arith.constant dense<true> : vector<16xi1>
          %masked_sort3A_966, %masked_sort3A_967, %masked_sort3A_968 = tpu.sort %select_n3A_941, %select_n3A_942 masked %masked_sort3A_965 : (vector<16xf32>, vector<16xi32>, vector<16xi1>) -> (vector<16xi1>, vector<16xf32>, vector<16xi32>)
          %broadcast_in_dim3A_969 = arith.constant true
          %broadcast_in_dim3A_970 = vector.broadcast %broadcast_in_dim3A_969 : i1 to vector<16xi1>
          %unique3A_971, %unique3A_972 = tpu.scan_count mask(%broadcast_in_dim3A_970 : vector<16xi1>) value(%masked_sort3A_967 : vector<16xf32>) : vector<16xi1>, vector<16xi32>
          %iota3A_973 = tpu.iota {dimensions = array<i32: 0>} : vector<16xi32>
          %sub3A_974 = arith.subi %iota3A_973, %unique3A_972 : vector<16xi32>
          %mul3A_975 = arith.constant 2048 : i32
          %mul3A_976 = vector.broadcast %mul3A_975 : i32 to vector<16xi32>
          %mul3A_977 = arith.muli %sub3A_974, %mul3A_976 : vector<16xi32>
          %add3A_978 = arith.addi %mul3A_977, %masked_sort3A_968 : vector<16xi32>
          %masked_sort3A_979 = arith.constant dense<true> : vector<16xi1>
          %masked_sort3A_980 = arith.constant -2147483648 : i32
          %masked_sort3A_981 = vector.broadcast %masked_sort3A_980 : i32 to vector<16xi32>
          %masked_sort3A_982 = arith.xori %add3A_978, %masked_sort3A_981 : vector<16xi32>
          %masked_sort3A_983, %masked_sort3A_984, %masked_sort3A_985 = tpu.sort %masked_sort3A_982, %masked_sort3A_968 masked %masked_sort3A_979 : (vector<16xi32>, vector<16xi32>, vector<16xi1>) -> (vector<16xi1>, vector<16xi32>, vector<16xi32>)
          %masked_sort3A_986 = arith.xori %masked_sort3A_984, %masked_sort3A_981 : vector<16xi32>
          %lt3A_987 = arith.cmpi slt, %while3A_605, %shift_right_arithmetic3A_512 : i32
          %sub3A_988 = arith.subi %while3A_605, %shift_right_arithmetic3A_512 : i32
          %mul3A_989 = arith.constant 16 : i32
          %mul3A_990 = arith.muli %mul3A_989, %while3A_605 : i32
          %mul3A_991 = arith.constant 16 : i32
          %mul3A_992 = arith.muli %mul3A_991, %sub3A_988 : i32
          %add3A_993 = arith.constant 1024 : i32
          %add3A_994 = arith.addi %add3A_993, %mul3A_992 : i32
          %select_n3A_995 = arith.select %lt3A_987, %mul3A_990, %add3A_994 : i32
          %min3A_996 = arith.constant 2048 : i32
          %min3A_997 = arith.minsi %select_n3A_995, %min3A_996 : i32
          %iota3A_998 = tpu.iota {dimensions = array<i32: 0>} : vector<16xi32>
          %mul3A_999 = arith.constant 16 : i32
          %mul3A_1000 = arith.muli %mul3A_999, %while3A_605 : i32
          %mul3A_1001 = arith.constant 16 : i32
          %mul3A_1002 = arith.muli %mul3A_1001, %sub3A_988 : i32
          %select_n3A_1003 = arith.select %lt3A_987, %mul3A_1000, %mul3A_1002 : i32
          %add3A_1004 = vector.broadcast %select_n3A_1003 : i32 to vector<16xi32>
          %add3A_1005 = arith.addi %iota3A_998, %add3A_1004 : vector<16xi32>
          %select_n3A_1006 = arith.select %lt3A_987, %scan3A_494#1, %scan3A_494#3 : i32
          %lt3A_1007 = vector.broadcast %select_n3A_1006 : i32 to vector<16xi32>
          %lt3A_1008 = arith.cmpi slt, %add3A_1005, %lt3A_1007 : vector<16xi32>
          %get3A_1009 = arith.index_cast %min3A_997 : i32 to index
          %get3A_1010 = tpu.vector_load %arg10[%get3A_1009] {strides = array<i32>} : memref<2064xi32, #tpu.memory_space<vmem>>, vector<16xi32>,
          %jit3A_1011 = arith.constant 0 : i32
          %broadcast_in_dim3A_1012 = vector.broadcast %jit3A_1011 : i32 to vector<16xi32>
          %select_n3A_1013 = arith.select %lt3A_1008, %get3A_1010, %broadcast_in_dim3A_1012 : vector<16xi1>, vector<16xi32>
          %broadcast_in_dim3A_1014 = vector.broadcast %add3A_132 : i32 to vector<16xi32>
          %gather3A_1015 = tpu.vector_load_idx %arg5[%broadcast_in_dim3A_1014, %select_n3A_1013] : memref<8x2048xf32, #tpu.memory_space<vmem>>[vector<16xi32>, vector<16xi32>], vector<16xf32>,
          %jit3A_1016 = arith.constant 0x7F800000 : f32
          %broadcast_in_dim3A_1017 = vector.broadcast %jit3A_1016 : f32 to vector<16xf32>
          %select_n3A_1018 = arith.select %lt3A_1008, %gather3A_1015, %broadcast_in_dim3A_1017 : vector<16xi1>, vector<16xf32>
          %masked_sort3A_1019 = arith.constant dense<true> : vector<16xi1>
          %masked_sort3A_1020, %masked_sort3A_1021, %masked_sort3A_1022 = tpu.sort %select_n3A_1018, %select_n3A_1013 masked %masked_sort3A_1019 : (vector<16xf32>, vector<16xi32>, vector<16xi1>) -> (vector<16xi1>, vector<16xf32>, vector<16xi32>)
          %broadcast_in_dim3A_1023 = arith.constant true
          %broadcast_in_dim3A_1024 = vector.broadcast %broadcast_in_dim3A_1023 : i1 to vector<16xi1>
          %unique3A_1025, %unique3A_1026 = tpu.scan_count mask(%broadcast_in_dim3A_1024 : vector<16xi1>) value(%masked_sort3A_1021 : vector<16xf32>) : vector<16xi1>, vector<16xi32>
          %iota3A_1027 = tpu.iota {dimensions = array<i32: 0>} : vector<16xi32>
          %sub3A_1028 = arith.subi %iota3A_1027, %unique3A_1026 : vector<16xi32>
          %mul3A_1029 = arith.constant 2048 : i32
          %mul3A_1030 = vector.broadcast %mul3A_1029 : i32 to vector<16xi32>
          %mul3A_1031 = arith.muli %sub3A_1028, %mul3A_1030 : vector<16xi32>
          %add3A_1032 = arith.addi %mul3A_1031, %masked_sort3A_1022 : vector<16xi32>
          %masked_sort3A_1033 = arith.constant dense<true> : vector<16xi1>
          %masked_sort3A_1034 = arith.constant -2147483648 : i32
          %masked_sort3A_1035 = vector.broadcast %masked_sort3A_1034 : i32 to vector<16xi32>
          %masked_sort3A_1036 = arith.xori %add3A_1032, %masked_sort3A_1035 : vector<16xi32>
          %masked_sort3A_1037, %masked_sort3A_1038, %masked_sort3A_1039 = tpu.sort %masked_sort3A_1036, %masked_sort3A_1022 masked %masked_sort3A_1033 : (vector<16xi32>, vector<16xi32>, vector<16xi1>) -> (vector<16xi1>, vector<16xi32>, vector<16xi32>)
          %masked_sort3A_1040 = arith.xori %masked_sort3A_1038, %masked_sort3A_1035 : vector<16xi32>
          %rev3A_1041 = arith.constant 15 : i32
          %rev3A_1042 = vector.broadcast %rev3A_1041 : i32 to vector<16xi32>
          %rev3A_1043 = tpu.iota {dimensions = array<i32: 0>} : vector<16xi32>
          %rev3A_1044 = arith.subi %rev3A_1042, %rev3A_1043 : vector<16xi32>
          %rev3A_1045 = tpu.dynamic_gather %masked_sort3A_1021[%rev3A_1044] in [0] : vector<16xf32>, vector<16xi32> -> vector<16xf32>
          %rev3A_1046 = arith.constant 15 : i32
          %rev3A_1047 = vector.broadcast %rev3A_1046 : i32 to vector<16xi32>
          %rev3A_1048 = tpu.iota {dimensions = array<i32: 0>} : vector<16xi32>
          %rev3A_1049 = arith.subi %rev3A_1047, %rev3A_1048 : vector<16xi32>
          %rev3A_1050 = tpu.dynamic_gather %masked_sort3A_1039[%rev3A_1049] in [0] : vector<16xi32>, vector<16xi32> -> vector<16xi32>
          %lt3A_1051 = arith.cmpf olt, %while3A_619, %rev3A_1045 : vector<16xf32>
          %eq3A_1052 = arith.cmpf oeq, %while3A_619, %rev3A_1045 : vector<16xf32>
          %lt3A_1053 = arith.cmpi slt, %while3A_621, %rev3A_1050 : vector<16xi32>
          %and3A_1054 = arith.andi %eq3A_1052, %lt3A_1053 : vector<16xi1>
          %or3A_1055 = arith.ori %lt3A_1051, %and3A_1054 : vector<16xi1>
          %select_n3A_1056 = arith.select %or3A_1055, %while3A_619, %rev3A_1045 : vector<16xi1>, vector<16xf32>
          %select_n3A_1057 = arith.select %or3A_1055, %while3A_621, %rev3A_1050 : vector<16xi1>, vector<16xi32>
          %lt3A_1058 = arith.cmpf olt, %while3A_618, %select_n3A_1056 : vector<16xf32>
          %eq3A_1059 = arith.cmpf oeq, %while3A_618, %select_n3A_1056 : vector<16xf32>
          %lt3A_1060 = arith.cmpi slt, %while3A_620, %select_n3A_1057 : vector<16xi32>
          %and3A_1061 = arith.andi %eq3A_1059, %lt3A_1060 : vector<16xi1>
          %or3A_1062 = arith.ori %lt3A_1058, %and3A_1061 : vector<16xi1>
          %select_n3A_1063 = arith.select %or3A_1062, %while3A_618, %select_n3A_1056 : vector<16xi1>, vector<16xf32>
          %select_n3A_1064 = arith.select %or3A_1062, %while3A_620, %select_n3A_1057 : vector<16xi1>, vector<16xi32>
          %select_n3A_1065 = arith.select %or3A_1062, %select_n3A_1056, %while3A_618 : vector<16xi1>, vector<16xf32>
          %select_n3A_1066 = arith.select %or3A_1062, %select_n3A_1057, %while3A_620 : vector<16xi1>, vector<16xi32>
          %masked_sort3A_1067 = arith.constant dense<true> : vector<16xi1>
          %masked_sort3A_1068, %masked_sort3A_1069, %masked_sort3A_1070 = tpu.sort %select_n3A_1063, %select_n3A_1064 masked %masked_sort3A_1067 : (vector<16xf32>, vector<16xi32>, vector<16xi1>) -> (vector<16xi1>, vector<16xf32>, vector<16xi32>)
          %broadcast_in_dim3A_1071 = arith.constant true
          %broadcast_in_dim3A_1072 = vector.broadcast %broadcast_in_dim3A_1071 : i1 to vector<16xi1>
          %unique3A_1073, %unique3A_1074 = tpu.scan_count mask(%broadcast_in_dim3A_1072 : vector<16xi1>) value(%masked_sort3A_1069 : vector<16xf32>) : vector<16xi1>, vector<16xi32>
          %iota3A_1075 = tpu.iota {dimensions = array<i32: 0>} : vector<16xi32>
          %sub3A_1076 = arith.subi %iota3A_1075, %unique3A_1074 : vector<16xi32>
          %mul3A_1077 = arith.constant 2048 : i32
          %mul3A_1078 = vector.broadcast %mul3A_1077 : i32 to vector<16xi32>
          %mul3A_1079 = arith.muli %sub3A_1076, %mul3A_1078 : vector<16xi32>
          %add3A_1080 = arith.addi %mul3A_1079, %masked_sort3A_1070 : vector<16xi32>
          %masked_sort3A_1081 = arith.constant dense<true> : vector<16xi1>
          %masked_sort3A_1082 = arith.constant -2147483648 : i32
          %masked_sort3A_1083 = vector.broadcast %masked_sort3A_1082 : i32 to vector<16xi32>
          %masked_sort3A_1084 = arith.xori %add3A_1080, %masked_sort3A_1083 : vector<16xi32>
          %masked_sort3A_1085, %masked_sort3A_1086, %masked_sort3A_1087 = tpu.sort %masked_sort3A_1084, %masked_sort3A_1070 masked %masked_sort3A_1081 : (vector<16xi32>, vector<16xi32>, vector<16xi1>) -> (vector<16xi1>, vector<16xi32>, vector<16xi32>)
          %masked_sort3A_1088 = arith.xori %masked_sort3A_1086, %masked_sort3A_1083 : vector<16xi32>
          %masked_sort3A_1089 = arith.constant dense<true> : vector<16xi1>
          %masked_sort3A_1090, %masked_sort3A_1091, %masked_sort3A_1092 = tpu.sort %select_n3A_1065, %select_n3A_1066 masked %masked_sort3A_1089 : (vector<16xf32>, vector<16xi32>, vector<16xi1>) -> (vector<16xi1>, vector<16xf32>, vector<16xi32>)
          %broadcast_in_dim3A_1093 = arith.constant true
          %broadcast_in_dim3A_1094 = vector.broadcast %broadcast_in_dim3A_1093 : i1 to vector<16xi1>
          %unique3A_1095, %unique3A_1096 = tpu.scan_count mask(%broadcast_in_dim3A_1094 : vector<16xi1>) value(%masked_sort3A_1091 : vector<16xf32>) : vector<16xi1>, vector<16xi32>
          %iota3A_1097 = tpu.iota {dimensions = array<i32: 0>} : vector<16xi32>
          %sub3A_1098 = arith.subi %iota3A_1097, %unique3A_1096 : vector<16xi32>
          %mul3A_1099 = arith.constant 2048 : i32
          %mul3A_1100 = vector.broadcast %mul3A_1099 : i32 to vector<16xi32>
          %mul3A_1101 = arith.muli %sub3A_1098, %mul3A_1100 : vector<16xi32>
          %add3A_1102 = arith.addi %mul3A_1101, %masked_sort3A_1092 : vector<16xi32>
          %masked_sort3A_1103 = arith.constant dense<true> : vector<16xi1>
          %masked_sort3A_1104 = arith.constant -2147483648 : i32
          %masked_sort3A_1105 = vector.broadcast %masked_sort3A_1104 : i32 to vector<16xi32>
          %masked_sort3A_1106 = arith.xori %add3A_1102, %masked_sort3A_1105 : vector<16xi32>
          %masked_sort3A_1107, %masked_sort3A_1108, %masked_sort3A_1109 = tpu.sort %masked_sort3A_1106, %masked_sort3A_1092 masked %masked_sort3A_1103 : (vector<16xi32>, vector<16xi32>, vector<16xi1>) -> (vector<16xi1>, vector<16xi32>, vector<16xi32>)
          %masked_sort3A_1110 = arith.xori %masked_sort3A_1108, %masked_sort3A_1105 : vector<16xi32>
          scf.yield %masked_sort3A_697, %masked_sort3A_719, %masked_sort3A_715, %masked_sort3A_737, %masked_sort3A_821, %masked_sort3A_843, %masked_sort3A_839, %masked_sort3A_861, %masked_sort3A_945, %masked_sort3A_967, %masked_sort3A_963, %masked_sort3A_985, %masked_sort3A_1069, %masked_sort3A_1091, %masked_sort3A_1087, %masked_sort3A_1109 : vector<16xf32>, vector<16xf32>, vector<16xi32>, vector<16xi32>, vector<16xf32>, vector<16xf32>, vector<16xi32>, vector<16xi32>, vector<16xf32>, vector<16xf32>, vector<16xi32>, vector<16xi32>, vector<16xf32>, vector<16xf32>, vector<16xi32>, vector<16xi32>
        }
        %while3A_544 = arith.constant 1 : i32
        %while3A_545:16 = scf.for %while3A_605 = %while3A_541 to %while3A_537 step %while3A_544 iter_args(%while3A_606 = %while3A_543#0, %while3A_607 = %while3A_543#1, %while3A_608 = %while3A_543#2, %while3A_609 = %while3A_543#3, %while3A_610 = %while3A_543#4, %while3A_611 = %while3A_543#5, %while3A_612 = %while3A_543#6, %while3A_613 = %while3A_543#7, %while3A_614 = %while3A_543#8, %while3A_615 = %while3A_543#9, %while3A_616 = %while3A_543#10, %while3A_617 = %while3A_543#11, %while3A_618 = %while3A_543#12, %while3A_619 = %while3A_543#13, %while3A_620 = %while3A_543#14, %while3A_621 = %while3A_543#15) -> (vector<16xf32>, vector<16xf32>, vector<16xi32>, vector<16xi32>, vector<16xf32>, vector<16xf32>, vector<16xi32>, vector<16xi32>, vector<16xf32>, vector<16xf32>, vector<16xi32>, vector<16xi32>, vector<16xf32>, vector<16xf32>, vector<16xi32>, vector<16xi32>)  : i32 {
          %lt3A_622 = arith.cmpi slt, %while3A_605, %shift_right_arithmetic3A_500 : i32
          %sub3A = arith.subi %while3A_605, %shift_right_arithmetic3A_500 : i32
          %mul3A_623 = arith.constant 16 : i32
          %mul3A_624 = arith.muli %mul3A_623, %while3A_605 : i32
          %mul3A_625 = arith.constant 16 : i32
          %mul3A_626 = arith.muli %mul3A_625, %sub3A : i32
          %add3A_627 = arith.constant 1024 : i32
          %add3A_628 = arith.addi %add3A_627, %mul3A_626 : i32
          %select_n3A_629 = arith.select %lt3A_622, %mul3A_624, %add3A_628 : i32
          %min3A_630 = arith.constant 2048 : i32
          %min3A_631 = arith.minsi %select_n3A_629, %min3A_630 : i32
          %iota3A_632 = tpu.iota {dimensions = array<i32: 0>} : vector<16xi32>
          %mul3A_633 = arith.constant 16 : i32
          %mul3A_634 = arith.muli %mul3A_633, %while3A_605 : i32
          %mul3A_635 = arith.constant 16 : i32
          %mul3A_636 = arith.muli %mul3A_635, %sub3A : i32
          %select_n3A_637 = arith.select %lt3A_622, %mul3A_634, %mul3A_636 : i32
          %add3A_638 = vector.broadcast %select_n3A_637 : i32 to vector<16xi32>
          %add3A_639 = arith.addi %iota3A_632, %add3A_638 : vector<16xi32>
          %select_n3A_640 = arith.select %lt3A_622, %scan3A_483#0, %scan3A_483#2 : i32
          %lt3A_641 = vector.broadcast %select_n3A_640 : i32 to vector<16xi32>
          %lt3A_642 = arith.cmpi slt, %add3A_639, %lt3A_641 : vector<16xi32>
          %get3A = arith.index_cast %min3A_631 : i32 to index
          %get3A_643 = tpu.vector_load %arg7[%get3A] {strides = array<i32>} : memref<2064xi32, #tpu.memory_space<vmem>>, vector<16xi32>,
          %jit3A_644 = arith.constant 0 : i32
          %broadcast_in_dim3A_645 = vector.broadcast %jit3A_644 : i32 to vector<16xi32>
          %select_n3A_646 = arith.select %lt3A_642, %get3A_643, %broadcast_in_dim3A_645 : vector<16xi1>, vector<16xi32>
          %broadcast_in_dim3A_647 = vector.broadcast %add3A_120 : i32 to vector<16xi32>
          %gather3A = tpu.vector_load_idx %arg5[%broadcast_in_dim3A_647, %select_n3A_646] : memref<8x2048xf32, #tpu.memory_space<vmem>>[vector<16xi32>, vector<16xi32>], vector<16xf32>,
          %jit3A_648 = arith.constant 0x7F800000 : f32
          %broadcast_in_dim3A_649 = vector.broadcast %jit3A_648 : f32 to vector<16xf32>
          %select_n3A_650 = arith.select %lt3A_642, %gather3A, %broadcast_in_dim3A_649 : vector<16xi1>, vector<16xf32>
          %masked_sort3A_651 = arith.constant dense<true> : vector<16xi1>
          %masked_sort3A_652, %masked_sort3A_653, %masked_sort3A_654 = tpu.sort %select_n3A_650, %select_n3A_646 masked %masked_sort3A_651 : (vector<16xf32>, vector<16xi32>, vector<16xi1>) -> (vector<16xi1>, vector<16xf32>, vector<16xi32>)
          %broadcast_in_dim3A_655 = arith.constant true
          %broadcast_in_dim3A_656 = vector.broadcast %broadcast_in_dim3A_655 : i1 to vector<16xi1>
          %unique3A, %unique3A_657 = tpu.scan_count mask(%broadcast_in_dim3A_656 : vector<16xi1>) value(%masked_sort3A_653 : vector<16xf32>) : vector<16xi1>, vector<16xi32>
          %iota3A_658 = tpu.iota {dimensions = array<i32: 0>} : vector<16xi32>
          %sub3A_659 = arith.subi %iota3A_658, %unique3A_657 : vector<16xi32>
          %mul3A_660 = arith.constant 2048 : i32
          %mul3A_661 = vector.broadcast %mul3A_660 : i32 to vector<16xi32>
          %mul3A_662 = arith.muli %sub3A_659, %mul3A_661 : vector<16xi32>
          %add3A_663 = arith.addi %mul3A_662, %masked_sort3A_654 : vector<16xi32>
          %masked_sort3A_664 = arith.constant dense<true> : vector<16xi1>
          %masked_sort3A_665 = arith.constant -2147483648 : i32
          %masked_sort3A_666 = vector.broadcast %masked_sort3A_665 : i32 to vector<16xi32>
          %masked_sort3A_667 = arith.xori %add3A_663, %masked_sort3A_666 : vector<16xi32>
          %masked_sort3A_668, %masked_sort3A_669, %masked_sort3A_670 = tpu.sort %masked_sort3A_667, %masked_sort3A_654 masked %masked_sort3A_664 : (vector<16xi32>, vector<16xi32>, vector<16xi1>) -> (vector<16xi1>, vector<16xi32>, vector<16xi32>)
          %masked_sort3A_671 = arith.xori %masked_sort3A_669, %masked_sort3A_666 : vector<16xi32>
          %rev3A_672 = arith.constant 15 : i32
          %rev3A_673 = vector.broadcast %rev3A_672 : i32 to vector<16xi32>
          %rev3A_674 = tpu.iota {dimensions = array<i32: 0>} : vector<16xi32>
          %rev3A_675 = arith.subi %rev3A_673, %rev3A_674 : vector<16xi32>
          %rev3A_676 = tpu.dynamic_gather %masked_sort3A_653[%rev3A_675] in [0] : vector<16xf32>, vector<16xi32> -> vector<16xf32>
          %rev3A_677 = arith.constant 15 : i32
          %rev3A_678 = vector.broadcast %rev3A_677 : i32 to vector<16xi32>
          %rev3A_679 = tpu.iota {dimensions = array<i32: 0>} : vector<16xi32>
          %rev3A_680 = arith.subi %rev3A_678, %rev3A_679 : vector<16xi32>
          %rev3A_681 = tpu.dynamic_gather %masked_sort3A_670[%rev3A_680] in [0] : vector<16xi32>, vector<16xi32> -> vector<16xi32>
          %lt3A_682 = arith.cmpf olt, %while3A_607, %rev3A_676 : vector<16xf32>
          %eq3A = arith.cmpf oeq, %while3A_607, %rev3A_676 : vector<16xf32>
          %lt3A_683 = arith.cmpi slt, %while3A_609, %rev3A_681 : vector<16xi32>
          %and3A = arith.andi %eq3A, %lt3A_683 : vector<16xi1>
          %or3A = arith.ori %lt3A_682, %and3A : vector<16xi1>
          %select_n3A_684 = arith.select %or3A, %while3A_607, %rev3A_676 : vector<16xi1>, vector<16xf32>
          %select_n3A_685 = arith.select %or3A, %while3A_609, %rev3A_681 : vector<16xi1>, vector<16xi32>
          %lt3A_686 = arith.cmpf olt, %while3A_606, %select_n3A_684 : vector<16xf32>
          %eq3A_687 = arith.cmpf oeq, %while3A_606, %select_n3A_684 : vector<16xf32>
          %lt3A_688 = arith.cmpi slt, %while3A_608, %select_n3A_685 : vector<16xi32>
          %and3A_689 = arith.andi %eq3A_687, %lt3A_688 : vector<16xi1>
          %or3A_690 = arith.ori %lt3A_686, %and3A_689 : vector<16xi1>
          %select_n3A_691 = arith.select %or3A_690, %while3A_606, %select_n3A_684 : vector<16xi1>, vector<16xf32>
          %select_n3A_692 = arith.select %or3A_690, %while3A_608, %select_n3A_685 : vector<16xi1>, vector<16xi32>
          %select_n3A_693 = arith.select %or3A_690, %select_n3A_684, %while3A_606 : vector<16xi1>, vector<16xf32>
          %select_n3A_694 = arith.select %or3A_690, %select_n3A_685, %while3A_608 : vector<16xi1>, vector<16xi32>
          %masked_sort3A_695 = arith.constant dense<true> : vector<16xi1>
          %masked_sort3A_696, %masked_sort3A_697, %masked_sort3A_698 = tpu.sort %select_n3A_691, %select_n3A_692 masked %masked_sort3A_695 : (vector<16xf32>, vector<16xi32>, vector<16xi1>) -> (vector<16xi1>, vector<16xf32>, vector<16xi32>)
          %broadcast_in_dim3A_699 = arith.constant true
          %broadcast_in_dim3A_700 = vector.broadcast %broadcast_in_dim3A_699 : i1 to vector<16xi1>
          %unique3A_701, %unique3A_702 = tpu.scan_count mask(%broadcast_in_dim3A_700 : vector<16xi1>) value(%masked_sort3A_697 : vector<16xf32>) : vector<16xi1>, vector<16xi32>
          %iota3A_703 = tpu.iota {dimensions = array<i32: 0>} : vector<16xi32>
          %sub3A_704 = arith.subi %iota3A_703, %unique3A_702 : vector<16xi32>
          %mul3A_705 = arith.constant 2048 : i32
          %mul3A_706 = vector.broadcast %mul3A_705 : i32 to vector<16xi32>
          %mul3A_707 = arith.muli %sub3A_704, %mul3A_706 : vector<16xi32>
          %add3A_708 = arith.addi %mul3A_707, %masked_sort3A_698 : vector<16xi32>
          %masked_sort3A_709 = arith.constant dense<true> : vector<16xi1>
          %masked_sort3A_710 = arith.constant -2147483648 : i32
          %masked_sort3A_711 = vector.broadcast %masked_sort3A_710 : i32 to vector<16xi32>
          %masked_sort3A_712 = arith.xori %add3A_708, %masked_sort3A_711 : vector<16xi32>
          %masked_sort3A_713, %masked_sort3A_714, %masked_sort3A_715 = tpu.sort %masked_sort3A_712, %masked_sort3A_698 masked %masked_sort3A_709 : (vector<16xi32>, vector<16xi32>, vector<16xi1>) -> (vector<16xi1>, vector<16xi32>, vector<16xi32>)
          %masked_sort3A_716 = arith.xori %masked_sort3A_714, %masked_sort3A_711 : vector<16xi32>
          %masked_sort3A_717 = arith.constant dense<true> : vector<16xi1>
          %masked_sort3A_718, %masked_sort3A_719, %masked_sort3A_720 = tpu.sort %select_n3A_693, %select_n3A_694 masked %masked_sort3A_717 : (vector<16xf32>, vector<16xi32>, vector<16xi1>) -> (vector<16xi1>, vector<16xf32>, vector<16xi32>)
          %broadcast_in_dim3A_721 = arith.constant true
          %broadcast_in_dim3A_722 = vector.broadcast %broadcast_in_dim3A_721 : i1 to vector<16xi1>
          %unique3A_723, %unique3A_724 = tpu.scan_count mask(%broadcast_in_dim3A_722 : vector<16xi1>) value(%masked_sort3A_719 : vector<16xf32>) : vector<16xi1>, vector<16xi32>
          %iota3A_725 = tpu.iota {dimensions = array<i32: 0>} : vector<16xi32>
          %sub3A_726 = arith.subi %iota3A_725, %unique3A_724 : vector<16xi32>
          %mul3A_727 = arith.constant 2048 : i32
          %mul3A_728 = vector.broadcast %mul3A_727 : i32 to vector<16xi32>
          %mul3A_729 = arith.muli %sub3A_726, %mul3A_728 : vector<16xi32>
          %add3A_730 = arith.addi %mul3A_729, %masked_sort3A_720 : vector<16xi32>
          %masked_sort3A_731 = arith.constant dense<true> : vector<16xi1>
          %masked_sort3A_732 = arith.constant -2147483648 : i32
          %masked_sort3A_733 = vector.broadcast %masked_sort3A_732 : i32 to vector<16xi32>
          %masked_sort3A_734 = arith.xori %add3A_730, %masked_sort3A_733 : vector<16xi32>
          %masked_sort3A_735, %masked_sort3A_736, %masked_sort3A_737 = tpu.sort %masked_sort3A_734, %masked_sort3A_720 masked %masked_sort3A_731 : (vector<16xi32>, vector<16xi32>, vector<16xi1>) -> (vector<16xi1>, vector<16xi32>, vector<16xi32>)
          %masked_sort3A_738 = arith.xori %masked_sort3A_736, %masked_sort3A_733 : vector<16xi32>
          %lt3A_739 = arith.cmpi slt, %while3A_605, %shift_right_arithmetic3A_504 : i32
          %sub3A_740 = arith.subi %while3A_605, %shift_right_arithmetic3A_504 : i32
          %mul3A_741 = arith.constant 16 : i32
          %mul3A_742 = arith.muli %mul3A_741, %while3A_605 : i32
          %mul3A_743 = arith.constant 16 : i32
          %mul3A_744 = arith.muli %mul3A_743, %sub3A_740 : i32
          %add3A_745 = arith.constant 1024 : i32
          %add3A_746 = arith.addi %add3A_745, %mul3A_744 : i32
          %select_n3A_747 = arith.select %lt3A_739, %mul3A_742, %add3A_746 : i32
          %min3A_748 = arith.constant 2048 : i32
          %min3A_749 = arith.minsi %select_n3A_747, %min3A_748 : i32
          %iota3A_750 = tpu.iota {dimensions = array<i32: 0>} : vector<16xi32>
          %mul3A_751 = arith.constant 16 : i32
          %mul3A_752 = arith.muli %mul3A_751, %while3A_605 : i32
          %mul3A_753 = arith.constant 16 : i32
          %mul3A_754 = arith.muli %mul3A_753, %sub3A_740 : i32
          %select_n3A_755 = arith.select %lt3A_739, %mul3A_752, %mul3A_754 : i32
          %add3A_756 = vector.broadcast %select_n3A_755 : i32 to vector<16xi32>
          %add3A_757 = arith.addi %iota3A_750, %add3A_756 : vector<16xi32>
          %select_n3A_758 = arith.select %lt3A_739, %scan3A_483#1, %scan3A_483#3 : i32
          %lt3A_759 = vector.broadcast %select_n3A_758 : i32 to vector<16xi32>
          %lt3A_760 = arith.cmpi slt, %add3A_757, %lt3A_759 : vector<16xi32>
          %get3A_761 = arith.index_cast %min3A_749 : i32 to index
          %get3A_762 = tpu.vector_load %arg8[%get3A_761] {strides = array<i32>} : memref<2064xi32, #tpu.memory_space<vmem>>, vector<16xi32>,
          %jit3A_763 = arith.constant 0 : i32
          %broadcast_in_dim3A_764 = vector.broadcast %jit3A_763 : i32 to vector<16xi32>
          %select_n3A_765 = arith.select %lt3A_760, %get3A_762, %broadcast_in_dim3A_764 : vector<16xi1>, vector<16xi32>
          %broadcast_in_dim3A_766 = vector.broadcast %add3A_124 : i32 to vector<16xi32>
          %gather3A_767 = tpu.vector_load_idx %arg5[%broadcast_in_dim3A_766, %select_n3A_765] : memref<8x2048xf32, #tpu.memory_space<vmem>>[vector<16xi32>, vector<16xi32>], vector<16xf32>,
          %jit3A_768 = arith.constant 0x7F800000 : f32
          %broadcast_in_dim3A_769 = vector.broadcast %jit3A_768 : f32 to vector<16xf32>
          %select_n3A_770 = arith.select %lt3A_760, %gather3A_767, %broadcast_in_dim3A_769 : vector<16xi1>, vector<16xf32>
          %masked_sort3A_771 = arith.constant dense<true> : vector<16xi1>
          %masked_sort3A_772, %masked_sort3A_773, %masked_sort3A_774 = tpu.sort %select_n3A_770, %select_n3A_765 masked %masked_sort3A_771 : (vector<16xf32>, vector<16xi32>, vector<16xi1>) -> (vector<16xi1>, vector<16xf32>, vector<16xi32>)
          %broadcast_in_dim3A_775 = arith.constant true
          %broadcast_in_dim3A_776 = vector.broadcast %broadcast_in_dim3A_775 : i1 to vector<16xi1>
          %unique3A_777, %unique3A_778 = tpu.scan_count mask(%broadcast_in_dim3A_776 : vector<16xi1>) value(%masked_sort3A_773 : vector<16xf32>) : vector<16xi1>, vector<16xi32>
          %iota3A_779 = tpu.iota {dimensions = array<i32: 0>} : vector<16xi32>
          %sub3A_780 = arith.subi %iota3A_779, %unique3A_778 : vector<16xi32>
          %mul3A_781 = arith.constant 2048 : i32
          %mul3A_782 = vector.broadcast %mul3A_781 : i32 to vector<16xi32>
          %mul3A_783 = arith.muli %sub3A_780, %mul3A_782 : vector<16xi32>
          %add3A_784 = arith.addi %mul3A_783, %masked_sort3A_774 : vector<16xi32>
          %masked_sort3A_785 = arith.constant dense<true> : vector<16xi1>
          %masked_sort3A_786 = arith.constant -2147483648 : i32
          %masked_sort3A_787 = vector.broadcast %masked_sort3A_786 : i32 to vector<16xi32>
          %masked_sort3A_788 = arith.xori %add3A_784, %masked_sort3A_787 : vector<16xi32>
          %masked_sort3A_789, %masked_sort3A_790, %masked_sort3A_791 = tpu.sort %masked_sort3A_788, %masked_sort3A_774 masked %masked_sort3A_785 : (vector<16xi32>, vector<16xi32>, vector<16xi1>) -> (vector<16xi1>, vector<16xi32>, vector<16xi32>)
          %masked_sort3A_792 = arith.xori %masked_sort3A_790, %masked_sort3A_787 : vector<16xi32>
          %rev3A_793 = arith.constant 15 : i32
          %rev3A_794 = vector.broadcast %rev3A_793 : i32 to vector<16xi32>
          %rev3A_795 = tpu.iota {dimensions = array<i32: 0>} : vector<16xi32>
          %rev3A_796 = arith.subi %rev3A_794, %rev3A_795 : vector<16xi32>
          %rev3A_797 = tpu.dynamic_gather %masked_sort3A_773[%rev3A_796] in [0] : vector<16xf32>, vector<16xi32> -> vector<16xf32>
          %rev3A_798 = arith.constant 15 : i32
          %rev3A_799 = vector.broadcast %rev3A_798 : i32 to vector<16xi32>
          %rev3A_800 = tpu.iota {dimensions = array<i32: 0>} : vector<16xi32>
          %rev3A_801 = arith.subi %rev3A_799, %rev3A_800 : vector<16xi32>
          %rev3A_802 = tpu.dynamic_gather %masked_sort3A_791[%rev3A_801] in [0] : vector<16xi32>, vector<16xi32> -> vector<16xi32>
          %lt3A_803 = arith.cmpf olt, %while3A_611, %rev3A_797 : vector<16xf32>
          %eq3A_804 = arith.cmpf oeq, %while3A_611, %rev3A_797 : vector<16xf32>
          %lt3A_805 = arith.cmpi slt, %while3A_613, %rev3A_802 : vector<16xi32>
          %and3A_806 = arith.andi %eq3A_804, %lt3A_805 : vector<16xi1>
          %or3A_807 = arith.ori %lt3A_803, %and3A_806 : vector<16xi1>
          %select_n3A_808 = arith.select %or3A_807, %while3A_611, %rev3A_797 : vector<16xi1>, vector<16xf32>
          %select_n3A_809 = arith.select %or3A_807, %while3A_613, %rev3A_802 : vector<16xi1>, vector<16xi32>
          %lt3A_810 = arith.cmpf olt, %while3A_610, %select_n3A_808 : vector<16xf32>
          %eq3A_811 = arith.cmpf oeq, %while3A_610, %select_n3A_808 : vector<16xf32>
          %lt3A_812 = arith.cmpi slt, %while3A_612, %select_n3A_809 : vector<16xi32>
          %and3A_813 = arith.andi %eq3A_811, %lt3A_812 : vector<16xi1>
          %or3A_814 = arith.ori %lt3A_810, %and3A_813 : vector<16xi1>
          %select_n3A_815 = arith.select %or3A_814, %while3A_610, %select_n3A_808 : vector<16xi1>, vector<16xf32>
          %select_n3A_816 = arith.select %or3A_814, %while3A_612, %select_n3A_809 : vector<16xi1>, vector<16xi32>
          %select_n3A_817 = arith.select %or3A_814, %select_n3A_808, %while3A_610 : vector<16xi1>, vector<16xf32>
          %select_n3A_818 = arith.select %or3A_814, %select_n3A_809, %while3A_612 : vector<16xi1>, vector<16xi32>
          %masked_sort3A_819 = arith.constant dense<true> : vector<16xi1>
          %masked_sort3A_820, %masked_sort3A_821, %masked_sort3A_822 = tpu.sort %select_n3A_815, %select_n3A_816 masked %masked_sort3A_819 : (vector<16xf32>, vector<16xi32>, vector<16xi1>) -> (vector<16xi1>, vector<16xf32>, vector<16xi32>)
          %broadcast_in_dim3A_823 = arith.constant true
          %broadcast_in_dim3A_824 = vector.broadcast %broadcast_in_dim3A_823 : i1 to vector<16xi1>
          %unique3A_825, %unique3A_826 = tpu.scan_count mask(%broadcast_in_dim3A_824 : vector<16xi1>) value(%masked_sort3A_821 : vector<16xf32>) : vector<16xi1>, vector<16xi32>
          %iota3A_827 = tpu.iota {dimensions = array<i32: 0>} : vector<16xi32>
          %sub3A_828 = arith.subi %iota3A_827, %unique3A_826 : vector<16xi32>
          %mul3A_829 = arith.constant 2048 : i32
          %mul3A_830 = vector.broadcast %mul3A_829 : i32 to vector<16xi32>
          %mul3A_831 = arith.muli %sub3A_828, %mul3A_830 : vector<16xi32>
          %add3A_832 = arith.addi %mul3A_831, %masked_sort3A_822 : vector<16xi32>
          %masked_sort3A_833 = arith.constant dense<true> : vector<16xi1>
          %masked_sort3A_834 = arith.constant -2147483648 : i32
          %masked_sort3A_835 = vector.broadcast %masked_sort3A_834 : i32 to vector<16xi32>
          %masked_sort3A_836 = arith.xori %add3A_832, %masked_sort3A_835 : vector<16xi32>
          %masked_sort3A_837, %masked_sort3A_838, %masked_sort3A_839 = tpu.sort %masked_sort3A_836, %masked_sort3A_822 masked %masked_sort3A_833 : (vector<16xi32>, vector<16xi32>, vector<16xi1>) -> (vector<16xi1>, vector<16xi32>, vector<16xi32>)
          %masked_sort3A_840 = arith.xori %masked_sort3A_838, %masked_sort3A_835 : vector<16xi32>
          %masked_sort3A_841 = arith.constant dense<true> : vector<16xi1>
          %masked_sort3A_842, %masked_sort3A_843, %masked_sort3A_844 = tpu.sort %select_n3A_817, %select_n3A_818 masked %masked_sort3A_841 : (vector<16xf32>, vector<16xi32>, vector<16xi1>) -> (vector<16xi1>, vector<16xf32>, vector<16xi32>)
          %broadcast_in_dim3A_845 = arith.constant true
          %broadcast_in_dim3A_846 = vector.broadcast %broadcast_in_dim3A_845 : i1 to vector<16xi1>
          %unique3A_847, %unique3A_848 = tpu.scan_count mask(%broadcast_in_dim3A_846 : vector<16xi1>) value(%masked_sort3A_843 : vector<16xf32>) : vector<16xi1>, vector<16xi32>
          %iota3A_849 = tpu.iota {dimensions = array<i32: 0>} : vector<16xi32>
          %sub3A_850 = arith.subi %iota3A_849, %unique3A_848 : vector<16xi32>
          %mul3A_851 = arith.constant 2048 : i32
          %mul3A_852 = vector.broadcast %mul3A_851 : i32 to vector<16xi32>
          %mul3A_853 = arith.muli %sub3A_850, %mul3A_852 : vector<16xi32>
          %add3A_854 = arith.addi %mul3A_853, %masked_sort3A_844 : vector<16xi32>
          %masked_sort3A_855 = arith.constant dense<true> : vector<16xi1>
          %masked_sort3A_856 = arith.constant -2147483648 : i32
          %masked_sort3A_857 = vector.broadcast %masked_sort3A_856 : i32 to vector<16xi32>
          %masked_sort3A_858 = arith.xori %add3A_854, %masked_sort3A_857 : vector<16xi32>
          %masked_sort3A_859, %masked_sort3A_860, %masked_sort3A_861 = tpu.sort %masked_sort3A_858, %masked_sort3A_844 masked %masked_sort3A_855 : (vector<16xi32>, vector<16xi32>, vector<16xi1>) -> (vector<16xi1>, vector<16xi32>, vector<16xi32>)
          %masked_sort3A_862 = arith.xori %masked_sort3A_860, %masked_sort3A_857 : vector<16xi32>
          %lt3A_863 = arith.cmpi slt, %while3A_605, %shift_right_arithmetic3A_508 : i32
          %sub3A_864 = arith.subi %while3A_605, %shift_right_arithmetic3A_508 : i32
          %mul3A_865 = arith.constant 16 : i32
          %mul3A_866 = arith.muli %mul3A_865, %while3A_605 : i32
          %mul3A_867 = arith.constant 16 : i32
          %mul3A_868 = arith.muli %mul3A_867, %sub3A_864 : i32
          %add3A_869 = arith.constant 1024 : i32
          %add3A_870 = arith.addi %add3A_869, %mul3A_868 : i32
          %select_n3A_871 = arith.select %lt3A_863, %mul3A_866, %add3A_870 : i32
          %min3A_872 = arith.constant 2048 : i32
          %min3A_873 = arith.minsi %select_n3A_871, %min3A_872 : i32
          %iota3A_874 = tpu.iota {dimensions = array<i32: 0>} : vector<16xi32>
          %mul3A_875 = arith.constant 16 : i32
          %mul3A_876 = arith.muli %mul3A_875, %while3A_605 : i32
          %mul3A_877 = arith.constant 16 : i32
          %mul3A_878 = arith.muli %mul3A_877, %sub3A_864 : i32
          %select_n3A_879 = arith.select %lt3A_863, %mul3A_876, %mul3A_878 : i32
          %add3A_880 = vector.broadcast %select_n3A_879 : i32 to vector<16xi32>
          %add3A_881 = arith.addi %iota3A_874, %add3A_880 : vector<16xi32>
          %select_n3A_882 = arith.select %lt3A_863, %scan3A_494#0, %scan3A_494#2 : i32
          %lt3A_883 = vector.broadcast %select_n3A_882 : i32 to vector<16xi32>
          %lt3A_884 = arith.cmpi slt, %add3A_881, %lt3A_883 : vector<16xi32>
          %get3A_885 = arith.index_cast %min3A_873 : i32 to index
          %get3A_886 = tpu.vector_load %arg9[%get3A_885] {strides = array<i32>} : memref<2064xi32, #tpu.memory_space<vmem>>, vector<16xi32>,
          %jit3A_887 = arith.constant 0 : i32
          %broadcast_in_dim3A_888 = vector.broadcast %jit3A_887 : i32 to vector<16xi32>
          %select_n3A_889 = arith.select %lt3A_884, %get3A_886, %broadcast_in_dim3A_888 : vector<16xi1>, vector<16xi32>
          %broadcast_in_dim3A_890 = vector.broadcast %add3A_128 : i32 to vector<16xi32>
          %gather3A_891 = tpu.vector_load_idx %arg5[%broadcast_in_dim3A_890, %select_n3A_889] : memref<8x2048xf32, #tpu.memory_space<vmem>>[vector<16xi32>, vector<16xi32>], vector<16xf32>,
          %jit3A_892 = arith.constant 0x7F800000 : f32
          %broadcast_in_dim3A_893 = vector.broadcast %jit3A_892 : f32 to vector<16xf32>
          %select_n3A_894 = arith.select %lt3A_884, %gather3A_891, %broadcast_in_dim3A_893 : vector<16xi1>, vector<16xf32>
          %masked_sort3A_895 = arith.constant dense<true> : vector<16xi1>
          %masked_sort3A_896, %masked_sort3A_897, %masked_sort3A_898 = tpu.sort %select_n3A_894, %select_n3A_889 masked %masked_sort3A_895 : (vector<16xf32>, vector<16xi32>, vector<16xi1>) -> (vector<16xi1>, vector<16xf32>, vector<16xi32>)
          %broadcast_in_dim3A_899 = arith.constant true
          %broadcast_in_dim3A_900 = vector.broadcast %broadcast_in_dim3A_899 : i1 to vector<16xi1>
          %unique3A_901, %unique3A_902 = tpu.scan_count mask(%broadcast_in_dim3A_900 : vector<16xi1>) value(%masked_sort3A_897 : vector<16xf32>) : vector<16xi1>, vector<16xi32>
          %iota3A_903 = tpu.iota {dimensions = array<i32: 0>} : vector<16xi32>
          %sub3A_904 = arith.subi %iota3A_903, %unique3A_902 : vector<16xi32>
          %mul3A_905 = arith.constant 2048 : i32
          %mul3A_906 = vector.broadcast %mul3A_905 : i32 to vector<16xi32>
          %mul3A_907 = arith.muli %sub3A_904, %mul3A_906 : vector<16xi32>
          %add3A_908 = arith.addi %mul3A_907, %masked_sort3A_898 : vector<16xi32>
          %masked_sort3A_909 = arith.constant dense<true> : vector<16xi1>
          %masked_sort3A_910 = arith.constant -2147483648 : i32
          %masked_sort3A_911 = vector.broadcast %masked_sort3A_910 : i32 to vector<16xi32>
          %masked_sort3A_912 = arith.xori %add3A_908, %masked_sort3A_911 : vector<16xi32>
          %masked_sort3A_913, %masked_sort3A_914, %masked_sort3A_915 = tpu.sort %masked_sort3A_912, %masked_sort3A_898 masked %masked_sort3A_909 : (vector<16xi32>, vector<16xi32>, vector<16xi1>) -> (vector<16xi1>, vector<16xi32>, vector<16xi32>)
          %masked_sort3A_916 = arith.xori %masked_sort3A_914, %masked_sort3A_911 : vector<16xi32>
          %rev3A_917 = arith.constant 15 : i32
          %rev3A_918 = vector.broadcast %rev3A_917 : i32 to vector<16xi32>
          %rev3A_919 = tpu.iota {dimensions = array<i32: 0>} : vector<16xi32>
          %rev3A_920 = arith.subi %rev3A_918, %rev3A_919 : vector<16xi32>
          %rev3A_921 = tpu.dynamic_gather %masked_sort3A_897[%rev3A_920] in [0] : vector<16xf32>, vector<16xi32> -> vector<16xf32>
          %rev3A_922 = arith.constant 15 : i32
          %rev3A_923 = vector.broadcast %rev3A_922 : i32 to vector<16xi32>
          %rev3A_924 = tpu.iota {dimensions = array<i32: 0>} : vector<16xi32>
          %rev3A_925 = arith.subi %rev3A_923, %rev3A_924 : vector<16xi32>
          %rev3A_926 = tpu.dynamic_gather %masked_sort3A_915[%rev3A_925] in [0] : vector<16xi32>, vector<16xi32> -> vector<16xi32>
          %lt3A_927 = arith.cmpf olt, %while3A_615, %rev3A_921 : vector<16xf32>
          %eq3A_928 = arith.cmpf oeq, %while3A_615, %rev3A_921 : vector<16xf32>
          %lt3A_929 = arith.cmpi slt, %while3A_617, %rev3A_926 : vector<16xi32>
          %and3A_930 = arith.andi %eq3A_928, %lt3A_929 : vector<16xi1>
          %or3A_931 = arith.ori %lt3A_927, %and3A_930 : vector<16xi1>
          %select_n3A_932 = arith.select %or3A_931, %while3A_615, %rev3A_921 : vector<16xi1>, vector<16xf32>
          %select_n3A_933 = arith.select %or3A_931, %while3A_617, %rev3A_926 : vector<16xi1>, vector<16xi32>
          %lt3A_934 = arith.cmpf olt, %while3A_614, %select_n3A_932 : vector<16xf32>
          %eq3A_935 = arith.cmpf oeq, %while3A_614, %select_n3A_932 : vector<16xf32>
          %lt3A_936 = arith.cmpi slt, %while3A_616, %select_n3A_933 : vector<16xi32>
          %and3A_937 = arith.andi %eq3A_935, %lt3A_936 : vector<16xi1>
          %or3A_938 = arith.ori %lt3A_934, %and3A_937 : vector<16xi1>
          %select_n3A_939 = arith.select %or3A_938, %while3A_614, %select_n3A_932 : vector<16xi1>, vector<16xf32>
          %select_n3A_940 = arith.select %or3A_938, %while3A_616, %select_n3A_933 : vector<16xi1>, vector<16xi32>
          %select_n3A_941 = arith.select %or3A_938, %select_n3A_932, %while3A_614 : vector<16xi1>, vector<16xf32>
          %select_n3A_942 = arith.select %or3A_938, %select_n3A_933, %while3A_616 : vector<16xi1>, vector<16xi32>
          %masked_sort3A_943 = arith.constant dense<true> : vector<16xi1>
          %masked_sort3A_944, %masked_sort3A_945, %masked_sort3A_946 = tpu.sort %select_n3A_939, %select_n3A_940 masked %masked_sort3A_943 : (vector<16xf32>, vector<16xi32>, vector<16xi1>) -> (vector<16xi1>, vector<16xf32>, vector<16xi32>)
          %broadcast_in_dim3A_947 = arith.constant true
          %broadcast_in_dim3A_948 = vector.broadcast %broadcast_in_dim3A_947 : i1 to vector<16xi1>
          %unique3A_949, %unique3A_950 = tpu.scan_count mask(%broadcast_in_dim3A_948 : vector<16xi1>) value(%masked_sort3A_945 : vector<16xf32>) : vector<16xi1>, vector<16xi32>
          %iota3A_951 = tpu.iota {dimensions = array<i32: 0>} : vector<16xi32>
          %sub3A_952 = arith.subi %iota3A_951, %unique3A_950 : vector<16xi32>
          %mul3A_953 = arith.constant 2048 : i32
          %mul3A_954 = vector.broadcast %mul3A_953 : i32 to vector<16xi32>
          %mul3A_955 = arith.muli %sub3A_952, %mul3A_954 : vector<16xi32>
          %add3A_956 = arith.addi %mul3A_955, %masked_sort3A_946 : vector<16xi32>
          %masked_sort3A_957 = arith.constant dense<true> : vector<16xi1>
          %masked_sort3A_958 = arith.constant -2147483648 : i32
          %masked_sort3A_959 = vector.broadcast %masked_sort3A_958 : i32 to vector<16xi32>
          %masked_sort3A_960 = arith.xori %add3A_956, %masked_sort3A_959 : vector<16xi32>
          %masked_sort3A_961, %masked_sort3A_962, %masked_sort3A_963 = tpu.sort %masked_sort3A_960, %masked_sort3A_946 masked %masked_sort3A_957 : (vector<16xi32>, vector<16xi32>, vector<16xi1>) -> (vector<16xi1>, vector<16xi32>, vector<16xi32>)
          %masked_sort3A_964 = arith.xori %masked_sort3A_962, %masked_sort3A_959 : vector<16xi32>
          %masked_sort3A_965 = arith.constant dense<true> : vector<16xi1>
          %masked_sort3A_966, %masked_sort3A_967, %masked_sort3A_968 = tpu.sort %select_n3A_941, %select_n3A_942 masked %masked_sort3A_965 : (vector<16xf32>, vector<16xi32>, vector<16xi1>) -> (vector<16xi1>, vector<16xf32>, vector<16xi32>)
          %broadcast_in_dim3A_969 = arith.constant true
          %broadcast_in_dim3A_970 = vector.broadcast %broadcast_in_dim3A_969 : i1 to vector<16xi1>
          %unique3A_971, %unique3A_972 = tpu.scan_count mask(%broadcast_in_dim3A_970 : vector<16xi1>) value(%masked_sort3A_967 : vector<16xf32>) : vector<16xi1>, vector<16xi32>
          %iota3A_973 = tpu.iota {dimensions = array<i32: 0>} : vector<16xi32>
          %sub3A_974 = arith.subi %iota3A_973, %unique3A_972 : vector<16xi32>
          %mul3A_975 = arith.constant 2048 : i32
          %mul3A_976 = vector.broadcast %mul3A_975 : i32 to vector<16xi32>
          %mul3A_977 = arith.muli %sub3A_974, %mul3A_976 : vector<16xi32>
          %add3A_978 = arith.addi %mul3A_977, %masked_sort3A_968 : vector<16xi32>
          %masked_sort3A_979 = arith.constant dense<true> : vector<16xi1>
          %masked_sort3A_980 = arith.constant -2147483648 : i32
          %masked_sort3A_981 = vector.broadcast %masked_sort3A_980 : i32 to vector<16xi32>
          %masked_sort3A_982 = arith.xori %add3A_978, %masked_sort3A_981 : vector<16xi32>
          %masked_sort3A_983, %masked_sort3A_984, %masked_sort3A_985 = tpu.sort %masked_sort3A_982, %masked_sort3A_968 masked %masked_sort3A_979 : (vector<16xi32>, vector<16xi32>, vector<16xi1>) -> (vector<16xi1>, vector<16xi32>, vector<16xi32>)
          %masked_sort3A_986 = arith.xori %masked_sort3A_984, %masked_sort3A_981 : vector<16xi32>
          %lt3A_987 = arith.cmpi slt, %while3A_605, %shift_right_arithmetic3A_512 : i32
          %sub3A_988 = arith.subi %while3A_605, %shift_right_arithmetic3A_512 : i32
          %mul3A_989 = arith.constant 16 : i32
          %mul3A_990 = arith.muli %mul3A_989, %while3A_605 : i32
          %mul3A_991 = arith.constant 16 : i32
          %mul3A_992 = arith.muli %mul3A_991, %sub3A_988 : i32
          %add3A_993 = arith.constant 1024 : i32
          %add3A_994 = arith.addi %add3A_993, %mul3A_992 : i32
          %select_n3A_995 = arith.select %lt3A_987, %mul3A_990, %add3A_994 : i32
          %min3A_996 = arith.constant 2048 : i32
          %min3A_997 = arith.minsi %select_n3A_995, %min3A_996 : i32
          %iota3A_998 = tpu.iota {dimensions = array<i32: 0>} : vector<16xi32>
          %mul3A_999 = arith.constant 16 : i32
          %mul3A_1000 = arith.muli %mul3A_999, %while3A_605 : i32
          %mul3A_1001 = arith.constant 16 : i32
          %mul3A_1002 = arith.muli %mul3A_1001, %sub3A_988 : i32
          %select_n3A_1003 = arith.select %lt3A_987, %mul3A_1000, %mul3A_1002 : i32
          %add3A_1004 = vector.broadcast %select_n3A_1003 : i32 to vector<16xi32>
          %add3A_1005 = arith.addi %iota3A_998, %add3A_1004 : vector<16xi32>
          %select_n3A_1006 = arith.select %lt3A_987, %scan3A_494#1, %scan3A_494#3 : i32
          %lt3A_1007 = vector.broadcast %select_n3A_1006 : i32 to vector<16xi32>
          %lt3A_1008 = arith.cmpi slt, %add3A_1005, %lt3A_1007 : vector<16xi32>
          %get3A_1009 = arith.index_cast %min3A_997 : i32 to index
          %get3A_1010 = tpu.vector_load %arg10[%get3A_1009] {strides = array<i32>} : memref<2064xi32, #tpu.memory_space<vmem>>, vector<16xi32>,
          %jit3A_1011 = arith.constant 0 : i32
          %broadcast_in_dim3A_1012 = vector.broadcast %jit3A_1011 : i32 to vector<16xi32>
          %select_n3A_1013 = arith.select %lt3A_1008, %get3A_1010, %broadcast_in_dim3A_1012 : vector<16xi1>, vector<16xi32>
          %broadcast_in_dim3A_1014 = vector.broadcast %add3A_132 : i32 to vector<16xi32>
          %gather3A_1015 = tpu.vector_load_idx %arg5[%broadcast_in_dim3A_1014, %select_n3A_1013] : memref<8x2048xf32, #tpu.memory_space<vmem>>[vector<16xi32>, vector<16xi32>], vector<16xf32>,
          %jit3A_1016 = arith.constant 0x7F800000 : f32
          %broadcast_in_dim3A_1017 = vector.broadcast %jit3A_1016 : f32 to vector<16xf32>
          %select_n3A_1018 = arith.select %lt3A_1008, %gather3A_1015, %broadcast_in_dim3A_1017 : vector<16xi1>, vector<16xf32>
          %masked_sort3A_1019 = arith.constant dense<true> : vector<16xi1>
          %masked_sort3A_1020, %masked_sort3A_1021, %masked_sort3A_1022 = tpu.sort %select_n3A_1018, %select_n3A_1013 masked %masked_sort3A_1019 : (vector<16xf32>, vector<16xi32>, vector<16xi1>) -> (vector<16xi1>, vector<16xf32>, vector<16xi32>)
          %broadcast_in_dim3A_1023 = arith.constant true
          %broadcast_in_dim3A_1024 = vector.broadcast %broadcast_in_dim3A_1023 : i1 to vector<16xi1>
          %unique3A_1025, %unique3A_1026 = tpu.scan_count mask(%broadcast_in_dim3A_1024 : vector<16xi1>) value(%masked_sort3A_1021 : vector<16xf32>) : vector<16xi1>, vector<16xi32>
          %iota3A_1027 = tpu.iota {dimensions = array<i32: 0>} : vector<16xi32>
          %sub3A_1028 = arith.subi %iota3A_1027, %unique3A_1026 : vector<16xi32>
          %mul3A_1029 = arith.constant 2048 : i32
          %mul3A_1030 = vector.broadcast %mul3A_1029 : i32 to vector<16xi32>
          %mul3A_1031 = arith.muli %sub3A_1028, %mul3A_1030 : vector<16xi32>
          %add3A_1032 = arith.addi %mul3A_1031, %masked_sort3A_1022 : vector<16xi32>
          %masked_sort3A_1033 = arith.constant dense<true> : vector<16xi1>
          %masked_sort3A_1034 = arith.constant -2147483648 : i32
          %masked_sort3A_1035 = vector.broadcast %masked_sort3A_1034 : i32 to vector<16xi32>
          %masked_sort3A_1036 = arith.xori %add3A_1032, %masked_sort3A_1035 : vector<16xi32>
          %masked_sort3A_1037, %masked_sort3A_1038, %masked_sort3A_1039 = tpu.sort %masked_sort3A_1036, %masked_sort3A_1022 masked %masked_sort3A_1033 : (vector<16xi32>, vector<16xi32>, vector<16xi1>) -> (vector<16xi1>, vector<16xi32>, vector<16xi32>)
          %masked_sort3A_1040 = arith.xori %masked_sort3A_1038, %masked_sort3A_1035 : vector<16xi32>
          %rev3A_1041 = arith.constant 15 : i32
          %rev3A_1042 = vector.broadcast %rev3A_1041 : i32 to vector<16xi32>
          %rev3A_1043 = tpu.iota {dimensions = array<i32: 0>} : vector<16xi32>
          %rev3A_1044 = arith.subi %rev3A_1042, %rev3A_1043 : vector<16xi32>
          %rev3A_1045 = tpu.dynamic_gather %masked_sort3A_1021[%rev3A_1044] in [0] : vector<16xf32>, vector<16xi32> -> vector<16xf32>
          %rev3A_1046 = arith.constant 15 : i32
          %rev3A_1047 = vector.broadcast %rev3A_1046 : i32 to vector<16xi32>
          %rev3A_1048 = tpu.iota {dimensions = array<i32: 0>} : vector<16xi32>
          %rev3A_1049 = arith.subi %rev3A_1047, %rev3A_1048 : vector<16xi32>
          %rev3A_1050 = tpu.dynamic_gather %masked_sort3A_1039[%rev3A_1049] in [0] : vector<16xi32>, vector<16xi32> -> vector<16xi32>
          %lt3A_1051 = arith.cmpf olt, %while3A_619, %rev3A_1045 : vector<16xf32>
          %eq3A_1052 = arith.cmpf oeq, %while3A_619, %rev3A_1045 : vector<16xf32>
          %lt3A_1053 = arith.cmpi slt, %while3A_621, %rev3A_1050 : vector<16xi32>
          %and3A_1054 = arith.andi %eq3A_1052, %lt3A_1053 : vector<16xi1>
          %or3A_1055 = arith.ori %lt3A_1051, %and3A_1054 : vector<16xi1>
          %select_n3A_1056 = arith.select %or3A_1055, %while3A_619, %rev3A_1045 : vector<16xi1>, vector<16xf32>
          %select_n3A_1057 = arith.select %or3A_1055, %while3A_621, %rev3A_1050 : vector<16xi1>, vector<16xi32>
          %lt3A_1058 = arith.cmpf olt, %while3A_618, %select_n3A_1056 : vector<16xf32>
          %eq3A_1059 = arith.cmpf oeq, %while3A_618, %select_n3A_1056 : vector<16xf32>
          %lt3A_1060 = arith.cmpi slt, %while3A_620, %select_n3A_1057 : vector<16xi32>
          %and3A_1061 = arith.andi %eq3A_1059, %lt3A_1060 : vector<16xi1>
          %or3A_1062 = arith.ori %lt3A_1058, %and3A_1061 : vector<16xi1>
          %select_n3A_1063 = arith.select %or3A_1062, %while3A_618, %select_n3A_1056 : vector<16xi1>, vector<16xf32>
          %select_n3A_1064 = arith.select %or3A_1062, %while3A_620, %select_n3A_1057 : vector<16xi1>, vector<16xi32>
          %select_n3A_1065 = arith.select %or3A_1062, %select_n3A_1056, %while3A_618 : vector<16xi1>, vector<16xf32>
          %select_n3A_1066 = arith.select %or3A_1062, %select_n3A_1057, %while3A_620 : vector<16xi1>, vector<16xi32>
          %masked_sort3A_1067 = arith.constant dense<true> : vector<16xi1>
          %masked_sort3A_1068, %masked_sort3A_1069, %masked_sort3A_1070 = tpu.sort %select_n3A_1063, %select_n3A_1064 masked %masked_sort3A_1067 : (vector<16xf32>, vector<16xi32>, vector<16xi1>) -> (vector<16xi1>, vector<16xf32>, vector<16xi32>)
          %broadcast_in_dim3A_1071 = arith.constant true
          %broadcast_in_dim3A_1072 = vector.broadcast %broadcast_in_dim3A_1071 : i1 to vector<16xi1>
          %unique3A_1073, %unique3A_1074 = tpu.scan_count mask(%broadcast_in_dim3A_1072 : vector<16xi1>) value(%masked_sort3A_1069 : vector<16xf32>) : vector<16xi1>, vector<16xi32>
          %iota3A_1075 = tpu.iota {dimensions = array<i32: 0>} : vector<16xi32>
          %sub3A_1076 = arith.subi %iota3A_1075, %unique3A_1074 : vector<16xi32>
          %mul3A_1077 = arith.constant 2048 : i32
          %mul3A_1078 = vector.broadcast %mul3A_1077 : i32 to vector<16xi32>
          %mul3A_1079 = arith.muli %sub3A_1076, %mul3A_1078 : vector<16xi32>
          %add3A_1080 = arith.addi %mul3A_1079, %masked_sort3A_1070 : vector<16xi32>
          %masked_sort3A_1081 = arith.constant dense<true> : vector<16xi1>
          %masked_sort3A_1082 = arith.constant -2147483648 : i32
          %masked_sort3A_1083 = vector.broadcast %masked_sort3A_1082 : i32 to vector<16xi32>
          %masked_sort3A_1084 = arith.xori %add3A_1080, %masked_sort3A_1083 : vector<16xi32>
          %masked_sort3A_1085, %masked_sort3A_1086, %masked_sort3A_1087 = tpu.sort %masked_sort3A_1084, %masked_sort3A_1070 masked %masked_sort3A_1081 : (vector<16xi32>, vector<16xi32>, vector<16xi1>) -> (vector<16xi1>, vector<16xi32>, vector<16xi32>)
          %masked_sort3A_1088 = arith.xori %masked_sort3A_1086, %masked_sort3A_1083 : vector<16xi32>
          %masked_sort3A_1089 = arith.constant dense<true> : vector<16xi1>
          %masked_sort3A_1090, %masked_sort3A_1091, %masked_sort3A_1092 = tpu.sort %select_n3A_1065, %select_n3A_1066 masked %masked_sort3A_1089 : (vector<16xf32>, vector<16xi32>, vector<16xi1>) -> (vector<16xi1>, vector<16xf32>, vector<16xi32>)
          %broadcast_in_dim3A_1093 = arith.constant true
          %broadcast_in_dim3A_1094 = vector.broadcast %broadcast_in_dim3A_1093 : i1 to vector<16xi1>
          %unique3A_1095, %unique3A_1096 = tpu.scan_count mask(%broadcast_in_dim3A_1094 : vector<16xi1>) value(%masked_sort3A_1091 : vector<16xf32>) : vector<16xi1>, vector<16xi32>
          %iota3A_1097 = tpu.iota {dimensions = array<i32: 0>} : vector<16xi32>
          %sub3A_1098 = arith.subi %iota3A_1097, %unique3A_1096 : vector<16xi32>
          %mul3A_1099 = arith.constant 2048 : i32
          %mul3A_1100 = vector.broadcast %mul3A_1099 : i32 to vector<16xi32>
          %mul3A_1101 = arith.muli %sub3A_1098, %mul3A_1100 : vector<16xi32>
          %add3A_1102 = arith.addi %mul3A_1101, %masked_sort3A_1092 : vector<16xi32>
          %masked_sort3A_1103 = arith.constant dense<true> : vector<16xi1>
          %masked_sort3A_1104 = arith.constant -2147483648 : i32
          %masked_sort3A_1105 = vector.broadcast %masked_sort3A_1104 : i32 to vector<16xi32>
          %masked_sort3A_1106 = arith.xori %add3A_1102, %masked_sort3A_1105 : vector<16xi32>
          %masked_sort3A_1107, %masked_sort3A_1108, %masked_sort3A_1109 = tpu.sort %masked_sort3A_1106, %masked_sort3A_1092 masked %masked_sort3A_1103 : (vector<16xi32>, vector<16xi32>, vector<16xi1>) -> (vector<16xi1>, vector<16xi32>, vector<16xi32>)
          %masked_sort3A_1110 = arith.xori %masked_sort3A_1108, %masked_sort3A_1105 : vector<16xi32>
          scf.yield %masked_sort3A_697, %masked_sort3A_719, %masked_sort3A_715, %masked_sort3A_737, %masked_sort3A_821, %masked_sort3A_843, %masked_sort3A_839, %masked_sort3A_861, %masked_sort3A_945, %masked_sort3A_967, %masked_sort3A_963, %masked_sort3A_985, %masked_sort3A_1069, %masked_sort3A_1091, %masked_sort3A_1087, %masked_sort3A_1109 : vector<16xf32>, vector<16xf32>, vector<16xi32>, vector<16xi32>, vector<16xf32>, vector<16xf32>, vector<16xi32>, vector<16xi32>, vector<16xf32>, vector<16xf32>, vector<16xi32>, vector<16xi32>, vector<16xf32>, vector<16xf32>, vector<16xi32>, vector<16xi32>
        }
        %iota3A_546 = tpu.iota {dimensions = array<i32: 0>} : vector<16xi32>
        %ge3A_547 = arith.constant 1 : i32
        %ge3A_548 = vector.broadcast %ge3A_547 : i32 to vector<16xi32>
        %ge3A_549 = arith.cmpi sge, %iota3A_546, %ge3A_548 : vector<16xi32>
        %iota3A_550 = tpu.iota {dimensions = array<i32: 0>} : vector<16xi32>
        %lt3A = arith.constant 5 : i32
        %lt3A_551 = vector.broadcast %lt3A : i32 to vector<16xi32>
        %lt3A_552 = arith.cmpi slt, %iota3A_550, %lt3A_551 : vector<16xi32>
        %mul3A_553 = arith.constant 4 : i32
        %mul3A_554 = arith.muli %mul3A_553, %scan3A_115 : i32
        %add3A_555 = arith.addi %mul3A_95, %mul3A_554 : i32
        %add3A_556 = arith.constant 0 : i32
        %add3A_557 = arith.addi %add3A_555, %add3A_556 : i32
        %mul3A_558 = arith.constant 20 : i32
        %mul3A_559 = arith.muli %mul3A_558, %add3A_557 : i32
        %swap3A = arith.index_cast %mul3A_559 : i32 to index
        %swap3A_560 = tpu.vector_load %arg6[%swap3A] masked %ge3A_549 {strides = array<i32>} : memref<14416xi32, #tpu.memory_space<vmem>>, vector<16xi32>, vector<16xi1>
        tpu.vector_store %arg6[%swap3A], %while3A_545#2 masked %ge3A_549 {strides = array<i32>} : memref<14416xi32, #tpu.memory_space<vmem>>, vector<16xi32>, vector<16xi1>
        %add3A_561 = arith.constant 15 : i32
        %add3A_562 = arith.addi %mul3A_559, %add3A_561 : i32
        %swap3A_563 = arith.index_cast %add3A_562 : i32 to index
        %swap3A_564 = tpu.vector_load %arg6[%swap3A_563] masked %lt3A_552 {strides = array<i32>} : memref<14416xi32, #tpu.memory_space<vmem>>, vector<16xi32>, vector<16xi1>
        tpu.vector_store %arg6[%swap3A_563], %while3A_545#3 masked %lt3A_552 {strides = array<i32>} : memref<14416xi32, #tpu.memory_space<vmem>>, vector<16xi32>, vector<16xi1>
        %mul3A_565 = arith.constant 4 : i32
        %mul3A_566 = arith.muli %mul3A_565, %scan3A_115 : i32
        %add3A_567 = arith.addi %mul3A_95, %mul3A_566 : i32
        %add3A_568 = arith.constant 1 : i32
        %add3A_569 = arith.addi %add3A_567, %add3A_568 : i32
        %mul3A_570 = arith.constant 20 : i32
        %mul3A_571 = arith.muli %mul3A_570, %add3A_569 : i32
        %swap3A_572 = arith.index_cast %mul3A_571 : i32 to index
        %swap3A_573 = tpu.vector_load %arg6[%swap3A_572] masked %ge3A_549 {strides = array<i32>} : memref<14416xi32, #tpu.memory_space<vmem>>, vector<16xi32>, vector<16xi1>
        tpu.vector_store %arg6[%swap3A_572], %while3A_545#6 masked %ge3A_549 {strides = array<i32>} : memref<14416xi32, #tpu.memory_space<vmem>>, vector<16xi32>, vector<16xi1>
        %add3A_574 = arith.constant 15 : i32
        %add3A_575 = arith.addi %mul3A_571, %add3A_574 : i32
        %swap3A_576 = arith.index_cast %add3A_575 : i32 to index
        %swap3A_577 = tpu.vector_load %arg6[%swap3A_576] masked %lt3A_552 {strides = array<i32>} : memref<14416xi32, #tpu.memory_space<vmem>>, vector<16xi32>, vector<16xi1>
        tpu.vector_store %arg6[%swap3A_576], %while3A_545#7 masked %lt3A_552 {strides = array<i32>} : memref<14416xi32, #tpu.memory_space<vmem>>, vector<16xi32>, vector<16xi1>
        %mul3A_578 = arith.constant 4 : i32
        %mul3A_579 = arith.muli %mul3A_578, %scan3A_115 : i32
        %add3A_580 = arith.addi %mul3A_95, %mul3A_579 : i32
        %add3A_581 = arith.constant 2 : i32
        %add3A_582 = arith.addi %add3A_580, %add3A_581 : i32
        %mul3A_583 = arith.constant 20 : i32
        %mul3A_584 = arith.muli %mul3A_583, %add3A_582 : i32
        %swap3A_585 = arith.index_cast %mul3A_584 : i32 to index
        %swap3A_586 = tpu.vector_load %arg6[%swap3A_585] masked %ge3A_549 {strides = array<i32>} : memref<14416xi32, #tpu.memory_space<vmem>>, vector<16xi32>, vector<16xi1>
        tpu.vector_store %arg6[%swap3A_585], %while3A_545#10 masked %ge3A_549 {strides = array<i32>} : memref<14416xi32, #tpu.memory_space<vmem>>, vector<16xi32>, vector<16xi1>
        %add3A_587 = arith.constant 15 : i32
        %add3A_588 = arith.addi %mul3A_584, %add3A_587 : i32
        %swap3A_589 = arith.index_cast %add3A_588 : i32 to index
        %swap3A_590 = tpu.vector_load %arg6[%swap3A_589] masked %lt3A_552 {strides = array<i32>} : memref<14416xi32, #tpu.memory_space<vmem>>, vector<16xi32>, vector<16xi1>
        tpu.vector_store %arg6[%swap3A_589], %while3A_545#11 masked %lt3A_552 {strides = array<i32>} : memref<14416xi32, #tpu.memory_space<vmem>>, vector<16xi32>, vector<16xi1>
        %mul3A_591 = arith.constant 4 : i32
        %mul3A_592 = arith.muli %mul3A_591, %scan3A_115 : i32
        %add3A_593 = arith.addi %mul3A_95, %mul3A_592 : i32
        %add3A_594 = arith.constant 3 : i32
        %add3A_595 = arith.addi %add3A_593, %add3A_594 : i32
        %mul3A_596 = arith.constant 20 : i32
        %mul3A_597 = arith.muli %mul3A_596, %add3A_595 : i32
        %swap3A_598 = arith.index_cast %mul3A_597 : i32 to index
        %swap3A_599 = tpu.vector_load %arg6[%swap3A_598] masked %ge3A_549 {strides = array<i32>} : memref<14416xi32, #tpu.memory_space<vmem>>, vector<16xi32>, vector<16xi1>
        tpu.vector_store %arg6[%swap3A_598], %while3A_545#14 masked %ge3A_549 {strides = array<i32>} : memref<14416xi32, #tpu.memory_space<vmem>>, vector<16xi32>, vector<16xi1>
        %add3A_600 = arith.constant 15 : i32
        %add3A_601 = arith.addi %mul3A_597, %add3A_600 : i32
        %swap3A_602 = arith.index_cast %add3A_601 : i32 to index
        %swap3A_603 = tpu.vector_load %arg6[%swap3A_602] masked %lt3A_552 {strides = array<i32>} : memref<14416xi32, #tpu.memory_space<vmem>>, vector<16xi32>, vector<16xi1>
        tpu.vector_store %arg6[%swap3A_602], %while3A_545#15 masked %lt3A_552 {strides = array<i32>} : memref<14416xi32, #tpu.memory_space<vmem>>, vector<16xi32>, vector<16xi1>
        %scan3A_604 = arith.constant 0 : i32
        scf.yield %scan3A_604 : i32
      }
      %scan3A_102 = arith.constant 2 : i32
      %add3A_103 = arith.constant 3 : i32
      %add3A_104 = arith.addi %mul3A_51, %add3A_103 : i32
      %min3A_105 = arith.constant 89 : i32
      %min3A_106 = arith.minsi %add3A_104, %min3A_105 : i32
      %mul3A_107 = arith.constant 8 : i32
      %mul3A_108 = arith.muli %mul3A_107, %min3A_106 : i32
      %add3A_109 = arith.addi %mul3A_2, %mul3A_108 : i32
      %dma_start3A_110 = arith.constant 0 : i32
      %dma_start3A_111 = tpu.memref_slice %arg2[%add3A_109, %dma_start3A_110] : memref<32768x2048xf32, #tpu.memory_space<hbm>> -> memref<8x2048xf32, #tpu.memory_space<hbm>>
      %dma_start3A_112 = arith.constant 0 : i32
      %dma_start3A_113 = tpu.memref_slice %arg2[%add3A_109, %dma_start3A_112] : memref<32768x2048xf32, #tpu.memory_space<hbm>> -> memref<8x2048xf32, #tpu.memory_space<hbm>>
      tpu.enqueue_dma source(%dma_start3A_113 : memref<8x2048xf32, #tpu.memory_space<hbm>>) target(%arg5 : memref<8x2048xf32, #tpu.memory_space<vmem>>) target_semaphore(%arg12 : memref<!tpu.dma_semaphore, #tpu.memory_space<semaphore_mem>>)
      %scan3A_114 = arith.constant 0 : i32
      scf.yield %scan3A_114 : i32
    }
    %scan3A_26 = arith.constant 45 : i32
    %min3A_27 = arith.constant 0 : i32
    %min3A_28 = arith.constant 89 : i32
    %min3A_29 = arith.minsi %min3A_27, %min3A_28 : i32
    %mul3A_30 = arith.constant 8 : i32
    %mul3A_31 = arith.muli %mul3A_30, %min3A_29 : i32
    %add3A_32 = arith.addi %mul3A_2, %mul3A_31 : i32
    %dma_wait3A = arith.constant 0 : i32
    %dma_wait3A_33 = tpu.memref_slice %arg2[%add3A_32, %dma_wait3A] : memref<32768x2048xf32, #tpu.memory_space<hbm>> -> memref<8x2048xf32, #tpu.memory_space<hbm>>
    %dma_wait3A_34 = arith.constant 0 : i32
    %dma_wait3A_35 = tpu.memref_slice %arg2[%add3A_32, %dma_wait3A_34] : memref<32768x2048xf32, #tpu.memory_space<hbm>> -> memref<8x2048xf32, #tpu.memory_space<hbm>>
    tpu.wait_dma2 semaphore(%arg11 : memref<!tpu.dma_semaphore, #tpu.memory_space<semaphore_mem>>) src(%dma_wait3A_35 : memref<8x2048xf32, #tpu.memory_space<hbm>>) dst(%arg4 : memref<8x2048xf32, #tpu.memory_space<vmem>>)
    %min3A_36 = arith.constant 0 : i32
    %min3A_37 = arith.constant 89 : i32
    %min3A_38 = arith.minsi %min3A_36, %min3A_37 : i32
    %mul3A_39 = arith.constant 8 : i32
    %mul3A_40 = arith.muli %mul3A_39, %min3A_38 : i32
    %add3A_41 = arith.addi %mul3A_2, %mul3A_40 : i32
    %dma_wait3A_42 = arith.constant 0 : i32
    %dma_wait3A_43 = tpu.memref_slice %arg2[%add3A_41, %dma_wait3A_42] : memref<32768x2048xf32, #tpu.memory_space<hbm>> -> memref<8x2048xf32, #tpu.memory_space<hbm>>
    %dma_wait3A_44 = arith.constant 0 : i32
    %dma_wait3A_45 = tpu.memref_slice %arg2[%add3A_41, %dma_wait3A_44] : memref<32768x2048xf32, #tpu.memory_space<hbm>> -> memref<8x2048xf32, #tpu.memory_space<hbm>>
    tpu.wait_dma2 semaphore(%arg12 : memref<!tpu.dma_semaphore, #tpu.memory_space<semaphore_mem>>) src(%dma_wait3A_45 : memref<8x2048xf32, #tpu.memory_space<hbm>>) dst(%arg5 : memref<8x2048xf32, #tpu.memory_space<vmem>>)
    %mul3A_46 = arith.constant 14400 : i32
    %mul3A_47 = arith.muli %add3A, %mul3A_46 : i32
    "tpu.region"() ({
      %run_scoped3A = tpu.sem_alloc : memref<!tpu.dma_semaphore, #tpu.memory_space<semaphore_mem>>
      %dma_start3A_48 = arith.constant 0 : i32
      %dma_start3A_49 = tpu.memref_slice %arg6[%dma_start3A_48] : memref<14416xi32, #tpu.memory_space<vmem>> -> memref<14400xi32, #tpu.memory_space<vmem>>
      %dma_start3A_50 = tpu.memref_slice %arg3[%mul3A_47] : memref<460800xi32, #tpu.memory_space<hbm>> -> memref<14400xi32, #tpu.memory_space<hbm>>
      %dma_start3A_51 = tpu.memref_slice %arg3[%mul3A_47] : memref<460800xi32, #tpu.memory_space<hbm>> -> memref<14400xi32, #tpu.memory_space<hbm>>
      %dma_start3A_52 = arith.constant 0 : i32
      %dma_start3A_53 = tpu.memref_slice %arg6[%dma_start3A_52] : memref<14416xi32, #tpu.memory_space<vmem>> -> memref<14400xi32, #tpu.memory_space<vmem>>
      tpu.enqueue_dma source(%dma_start3A_53 : memref<14400xi32, #tpu.memory_space<vmem>>) target(%dma_start3A_51 : memref<14400xi32, #tpu.memory_space<hbm>>) target_semaphore(%run_scoped3A : memref<!tpu.dma_semaphore, #tpu.memory_space<semaphore_mem>>)
      %dma_wait3A_54 = arith.constant 0 : i32
      %dma_wait3A_55 = tpu.memref_slice %arg6[%dma_wait3A_54] : memref<14416xi32, #tpu.memory_space<vmem>> -> memref<14400xi32, #tpu.memory_space<vmem>>
      %dma_wait3A_56 = tpu.memref_slice %arg3[%mul3A_47] : memref<460800xi32, #tpu.memory_space<hbm>> -> memref<14400xi32, #tpu.memory_space<hbm>>
      %dma_wait3A_57 = tpu.memref_slice %arg3[%mul3A_47] : memref<460800xi32, #tpu.memory_space<hbm>> -> memref<14400xi32, #tpu.memory_space<hbm>>
      %dma_wait3A_58 = arith.constant 0 : i32
      %dma_wait3A_59 = tpu.memref_slice %arg6[%dma_wait3A_58] : memref<14416xi32, #tpu.memory_space<vmem>> -> memref<14400xi32, #tpu.memory_space<vmem>>
      tpu.wait_dma2 semaphore(%run_scoped3A : memref<!tpu.dma_semaphore, #tpu.memory_space<semaphore_mem>>) src(%dma_wait3A_59 : memref<14400xi32, #tpu.memory_space<vmem>>) dst(%dma_wait3A_57 : memref<14400xi32, #tpu.memory_space<hbm>>)
      tpu.yield
    }) : () -> ()
    return
  }
}

module attributes {stable_mosaic.version = 14 : i64} {
  func.func @_tc_topk_body(%arg0: i32, %arg1: memref<256x2048xf32, #tpu.memory_space<vmem>>, %arg2: memref<256x20xi32, #tpu.memory_space<vmem>>) attributes {dimension_semantics = [#tpu.dimension_semantics<arbitrary>], iteration_bounds = array<i64: 38>, scalar_prefetch = 0 : i64, scratch_operands = 0 : i64, tpu.core_type = #tpu.core_type<tc>, window_params = [{transform_indices = @transform_0, window_bounds = array<i64: 256, 2048>}, {transform_indices = @transform_1, window_bounds = array<i64: 256, 20>}]} {
    %get3A = arith.constant 0 : index
    %get3A_0 = arith.constant 0 : index
    %get3A_1 = vector.load %arg1[%get3A, %get3A_0] : memref<256x2048xf32, #tpu.memory_space<vmem>>, vector<256x2048xf32>
    %iota3A = tpu.iota {dimensions = array<i32: 1>} : vector<256x2048xi32>
    %reduce_min3A = arith.constant dense<0x7F800000> : vector<256xf32>
    %reduce_min3A_2 = vector.multi_reduction <minimumf>, %get3A_1, %reduce_min3A [1] : vector<256x2048xf32> to vector<256xf32>
    %broadcast_in_dim3A = vector.shape_cast %reduce_min3A_2 : vector<256xf32> to vector<256x1xf32>
    %eq3A = vector.broadcast %broadcast_in_dim3A : vector<256x1xf32> to vector<256x2048xf32>
    %eq3A_3 = arith.cmpf oeq, %get3A_1, %eq3A : vector<256x2048xf32>
    %jit3A = arith.constant 2048 : i32
    %broadcast_in_dim3A_4 = vector.broadcast %jit3A : i32 to vector<256x2048xi32>
    %select_n3A = arith.select %eq3A_3, %iota3A, %broadcast_in_dim3A_4 : vector<256x2048xi1>, vector<256x2048xi32>
    %reduce_min3A_5 = arith.constant dense<2147483647> : vector<256xi32>
    %reduce_min3A_6 = vector.multi_reduction <minsi>, %select_n3A, %reduce_min3A_5 [1] : vector<256x2048xi32> to vector<256xi32>
    %broadcast_in_dim3A_7 = vector.shape_cast %reduce_min3A_6 : vector<256xi32> to vector<256x1xi32>
    %eq3A_8 = vector.broadcast %broadcast_in_dim3A_7 : vector<256x1xi32> to vector<256x2048xi32>
    %eq3A_9 = arith.cmpi eq, %iota3A, %eq3A_8 : vector<256x2048xi32>
    %jit3A_10 = arith.constant 0x7F800000 : f32
    %broadcast_in_dim3A_11 = vector.broadcast %jit3A_10 : f32 to vector<256x2048xf32>
    %select_n3A_12 = arith.select %eq3A_9, %broadcast_in_dim3A_11, %get3A_1 : vector<256x2048xi1>, vector<256x2048xf32>
    %reduce_min3A_13 = arith.constant dense<0x7F800000> : vector<256xf32>
    %reduce_min3A_14 = vector.multi_reduction <minimumf>, %select_n3A_12, %reduce_min3A_13 [1] : vector<256x2048xf32> to vector<256xf32>
    %broadcast_in_dim3A_15 = vector.shape_cast %reduce_min3A_14 : vector<256xf32> to vector<256x1xf32>
    %eq3A_16 = vector.broadcast %broadcast_in_dim3A_15 : vector<256x1xf32> to vector<256x2048xf32>
    %eq3A_17 = arith.cmpf oeq, %select_n3A_12, %eq3A_16 : vector<256x2048xf32>
    %jit3A_18 = arith.constant 2048 : i32
    %broadcast_in_dim3A_19 = vector.broadcast %jit3A_18 : i32 to vector<256x2048xi32>
    %select_n3A_20 = arith.select %eq3A_17, %iota3A, %broadcast_in_dim3A_19 : vector<256x2048xi1>, vector<256x2048xi32>
    %reduce_min3A_21 = arith.constant dense<2147483647> : vector<256xi32>
    %reduce_min3A_22 = vector.multi_reduction <minsi>, %select_n3A_20, %reduce_min3A_21 [1] : vector<256x2048xi32> to vector<256xi32>
    %broadcast_in_dim3A_23 = vector.shape_cast %reduce_min3A_22 : vector<256xi32> to vector<256x1xi32>
    %eq3A_24 = vector.broadcast %broadcast_in_dim3A_23 : vector<256x1xi32> to vector<256x2048xi32>
    %eq3A_25 = arith.cmpi eq, %iota3A, %eq3A_24 : vector<256x2048xi32>
    %jit3A_26 = arith.constant 0x7F800000 : f32
    %broadcast_in_dim3A_27 = vector.broadcast %jit3A_26 : f32 to vector<256x2048xf32>
    %select_n3A_28 = arith.select %eq3A_25, %broadcast_in_dim3A_27, %select_n3A_12 : vector<256x2048xi1>, vector<256x2048xf32>
    %reduce_min3A_29 = arith.constant dense<0x7F800000> : vector<256xf32>
    %reduce_min3A_30 = vector.multi_reduction <minimumf>, %select_n3A_28, %reduce_min3A_29 [1] : vector<256x2048xf32> to vector<256xf32>
    %broadcast_in_dim3A_31 = vector.shape_cast %reduce_min3A_30 : vector<256xf32> to vector<256x1xf32>
    %eq3A_32 = vector.broadcast %broadcast_in_dim3A_31 : vector<256x1xf32> to vector<256x2048xf32>
    %eq3A_33 = arith.cmpf oeq, %select_n3A_28, %eq3A_32 : vector<256x2048xf32>
    %jit3A_34 = arith.constant 2048 : i32
    %broadcast_in_dim3A_35 = vector.broadcast %jit3A_34 : i32 to vector<256x2048xi32>
    %select_n3A_36 = arith.select %eq3A_33, %iota3A, %broadcast_in_dim3A_35 : vector<256x2048xi1>, vector<256x2048xi32>
    %reduce_min3A_37 = arith.constant dense<2147483647> : vector<256xi32>
    %reduce_min3A_38 = vector.multi_reduction <minsi>, %select_n3A_36, %reduce_min3A_37 [1] : vector<256x2048xi32> to vector<256xi32>
    %broadcast_in_dim3A_39 = vector.shape_cast %reduce_min3A_38 : vector<256xi32> to vector<256x1xi32>
    %eq3A_40 = vector.broadcast %broadcast_in_dim3A_39 : vector<256x1xi32> to vector<256x2048xi32>
    %eq3A_41 = arith.cmpi eq, %iota3A, %eq3A_40 : vector<256x2048xi32>
    %jit3A_42 = arith.constant 0x7F800000 : f32
    %broadcast_in_dim3A_43 = vector.broadcast %jit3A_42 : f32 to vector<256x2048xf32>
    %select_n3A_44 = arith.select %eq3A_41, %broadcast_in_dim3A_43, %select_n3A_28 : vector<256x2048xi1>, vector<256x2048xf32>
    %reduce_min3A_45 = arith.constant dense<0x7F800000> : vector<256xf32>
    %reduce_min3A_46 = vector.multi_reduction <minimumf>, %select_n3A_44, %reduce_min3A_45 [1] : vector<256x2048xf32> to vector<256xf32>
    %broadcast_in_dim3A_47 = vector.shape_cast %reduce_min3A_46 : vector<256xf32> to vector<256x1xf32>
    %eq3A_48 = vector.broadcast %broadcast_in_dim3A_47 : vector<256x1xf32> to vector<256x2048xf32>
    %eq3A_49 = arith.cmpf oeq, %select_n3A_44, %eq3A_48 : vector<256x2048xf32>
    %jit3A_50 = arith.constant 2048 : i32
    %broadcast_in_dim3A_51 = vector.broadcast %jit3A_50 : i32 to vector<256x2048xi32>
    %select_n3A_52 = arith.select %eq3A_49, %iota3A, %broadcast_in_dim3A_51 : vector<256x2048xi1>, vector<256x2048xi32>
    %reduce_min3A_53 = arith.constant dense<2147483647> : vector<256xi32>
    %reduce_min3A_54 = vector.multi_reduction <minsi>, %select_n3A_52, %reduce_min3A_53 [1] : vector<256x2048xi32> to vector<256xi32>
    %broadcast_in_dim3A_55 = vector.shape_cast %reduce_min3A_54 : vector<256xi32> to vector<256x1xi32>
    %eq3A_56 = vector.broadcast %broadcast_in_dim3A_55 : vector<256x1xi32> to vector<256x2048xi32>
    %eq3A_57 = arith.cmpi eq, %iota3A, %eq3A_56 : vector<256x2048xi32>
    %jit3A_58 = arith.constant 0x7F800000 : f32
    %broadcast_in_dim3A_59 = vector.broadcast %jit3A_58 : f32 to vector<256x2048xf32>
    %select_n3A_60 = arith.select %eq3A_57, %broadcast_in_dim3A_59, %select_n3A_44 : vector<256x2048xi1>, vector<256x2048xf32>
    %reduce_min3A_61 = arith.constant dense<0x7F800000> : vector<256xf32>
    %reduce_min3A_62 = vector.multi_reduction <minimumf>, %select_n3A_60, %reduce_min3A_61 [1] : vector<256x2048xf32> to vector<256xf32>
    %broadcast_in_dim3A_63 = vector.shape_cast %reduce_min3A_62 : vector<256xf32> to vector<256x1xf32>
    %eq3A_64 = vector.broadcast %broadcast_in_dim3A_63 : vector<256x1xf32> to vector<256x2048xf32>
    %eq3A_65 = arith.cmpf oeq, %select_n3A_60, %eq3A_64 : vector<256x2048xf32>
    %jit3A_66 = arith.constant 2048 : i32
    %broadcast_in_dim3A_67 = vector.broadcast %jit3A_66 : i32 to vector<256x2048xi32>
    %select_n3A_68 = arith.select %eq3A_65, %iota3A, %broadcast_in_dim3A_67 : vector<256x2048xi1>, vector<256x2048xi32>
    %reduce_min3A_69 = arith.constant dense<2147483647> : vector<256xi32>
    %reduce_min3A_70 = vector.multi_reduction <minsi>, %select_n3A_68, %reduce_min3A_69 [1] : vector<256x2048xi32> to vector<256xi32>
    %broadcast_in_dim3A_71 = vector.shape_cast %reduce_min3A_70 : vector<256xi32> to vector<256x1xi32>
    %eq3A_72 = vector.broadcast %broadcast_in_dim3A_71 : vector<256x1xi32> to vector<256x2048xi32>
    %eq3A_73 = arith.cmpi eq, %iota3A, %eq3A_72 : vector<256x2048xi32>
    %jit3A_74 = arith.constant 0x7F800000 : f32
    %broadcast_in_dim3A_75 = vector.broadcast %jit3A_74 : f32 to vector<256x2048xf32>
    %select_n3A_76 = arith.select %eq3A_73, %broadcast_in_dim3A_75, %select_n3A_60 : vector<256x2048xi1>, vector<256x2048xf32>
    %reduce_min3A_77 = arith.constant dense<0x7F800000> : vector<256xf32>
    %reduce_min3A_78 = vector.multi_reduction <minimumf>, %select_n3A_76, %reduce_min3A_77 [1] : vector<256x2048xf32> to vector<256xf32>
    %broadcast_in_dim3A_79 = vector.shape_cast %reduce_min3A_78 : vector<256xf32> to vector<256x1xf32>
    %eq3A_80 = vector.broadcast %broadcast_in_dim3A_79 : vector<256x1xf32> to vector<256x2048xf32>
    %eq3A_81 = arith.cmpf oeq, %select_n3A_76, %eq3A_80 : vector<256x2048xf32>
    %jit3A_82 = arith.constant 2048 : i32
    %broadcast_in_dim3A_83 = vector.broadcast %jit3A_82 : i32 to vector<256x2048xi32>
    %select_n3A_84 = arith.select %eq3A_81, %iota3A, %broadcast_in_dim3A_83 : vector<256x2048xi1>, vector<256x2048xi32>
    %reduce_min3A_85 = arith.constant dense<2147483647> : vector<256xi32>
    %reduce_min3A_86 = vector.multi_reduction <minsi>, %select_n3A_84, %reduce_min3A_85 [1] : vector<256x2048xi32> to vector<256xi32>
    %broadcast_in_dim3A_87 = vector.shape_cast %reduce_min3A_86 : vector<256xi32> to vector<256x1xi32>
    %eq3A_88 = vector.broadcast %broadcast_in_dim3A_87 : vector<256x1xi32> to vector<256x2048xi32>
    %eq3A_89 = arith.cmpi eq, %iota3A, %eq3A_88 : vector<256x2048xi32>
    %jit3A_90 = arith.constant 0x7F800000 : f32
    %broadcast_in_dim3A_91 = vector.broadcast %jit3A_90 : f32 to vector<256x2048xf32>
    %select_n3A_92 = arith.select %eq3A_89, %broadcast_in_dim3A_91, %select_n3A_76 : vector<256x2048xi1>, vector<256x2048xf32>
    %reduce_min3A_93 = arith.constant dense<0x7F800000> : vector<256xf32>
    %reduce_min3A_94 = vector.multi_reduction <minimumf>, %select_n3A_92, %reduce_min3A_93 [1] : vector<256x2048xf32> to vector<256xf32>
    %broadcast_in_dim3A_95 = vector.shape_cast %reduce_min3A_94 : vector<256xf32> to vector<256x1xf32>
    %eq3A_96 = vector.broadcast %broadcast_in_dim3A_95 : vector<256x1xf32> to vector<256x2048xf32>
    %eq3A_97 = arith.cmpf oeq, %select_n3A_92, %eq3A_96 : vector<256x2048xf32>
    %jit3A_98 = arith.constant 2048 : i32
    %broadcast_in_dim3A_99 = vector.broadcast %jit3A_98 : i32 to vector<256x2048xi32>
    %select_n3A_100 = arith.select %eq3A_97, %iota3A, %broadcast_in_dim3A_99 : vector<256x2048xi1>, vector<256x2048xi32>
    %reduce_min3A_101 = arith.constant dense<2147483647> : vector<256xi32>
    %reduce_min3A_102 = vector.multi_reduction <minsi>, %select_n3A_100, %reduce_min3A_101 [1] : vector<256x2048xi32> to vector<256xi32>
    %broadcast_in_dim3A_103 = vector.shape_cast %reduce_min3A_102 : vector<256xi32> to vector<256x1xi32>
    %eq3A_104 = vector.broadcast %broadcast_in_dim3A_103 : vector<256x1xi32> to vector<256x2048xi32>
    %eq3A_105 = arith.cmpi eq, %iota3A, %eq3A_104 : vector<256x2048xi32>
    %jit3A_106 = arith.constant 0x7F800000 : f32
    %broadcast_in_dim3A_107 = vector.broadcast %jit3A_106 : f32 to vector<256x2048xf32>
    %select_n3A_108 = arith.select %eq3A_105, %broadcast_in_dim3A_107, %select_n3A_92 : vector<256x2048xi1>, vector<256x2048xf32>
    %reduce_min3A_109 = arith.constant dense<0x7F800000> : vector<256xf32>
    %reduce_min3A_110 = vector.multi_reduction <minimumf>, %select_n3A_108, %reduce_min3A_109 [1] : vector<256x2048xf32> to vector<256xf32>
    %broadcast_in_dim3A_111 = vector.shape_cast %reduce_min3A_110 : vector<256xf32> to vector<256x1xf32>
    %eq3A_112 = vector.broadcast %broadcast_in_dim3A_111 : vector<256x1xf32> to vector<256x2048xf32>
    %eq3A_113 = arith.cmpf oeq, %select_n3A_108, %eq3A_112 : vector<256x2048xf32>
    %jit3A_114 = arith.constant 2048 : i32
    %broadcast_in_dim3A_115 = vector.broadcast %jit3A_114 : i32 to vector<256x2048xi32>
    %select_n3A_116 = arith.select %eq3A_113, %iota3A, %broadcast_in_dim3A_115 : vector<256x2048xi1>, vector<256x2048xi32>
    %reduce_min3A_117 = arith.constant dense<2147483647> : vector<256xi32>
    %reduce_min3A_118 = vector.multi_reduction <minsi>, %select_n3A_116, %reduce_min3A_117 [1] : vector<256x2048xi32> to vector<256xi32>
    %broadcast_in_dim3A_119 = vector.shape_cast %reduce_min3A_118 : vector<256xi32> to vector<256x1xi32>
    %eq3A_120 = vector.broadcast %broadcast_in_dim3A_119 : vector<256x1xi32> to vector<256x2048xi32>
    %eq3A_121 = arith.cmpi eq, %iota3A, %eq3A_120 : vector<256x2048xi32>
    %jit3A_122 = arith.constant 0x7F800000 : f32
    %broadcast_in_dim3A_123 = vector.broadcast %jit3A_122 : f32 to vector<256x2048xf32>
    %select_n3A_124 = arith.select %eq3A_121, %broadcast_in_dim3A_123, %select_n3A_108 : vector<256x2048xi1>, vector<256x2048xf32>
    %reduce_min3A_125 = arith.constant dense<0x7F800000> : vector<256xf32>
    %reduce_min3A_126 = vector.multi_reduction <minimumf>, %select_n3A_124, %reduce_min3A_125 [1] : vector<256x2048xf32> to vector<256xf32>
    %broadcast_in_dim3A_127 = vector.shape_cast %reduce_min3A_126 : vector<256xf32> to vector<256x1xf32>
    %eq3A_128 = vector.broadcast %broadcast_in_dim3A_127 : vector<256x1xf32> to vector<256x2048xf32>
    %eq3A_129 = arith.cmpf oeq, %select_n3A_124, %eq3A_128 : vector<256x2048xf32>
    %jit3A_130 = arith.constant 2048 : i32
    %broadcast_in_dim3A_131 = vector.broadcast %jit3A_130 : i32 to vector<256x2048xi32>
    %select_n3A_132 = arith.select %eq3A_129, %iota3A, %broadcast_in_dim3A_131 : vector<256x2048xi1>, vector<256x2048xi32>
    %reduce_min3A_133 = arith.constant dense<2147483647> : vector<256xi32>
    %reduce_min3A_134 = vector.multi_reduction <minsi>, %select_n3A_132, %reduce_min3A_133 [1] : vector<256x2048xi32> to vector<256xi32>
    %broadcast_in_dim3A_135 = vector.shape_cast %reduce_min3A_134 : vector<256xi32> to vector<256x1xi32>
    %eq3A_136 = vector.broadcast %broadcast_in_dim3A_135 : vector<256x1xi32> to vector<256x2048xi32>
    %eq3A_137 = arith.cmpi eq, %iota3A, %eq3A_136 : vector<256x2048xi32>
    %jit3A_138 = arith.constant 0x7F800000 : f32
    %broadcast_in_dim3A_139 = vector.broadcast %jit3A_138 : f32 to vector<256x2048xf32>
    %select_n3A_140 = arith.select %eq3A_137, %broadcast_in_dim3A_139, %select_n3A_124 : vector<256x2048xi1>, vector<256x2048xf32>
    %reduce_min3A_141 = arith.constant dense<0x7F800000> : vector<256xf32>
    %reduce_min3A_142 = vector.multi_reduction <minimumf>, %select_n3A_140, %reduce_min3A_141 [1] : vector<256x2048xf32> to vector<256xf32>
    %broadcast_in_dim3A_143 = vector.shape_cast %reduce_min3A_142 : vector<256xf32> to vector<256x1xf32>
    %eq3A_144 = vector.broadcast %broadcast_in_dim3A_143 : vector<256x1xf32> to vector<256x2048xf32>
    %eq3A_145 = arith.cmpf oeq, %select_n3A_140, %eq3A_144 : vector<256x2048xf32>
    %jit3A_146 = arith.constant 2048 : i32
    %broadcast_in_dim3A_147 = vector.broadcast %jit3A_146 : i32 to vector<256x2048xi32>
    %select_n3A_148 = arith.select %eq3A_145, %iota3A, %broadcast_in_dim3A_147 : vector<256x2048xi1>, vector<256x2048xi32>
    %reduce_min3A_149 = arith.constant dense<2147483647> : vector<256xi32>
    %reduce_min3A_150 = vector.multi_reduction <minsi>, %select_n3A_148, %reduce_min3A_149 [1] : vector<256x2048xi32> to vector<256xi32>
    %broadcast_in_dim3A_151 = vector.shape_cast %reduce_min3A_150 : vector<256xi32> to vector<256x1xi32>
    %eq3A_152 = vector.broadcast %broadcast_in_dim3A_151 : vector<256x1xi32> to vector<256x2048xi32>
    %eq3A_153 = arith.cmpi eq, %iota3A, %eq3A_152 : vector<256x2048xi32>
    %jit3A_154 = arith.constant 0x7F800000 : f32
    %broadcast_in_dim3A_155 = vector.broadcast %jit3A_154 : f32 to vector<256x2048xf32>
    %select_n3A_156 = arith.select %eq3A_153, %broadcast_in_dim3A_155, %select_n3A_140 : vector<256x2048xi1>, vector<256x2048xf32>
    %reduce_min3A_157 = arith.constant dense<0x7F800000> : vector<256xf32>
    %reduce_min3A_158 = vector.multi_reduction <minimumf>, %select_n3A_156, %reduce_min3A_157 [1] : vector<256x2048xf32> to vector<256xf32>
    %broadcast_in_dim3A_159 = vector.shape_cast %reduce_min3A_158 : vector<256xf32> to vector<256x1xf32>
    %eq3A_160 = vector.broadcast %broadcast_in_dim3A_159 : vector<256x1xf32> to vector<256x2048xf32>
    %eq3A_161 = arith.cmpf oeq, %select_n3A_156, %eq3A_160 : vector<256x2048xf32>
    %jit3A_162 = arith.constant 2048 : i32
    %broadcast_in_dim3A_163 = vector.broadcast %jit3A_162 : i32 to vector<256x2048xi32>
    %select_n3A_164 = arith.select %eq3A_161, %iota3A, %broadcast_in_dim3A_163 : vector<256x2048xi1>, vector<256x2048xi32>
    %reduce_min3A_165 = arith.constant dense<2147483647> : vector<256xi32>
    %reduce_min3A_166 = vector.multi_reduction <minsi>, %select_n3A_164, %reduce_min3A_165 [1] : vector<256x2048xi32> to vector<256xi32>
    %broadcast_in_dim3A_167 = vector.shape_cast %reduce_min3A_166 : vector<256xi32> to vector<256x1xi32>
    %eq3A_168 = vector.broadcast %broadcast_in_dim3A_167 : vector<256x1xi32> to vector<256x2048xi32>
    %eq3A_169 = arith.cmpi eq, %iota3A, %eq3A_168 : vector<256x2048xi32>
    %jit3A_170 = arith.constant 0x7F800000 : f32
    %broadcast_in_dim3A_171 = vector.broadcast %jit3A_170 : f32 to vector<256x2048xf32>
    %select_n3A_172 = arith.select %eq3A_169, %broadcast_in_dim3A_171, %select_n3A_156 : vector<256x2048xi1>, vector<256x2048xf32>
    %reduce_min3A_173 = arith.constant dense<0x7F800000> : vector<256xf32>
    %reduce_min3A_174 = vector.multi_reduction <minimumf>, %select_n3A_172, %reduce_min3A_173 [1] : vector<256x2048xf32> to vector<256xf32>
    %broadcast_in_dim3A_175 = vector.shape_cast %reduce_min3A_174 : vector<256xf32> to vector<256x1xf32>
    %eq3A_176 = vector.broadcast %broadcast_in_dim3A_175 : vector<256x1xf32> to vector<256x2048xf32>
    %eq3A_177 = arith.cmpf oeq, %select_n3A_172, %eq3A_176 : vector<256x2048xf32>
    %jit3A_178 = arith.constant 2048 : i32
    %broadcast_in_dim3A_179 = vector.broadcast %jit3A_178 : i32 to vector<256x2048xi32>
    %select_n3A_180 = arith.select %eq3A_177, %iota3A, %broadcast_in_dim3A_179 : vector<256x2048xi1>, vector<256x2048xi32>
    %reduce_min3A_181 = arith.constant dense<2147483647> : vector<256xi32>
    %reduce_min3A_182 = vector.multi_reduction <minsi>, %select_n3A_180, %reduce_min3A_181 [1] : vector<256x2048xi32> to vector<256xi32>
    %broadcast_in_dim3A_183 = vector.shape_cast %reduce_min3A_182 : vector<256xi32> to vector<256x1xi32>
    %eq3A_184 = vector.broadcast %broadcast_in_dim3A_183 : vector<256x1xi32> to vector<256x2048xi32>
    %eq3A_185 = arith.cmpi eq, %iota3A, %eq3A_184 : vector<256x2048xi32>
    %jit3A_186 = arith.constant 0x7F800000 : f32
    %broadcast_in_dim3A_187 = vector.broadcast %jit3A_186 : f32 to vector<256x2048xf32>
    %select_n3A_188 = arith.select %eq3A_185, %broadcast_in_dim3A_187, %select_n3A_172 : vector<256x2048xi1>, vector<256x2048xf32>
    %reduce_min3A_189 = arith.constant dense<0x7F800000> : vector<256xf32>
    %reduce_min3A_190 = vector.multi_reduction <minimumf>, %select_n3A_188, %reduce_min3A_189 [1] : vector<256x2048xf32> to vector<256xf32>
    %broadcast_in_dim3A_191 = vector.shape_cast %reduce_min3A_190 : vector<256xf32> to vector<256x1xf32>
    %eq3A_192 = vector.broadcast %broadcast_in_dim3A_191 : vector<256x1xf32> to vector<256x2048xf32>
    %eq3A_193 = arith.cmpf oeq, %select_n3A_188, %eq3A_192 : vector<256x2048xf32>
    %jit3A_194 = arith.constant 2048 : i32
    %broadcast_in_dim3A_195 = vector.broadcast %jit3A_194 : i32 to vector<256x2048xi32>
    %select_n3A_196 = arith.select %eq3A_193, %iota3A, %broadcast_in_dim3A_195 : vector<256x2048xi1>, vector<256x2048xi32>
    %reduce_min3A_197 = arith.constant dense<2147483647> : vector<256xi32>
    %reduce_min3A_198 = vector.multi_reduction <minsi>, %select_n3A_196, %reduce_min3A_197 [1] : vector<256x2048xi32> to vector<256xi32>
    %broadcast_in_dim3A_199 = vector.shape_cast %reduce_min3A_198 : vector<256xi32> to vector<256x1xi32>
    %eq3A_200 = vector.broadcast %broadcast_in_dim3A_199 : vector<256x1xi32> to vector<256x2048xi32>
    %eq3A_201 = arith.cmpi eq, %iota3A, %eq3A_200 : vector<256x2048xi32>
    %jit3A_202 = arith.constant 0x7F800000 : f32
    %broadcast_in_dim3A_203 = vector.broadcast %jit3A_202 : f32 to vector<256x2048xf32>
    %select_n3A_204 = arith.select %eq3A_201, %broadcast_in_dim3A_203, %select_n3A_188 : vector<256x2048xi1>, vector<256x2048xf32>
    %reduce_min3A_205 = arith.constant dense<0x7F800000> : vector<256xf32>
    %reduce_min3A_206 = vector.multi_reduction <minimumf>, %select_n3A_204, %reduce_min3A_205 [1] : vector<256x2048xf32> to vector<256xf32>
    %broadcast_in_dim3A_207 = vector.shape_cast %reduce_min3A_206 : vector<256xf32> to vector<256x1xf32>
    %eq3A_208 = vector.broadcast %broadcast_in_dim3A_207 : vector<256x1xf32> to vector<256x2048xf32>
    %eq3A_209 = arith.cmpf oeq, %select_n3A_204, %eq3A_208 : vector<256x2048xf32>
    %jit3A_210 = arith.constant 2048 : i32
    %broadcast_in_dim3A_211 = vector.broadcast %jit3A_210 : i32 to vector<256x2048xi32>
    %select_n3A_212 = arith.select %eq3A_209, %iota3A, %broadcast_in_dim3A_211 : vector<256x2048xi1>, vector<256x2048xi32>
    %reduce_min3A_213 = arith.constant dense<2147483647> : vector<256xi32>
    %reduce_min3A_214 = vector.multi_reduction <minsi>, %select_n3A_212, %reduce_min3A_213 [1] : vector<256x2048xi32> to vector<256xi32>
    %broadcast_in_dim3A_215 = vector.shape_cast %reduce_min3A_214 : vector<256xi32> to vector<256x1xi32>
    %eq3A_216 = vector.broadcast %broadcast_in_dim3A_215 : vector<256x1xi32> to vector<256x2048xi32>
    %eq3A_217 = arith.cmpi eq, %iota3A, %eq3A_216 : vector<256x2048xi32>
    %jit3A_218 = arith.constant 0x7F800000 : f32
    %broadcast_in_dim3A_219 = vector.broadcast %jit3A_218 : f32 to vector<256x2048xf32>
    %select_n3A_220 = arith.select %eq3A_217, %broadcast_in_dim3A_219, %select_n3A_204 : vector<256x2048xi1>, vector<256x2048xf32>
    %reduce_min3A_221 = arith.constant dense<0x7F800000> : vector<256xf32>
    %reduce_min3A_222 = vector.multi_reduction <minimumf>, %select_n3A_220, %reduce_min3A_221 [1] : vector<256x2048xf32> to vector<256xf32>
    %broadcast_in_dim3A_223 = vector.shape_cast %reduce_min3A_222 : vector<256xf32> to vector<256x1xf32>
    %eq3A_224 = vector.broadcast %broadcast_in_dim3A_223 : vector<256x1xf32> to vector<256x2048xf32>
    %eq3A_225 = arith.cmpf oeq, %select_n3A_220, %eq3A_224 : vector<256x2048xf32>
    %jit3A_226 = arith.constant 2048 : i32
    %broadcast_in_dim3A_227 = vector.broadcast %jit3A_226 : i32 to vector<256x2048xi32>
    %select_n3A_228 = arith.select %eq3A_225, %iota3A, %broadcast_in_dim3A_227 : vector<256x2048xi1>, vector<256x2048xi32>
    %reduce_min3A_229 = arith.constant dense<2147483647> : vector<256xi32>
    %reduce_min3A_230 = vector.multi_reduction <minsi>, %select_n3A_228, %reduce_min3A_229 [1] : vector<256x2048xi32> to vector<256xi32>
    %broadcast_in_dim3A_231 = vector.shape_cast %reduce_min3A_230 : vector<256xi32> to vector<256x1xi32>
    %eq3A_232 = vector.broadcast %broadcast_in_dim3A_231 : vector<256x1xi32> to vector<256x2048xi32>
    %eq3A_233 = arith.cmpi eq, %iota3A, %eq3A_232 : vector<256x2048xi32>
    %jit3A_234 = arith.constant 0x7F800000 : f32
    %broadcast_in_dim3A_235 = vector.broadcast %jit3A_234 : f32 to vector<256x2048xf32>
    %select_n3A_236 = arith.select %eq3A_233, %broadcast_in_dim3A_235, %select_n3A_220 : vector<256x2048xi1>, vector<256x2048xf32>
    %reduce_min3A_237 = arith.constant dense<0x7F800000> : vector<256xf32>
    %reduce_min3A_238 = vector.multi_reduction <minimumf>, %select_n3A_236, %reduce_min3A_237 [1] : vector<256x2048xf32> to vector<256xf32>
    %broadcast_in_dim3A_239 = vector.shape_cast %reduce_min3A_238 : vector<256xf32> to vector<256x1xf32>
    %eq3A_240 = vector.broadcast %broadcast_in_dim3A_239 : vector<256x1xf32> to vector<256x2048xf32>
    %eq3A_241 = arith.cmpf oeq, %select_n3A_236, %eq3A_240 : vector<256x2048xf32>
    %jit3A_242 = arith.constant 2048 : i32
    %broadcast_in_dim3A_243 = vector.broadcast %jit3A_242 : i32 to vector<256x2048xi32>
    %select_n3A_244 = arith.select %eq3A_241, %iota3A, %broadcast_in_dim3A_243 : vector<256x2048xi1>, vector<256x2048xi32>
    %reduce_min3A_245 = arith.constant dense<2147483647> : vector<256xi32>
    %reduce_min3A_246 = vector.multi_reduction <minsi>, %select_n3A_244, %reduce_min3A_245 [1] : vector<256x2048xi32> to vector<256xi32>
    %broadcast_in_dim3A_247 = vector.shape_cast %reduce_min3A_246 : vector<256xi32> to vector<256x1xi32>
    %eq3A_248 = vector.broadcast %broadcast_in_dim3A_247 : vector<256x1xi32> to vector<256x2048xi32>
    %eq3A_249 = arith.cmpi eq, %iota3A, %eq3A_248 : vector<256x2048xi32>
    %jit3A_250 = arith.constant 0x7F800000 : f32
    %broadcast_in_dim3A_251 = vector.broadcast %jit3A_250 : f32 to vector<256x2048xf32>
    %select_n3A_252 = arith.select %eq3A_249, %broadcast_in_dim3A_251, %select_n3A_236 : vector<256x2048xi1>, vector<256x2048xf32>
    %reduce_min3A_253 = arith.constant dense<0x7F800000> : vector<256xf32>
    %reduce_min3A_254 = vector.multi_reduction <minimumf>, %select_n3A_252, %reduce_min3A_253 [1] : vector<256x2048xf32> to vector<256xf32>
    %broadcast_in_dim3A_255 = vector.shape_cast %reduce_min3A_254 : vector<256xf32> to vector<256x1xf32>
    %eq3A_256 = vector.broadcast %broadcast_in_dim3A_255 : vector<256x1xf32> to vector<256x2048xf32>
    %eq3A_257 = arith.cmpf oeq, %select_n3A_252, %eq3A_256 : vector<256x2048xf32>
    %jit3A_258 = arith.constant 2048 : i32
    %broadcast_in_dim3A_259 = vector.broadcast %jit3A_258 : i32 to vector<256x2048xi32>
    %select_n3A_260 = arith.select %eq3A_257, %iota3A, %broadcast_in_dim3A_259 : vector<256x2048xi1>, vector<256x2048xi32>
    %reduce_min3A_261 = arith.constant dense<2147483647> : vector<256xi32>
    %reduce_min3A_262 = vector.multi_reduction <minsi>, %select_n3A_260, %reduce_min3A_261 [1] : vector<256x2048xi32> to vector<256xi32>
    %broadcast_in_dim3A_263 = vector.shape_cast %reduce_min3A_262 : vector<256xi32> to vector<256x1xi32>
    %eq3A_264 = vector.broadcast %broadcast_in_dim3A_263 : vector<256x1xi32> to vector<256x2048xi32>
    %eq3A_265 = arith.cmpi eq, %iota3A, %eq3A_264 : vector<256x2048xi32>
    %jit3A_266 = arith.constant 0x7F800000 : f32
    %broadcast_in_dim3A_267 = vector.broadcast %jit3A_266 : f32 to vector<256x2048xf32>
    %select_n3A_268 = arith.select %eq3A_265, %broadcast_in_dim3A_267, %select_n3A_252 : vector<256x2048xi1>, vector<256x2048xf32>
    %reduce_min3A_269 = arith.constant dense<0x7F800000> : vector<256xf32>
    %reduce_min3A_270 = vector.multi_reduction <minimumf>, %select_n3A_268, %reduce_min3A_269 [1] : vector<256x2048xf32> to vector<256xf32>
    %broadcast_in_dim3A_271 = vector.shape_cast %reduce_min3A_270 : vector<256xf32> to vector<256x1xf32>
    %eq3A_272 = vector.broadcast %broadcast_in_dim3A_271 : vector<256x1xf32> to vector<256x2048xf32>
    %eq3A_273 = arith.cmpf oeq, %select_n3A_268, %eq3A_272 : vector<256x2048xf32>
    %jit3A_274 = arith.constant 2048 : i32
    %broadcast_in_dim3A_275 = vector.broadcast %jit3A_274 : i32 to vector<256x2048xi32>
    %select_n3A_276 = arith.select %eq3A_273, %iota3A, %broadcast_in_dim3A_275 : vector<256x2048xi1>, vector<256x2048xi32>
    %reduce_min3A_277 = arith.constant dense<2147483647> : vector<256xi32>
    %reduce_min3A_278 = vector.multi_reduction <minsi>, %select_n3A_276, %reduce_min3A_277 [1] : vector<256x2048xi32> to vector<256xi32>
    %broadcast_in_dim3A_279 = vector.shape_cast %reduce_min3A_278 : vector<256xi32> to vector<256x1xi32>
    %eq3A_280 = vector.broadcast %broadcast_in_dim3A_279 : vector<256x1xi32> to vector<256x2048xi32>
    %eq3A_281 = arith.cmpi eq, %iota3A, %eq3A_280 : vector<256x2048xi32>
    %jit3A_282 = arith.constant 0x7F800000 : f32
    %broadcast_in_dim3A_283 = vector.broadcast %jit3A_282 : f32 to vector<256x2048xf32>
    %select_n3A_284 = arith.select %eq3A_281, %broadcast_in_dim3A_283, %select_n3A_268 : vector<256x2048xi1>, vector<256x2048xf32>
    %reduce_min3A_285 = arith.constant dense<0x7F800000> : vector<256xf32>
    %reduce_min3A_286 = vector.multi_reduction <minimumf>, %select_n3A_284, %reduce_min3A_285 [1] : vector<256x2048xf32> to vector<256xf32>
    %broadcast_in_dim3A_287 = vector.shape_cast %reduce_min3A_286 : vector<256xf32> to vector<256x1xf32>
    %eq3A_288 = vector.broadcast %broadcast_in_dim3A_287 : vector<256x1xf32> to vector<256x2048xf32>
    %eq3A_289 = arith.cmpf oeq, %select_n3A_284, %eq3A_288 : vector<256x2048xf32>
    %jit3A_290 = arith.constant 2048 : i32
    %broadcast_in_dim3A_291 = vector.broadcast %jit3A_290 : i32 to vector<256x2048xi32>
    %select_n3A_292 = arith.select %eq3A_289, %iota3A, %broadcast_in_dim3A_291 : vector<256x2048xi1>, vector<256x2048xi32>
    %reduce_min3A_293 = arith.constant dense<2147483647> : vector<256xi32>
    %reduce_min3A_294 = vector.multi_reduction <minsi>, %select_n3A_292, %reduce_min3A_293 [1] : vector<256x2048xi32> to vector<256xi32>
    %broadcast_in_dim3A_295 = vector.shape_cast %reduce_min3A_294 : vector<256xi32> to vector<256x1xi32>
    %eq3A_296 = vector.broadcast %broadcast_in_dim3A_295 : vector<256x1xi32> to vector<256x2048xi32>
    %eq3A_297 = arith.cmpi eq, %iota3A, %eq3A_296 : vector<256x2048xi32>
    %jit3A_298 = arith.constant 0x7F800000 : f32
    %broadcast_in_dim3A_299 = vector.broadcast %jit3A_298 : f32 to vector<256x2048xf32>
    %select_n3A_300 = arith.select %eq3A_297, %broadcast_in_dim3A_299, %select_n3A_284 : vector<256x2048xi1>, vector<256x2048xf32>
    %reduce_min3A_301 = arith.constant dense<0x7F800000> : vector<256xf32>
    %reduce_min3A_302 = vector.multi_reduction <minimumf>, %select_n3A_300, %reduce_min3A_301 [1] : vector<256x2048xf32> to vector<256xf32>
    %broadcast_in_dim3A_303 = vector.shape_cast %reduce_min3A_302 : vector<256xf32> to vector<256x1xf32>
    %eq3A_304 = vector.broadcast %broadcast_in_dim3A_303 : vector<256x1xf32> to vector<256x2048xf32>
    %eq3A_305 = arith.cmpf oeq, %select_n3A_300, %eq3A_304 : vector<256x2048xf32>
    %jit3A_306 = arith.constant 2048 : i32
    %broadcast_in_dim3A_307 = vector.broadcast %jit3A_306 : i32 to vector<256x2048xi32>
    %select_n3A_308 = arith.select %eq3A_305, %iota3A, %broadcast_in_dim3A_307 : vector<256x2048xi1>, vector<256x2048xi32>
    %reduce_min3A_309 = arith.constant dense<2147483647> : vector<256xi32>
    %reduce_min3A_310 = vector.multi_reduction <minsi>, %select_n3A_308, %reduce_min3A_309 [1] : vector<256x2048xi32> to vector<256xi32>
    %broadcast_in_dim3A_311 = vector.shape_cast %reduce_min3A_310 : vector<256xi32> to vector<256x1xi32>
    %eq3A_312 = vector.broadcast %broadcast_in_dim3A_311 : vector<256x1xi32> to vector<256x2048xi32>
    %eq3A_313 = arith.cmpi eq, %iota3A, %eq3A_312 : vector<256x2048xi32>
    %jit3A_314 = arith.constant 0x7F800000 : f32
    %broadcast_in_dim3A_315 = vector.broadcast %jit3A_314 : f32 to vector<256x2048xf32>
    %select_n3A_316 = arith.select %eq3A_313, %broadcast_in_dim3A_315, %select_n3A_300 : vector<256x2048xi1>, vector<256x2048xf32>
    %reduce_min3A_317 = arith.constant dense<0x7F800000> : vector<256xf32>
    %reduce_min3A_318 = vector.multi_reduction <minimumf>, %select_n3A_316, %reduce_min3A_317 [1] : vector<256x2048xf32> to vector<256xf32>
    %broadcast_in_dim3A_319 = vector.shape_cast %reduce_min3A_318 : vector<256xf32> to vector<256x1xf32>
    %eq3A_320 = vector.broadcast %broadcast_in_dim3A_319 : vector<256x1xf32> to vector<256x2048xf32>
    %eq3A_321 = arith.cmpf oeq, %select_n3A_316, %eq3A_320 : vector<256x2048xf32>
    %jit3A_322 = arith.constant 2048 : i32
    %broadcast_in_dim3A_323 = vector.broadcast %jit3A_322 : i32 to vector<256x2048xi32>
    %select_n3A_324 = arith.select %eq3A_321, %iota3A, %broadcast_in_dim3A_323 : vector<256x2048xi1>, vector<256x2048xi32>
    %reduce_min3A_325 = arith.constant dense<2147483647> : vector<256xi32>
    %reduce_min3A_326 = vector.multi_reduction <minsi>, %select_n3A_324, %reduce_min3A_325 [1] : vector<256x2048xi32> to vector<256xi32>
    %broadcast_in_dim3A_327 = vector.shape_cast %reduce_min3A_326 : vector<256xi32> to vector<256x1xi32>
    %concatenate3A = tpu.concatenate %broadcast_in_dim3A_23, %broadcast_in_dim3A_39, %broadcast_in_dim3A_55, %broadcast_in_dim3A_71, %broadcast_in_dim3A_87, %broadcast_in_dim3A_103, %broadcast_in_dim3A_119, %broadcast_in_dim3A_135, %broadcast_in_dim3A_151, %broadcast_in_dim3A_167, %broadcast_in_dim3A_183, %broadcast_in_dim3A_199, %broadcast_in_dim3A_215, %broadcast_in_dim3A_231, %broadcast_in_dim3A_247, %broadcast_in_dim3A_263, %broadcast_in_dim3A_279, %broadcast_in_dim3A_295, %broadcast_in_dim3A_311, %broadcast_in_dim3A_327 in 1 : vector<256x1xi32>, vector<256x1xi32>, vector<256x1xi32>, vector<256x1xi32>, vector<256x1xi32>, vector<256x1xi32>, vector<256x1xi32>, vector<256x1xi32>, vector<256x1xi32>, vector<256x1xi32>, vector<256x1xi32>, vector<256x1xi32>, vector<256x1xi32>, vector<256x1xi32>, vector<256x1xi32>, vector<256x1xi32>, vector<256x1xi32>, vector<256x1xi32>, vector<256x1xi32>, vector<256x1xi32> -> vector<256x20xi32>
    %swap3A = arith.constant 0 : index
    %swap3A_328 = arith.constant 0 : index
    %swap3A_329 = vector.load %arg2[%swap3A, %swap3A_328] : memref<256x20xi32, #tpu.memory_space<vmem>>, vector<256x20xi32>
    tpu.vector_store %arg2[%swap3A, %swap3A_328], %concatenate3A {strides = array<i32>} : memref<256x20xi32, #tpu.memory_space<vmem>>, vector<256x20xi32>,
    return
  }
  func.func @transform_0(%arg0: i32) -> (i32, i32) {
    %add3A = arith.constant 90 : i32
    %add3A_0 = arith.addi %arg0, %add3A : i32
    %c0_i32 = arith.constant 0 : i32
    %c0_i32_1 = arith.constant 0 : i32
    return %add3A_0, %c0_i32 : i32, i32
  }
  func.func @transform_1(%arg0: i32) -> (i32, i32) {
    %c0_i32 = arith.constant 0 : i32
    %c0_i32_0 = arith.constant 0 : i32
    return %arg0, %c0_i32 : i32, i32
  }
}

</mosaic_0001>

<sc_bundles>
// kernel: kernel.4.cloned.1.call-start
scs
__scs_entry_jumppad:
0x0: {  	(pc) =	sbr.rel $0x88, $3  }
0x1: {  	(tag) =	ssettag $0x0;
	lr =	simm.s32 $0x1  }
0x2: {  	[smem:$0x3FA0] =	sst lr;
	_ =	strace $0xD0000000  }
0x3: {  	_ = 	snop  }
0x4: {  	_ = 	snop  }
0x5: {  	_ = 	snop  }
0x6: {  	_ = 	snop  }
0x7: {  	_ = 	snop  }
__scs_overlays_trampoline_lowered:
0x8: {  	[smem:$0x3FAF] =	sst s0  }
0x9: {  	[smem:$0x3FB0] =	sst s1  }
0xa: {  	[smem:$0x3FB1] =	sst s2  }
0xb: {  	[smem:$0x3FB2] =	sst s3  }
0xc: {  	[smem:$0x3FB3] =	sst s4  }
0xd: {  	[smem:$0x3FB4] =	sst s5  }
0xe: {  	[smem:$0x3FB5] =	sst s6  }
0xf: {  	[smem:$0x3FB6] =	sst s7  }
0x10: {  	[smem:$0x3FB7] =	sst s8  }
0x11: {  	[smem:$0x3FB8] =	sst s9;
	s0 =	simm.s32 @!p0 $0x0  }
0x12: {  	s1 =	sld [smem:$0x3F9E];
	s0 =	simm.s32 @p0 $0x1  }
0x13: {  	[smem:$0x3FB9] =	sst s0;
	s0 =	simm.s32 @!p1 $0x0  }
0x14: {  	s2 =	sld [smem:$0x3F9D];
	s0 =	simm.s32 @p1 $0x1  }
0x15: {  	[smem:$0x3FBA] =	sst s0;
	s0 =	simm.s32 @!p2 $0x0  }
0x16: {  	s3 =	sld [smem:$0x3FDB];
	s0 =	simm.s32 @p2 $0x1  }
0x17: {  	s4 =	simm.s32 $0x1BF5;
	[smem:$0x3FBC] =	sst s0  }
0x18: {  	s0 =	sld [smem:$0x3F9F];
	_ =	swait.ge [sflag:s4], $0x0  }
0x19: {  	s7 =	sld [smem:$0x3FA0]  }
0x1a: {  	s8 =	sadd.s32 $0xFFFFE003, lr  }
0x1b: {  	s9 =	sadd.s32 $0xFFFFFEF7, lr;
	s5 =	simm.s32 $0xFFFFFFFF;
	p2 =	slt.u32 s8, $0xFFFFF086  }
0x1c: {  	p1 =	slt.u32 s9, $0xF7A;
	s5 =	simm.s32 @!p2 $0x0  }
0x1d: {  	s5 =	simm.s32 @p1 $0x1;
	p0 =	seq.s32 s7, s2  }
0x1e: {  	s7 =	smul.u32 @!p0 $0xF7A, s2;
	p2 =	seq.s32 @!p0 s5, $0x0  }
0x1f: {  	s9 =	smul.u32 $0xF7A, s1;
	s8 =	simm.s32 @!p0 $0x1BF5;
	p2 =	por !p2, p0  }
0x20: {  	[sflag:s8] =	ssyncset.s32 @!p0 $0xFFFFF086;
	s6 =	sadd.s32 @!p0 s3, s7;
	s7 =	simm.s32 @!p0 $0x108  }
0x21: {  	s3 =	sadd.s32 s3, s9;
	s6 =	sadd.s32 @!p0 $0x88, s6;
	s7 =	simm.s32 @p2 $0x1082  }
0x22: {  	[simem:s7], [sflag:s8] =	dma.local @!p0 [hbm:s6], $0xF7A  }
0x23: {  	s9 =	sor.u32 $0xD0000000, s2;
	s6 =	simm.s32 $0x108;
	_ =	swait.ge @!p0 [sflag:s8], $0x0  }
0x24: {  	s3 =	sadd.s32 $0x88, s3;
	s6 =	simm.s32 @!p1 $0x1082;
	[sflag:s4] =	ssyncset.s32 $0xFFFFF086  }
0x25: {  	[simem:s6], [sflag:s4] =	dma.local [hbm:s3], $0xF7A  }
0x26: {  	[smem:$0x3FA0] =	sst s1;
	(tag) =	ssettag s2;
	_ =	strace s9  }
0x27: {  	s1 =	sld [smem:$0x3FB0]  }
0x28: {  	s2 =	sld [smem:$0x3FB1]  }
0x29: {  	s4 =	sld [smem:$0x3FB3]  }
0x2a: {  	p0 =	seq.s32 s5, $0x0;
	s5 =	sld [smem:$0x3FB4]  }
0x2b: {  	s6 =	sld [smem:$0x3FB5]  }
0x2c: {  	s7 =	sld [smem:$0x3FB6]  }
0x2d: {  	s3 =	simm.s32 $0x108;
	s8 =	sld [smem:$0x3FB7]  }
0x2e: {  	s3 =	simm.s32 @!p0 $0x1082;
	s9 =	sld [smem:$0x3FB8]  }
0x2f: {  	lr =	sadd.s32 s0, s3;
	s0 =	sld [smem:$0x3FAF]  }
0x30: {  	s3 =	sld [smem:$0x3FB2]  }
0x31: {  	[smem:$0x3FBB] =	sst s10  }
0x32: {  	s10 =	sld [smem:$0x3FB9];
	_ =	sdelay $0x3  }
0x33: {  	p0 =	seq.s32 s10, $0x1;
	s10 =	sld [smem:$0x3FBB];
	_ =	sdelay $0x3  }
0x34: {  	[smem:$0x3FBB] =	sst s10  }
0x35: {  	s10 =	sld [smem:$0x3FBA];
	_ =	sdelay $0x3  }
0x36: {  	p1 =	seq.s32 s10, $0x1;
	s10 =	sld [smem:$0x3FBB];
	_ =	sdelay $0x3  }
0x37: {  	[smem:$0x3FBB] =	sst s10  }
0x38: {  	s10 =	sld [smem:$0x3FBC]  }
0x39: {  	_ = 	snop;
	(pc) =	sbr.ind lr, $3  }
0x3a: {  	_ = 	snop  }
0x3b: {  	_ = 	snop  }
0x3c: {  	p2 =	seq.s32 s10, $0x1;
	s10 =	sld [smem:$0x3FBB]  }
0x3d: {  	_ =	shalt  }
0x3e: {  	_ =	shalt  }
0x3f: {  	_ =	shalt  }
0x40: {  	_ =	shalt  }
0x41: {  	_ =	shalt  }
0x42: {  	_ =	shalt  }
0x43: {  	_ =	shalt  }
0x44: {  	_ =	shalt  }
0x45: {  	_ =	shalt  }
0x46: {  	_ =	shalt  }
0x47: {  	_ =	shalt  }
0x48: {  	_ =	shalt  }
0x49: {  	_ =	shalt  }
0x4a: {  	_ =	shalt  }
0x4b: {  	_ =	shalt  }
0x4c: {  	_ =	shalt  }
0x4d: {  	_ =	shalt  }
0x4e: {  	_ =	shalt  }
0x4f: {  	_ =	shalt  }
0x50: {  	_ =	shalt  }
0x51: {  	_ =	shalt  }
0x52: {  	_ =	shalt  }
0x53: {  	_ =	shalt  }
0x54: {  	_ =	shalt  }
0x55: {  	_ =	shalt  }
0x56: {  	_ =	shalt  }
0x57: {  	_ =	shalt  }
0x58: {  	_ =	shalt  }
0x59: {  	_ =	shalt  }
0x5a: {  	_ =	shalt  }
0x5b: {  	_ =	shalt  }
0x5c: {  	_ =	shalt  }
0x5d: {  	_ =	shalt  }
0x5e: {  	_ =	shalt  }
0x5f: {  	_ =	shalt  }
0x60: {  	_ =	shalt  }
0x61: {  	_ =	shalt  }
0x62: {  	_ =	shalt  }
0x63: {  	_ =	shalt  }
0x64: {  	_ =	shalt  }
0x65: {  	_ =	shalt  }
0x66: {  	_ =	shalt  }
0x67: {  	_ =	shalt  }
0x68: {  	_ =	shalt  }
0x69: {  	_ =	shalt  }
0x6a: {  	_ =	shalt  }
0x6b: {  	_ =	shalt  }
0x6c: {  	_ =	shalt  }
0x6d: {  	_ =	shalt  }
0x6e: {  	_ =	shalt  }
0x6f: {  	_ =	shalt  }
0x70: {  	_ =	shalt  }
0x71: {  	_ =	shalt  }
0x72: {  	_ =	shalt  }
0x73: {  	_ =	shalt  }
0x74: {  	_ =	shalt  }
0x75: {  	_ =	shalt  }
0x76: {  	_ =	shalt  }
0x77: {  	_ =	shalt  }
0x78: {  	_ =	shalt  }
0x79: {  	_ =	shalt  }
0x7a: {  	_ =	shalt  }
0x7b: {  	_ =	shalt  }
0x7c: {  	_ =	shalt  }
0x7d: {  	_ =	shalt  }
0x7e: {  	_ =	shalt  }
0x7f: {  	_ =	shalt  }
0x80: {  	_ =	shalt  }
0x81: {  	_ =	shalt  }
0x82: {  	_ =	shalt  }
0x83: {  	_ =	shalt  }
0x84: {  	_ =	shalt  }
0x85: {  	_ =	shalt  }
0x86: {  	_ =	shalt  }
0x87: {  	_ =	shalt  }
.Lfunc_end0:
.L_simem_size_0:
called_computation_lowered:
.L_overlay_start_0:
0x88: {  	s2 =	sld [smem:$0x3FD9]  }
0x89: {  	s3 =	sld [smem:$0x3FFE];
	_ =	sdelay $0x1  }
0x8a: {  	s1 =	srdreg.scid  }
0x8b: {  	s0 =	sand.u32 $0x1, s1  }
0x8c: {  	s18 =	sshll.u32 s0, $0xA;
	s2 =	sadd.s32 s3, s2  }
0x8d: {  	s2 =	sadd.s32 s2, s18  }
0x8e: {  	[smem:$0x3FC7] =	sst s2  }
0x8f: {  	_ = 	snop  }
0x90: {  	s2 =	sld [smem:$0x3FC9]  }
0x91: {  	s19 =	sld [smem:$0x3FD0];
	(tm) =	ssettm $0x1  }
0x92: {  	s4 =	sld [smem:$0x3FFB];
	_ =	sdelay $0x3  }
0x93: {  	_ =	strace s4  }
0x94: {  	s4 =	sld [smem:$0x3FFC];
	_ =	sdelay $0x3  }
0x95: {  	_ =	strace s4  }
0x96: {  	s4 =	sld [smem:$0x3FFD];
	_ =	sdelay $0x3  }
0x97: {  	_ =	strace s4  }
0x98: {  	_ =	strace $0x8FFFFFFF  }
0x99: {  	s20 =	sld [smem:$0x3FDB];
	_ =	sdelay $0x1  }
0x9a: {  	s5 =	simm.s32 $_scs_section_size  }
0x9b: {  	s6 =	simm.s32 $_size__tile_overlayer_lowered;
	s7 =	simm.s32 $_tile_overlayer_lowered  }
0x9c: {  	s23 =	simm.s32 $0x1BFF;
	s22 =	sshll.u32 s7, $0x1;
	s4 =	sadd.s32 s5, s20  }
0x9d: {  	s8 =	simm.s32 $0x0;
	s21 =	sshll.u32 s6, $0x1;
	s6 =	sadd.s32 s22, s4  }
0x9e: {  	[timem:s8], [sflag:s23] =	dma.local [hbm:s6], s21  }
0x9f: {  	_ =	swait.ge [sflag:s23], s21  }
0xa0: {  	s5 =	ssub.s32 $0x0, s21;
	[sflag:s23] =	ssyncset.done $0x0  }
0xa1: {  	[sflag:s23] =	ssyncadd.s32 s5;
	_ =	sdelay $0x1  }
0xa2: {  	s24 =	simm.s32 $0x1B8B  }
0xa3: {  	_ =	swait.ge [sflag:s24], $0x1  }
0xa4: {  	[sflag:s24] =	ssyncset.done $0x0  }
0xa5: {  	s25 =	simm.s32 $0x1B8E;
	[sflag:s24] =	ssyncadd.s32 $0xFFFFFFFF  }
0xa6: {  	s26 =	simm.s32 $execute0_lowered;
	[smem:$0x3FD2] =	sst s25  }
0xa7: {  	s5 =	sshll.u32 s26, $0x1;
	_ =	strace $0x80000046;
	[dreg:$0x1] =	wrdreg $0xFFFFFFFF  }
0xa8: {  	s28 =	simm.s32 $_size_execute0_lowered;
	s4 =	sadd.s32 s4, s5;
	[dreg:$0x0] =	wrdreg $0x0  }
0xa9: {  	s5 =	sshll.u32 s28, $0x1;
	[dreg:$0x2] =	wrdreg s4  }
0xaa: {  	[dreg:$0x3] =	wrdreg s5  }
0xab: {  	[dreg:$0x4] =	wrdreg $0xC0  }
0xac: {  	_ =	task [dreg:s8], $0x5FFFF  }
0xad: {  	[dreg:$0x1] =	wrdreg $0xFFFFFFFF  }
0xae: {  	[dreg:$0x0] =	wrdreg $0x60  }
0xaf: {  	[dreg:$0x2] =	wrdreg s2  }
0xb0: {  	[dreg:$0x3] =	wrdreg s19  }
0xb1: {  	[dreg:$0x4] =	wrdreg $0x9  }
0xb2: {  	_ =	task.clear_ibuf [dreg:s8], $0x5FFFF;
	_ =	strace $0x90000046  }
0xb3: {  	s29 =	simm.s32 $0x9;
	_ =	strace $0x80000048  }
0xb4: {  	_ =	swait.ge [sflag:s29], $0x1  }
0xb5: {  	[sflag:s29] =	ssyncadd.s32 $0xFFFFFFFF  }
0xb6: {  	_ =	strace $0x90000048  }
0xb7: {  	_ =	sfence  }
0xb8: {  	s30 =	sld [smem:$0x0];
	_ =	sdelay $0x2  }
0xb9: {  	s31 =	sshll.u32 s1, $0xD;
	s1 =	sshrl.u32 s1, $0x2  }
0xba: {  	s3 =	sand.u32 $0x4000, s31;
	s1 =	sadd.s32 s1, s30  }
0xbb: {  	s0 =	sor.u32 s3, s0;
	s1 =	sshll.u32 s1, $0x11  }
0xbc: {  	s0 =	sor.u32 s1, s0  }
0xbd: {  	s0 =	sadd.s32 $0x8F2B, s0  }
0xbe: {  	[sflag:s0] =	ssyncadd.remote.s32 $0x1  }
0xbf: {  	_ =	sfence.sel $0xFFFF  }
0xc0: {  	[dreg:$0x0] =	wrdreg $0xFFFFFFFF;
	(pc) =	sbr.abs _section_cstart, $3  }
0xc1: {  	[dreg:$0x1] =	wrdreg $0xFFFFFFFF  }
0xc2: {  	_ =	task.clear_ibuf [dreg:s8], $0x2FFFF;
	_ =	strace $0x9FFFFFFF  }
0xc3: {  	(tm) =	ssettm $0x7FFFFFFF  }
tec
execute0_lowered:
.L_overlay_start_1:
0x0: {  	(tag) =	ssettag $0x1  }
0x1: {  	s0 =	srdreg.scid;
	s2 =	stileid.u32  }
0x2: {  	s0 =	sand.u32 $0x1, s0;
	s2 =	sshll.u32 s2, $0x1  }
0x3: {  	s7 =	rddreg [dreg:$0x0];
	s2 =	sor.u32 s0, s2  }
0x4: {  	s1 =	rddreg [dreg:$0x1];
	s3 =	simm.s32 $0x0;
	s4 =	smul.u32 $0x2D000, s2  }
0x5: {  	[smem:$0x7FF] =	sst s3;
	s0 =	ssub.s32 $0x2, s0;
	s5 =	smul.u32 $0x5A, s2  }
0x6: {  	_ =	strace $0x80000047;
	s6 =	sshrl.u32 s0, $0x1;
	s4 =	sadd.s32 s7, s4  }
0x7: {  	s2 =	smul.u32 $0x708, s2;
	s30 =	sadd.s32 $0x2, s5;
	[dreg:$0xb] =	wrdreg s4  }
.Ltmp0:
0x8: {  	s31 =	sadd.s32 $0x3, s5;
	[dreg:$0xd] =	wrdreg s30;
	(pc) =	sbr.rel .LBB2_1-.Ltmp0, $4  }
0x9: {  	s0 =	ssub.s32 s0, s6;
	s1 =	sadd.s32 s1, s2;
	[dreg:$0xe] =	wrdreg s31  }
0xa: {  	s0 =	smax.u32 s0, $0x1;
	[dreg:$0xf] =	wrdreg s1  }
0xb: {  	s10 =	simm.s32 $0x4000;
	s4 =	sadd.s32 $0x800, s4;
	[dreg:$0x10] =	wrdreg s0  }
0xc: {  	s12 =	simm.s32 $0x2;
	vm0 =	vmmov $0xf;
	v0 =	vlaneseq.u32;
	vm1 =	vcmask $0x3F04;
	s2 =	simm.s32 $0x0;
	[dreg:$0xc] =	wrdreg s4  }
.LBB2_41:
0xd: {  	s0 =	simm.s32 $0x1  }
0xe: {  	_ =	swait.ge [sflag:s0], $0x4000  }
0xf: {  	[sflag:s0] =	ssyncset.done $0x0  }
0x10: {  	[sflag:s0] =	ssyncadd.s32 $0xFFFFC000  }
0x11: {  	_ =	swait.ge [sflag:s12], $0x4000  }
0x12: {  	s1 =	simm.s32 $0x8000;
	[sflag:s12] =	ssyncset.done $0x0  }
0x13: {  	s30 =	simm.s32 $0x3;
	s29 =	rddreg [dreg:$0xf];
	[sflag:s12] =	ssyncadd.s32 $0xFFFFC000  }
0x14: {  	[hbm4b:s29+s3] =	stream.linear.scatter [tilespmem:s1], [sflag:$0x3], $0x3840, $0x38;
	[tilespmem:$0xDA80] =	vst v63  }
0x15: {  	_ =	swait.ge [sflag:s30], $0x3840  }
0x16: {  	s2 =	rddreg [dreg:$0x11]  }
0x17: {  	s31 =	rddreg [dreg:$0x10];
	s2 =	sadd.s32 $0x1, s2  }
0x18: {  	p0 =	sne.s32 s2, s31  }
.Ltmp1:
0x19: {  	_ = 	snop;
	(pc) =	sbr.rel @!p0 .LBB2_42-.Ltmp1, $3  }
0x1a: {  	_ =	sdelay $0x1  }
0x1b: {  	[sflag:s30] =	ssyncset.done $0x0  }
0x1c: {  	[sflag:s30] =	ssyncadd.s32 $0xFFFFC7C0  }
.LBB2_1:
.Ltmp2:
0x1d: {  	[dreg:$0x11] =	wrdreg s2;
	(pc) =	sbr.rel .LBB2_2-.Ltmp2, $4  }
0x1e: {  	s0 =	rddreg [dreg:$0xb]  }
0x1f: {  	[tilespmem:s3], [sflag:$0x1] =	stream.linear.gather [hbm4b:s0+s3], $0x4000, $0x38;
	[tilespmem:$0xDA80] =	vst v63  }
0x20: {  	s31 =	rddreg [dreg:$0xc];
	s16 =	simm.s32 $0x0  }
0x21: {  	[tilespmem:s10], [sflag:$0x2] =	stream.linear.gather [hbm4b:s31+s3], $0x4000, $0x38;
	[tilespmem:$0xDA80] =	vst v63  }
.LBB2_40:
0x22: {  	s16 =	sadd.s32 $0x1, s16  }
0x23: {  	p0 =	sne.s32 s16, $0x2D  }
.Ltmp3:
0x24: {  	s0 =	smin.u32 s18, $0x56;
	s1 =	rddreg [dreg:$0xe];
	(pc) =	sbr.rel @!p0 .LBB2_41-.Ltmp3, $4  }
0x25: {  	s0 =	sadd.s32 s0, s1  }
0x26: {  	s31 =	rddreg [dreg:$0x0];
	s0 =	sshll.u32 s0, $0xB  }
0x27: {  	s0 =	sadd.s32 s31, s0  }
0x28: {  	[tilespmem:s10], [sflag:$0x2] =	stream.linear.gather [hbm4b:s0+s3], $0x4000, $0x38;
	[tilespmem:$0xDA80] =	vst v63  }
.LBB2_2:
.Ltmp4:
0x29: {  	(pc) =	sbr.rel .LBB2_3-.Ltmp4, $4  }
0x2a: {  	s0 =	simm.s32 $0x1  }
0x2b: {  	_ =	swait.ge [sflag:s0], $0x4000  }
0x2c: {  	s17 =	sshll.u32 s16, $0x4;
	s18 =	simm.s32 $0x0;
	[sflag:s0] =	ssyncset.done $0x0  }
0x2d: {  	p1 =	por $0x1, $0x1;
	[sflag:s0] =	ssyncadd.s32 $0xFFFFC000;
	s0 =	simm.s32 $0x0  }
.LBB2_12:
0x2e: {  	v8 =	vimm.s32 $0x0;
	v7 =	vimm.s32 $0x0  }
0x2f: {  	v4 =	vimm.s32 $0x0;
	v1 =	vimm.s32 $0x0;
	v3 =	vimm.s32 $0x0  }
0x30: {  	v2 =	vimm.s32 $0x0;
	v6 =	vimm.s32 $0x0;
	v5 =	vimm.s32 $0x0  }
.LBB2_20:
0x31: {  	s0 =	sor.u32 s17, s19  }
0x32: {  	s0 =	smul.u32 $0x50, s0;
	_ =	sdelay $0x1  }
0x33: {  	s0 =	sshra.s32 s0, $0x2  }
0x34: {  	[tilespmem:s0+$0x8000] =	vst.msk vm1, v8  }
0x35: {  	[tilespmem:s0+$0x800F] =	vst.msk $0x1f, v7  }
0x36: {  	[tilespmem:s0+$0x8014] =	vst.msk vm1, v4  }
.Ltmp5:
0x37: {  	[tilespmem:s0+$0x8023] =	vst.msk $0x1f, v1;
	(pc) =	sbr.rel @!p0 .LBB2_21-.Ltmp5, $4  }
0x38: {  	[tilespmem:s0+$0x8028] =	vst.msk vm1, v3  }
0x39: {  	[tilespmem:s0+$0x8037] =	vst.msk $0x1f, v2  }
0x3a: {  	[tilespmem:s0+$0x803C] =	vst.msk vm1, v6  }
0x3b: {  	p1 =	por $0x0, $0x0;
	[tilespmem:s0+$0x804B] =	vst.msk $0x1f, v5;
	s0 =	simm.s32 $0x1  }
.LBB2_3:
0x3c: {  	s19 =	sshll.u32 s0, $0x2  }
0x3d: {  	s20 =	sor.u32 $0x1, s19  }
0x3e: {  	s1 =	sshll.u32 s0, $0xB;
	s2 =	sshll.u32 s20, $0x9  }
0x3f: {  	s28 =	sand.u32 $0x40, s18;
	s5 =	sand.u32 $0x3C00, s18;
	s4 =	sshrl.u32 s2, $0x2  }
0x40: {  	s1 =	sshrl.u32 s1, $0x2;
	s8 =	sor.u32 $0x30, s28;
	s9 =	sadd.s32 s4, s5  }
0x41: {  	s5 =	sadd.s32 s1, s5;
	s13 =	sadd.s32 s8, s9  }
0x42: {  	s29 =	sor.u32 $0x10, s28;
	s14 =	sadd.s32 s28, s5;
	v2 =	vld [tilespmem:s13+$0x0]  }
0x43: {  	s21 =	sor.u32 $0x20, s28;
	s15 =	sadd.s32 s29, s5;
	v6 =	vld [tilespmem:s14+$0x0]  }
0x44: {  	p0 =	por p1, p1;
	s30 =	sadd.s32 s21, s5;
	v10 =	vld [tilespmem:s15+$0x0]  }
0x45: {  	v1 =	vimm.f32 $+Inf;
	s31 =	simm.s32 $0x40;
	v3 =	vimm.f32 $+Inf;
	s5 =	sadd.s32 s8, s5;
	s2 =	sadd.s32 s28, s9;
	v11 =	vld [tilespmem:s30+$0x0]  }
0x46: {  	v4 =	vimm.f32 $+Inf;
	v5 =	vimm.f32 $+Inf;
	v7 =	vimm.f32 $+Inf;
	s8 =	sand.u32 $0x40, s31;
	s14 =	sadd.s32 s29, s9;
	v12 =	vld [tilespmem:s5+$0x0];
	s5 =	simm.s32 $0x200  }
0x47: {  	v8 =	vimm.f32 $+Inf;
	v9 =	vimm.f32 $+Inf;
	s13 =	sadd.s32 s21, s9;
	s9 =	simm.s32 $0x80;
	v13 =	vld [tilespmem:s2+$0x0];
	s15 =	sand.u32 $0x3C00, s5;
	v2 =	vmin.f32 v1, v2  }
.LBB2_4:
0x48: {  	p1 =	seq.s32 s9, $0x7C0  }
0x49: {  	s2 =	sor.u32 $0x30, s8;
	s21 =	sadd.s32 s4, s15;
	v1 =	vmin.f32 v1, v6;
	v14 =	vld [tilespmem:s14+$0x0];
	s14 =	sadd.s32 s1, s15  }
0x4a: {  	s15 =	sor.u32 $0x10, s8;
	s24 =	sor.u32 $0x20, s8;
	s22 =	sadd.s32 s2, s21;
	v3 =	vmin.f32 v3, v10;
	v15 =	vld [tilespmem:s13+$0x0]  }
0x4b: {  	s13 =	sadd.s32 s8, s14;
	s23 =	sadd.s32 s15, s14;
	s2 =	sadd.s32 s2, s14;
	v16 =	vld [tilespmem:s22+$0x0];
	v4 =	vmin.f32 v4, v11  }
.Ltmp6:
0x4c: {  	s25 =	sadd.s32 s8, s21;
	s22 =	sadd.s32 s24, s14;
	v6 =	vld [tilespmem:s13+$0x0];
	v5 =	vmin.f32 v5, v12;
	(pc) =	sbr.rel @!p1 .LBB2_4-.Ltmp6, $4  }
0x4d: {  	s14 =	sadd.s32 s15, s21;
	s13 =	sadd.s32 s24, s21;
	v10 =	vld [tilespmem:s23+$0x0];
	v7 =	vmin.f32 v7, v13  }
0x4e: {  	v11 =	vld [tilespmem:s22+$0x0];
	v8 =	vmin.f32 v8, v14  }
0x4f: {  	s5 =	sadd.s32 $0x200, s5;
	v12 =	vld [tilespmem:s2+$0x0];
	v9 =	vmin.f32 v9, v15  }
0x50: {  	s8 =	sand.u32 $0x40, s9;
	s9 =	sadd.s32 $0x40, s9;
	s15 =	sand.u32 $0x3C00, s5;
	v13 =	vld [tilespmem:s25+$0x0];
	v2 =	vmin.f32 v2, v16  }
0x51: {  	s2 =	sor.u32 $0x30, s8;
	s4 =	sadd.s32 s4, s15;
	v14 =	vld [tilespmem:s14+$0x0]  }
0x52: {  	s1 =	sadd.s32 s1, s15;
	v15 =	vld [tilespmem:s13+$0x0];
	s5 =	sadd.s32 s2, s4  }
0x53: {  	s9 =	sor.u32 $0x10, s8;
	s24 =	sadd.s32 s8, s1;
	v16 =	vld [tilespmem:s5+$0x0]  }
0x54: {  	s26 =	sor.u32 $0x20, s8;
	s25 =	sadd.s32 s9, s1;
	v17 =	vld [tilespmem:s24+$0x0]  }
0x55: {  	s28 =	sadd.s32 s26, s1;
	v18 =	vld [tilespmem:s25+$0x0]  }
0x56: {  	s6 =	simm.s32 $0x0;
	s1 =	sadd.s32 s2, s1;
	s29 =	sadd.s32 s8, s4;
	v19 =	vld [tilespmem:s28+$0x0]  }
0x57: {  	s30 =	sadd.s32 s9, s4;
	s31 =	sadd.s32 s26, s4;
	v21 =	vld [tilespmem:s1+$0x0];
	s25 =	sor.u32 $0x3, s19  }
0x58: {  	s26 =	sor.u32 $0x2, s19;
	s7 =	sand.u32 $0x40, s6;
	v23 =	vld [tilespmem:s29+$0x0];
	s5 =	sshll.u32 s25, $0x9  }
0x59: {  	s2 =	sand.u32 $0x3C00, s6;
	v24 =	vld [tilespmem:s30+$0x0];
	s4 =	sshll.u32 s26, $0x9;
	s1 =	sshrl.u32 s5, $0x2  }
0x5a: {  	v1 =	vmin.f32 v1, v6;
	v3 =	vmin.f32 v3, v10;
	v25 =	vld [tilespmem:s31+$0x0];
	s9 =	sor.u32 $0x30, s7;
	s8 =	sshrl.u32 s4, $0x2;
	s11 =	sadd.s32 s1, s2  }
0x5b: {  	v10 =	vimm.f32 $+Inf;
	v4 =	vmin.f32 v4, v11;
	v5 =	vmin.f32 v5, v12;
	s2 =	sadd.s32 s8, s2;
	s23 =	sadd.s32 s9, s11  }
0x5c: {  	s24 =	sor.u32 $0x10, s7;
	v6 =	vmin.f32 v7, v13;
	v7 =	vmin.f32 v8, v14;
	s28 =	sadd.s32 s7, s2;
	v22 =	vmin.f32 v3, v18;
	v3 =	vld [tilespmem:s23+$0x0]  }
0x5d: {  	s21 =	sor.u32 $0x20, s7;
	v9 =	vmin.f32 v9, v15;
	v15 =	vimm.f32 $+Inf;
	s29 =	sadd.s32 s24, s2;
	v8 =	vmin.f32 v2, v16;
	v2 =	vld [tilespmem:s28+$0x0]  }
0x5e: {  	s30 =	sadd.s32 s21, s2;
	v12 =	vmin.f32 v1, v17;
	v20 =	vmin.f32 v4, v19;
	v21 =	vmin.f32 v5, v21;
	v18 =	vld [tilespmem:s29+$0x0]  }
0x5f: {  	s14 =	simm.s32 $0x200;
	s15 =	simm.s32 $0x80;
	s2 =	sadd.s32 s9, s2;
	v13 =	vmin.f32 v6, v23;
	v14 =	vmin.f32 v7, v24;
	v9 =	vmin.f32 v9, v25;
	v19 =	vld [tilespmem:s30+$0x0]  }
0x60: {  	s31 =	simm.s32 $0x40;
	s4 =	sand.u32 $0x3C00, s14;
	s22 =	sadd.s32 s7, s11;
	v1 =	vimm.f32 $+Inf;
	v17 =	vld [tilespmem:s2+$0x0];
	v16 =	vimm.f32 $+Inf;
	v7 =	vimm.f32 $+Inf  }
0x61: {  	s5 =	sand.u32 $0x40, s31;
	s13 =	sadd.s32 s24, s11;
	s9 =	sadd.s32 s21, s11;
	v4 =	vld [tilespmem:s22+$0x0];
	v6 =	vimm.f32 $+Inf;
	v5 =	vmin.f32 v1, v3;
	v3 =	vimm.f32 $+Inf  }
.LBB2_6:
0x62: {  	p1 =	sne.s32 s15, $0x7C0  }
0x63: {  	s2 =	sor.u32 $0x30, s5;
	s21 =	sadd.s32 s1, s4;
	v1 =	vmin.f32 v1, v2;
	v11 =	vld [tilespmem:s13+$0x0];
	s4 =	sadd.s32 s8, s4  }
0x64: {  	s13 =	sor.u32 $0x10, s5;
	s24 =	sor.u32 $0x20, s5;
	s22 =	sadd.s32 s2, s21;
	v16 =	vmin.f32 v16, v18;
	v23 =	vld [tilespmem:s9+$0x0]  }
0x65: {  	s9 =	sadd.s32 s5, s4;
	s23 =	sadd.s32 s13, s4;
	s2 =	sadd.s32 s2, s4;
	v24 =	vld [tilespmem:s22+$0x0];
	v15 =	vmin.f32 v15, v19  }
.Ltmp7:
0x66: {  	s28 =	sadd.s32 s5, s21;
	s22 =	sadd.s32 s24, s4;
	v2 =	vld [tilespmem:s9+$0x0];
	v10 =	vmin.f32 v10, v17;
	(pc) =	sbr.rel @p1 .LBB2_6-.Ltmp7, $4  }
0x67: {  	s13 =	sadd.s32 s13, s21;
	s9 =	sadd.s32 s24, s21;
	v18 =	vld [tilespmem:s23+$0x0];
	v3 =	vmin.f32 v3, v4  }
0x68: {  	v19 =	vld [tilespmem:s22+$0x0];
	v7 =	vmin.f32 v7, v11  }
0x69: {  	s14 =	sadd.s32 $0x200, s14;
	v17 =	vld [tilespmem:s2+$0x0];
	v6 =	vmin.f32 v6, v23  }
0x6a: {  	s5 =	sand.u32 $0x40, s15;
	s15 =	sadd.s32 $0x40, s15;
	s4 =	sand.u32 $0x3C00, s14;
	v4 =	vld [tilespmem:s28+$0x0];
	v5 =	vmin.f32 v5, v24  }
0x6b: {  	v11 =	vlaneseq.u32  }
0x6c: {  	(xrf1) =	vsort.ascd.msk.f32 $0xffff, v12, v11  }
0x6d: {  	(xrf1) =	vsort.ascd.msk.f32 $0xffff, v22, v11;
	_ =	sdelay $0xb  }
0x6e: {  	v12 =	vmul.u32 $0xFFFFFFFF, v11  }
0x6f: {  	v42, _, _ =	vpop (xrf1)  }
0x70: {  	v12 =	vadd.s32 $0xF, v12;
	v23, _, _ =	vpop (xrf1)  }
0x71: {  	v23 =	vperm.xlane v23, v12;
	_ =	sdelay $0x1  }
0x72: {  	v24 =	vmin.f32 v42, v23  }
0x73: {  	v22 =	vmax.f32 v42, v23;
	(xrf1) =	vsort.ascd.msk.f32 $0xffff, v24, v11  }
0x74: {  	(xrf1) =	vsort.ascd.msk.f32 $0xffff, v22, v11  }
0x75: {  	(xrf1) =	vsort.ascd.msk.f32 $0xffff, v20, v11  }
0x76: {  	(xrf1) =	vsort.ascd.msk.f32 $0xffff, v21, v11;
	_ =	sdelay $0xa  }
0x77: {  	v43, _, _ =	vpop (xrf1)  }
0x78: {  	v44, _, _ =	vpop (xrf1)  }
0x79: {  	v45, _, _ =	vpop (xrf1)  }
0x7a: {  	v46, _, _ =	vpop (xrf1)  }
0x7b: {  	v23 =	vperm.xlane v46, v12;
	_ =	sdelay $0x1  }
0x7c: {  	v47 =	vmin.f32 v45, v23  }
0x7d: {  	v22 =	vmax.f32 v45, v23;
	(xrf1) =	vsort.ascd.msk.f32 $0xffff, v47, v11  }
0x7e: {  	(xrf1) =	vsort.ascd.msk.f32 $0xffff, v22, v11;
	_ =	sdelay $0xc  }
0x7f: {  	v48, _, _ =	vpop (xrf1)  }
0x80: {  	v49, _, _ =	vpop (xrf1)  }
0x81: {  	v22 =	vperm.xlane v48, v12;
	v23 =	vperm.xlane v49, v12;
	_ =	sdelay $0x1  }
0x82: {  	v21 =	vmin.f32 v44, v22;
	v20 =	vmin.f32 v43, v23  }
0x83: {  	v20 =	vmax.f32 v20, v21  }
0x84: {  	(xrf1) =	vsort.ascd.msk.f32 $0xffff, v20, v11  }
0x85: {  	(xrf1) =	vsort.ascd.msk.f32 $0xffff, v13, v11  }
0x86: {  	(xrf1) =	vsort.ascd.msk.f32 $0xffff, v14, v11;
	_ =	sdelay $0xb  }
0x87: {  	v13, _, _ =	vpop (xrf1)  }
0x88: {  	v14, _, _ =	vpop (xrf1)  }
0x89: {  	v50, _, _ =	vpop (xrf1)  }
0x8a: {  	v20 =	vperm.xlane v50, v12;
	_ =	sdelay $0x1  }
0x8b: {  	v51 =	vmin.f32 v14, v20  }
0x8c: {  	v14 =	vmax.f32 v14, v20;
	(xrf1) =	vsort.ascd.msk.f32 $0xffff, v51, v11  }
0x8d: {  	(xrf1) =	vsort.ascd.msk.f32 $0xffff, v14, v11  }
0x8e: {  	(xrf1) =	vsort.ascd.msk.f32 $0xffff, v9, v11  }
0x8f: {  	(xrf1) =	vsort.ascd.msk.f32 $0xffff, v8, v11;
	_ =	sdelay $0xa  }
0x90: {  	v8, _, _ =	vpop (xrf1)  }
0x91: {  	v9, _, _ =	vpop (xrf1)  }
0x92: {  	v14, _, _ =	vpop (xrf1)  }
0x93: {  	v52, _, _ =	vpop (xrf1)  }
0x94: {  	v20 =	vperm.xlane v52, v12;
	_ =	sdelay $0x1  }
0x95: {  	v53 =	vmin.f32 v14, v20  }
0x96: {  	v14 =	vmax.f32 v14, v20;
	(xrf1) =	vsort.ascd.msk.f32 $0xffff, v53, v11  }
0x97: {  	(xrf1) =	vsort.ascd.msk.f32 $0xffff, v14, v11;
	_ =	sdelay $0xb  }
0x98: {  	s8 =	sadd.s32 s8, s4;
	s2 =	sor.u32 $0x10, s5  }
0x99: {  	s15 =	sor.u32 $0x20, s5;
	s14 =	sadd.s32 s2, s8;
	v14, _, _ =	vpop (xrf1)  }
0x9a: {  	s21 =	sor.u32 $0x30, s5;
	s7 =	sadd.s32 s15, s8;
	v54 =	vld [tilespmem:s14+$0x0];
	v55, _, _ =	vpop (xrf1)  }
0x9b: {  	s11 =	sadd.s32 s21, s8;
	v56 =	vld [tilespmem:s7+$0x0];
	v14 =	vperm.xlane v14, v12;
	v21 =	vperm.xlane v55, v12  }
0x9c: {  	v57 =	vld [tilespmem:s11+$0x0]  }
0x9d: {  	v9 =	vmin.f32 v9, v14;
	v8 =	vmin.f32 v8, v21  }
0x9e: {  	v14 =	vmin.f32 v16, v18;
	v8 =	vmax.f32 v8, v9  }
0x9f: {  	v14 =	vmin.f32 v14, v54;
	v9 =	vmin.f32 v15, v19;
	(xrf1) =	vsort.ascd.msk.f32 $0xffff, v8, v11  }
0xa0: {  	v8 =	vmin.f32 v10, v17;
	v9 =	vmin.f32 v9, v56;
	(xrf1) =	vsort.ascd.msk.f32 $0xffff, v14, v11  }
0xa1: {  	v8 =	vmin.f32 v8, v57;
	(xrf1) =	vsort.ascd.msk.f32 $0xffff, v9, v11  }
0xa2: {  	(xrf1) =	vsort.ascd.msk.f32 $0xffff, v8, v11;
	_ =	sdelay $0x9  }
0xa3: {  	s1 =	sadd.s32 s1, s4  }
0xa4: {  	s2 =	sadd.s32 s2, s1;
	v8, _, _ =	vpop (xrf1)  }
0xa5: {  	v58 =	vld [tilespmem:s2+$0x0];
	v14, _, _ =	vpop (xrf1)  }
0xa6: {  	v9 =	vld [tilespmem:s13+$0x0];
	v15, _, _ =	vpop (xrf1)  }
0xa7: {  	s4 =	sadd.s32 s15, s1;
	v10 =	vld [tilespmem:s9+$0x0];
	v59, _, _ =	vpop (xrf1)  }
0xa8: {  	v60 =	vld [tilespmem:s4+$0x0];
	s13 =	sadd.s32 s21, s1;
	v17 =	vperm.xlane v59, v12  }
0xa9: {  	v61 =	vld [tilespmem:s13+$0x0]  }
0xaa: {  	v62 =	vmin.f32 v15, v17  }
0xab: {  	v7 =	vmin.f32 v7, v9;
	v9 =	vmax.f32 v15, v17;
	(xrf1) =	vsort.ascd.msk.f32 $0xffff, v62, v11  }
0xac: {  	v6 =	vmin.f32 v6, v10;
	v7 =	vmin.f32 v7, v58;
	(xrf1) =	vsort.ascd.msk.f32 $0xffff, v9, v11  }
0xad: {  	v6 =	vmin.f32 v6, v60;
	(xrf1) =	vsort.ascd.msk.f32 $0xffff, v7, v11  }
0xae: {  	v5 =	vmin.f32 v5, v61;
	(xrf1) =	vsort.ascd.msk.f32 $0xffff, v6, v11  }
0xaf: {  	(xrf1) =	vsort.ascd.msk.f32 $0xffff, v5, v11;
	_ =	sdelay $0x9  }
0xb0: {  	v5, _, _ =	vpop (xrf1)  }
0xb1: {  	v6, _, _ =	vpop (xrf1)  }
0xb2: {  	v15, _, _ =	vpop (xrf1)  }
0xb3: {  	v7, _, _ =	vpop (xrf1)  }
0xb4: {  	v9, _, _ =	vpop (xrf1)  }
0xb5: {  	v9 =	vperm.xlane v9, v12;
	_ =	sdelay $0x1  }
0xb6: {  	v10 =	vmin.f32 v7, v9  }
0xb7: {  	v7 =	vmax.f32 v7, v9;
	(xrf1) =	vsort.ascd.msk.f32 $0xffff, v10, v11  }
0xb8: {  	(xrf1) =	vsort.ascd.msk.f32 $0xffff, v7, v11;
	_ =	sdelay $0x4  }
0xb9: {  	v7 =	vsel vm0, $0x7F800000, v13  }
0xba: {  	(xrf0) =	vmin.scan.msk.f32 $0xffff, v7;
	_ =	sdelay $0x1  }
0xbb: {  	s14 =	sadd.s32 s5, s8  }
0xbc: {  	v7 =	vsel vm0, $0x7F800000, v8;
	v8 =	vld [tilespmem:s14+$0x0]  }
0xbd: {  	s1 =	sadd.s32 s5, s1  }
0xbe: {  	v1 =	vmin.f32 v1, v2;
	s15 =	simm.s32 $0x0;
	v13 =	vld [tilespmem:s1+$0x0]  }
0xbf: {  	s21 =	sand.u32 $0x1C00, s15;
	v5 =	vperm.xlane v5, v12;
	s1 =	sshll.u32 s0, $0x9;
	(xrf0) =	vmin.scan.msk.f32 $0xffff, v7;
	v7, _, _ =	vpop (xrf0)  }
0xc0: {  	s22 =	sand.u32 $0x60, s15;
	v63 =	vmin.f32 v3, v4;
	s24 =	sor.u32 $0x2000, s21;
	v4 =	vperm.xlane v6, v12;
	v3 =	vperm.xlane v15, v12;
	s23 =	sadd.s32 s1, s21;
	v2, _, _ =	vpop (xrf1)  }
0xc1: {  	s29 =	sadd.s32 s1, s24;
	s28 =	sadd.s32 s22, s23;
	v8 =	vmin.f32 v1, v8;
	v10 =	vbroadcast v7, $0xF;
	v7 =	vperm.xlane v14, v12;
	v1, _, _ =	vpop (xrf1)  }
0xc2: {  	s14 =	sadd.s32 s22, s29;
	v2 =	vperm.xlane v2, v12;
	v1 =	vperm.xlane v1, v12;
	v12 =	vld [tilespmem:s28+$0x0]  }
0xc3: {  	v6 =	vmin.f32 v63, v13;
	v13 =	vld [tilespmem:s14+$0x0];
	_ =	sdelay $0x3  }
0xc4: {  	s0 =	sshll.u32 s20, $0x7;
	vm2 =	vle.f32 v12, v10  }
0xc5: {  	s2 =	sadd.s32 s0, s21;
	vm3 =	vle.f32 v13, v10;
	v12 =	vadd.s32 $0x400, v11;
	v13 =	vmpcnt.ones.xlane vm2;
	[tilespmem:s15+$0xB880] =	vst.msk vm2, v11  }
0xc6: {  	s9 =	sadd.s32 s0, s24;
	s30 =	sadd.s32 s22, s2;
	v14 =	vmpcnt.ones.xlane vm3;
	[tilespmem:s15+$0xBC80] =	vst.msk vm3, v12  }
0xc7: {  	s9 =	sadd.s32 s22, s9;
	(v2sf) =	vpush v13, $0x0;
	v13 =	vld [tilespmem:s30+$0x0]  }
0xc8: {  	(v2sf) =	vpush v14, $0x0;
	v14 =	vld [tilespmem:s9+$0x0]  }
0xc9: {  	v9, _, _ =	vpop (xrf0)  }
0xca: {  	v9 =	vbroadcast v9, $0xF;
	_ =	sdelay $0x1  }
0xcb: {  	vm2 =	vle.f32 v13, v9  }
0xcc: {  	s5 =	sor.u32 $0x10, s22;
	vm3 =	vle.f32 v14, v9;
	[tilespmem:s15+$0xC100] =	vst.msk vm2, v11  }
0xcd: {  	s8 =	sadd.s32 s5, s23;
	[tilespmem:s15+$0xC500] =	vst.msk vm3, v12  }
0xce: {  	v12 =	vld [tilespmem:s8+$0x0];
	_ =	sdelay $0x1  }
0xcf: {  	s31 =	simm.s32 $0x2080;
	v13 =	vmpcnt.ones.xlane vm2  }
0xd0: {  	s6 =	simm.s32 $0x410;
	s9 =	sand.u32 $0x3C00, s31  }
0xd1: {  	s13 =	sand.u32 $0x70, s6;
	s7 =	sadd.s32 s1, s9;
	v14 =	vmpcnt.ones.xlane vm3;
	(v2sf) =	vpush v13, $0x0  }
0xd2: {  	s11 =	sadd.s32 s13, s7;
	vm2 =	vle.f32 v12, v10  }
0xd3: {  	v13 =	vld [tilespmem:s11+$0x0];
	(v2sf) =	vpush v14, $0x0;
	v12 =	vmpcnt.ones.xlane vm2  }
0xd4: {  	s14 =	spop (v2sf)  }
0xd5: {  	s15 =	spop (v2sf);
	(v2sf) =	vpush v12, $0x0;
	_ =	sdelay $0x2  }
0xd6: {  	vm3 =	vle.f32 v13, v10  }
0xd7: {  	v14 =	vadd.s32 $0x10, v11;
	v13 =	vmpcnt.ones.xlane vm3;
	s4 =	sadd.s32 $0x0, s14  }
0xd8: {  	v12 =	vadd.s32 $0x410, v11;
	s21 =	sadd.s32 $0x0, s15;
	[tilespmem:s4+$0xB880] =	vst.msk vm2, v14  }
0xd9: {  	s2 =	sadd.s32 s5, s2;
	s28 =	sadd.s32 s0, s9;
	(v2sf) =	vpush v13, $0x0;
	[tilespmem:s21+$0xBC80] =	vst.msk vm3, v12  }
0xda: {  	s5 =	sadd.s32 s13, s28;
	v13 =	vld [tilespmem:s2+$0x0]  }
0xdb: {  	v15 =	vld [tilespmem:s5+$0x0];
	_ =	sdelay $0x2  }
0xdc: {  	s30 =	spop (v2sf)  }
0xdd: {  	s29 =	simm.s32 $0x20;
	s5 =	simm.s32 $0x100;
	vm2 =	vle.f32 v13, v9;
	s22 =	sadd.s32 $0x0, s30  }
0xde: {  	s8 =	sand.u32 $0x60, s29;
	s31 =	sand.u32 $0x1C00, s5;
	s6 =	spop (v2sf);
	vm3 =	vle.f32 v15, v9;
	[tilespmem:s22+$0xC100] =	vst.msk vm2, v14;
	v14 =	vmpcnt.ones.xlane vm2  }
0xdf: {  	s9 =	sadd.s32 s1, s31;
	s7 =	sor.u32 $0x2000, s31;
	s23 =	sadd.s32 $0x0, s6;
	v15 =	vmpcnt.ones.xlane vm3  }
0xe0: {  	s11 =	sadd.s32 s8, s9;
	s24 =	sadd.s32 s1, s7;
	[tilespmem:s23+$0xC500] =	vst.msk vm3, v12;
	s28 =	spop (v2sf);
	(v2sf) =	vpush v14, $0x0  }
0xe1: {  	s14 =	sadd.s32 s8, s24;
	v12 =	vld [tilespmem:s11+$0x0];
	(v2sf) =	vpush v15, $0x0  }
0xe2: {  	v13 =	vld [tilespmem:s14+$0x0];
	_ =	sdelay $0x3  }
0xe3: {  	v11 =	vadd.s32 $0x20, v11;
	vm2 =	vle.f32 v12, v10;
	s4 =	sadd.s32 s4, s28;
	s29 =	spop (v2sf)  }
0xe4: {  	s14 =	sadd.s32 s0, s31;
	v12 =	vadd.s32 $0x400, v11;
	vm3 =	vle.f32 v13, v10;
	v13 =	vmpcnt.ones.xlane vm2;
	[tilespmem:s4+$0xB880] =	vst.msk vm2, v11;
	s24 =	sadd.s32 s21, s29  }
0xe5: {  	s30 =	sadd.s32 s0, s7;
	s13 =	sadd.s32 s8, s14;
	v15 =	vmpcnt.ones.xlane vm3;
	[tilespmem:s24+$0xBC80] =	vst.msk vm3, v12  }
0xe6: {  	s31 =	sadd.s32 s8, s30;
	(v2sf) =	vpush v13, $0x0;
	v14 =	vld [tilespmem:s13+$0x0]  }
0xe7: {  	s2 =	simm.s32 $0x40;
	v13 =	vld [tilespmem:s31+$0x0];
	s13 =	simm.s32 $0x430;
	(v2sf) =	vpush v15, $0x0  }
.LBB2_8:
0xe8: {  	s15 =	sand.u32 $0x70, s13  }
0xe9: {  	s28 =	sadd.s32 $0x2080, s5;
	s13 =	smov.u32 s2;
	s21 =	sadd.s32 $0x20, s2  }
0xea: {  	p1 =	seq.s32 s2, $0x3E0;
	s2 =	sor.u32 $0x10, s8;
	s8 =	sand.u32 $0x3C00, s28  }
0xeb: {  	s9 =	sadd.s32 s2, s9;
	s2 =	sadd.s32 s2, s14  }
0xec: {  	s14 =	sadd.s32 s1, s8;
	s8 =	sadd.s32 s0, s8;
	vm2 =	vle.f32 v14, v9;
	s28 =	spop (v2sf)  }
0xed: {  	s14 =	sadd.s32 s15, s14;
	vm3 =	vle.f32 v13, v9;
	v13 =	vmpcnt.ones.xlane vm2;
	s22 =	sadd.s32 s22, s28;
	s28 =	spop (v2sf)  }
0xee: {  	[tilespmem:s22+$0xC100] =	vst.msk vm2, v11;
	v14 =	vmpcnt.ones.xlane vm3;
	s23 =	sadd.s32 s23, s28  }
0xef: {  	[tilespmem:s23+$0xC500] =	vst.msk vm3, v12;
	(v2sf) =	vpush v13, $0x0  }
0xf0: {  	v12 =	vld [tilespmem:s9+$0x0];
	(v2sf) =	vpush v14, $0x0  }
0xf1: {  	v13 =	vld [tilespmem:s14+$0x0];
	_ =	sdelay $0x2  }
0xf2: {  	s9 =	sadd.s32 s15, s8  }
0xf3: {  	v14 =	vadd.s32 $0x10, v11;
	vm2 =	vle.f32 v12, v10;
	s8 =	spop (v2sf)  }
0xf4: {  	v12 =	vadd.s32 $0x410, v11;
	s4 =	sadd.s32 s4, s8;
	vm3 =	vle.f32 v13, v10;
	v13 =	vmpcnt.ones.xlane vm2;
	s8 =	spop (v2sf)  }
0xf5: {  	s15 =	sadd.s32 s24, s8;
	[tilespmem:s4+$0xB880] =	vst.msk vm2, v14;
	v15 =	vmpcnt.ones.xlane vm3  }
0xf6: {  	[tilespmem:s15+$0xBC80] =	vst.msk vm3, v12;
	(v2sf) =	vpush v13, $0x0  }
0xf7: {  	v13 =	vld [tilespmem:s2+$0x0];
	(v2sf) =	vpush v15, $0x0  }
0xf8: {  	s5 =	sadd.s32 $0x100, s5;
	s8 =	sand.u32 $0x60, s13;
	v15 =	vld [tilespmem:s9+$0x0]  }
0xf9: {  	s2 =	sand.u32 $0x1C00, s5  }
0xfa: {  	s9 =	sadd.s32 s1, s2;
	s14 =	sor.u32 $0x2000, s2  }
0xfb: {  	s24 =	sadd.s32 s8, s9;
	s28 =	sadd.s32 s1, s14  }
0xfc: {  	s29 =	sadd.s32 s0, s14;
	s28 =	sadd.s32 s8, s28;
	vm2 =	vle.f32 v13, v9;
	s14 =	spop (v2sf)  }
0xfd: {  	s22 =	sadd.s32 s22, s14;
	vm3 =	vle.f32 v15, v9;
	v13 =	vmpcnt.ones.xlane vm2;
	s14 =	spop (v2sf)  }
0xfe: {  	s23 =	sadd.s32 s23, s14;
	[tilespmem:s22+$0xC100] =	vst.msk vm2, v14;
	v14 =	vmpcnt.ones.xlane vm3  }
0xff: {  	[tilespmem:s23+$0xC500] =	vst.msk vm3, v12;
	(v2sf) =	vpush v13, $0x0  }
0x100: {  	v13 =	vld [tilespmem:s24+$0x0];
	(v2sf) =	vpush v14, $0x0  }
0x101: {  	v14 =	vld [tilespmem:s28+$0x0]  }
0x102: {  	v11 =	vadd.s32 $0x20, v11  }
0x103: {  	s14 =	sadd.s32 s0, s2;
	v12 =	vadd.s32 $0x400, v11  }
0x104: {  	s2 =	sadd.s32 s8, s14  }
0x105: {  	s28 =	sadd.s32 s8, s29;
	vm2 =	vle.f32 v13, v10;
	s24 =	spop (v2sf)  }
.Ltmp8:
0x106: {  	vm3 =	vle.f32 v14, v10;
	v13 =	vmpcnt.ones.xlane vm2;
	s4 =	sadd.s32 s4, s24;
	s24 =	spop (v2sf);
	(pc) =	sbr.rel @!p1 .LBB2_8-.Ltmp8, $4  }
0x107: {  	[tilespmem:s4+$0xB880] =	vst.msk vm2, v11;
	v15 =	vmpcnt.ones.xlane vm3;
	s24 =	sadd.s32 s15, s24  }
0x108: {  	[tilespmem:s24+$0xBC80] =	vst.msk vm3, v12;
	(v2sf) =	vpush v13, $0x0  }
0x109: {  	v14 =	vld [tilespmem:s2+$0x0];
	(v2sf) =	vpush v15, $0x0  }
0x10a: {  	s13 =	sadd.s32 $0x410, s13;
	s2 =	smov.u32 s21;
	v13 =	vld [tilespmem:s28+$0x0]  }
0x10b: {  	v62 =	vlaneseq.u32  }
0x10c: {  	(xrf1) =	vsort.ascd.msk.f32 $0xffff, v8, v62;
	_ =	sdelay $0xd  }
0x10d: {  	v8, _, _ =	vpop (xrf1)  }
0x10e: {  	v63 =	vmin.f32 v8, v7  }
0x10f: {  	v7 =	vmax.f32 v8, v7;
	(xrf1) =	vsort.ascd.msk.f32 $0xffff, v63, v62  }
0x110: {  	(xrf1) =	vsort.ascd.msk.f32 $0xffff, v7, v62;
	_ =	sdelay $0xc  }
0x111: {  	v7, _, _ =	vpop (xrf1)  }
0x112: {  	v8, _, _ =	vpop (xrf1)  }
0x113: {  	v4 =	vmin.f32 v7, v4;
	v5 =	vmin.f32 v8, v5  }
0x114: {  	v4 =	vmax.f32 v4, v5  }
0x115: {  	(xrf1) =	vsort.ascd.msk.f32 $0xffff, v4, v62  }
0x116: {  	(xrf1) =	vsort.ascd.msk.f32 $0xffff, v6, v62;
	_ =	sdelay $0xc  }
0x117: {  	v4, _, _ =	vpop (xrf1)  }
0x118: {  	v5, _, _ =	vpop (xrf1)  }
0x119: {  	v6 =	vmin.f32 v5, v3  }
0x11a: {  	v3 =	vmax.f32 v5, v3;
	(xrf1) =	vsort.ascd.msk.f32 $0xffff, v6, v62  }
0x11b: {  	(xrf1) =	vsort.ascd.msk.f32 $0xffff, v3, v62  }
0x11c: {  	s2 =	spop (v2sf)  }
0x11d: {  	s5 =	sadd.s32 $0x2080, s5;
	vm2 =	vle.f32 v14, v9;
	s2 =	sadd.s32 s22, s2;
	s15 =	spop (v2sf)  }
0x11e: {  	s8 =	sor.u32 $0x10, s8;
	s5 =	sand.u32 $0x3C00, s5;
	vm3 =	vle.f32 v13, v9;
	s15 =	sadd.s32 s23, s15;
	[tilespmem:s2+$0xC100] =	vst.msk vm2, v11  }
0x11f: {  	s13 =	sand.u32 $0x70, s13;
	s9 =	sadd.s32 s8, s9;
	s1 =	sadd.s32 s1, s5;
	[tilespmem:s15+$0xC500] =	vst.msk vm3, v12  }
0x120: {  	s1 =	sadd.s32 s13, s1;
	v12 =	vld [tilespmem:s9+$0x0]  }
0x121: {  	v52 =	vld [tilespmem:s1+$0x0];
	_ =	sdelay $0x2  }
0x122: {  	s9 =	spop (v2sf)  }
0x123: {  	v53 =	vadd.s32 $0x10, v11;
	vm4 =	vle.f32 v12, v10;
	s1 =	sadd.s32 s4, s9;
	s11 =	spop (v2sf)  }
0x124: {  	v54 =	vadd.s32 $0x410, v11;
	vm5 =	vle.f32 v52, v10;
	s4 =	sadd.s32 s24, s11;
	[tilespmem:s1+$0xB880] =	vst.msk vm4, v53  }
0x125: {  	s8 =	sadd.s32 s8, s14;
	s0 =	sadd.s32 s0, s5;
	[tilespmem:s4+$0xBC80] =	vst.msk vm5, v54  }
0x126: {  	s0 =	sadd.s32 s13, s0;
	v55 =	vld [tilespmem:s8+$0x0];
	v3, _, _ =	vpop (xrf1)  }
0x127: {  	v57 =	vmpcnt.ones.xlane vm2;
	v56 =	vld [tilespmem:s0+$0x0];
	v5, _, _ =	vpop (xrf1)  }
0x128: {  	v15 =	vmpcnt.ones.xlane vm3;
	v1 =	vmin.f32 v3, v1;
	v2 =	vmin.f32 v5, v2  }
0x129: {  	(v2sf) =	vpush v57, $0x0;
	v58 =	vmpcnt.ones.xlane vm4;
	v1 =	vmax.f32 v1, v2  }
0x12a: {  	v59 =	vmpcnt.ones.xlane vm5;
	(v2sf) =	vpush v15, $0x0;
	(xrf1) =	vsort.ascd.msk.f32 $0xffff, v1, v62  }
0x12b: {  	(v2sf) =	vpush v58, $0x0;
	vm2 =	vle.f32 v55, v9  }
0x12c: {  	(v2sf) =	vpush v59, $0x0;
	vm3 =	vle.f32 v56, v9;
	v60 =	vmpcnt.ones.xlane vm2  }
0x12d: {  	v61 =	vmpcnt.ones.xlane vm3  }
0x12e: {  	(v2sf) =	vpush v60, $0x0  }
0x12f: {  	(v2sf) =	vpush v61, $0x0;
	_ =	sdelay $0x8  }
0x130: {  	s13 =	spop (v2sf);
	v1 =	vsel vm0, $0x7F800000, v4;
	v2, _, _ =	vpop (xrf1)  }
0x131: {  	s14 =	spop (v2sf);
	(xrf0) =	vmin.scan.msk.f32 $0xffff, v1;
	v1 =	vsel vm0, $0x7F800000, v2  }
0x132: {  	s21 =	spop (v2sf);
	(xrf0) =	vmin.scan.msk.f32 $0xffff, v1  }
0x133: {  	s0 =	sadd.s32 s2, s13;
	s22 =	spop (v2sf)  }
0x134: {  	s21 =	sadd.s32 s1, s21;
	s22 =	sadd.s32 s4, s22;
	s4 =	simm.s32 $0x0  }
0x135: {  	s1 =	sshll.u32 s26, $0x7;
	s28 =	sand.u32 $0x1C00, s4;
	s23 =	spop (v2sf)  }
0x136: {  	s5 =	sadd.s32 s15, s14;
	[tilespmem:s0+$0xC100] =	vst.msk vm2, v53;
	s8 =	sadd.s32 s1, s28;
	s24 =	spop (v2sf)  }
0x137: {  	[tilespmem:s5+$0xC500] =	vst.msk vm3, v54;
	s6 =	sor.u32 $0x2000, s28;
	s24 =	sadd.s32 s5, s24;
	s5 =	sand.u32 $0x60, s4;
	v1, _, _ =	vpop (xrf0)  }
0x138: {  	s11 =	sadd.s32 s1, s6;
	s7 =	sadd.s32 s5, s8;
	v3, _, _ =	vpop (xrf0)  }
0x139: {  	s14 =	sadd.s32 s5, s11;
	v2 =	vbroadcast v1, $0xF;
	v1 =	vbroadcast v3, $0xF;
	v3 =	vld [tilespmem:s7+$0x0]  }
0x13a: {  	v4 =	vld [tilespmem:s14+$0x0];
	_ =	sdelay $0x3  }
0x13b: {  	s23 =	sadd.s32 s0, s23;
	s0 =	sshll.u32 s25, $0x7;
	vm2 =	vle.f32 v3, v2  }
0x13c: {  	s2 =	sadd.s32 s0, s28;
	vm3 =	vle.f32 v4, v2;
	v3 =	vadd.s32 $0x400, v62;
	v4 =	vmpcnt.ones.xlane vm2;
	[tilespmem:s4+$0xC980] =	vst.msk vm2, v62  }
0x13d: {  	s9 =	sadd.s32 s0, s6;
	s15 =	sadd.s32 s5, s2;
	v5 =	vmpcnt.ones.xlane vm3;
	[tilespmem:s4+$0xCD80] =	vst.msk vm3, v3  }
0x13e: {  	s9 =	sadd.s32 s5, s9;
	(v2sf) =	vpush v4, $0x0;
	v4 =	vld [tilespmem:s15+$0x0]  }
0x13f: {  	(v2sf) =	vpush v5, $0x0;
	v5 =	vld [tilespmem:s9+$0x0];
	_ =	sdelay $0x3  }
0x140: {  	vm2 =	vle.f32 v4, v1  }
0x141: {  	s5 =	sor.u32 $0x10, s5;
	vm3 =	vle.f32 v5, v1;
	[tilespmem:s4+$0xD200] =	vst.msk vm2, v62  }
0x142: {  	s8 =	sadd.s32 s5, s8;
	[tilespmem:s4+$0xD600] =	vst.msk vm3, v3  }
0x143: {  	v3 =	vld [tilespmem:s8+$0x0]  }
0x144: {  	v4 =	vmpcnt.ones.xlane vm2  }
0x145: {  	s28 =	simm.s32 $0x2080;
	v5 =	vmpcnt.ones.xlane vm3  }
0x146: {  	s6 =	simm.s32 $0x410;
	s9 =	sand.u32 $0x3C00, s28;
	(v2sf) =	vpush v4, $0x0  }
0x147: {  	s13 =	sand.u32 $0x70, s6;
	s7 =	sadd.s32 s1, s9;
	(v2sf) =	vpush v5, $0x0  }
0x148: {  	s11 =	sadd.s32 s13, s7;
	vm2 =	vle.f32 v3, v2  }
0x149: {  	v4 =	vld [tilespmem:s11+$0x0];
	v3 =	vmpcnt.ones.xlane vm2;
	_ =	sdelay $0x1  }
0x14a: {  	s14 =	spop (v2sf);
	(v2sf) =	vpush v3, $0x0;
	_ =	sdelay $0x2  }
0x14b: {  	v5 =	vadd.s32 $0x10, v62;
	vm3 =	vle.f32 v4, v2;
	s4 =	sadd.s32 $0x0, s14;
	s15 =	spop (v2sf)  }
0x14c: {  	v4 =	vmpcnt.ones.xlane vm3;
	v3 =	vadd.s32 $0x410, v62;
	s15 =	sadd.s32 $0x0, s15;
	[tilespmem:s4+$0xC980] =	vst.msk vm2, v5  }
0x14d: {  	s2 =	sadd.s32 s5, s2;
	s28 =	sadd.s32 s0, s9;
	[tilespmem:s15+$0xCD80] =	vst.msk vm3, v3  }
0x14e: {  	s5 =	sadd.s32 s13, s28;
	(v2sf) =	vpush v4, $0x0;
	v4 =	vld [tilespmem:s2+$0x0]  }
0x14f: {  	v6 =	vld [tilespmem:s5+$0x0];
	_ =	sdelay $0x2  }
0x150: {  	s6 =	spop (v2sf)  }
0x151: {  	s5 =	simm.s32 $0x20;
	vm2 =	vle.f32 v4, v1;
	s30 =	sadd.s32 $0x0, s6;
	s7 =	spop (v2sf)  }
0x152: {  	s8 =	sand.u32 $0x60, s5;
	s5 =	simm.s32 $0x100;
	vm3 =	vle.f32 v6, v1;
	s29 =	sadd.s32 $0x0, s7;
	[tilespmem:s30+$0xD200] =	vst.msk vm2, v5  }
0x153: {  	s13 =	sand.u32 $0x1C00, s5;
	[tilespmem:s29+$0xD600] =	vst.msk vm3, v3;
	v3 =	vmpcnt.ones.xlane vm2  }
0x154: {  	s9 =	sadd.s32 s1, s13;
	s28 =	sor.u32 $0x2000, s13;
	v6 =	vmpcnt.ones.xlane vm3  }
0x155: {  	s11 =	sadd.s32 s8, s9;
	s6 =	sadd.s32 s1, s28;
	s7 =	spop (v2sf);
	(v2sf) =	vpush v3, $0x0  }
0x156: {  	s14 =	sadd.s32 s8, s6;
	v4 =	vld [tilespmem:s11+$0x0];
	(v2sf) =	vpush v6, $0x0  }
0x157: {  	v5 =	vld [tilespmem:s14+$0x0];
	_ =	sdelay $0x3  }
0x158: {  	v3 =	vadd.s32 $0x20, v62;
	vm2 =	vle.f32 v4, v2;
	s4 =	sadd.s32 s4, s7;
	s11 =	spop (v2sf)  }
0x159: {  	s14 =	sadd.s32 s0, s13;
	v4 =	vadd.s32 $0x400, v3;
	vm3 =	vle.f32 v5, v2;
	v5 =	vmpcnt.ones.xlane vm2;
	[tilespmem:s4+$0xC980] =	vst.msk vm2, v3;
	s31 =	sadd.s32 s15, s11  }
0x15a: {  	s13 =	sadd.s32 s8, s14;
	s15 =	sadd.s32 s0, s28;
	v7 =	vmpcnt.ones.xlane vm3;
	[tilespmem:s31+$0xCD80] =	vst.msk vm3, v4  }
0x15b: {  	s28 =	sadd.s32 s8, s15;
	(v2sf) =	vpush v5, $0x0;
	v6 =	vld [tilespmem:s13+$0x0]  }
0x15c: {  	s2 =	simm.s32 $0x40;
	v5 =	vld [tilespmem:s28+$0x0];
	s13 =	simm.s32 $0x430;
	(v2sf) =	vpush v7, $0x0  }
.LBB2_10:
0x15d: {  	s15 =	sand.u32 $0x70, s13  }
0x15e: {  	s6 =	sadd.s32 $0x2080, s5;
	s13 =	smov.u32 s2;
	s28 =	sadd.s32 $0x20, s2  }
0x15f: {  	p1 =	sne.s32 s2, $0x3E0;
	s2 =	sor.u32 $0x10, s8;
	s6 =	sand.u32 $0x3C00, s6  }
0x160: {  	s8 =	sadd.s32 s2, s9;
	s2 =	sadd.s32 s2, s14  }
0x161: {  	s9 =	sadd.s32 s1, s6;
	s6 =	sadd.s32 s0, s6;
	vm2 =	vle.f32 v6, v1;
	s14 =	spop (v2sf)  }
0x162: {  	s9 =	sadd.s32 s15, s9;
	vm3 =	vle.f32 v5, v1;
	v5 =	vmpcnt.ones.xlane vm2;
	s14 =	sadd.s32 s30, s14;
	s30 =	spop (v2sf)  }
0x163: {  	[tilespmem:s14+$0xD200] =	vst.msk vm2, v3;
	v6 =	vmpcnt.ones.xlane vm3;
	s29 =	sadd.s32 s29, s30  }
0x164: {  	[tilespmem:s29+$0xD600] =	vst.msk vm3, v4;
	(v2sf) =	vpush v5, $0x0  }
0x165: {  	v4 =	vld [tilespmem:s8+$0x0];
	(v2sf) =	vpush v6, $0x0  }
0x166: {  	v5 =	vld [tilespmem:s9+$0x0];
	_ =	sdelay $0x2  }
0x167: {  	s6 =	sadd.s32 s15, s6  }
0x168: {  	v6 =	vadd.s32 $0x10, v3;
	vm2 =	vle.f32 v4, v2;
	s8 =	spop (v2sf)  }
0x169: {  	v4 =	vadd.s32 $0x410, v3;
	s4 =	sadd.s32 s4, s8;
	vm3 =	vle.f32 v5, v2;
	v5 =	vmpcnt.ones.xlane vm2;
	s8 =	spop (v2sf)  }
0x16a: {  	s15 =	sadd.s32 s31, s8;
	[tilespmem:s4+$0xC980] =	vst.msk vm2, v6;
	v7 =	vmpcnt.ones.xlane vm3  }
0x16b: {  	[tilespmem:s15+$0xCD80] =	vst.msk vm3, v4;
	(v2sf) =	vpush v5, $0x0  }
0x16c: {  	v5 =	vld [tilespmem:s2+$0x0];
	(v2sf) =	vpush v7, $0x0  }
0x16d: {  	s5 =	sadd.s32 $0x100, s5;
	s8 =	sand.u32 $0x60, s13;
	v7 =	vld [tilespmem:s6+$0x0]  }
0x16e: {  	s2 =	sand.u32 $0x1C00, s5  }
0x16f: {  	s9 =	sadd.s32 s1, s2;
	s6 =	sor.u32 $0x2000, s2  }
0x170: {  	s31 =	sadd.s32 s8, s9;
	s30 =	sadd.s32 s1, s6  }
0x171: {  	s6 =	sadd.s32 s0, s6;
	s7 =	sadd.s32 s8, s30;
	vm2 =	vle.f32 v5, v1;
	s30 =	spop (v2sf)  }
0x172: {  	s30 =	sadd.s32 s14, s30;
	vm3 =	vle.f32 v7, v1;
	v5 =	vmpcnt.ones.xlane vm2;
	s14 =	spop (v2sf)  }
0x173: {  	s29 =	sadd.s32 s29, s14;
	[tilespmem:s30+$0xD200] =	vst.msk vm2, v6;
	v6 =	vmpcnt.ones.xlane vm3  }
0x174: {  	[tilespmem:s29+$0xD600] =	vst.msk vm3, v4;
	(v2sf) =	vpush v5, $0x0  }
0x175: {  	v5 =	vld [tilespmem:s31+$0x0];
	(v2sf) =	vpush v6, $0x0  }
0x176: {  	v6 =	vld [tilespmem:s7+$0x0]  }
0x177: {  	v3 =	vadd.s32 $0x20, v3  }
0x178: {  	s14 =	sadd.s32 s0, s2;
	v4 =	vadd.s32 $0x400, v3  }
0x179: {  	s2 =	sadd.s32 s8, s14  }
0x17a: {  	s6 =	sadd.s32 s8, s6;
	vm2 =	vle.f32 v5, v2;
	s7 =	spop (v2sf)  }
.Ltmp9:
0x17b: {  	vm3 =	vle.f32 v6, v2;
	v5 =	vmpcnt.ones.xlane vm2;
	s4 =	sadd.s32 s4, s7;
	s7 =	spop (v2sf);
	(pc) =	sbr.rel @p1 .LBB2_10-.Ltmp9, $4  }
0x17c: {  	[tilespmem:s4+$0xC980] =	vst.msk vm2, v3;
	v7 =	vmpcnt.ones.xlane vm3;
	s31 =	sadd.s32 s15, s7  }
0x17d: {  	[tilespmem:s31+$0xCD80] =	vst.msk vm3, v4;
	(v2sf) =	vpush v5, $0x0  }
0x17e: {  	v6 =	vld [tilespmem:s2+$0x0];
	(v2sf) =	vpush v7, $0x0  }
0x17f: {  	s13 =	sadd.s32 $0x410, s13;
	s2 =	smov.u32 s28;
	v5 =	vld [tilespmem:s6+$0x0]  }
0x180: {  	_ =	sdelay $0x3  }
0x181: {  	s2 =	spop (v2sf)  }
0x182: {  	s5 =	sadd.s32 $0x2080, s5;
	vm2 =	vle.f32 v6, v1;
	s2 =	sadd.s32 s30, s2;
	s6 =	spop (v2sf)  }
0x183: {  	s7 =	sor.u32 $0x10, s8;
	s5 =	sand.u32 $0x3C00, s5;
	vm3 =	vle.f32 v5, v1;
	[tilespmem:s2+$0xD200] =	vst.msk vm2, v3;
	s6 =	sadd.s32 s29, s6  }
0x184: {  	s13 =	sand.u32 $0x70, s13;
	s9 =	sadd.s32 s7, s9;
	s1 =	sadd.s32 s1, s5;
	[tilespmem:s6+$0xD600] =	vst.msk vm3, v4  }
0x185: {  	s1 =	sadd.s32 s13, s1;
	v4 =	vld [tilespmem:s9+$0x0]  }
0x186: {  	v58 =	vld [tilespmem:s1+$0x0];
	_ =	sdelay $0x2  }
0x187: {  	s15 =	spop (v2sf)  }
0x188: {  	v59 =	vadd.s32 $0x10, v3;
	vm4 =	vle.f32 v4, v2;
	s1 =	sadd.s32 s4, s15;
	s9 =	spop (v2sf)  }
0x189: {  	vm5 =	vle.f32 v58, v2;
	v2 =	vadd.s32 $0x410, v3;
	s4 =	sadd.s32 s31, s9;
	[tilespmem:s1+$0xC980] =	vst.msk vm4, v59  }
0x18a: {  	s7 =	sadd.s32 s7, s14;
	s0 =	sadd.s32 s0, s5;
	[tilespmem:s4+$0xCD80] =	vst.msk vm5, v2  }
0x18b: {  	s0 =	sadd.s32 s13, s0;
	v3 =	vld [tilespmem:s7+$0x0]  }
0x18c: {  	v60 =	vmpcnt.ones.xlane vm2;
	v61 =	vld [tilespmem:s0+$0x0]  }
0x18d: {  	v7 =	vmpcnt.ones.xlane vm3  }
0x18e: {  	(v2sf) =	vpush v60, $0x0;
	v62 =	vmpcnt.ones.xlane vm4  }
0x18f: {  	(v2sf) =	vpush v7, $0x0  }
0x190: {  	(v2sf) =	vpush v62, $0x0;
	vm2 =	vle.f32 v3, v1;
	v3 =	vmpcnt.ones.xlane vm5  }
0x191: {  	vm3 =	vle.f32 v61, v1;
	v63 =	vmpcnt.ones.xlane vm2  }
0x192: {  	v1 =	vmpcnt.ones.xlane vm3;
	(v2sf) =	vpush v3, $0x0  }
0x193: {  	(v2sf) =	vpush v63, $0x0  }
0x194: {  	(v2sf) =	vpush v1, $0x0;
	_ =	sdelay $0x8  }
0x195: {  	s11 =	spop (v2sf)  }
0x196: {  	s9 =	sadd.s32 $0xF, s21;
	s13 =	spop (v2sf);
	s2 =	sadd.s32 s2, s11  }
0x197: {  	s11 =	sadd.s32 $0xF, s23;
	s14 =	spop (v2sf);
	s6 =	sadd.s32 s6, s13  }
0x198: {  	s0 =	sshra.s32 s11, $0x4;
	s28 =	sadd.s32 s1, s14;
	s1 =	sshra.s32 s9, $0x4  }
0x199: {  	s14 =	sadd.s32 $0xF, s22;
	s13 =	sadd.s32 $0xF, s28;
	s15 =	spop (v2sf)  }
0x19a: {  	s13 =	sshra.s32 s13, $0x4;
	s5 =	spop (v2sf);
	s29 =	sadd.s32 s4, s15  }
0x19b: {  	s15 =	sadd.s32 $0xF, s24;
	s30 =	sadd.s32 s2, s5;
	s8 =	spop (v2sf)  }
0x19c: {  	s9 =	sshra.s32 s15, $0x4;
	s31 =	sadd.s32 s6, s8;
	s8 =	sshra.s32 s14, $0x4  }
0x19d: {  	s11 =	sadd.s32 $0xF, s29;
	s4 =	sadd.s32 s1, s8;
	s8 =	sadd.s32 s0, s9  }
0x19e: {  	s14 =	sadd.s32 $0xF, s30;
	s7 =	sshra.s32 s11, $0x4;
	p1 =	sgt.s32 s4, s8  }
0x19f: {  	s15 =	sadd.s32 $0xF, s31;
	s7 =	sadd.s32 s13, s7;
	s8 =	smov.u32 @p1 s4  }
0x1a0: {  	s5 =	sshra.s32 s14, $0x4;
	s4 =	sshra.s32 s15, $0x4;
	p1 =	sgt.s32 s8, s7  }
0x1a1: {  	s7 =	smov.u32 @p1 s8;
	s8 =	sadd.s32 s5, s4  }
0x1a2: {  	p1 =	sgt.s32 s7, s8  }
0x1a3: {  	s8 =	smov.u32 @p1 s7  }
0x1a4: {  	p1 =	slt.s32 s8, $0x1  }
.Ltmp10:
0x1a5: {  	_ = 	snop;
	(pc) =	sbr.rel @p1 .LBB2_12-.Ltmp10, $3  }
0x1a6: {  	_ =	sdelay $0x1  }
0x1a7: {  	[tilespmem:s2+$0xD200] =	vst.msk vm2, v59  }
0x1a8: {  	[tilespmem:s6+$0xD600] =	vst.msk vm3, v2  }
0x1a9: {  	s2 =	sshll.u32 s5, $0x4  }
0x1aa: {  	s4 =	sshll.u32 s13, $0x4;
	s2 =	ssub.s32 $0x0, s2  }
0x1ab: {  	s11 =	sshll.u32 s0, $0x4;
	s9 =	ssub.s32 $0x0, s4;
	[dreg:$0x3] =	wrdreg s2  }
0x1ac: {  	s14 =	ssub.s32 $0x0, s11;
	[dreg:$0x4] =	wrdreg s9  }
0x1ad: {  	[dreg:$0x5] =	wrdreg s14  }
0x1ae: {  	p2 =	sgt.s32 s0, $0x0;
	p3 =	sgt.s32 s13, $0x0;
	s15 =	rddreg [dreg:$0x4]  }
0x1af: {  	p1 =	sgt.s32 s5, $0x0;
	s6 =	rddreg [dreg:$0x5];
	s2 =	sadd.s32 $0x0, s15  }
0x1b0: {  	s4 =	simm.s32 $0x0;
	s6 =	sadd.s32 $0x0, s6;
	s9 =	sadd.s32 $0x400, s2  }
0x1b1: {  	s7 =	rddreg [dreg:$0x3];
	s14 =	sadd.s32 $0x400, s6;
	s9 =	smov.u32 @p3 s4  }
0x1b2: {  	s7 =	sadd.s32 $0x0, s7;
	s14 =	smov.u32 @p2 s4;
	p4 =	slt.s32 s9, $0x800  }
0x1b3: {  	v1 =	vmov s20;
	s15 =	sadd.s32 $0x400, s7;
	p5 =	slt.s32 s14, $0x800;
	s9 =	simm.s32 @!p4 $0x800  }
0x1b4: {  	v2 =	vmov s26;
	v1 =	vshll.u32 v1, $0x7;
	s15 =	smov.u32 @p1 s4;
	s14 =	simm.s32 @!p5 $0x800;
	v5 =	vld [tilespmem:s9+$0xC980]  }
0x1b5: {  	v2 =	vshll.u32 v2, $0x7;
	v1 =	vand.u32 $0x280, v1;
	s6 =	smov.u32 @p2 s4;
	p4 =	slt.s32 s15, $0x800;
	v6 =	vld [tilespmem:s14+$0xC100]  }
0x1b6: {  	v2 =	vand.u32 $0x300, v2;
	v3 =	vbroadcast v1, $0x0;
	v1 =	vmov s25;
	s2 =	smov.u32 @p3 s4;
	s7 =	smov.u32 @p1 s4;
	s15 =	simm.s32 @!p4 $0x800  }
0x1b7: {  	v4 =	vbroadcast v2, $0x0;
	v1 =	vshll.u32 v1, $0x7;
	v7 =	vor.u32 s6, v0;
	s6 =	smov.u32 s31;
	s9 =	smov.u32 s29;
	s14 =	smov.u32 s24;
	v8 =	vld [tilespmem:s15+$0xD200]  }
0x1b8: {  	v1 =	vand.u32 $0x380, v1;
	v2 =	vor.u32 s2, v0;
	v11 =	vor.u32 s7, v0;
	s6 =	smov.u32 @p1 s30;
	s9 =	smov.u32 @p3 s28;
	s14 =	smov.u32 @p2 s23  }
0x1b9: {  	s25 =	sshll.u32 s1, $0x4;
	vm4 =	vlt.s32 v11, s6;
	vm3 =	vlt.s32 v2, s9;
	vm2 =	vlt.s32 v7, s14  }
0x1ba: {  	s26 =	ssub.s32 $0x0, s25;
	v2 =	vnsel vm3, $0x0, v5;
	v7 =	vnsel vm2, $0x0, v6;
	v5 =	vbroadcast v1, $0x0  }
0x1bb: {  	[dreg:$0x6] =	wrdreg s26;
	v1 =	vand.u32 $0x7F, v2;
	v6 =	vand.u32 $0x7F, v7;
	v9 =	vshll.u32 v2, $0x3  }
0x1bc: {  	s2 =	rddreg [dreg:$0x6];
	v10 =	vshll.u32 v7, $0x3;
	v8 =	vnsel vm4, $0x0, v8;
	v9 =	vand.u32 $0xFFFFFC00, v9  }
0x1bd: {  	s2 =	sadd.s32 $0x0, s2;
	v10 =	vand.u32 $0xFFFFFC00, v10;
	v6 =	vor.u32 v3, v6;
	v1 =	vor.u32 v4, v1  }
0x1be: {  	p1 =	sgt.s32 s1, $0x0;
	s6 =	sadd.s32 $0x400, s2;
	v11 =	vshll.u32 v8, $0x3;
	v1 =	vor.u32 v9, v1;
	v9 =	vand.u32 $0x7F, v8  }
0x1bf: {  	s6 =	smov.u32 @p1 s4;
	v6 =	vor.u32 v10, v6;
	v10 =	vand.u32 $0xFFFFFC00, v11;
	v9 =	vor.u32 v5, v9  }
0x1c0: {  	p2 =	slt.s32 s6, $0x800;
	v9 =	vor.u32 v10, v9  }
0x1c1: {  	s6 =	simm.s32 @!p2 $0x800  }
0x1c2: {  	v10 =	vld [tilespmem:s6+$0xB880]  }
0x1c3: {  	v1 =	vld.idx.msk [tilespmem:v1+s3+$0x0], $0xffff  }
0x1c4: {  	v11 =	vld.idx.msk [tilespmem:v6+s3+$0x0], $0xffff  }
0x1c5: {  	v9 =	vld.idx.msk [tilespmem:v9+s3+$0x0], $0xffff  }
0x1c6: {  	s2 =	smov.u32 @p1 s4;
	s4 =	smov.u32 s22;
	v6 =	vmov s19  }
0x1c7: {  	v12 =	vor.u32 s2, v0;
	s4 =	smov.u32 @p1 s21;
	v6 =	vshll.u32 v6, $0x7  }
0x1c8: {  	vm5 =	vlt.s32 v12, s4;
	v6 =	vand.u32 $0x200, v6;
	v1 =	vnsel vm3, $0x7F800000, v1  }
0x1c9: {  	v10 =	vnsel vm5, $0x0, v10;
	v6 =	vbroadcast v6, $0x0;
	v11 =	vnsel vm2, $0x7F800000, v11;
	(xrf1) =	vsort.ascd.msk.f32 $0xffff, v1, v2  }
0x1ca: {  	v1 =	vand.u32 $0x7F, v10;
	v2 =	vshll.u32 v10, $0x3;
	(xrf1) =	vsort.ascd.msk.f32 $0xffff, v11, v7;
	v7 =	vnsel vm4, $0x7F800000, v9  }
0x1cb: {  	v2 =	vand.u32 $0xFFFFFC00, v2;
	v1 =	vor.u32 v6, v1;
	(xrf1) =	vsort.ascd.msk.f32 $0xffff, v7, v8  }
0x1cc: {  	v1 =	vor.u32 v2, v1;
	_ =	sdelay $0x4  }
0x1cd: {  	v1 =	vld.idx.msk [tilespmem:v1+s3+$0x0], $0xffff;
	_ =	sdelay $0x3  }
0x1ce: {  	p2 =	sne.s32 s8, $0x1  }
.Ltmp11:
0x1cf: {  	v1 =	vnsel vm5, $0x7F800000, v1;
	(pc) =	sbr.rel @!p2 .LBB2_14-.Ltmp11, $4  }
0x1d0: {  	(xrf1) =	vsort.ascd.msk.f32 $0xffff, v1, v10;
	v8, v13, _ =	vpop (xrf1)  }
0x1d1: {  	(xrf1) =	vunique.msk.f32 $0xffff, v8;
	v9, v15, _ =	vpop (xrf1)  }
0x1d2: {  	(xrf1) =	vunique.msk.f32 $0xffff, v9;
	v10, v12, _ =	vpop (xrf1)  }
0x1d3: {  	p1 =	por $0x0, $0x0;
	v2 =	vimm.f32 $+Inf;
	v1 =	vimm.s32 $0x0;
	(xrf1) =	vunique.msk.f32 $0xffff, v10  }
0x1d4: {  	_ =	sdelay $0x4  }
0x1d5: {  	s2 =	simm.s32 @!p0 $0x0  }
0x1d6: {  	s25 =	rddreg [dreg:$0x4];
	s2 =	simm.s32 @p0 $0x1  }
0x1d7: {  	[smem:$0x7FD] =	sst s2;
	s2 =	sadd.s32 $0x10, s25  }
0x1d8: {  	s9 =	simm.s32 $0x10;
	p1 =	sgt.s32 s13, $0x1;
	s6 =	sadd.s32 $0x400, s2  }
0x1d9: {  	s4 =	rddreg [dreg:$0x5];
	s6 =	smov.u32 @p1 s9  }
0x1da: {  	s4 =	sadd.s32 $0x10, s4;
	p3 =	slt.s32 s6, $0x800;
	v11, v14, _ =	vpop (xrf1)  }
0x1db: {  	p2 =	sgt.s32 s0, $0x1;
	s7 =	sadd.s32 $0x400, s4;
	s6 =	simm.s32 @!p3 $0x800;
	_, v7, _ =	vpop (xrf1)  }
0x1dc: {  	s7 =	smov.u32 @p2 s9;
	v16 =	vld [tilespmem:s6+$0xC980];
	_, v17, _ =	vpop (xrf1)  }
0x1dd: {  	p3 =	slt.s32 s7, $0x800;
	v7 =	vsub.s32 v0, v7;
	v17 =	vsub.s32 v0, v17  }
0x1de: {  	s2 =	smov.u32 @p1 s9;
	s7 =	simm.s32 @!p3 $0x800;
	s6 =	smov.u32 s29;
	v7 =	vshll.u32 v7, $0xB;
	v17 =	vshll.u32 v17, $0xB  }
0x1df: {  	s14 =	rddreg [dreg:$0x3];
	v19 =	vor.u32 s2, v0;
	v18 =	vld [tilespmem:s7+$0xC100];
	s6 =	smov.u32 @p1 s28;
	v7 =	vadd.s32 v13, v7;
	v17 =	vadd.s32 v15, v17  }
0x1e0: {  	s14 =	sadd.s32 $0x10, s14;
	s4 =	smov.u32 @p2 s9;
	vm2 =	vlt.s32 v19, s6;
	(xrf1) =	vunique.msk.f32 $0xffff, v11;
	v7 =	vxor.u32 $0x80000000, v7  }
0x1e1: {  	p1 =	sgt.s32 s5, $0x1;
	s7 =	sadd.s32 $0x400, s14;
	s6 =	smov.u32 s24;
	(xrf1) =	vsort.ascd.msk.u32 $0xffff, v7, v13;
	v7 =	vxor.u32 $0x80000000, v17;
	v13 =	vnsel vm2, $0x0, v16  }
0x1e2: {  	s26 =	rddreg [dreg:$0x6];
	s7 =	smov.u32 @p1 s9;
	s6 =	smov.u32 @p2 s23;
	(xrf1) =	vsort.ascd.msk.u32 $0xffff, v7, v15;
	v7 =	vor.u32 s4, v0;
	v15 =	vand.u32 $0x7F, v13;
	v16 =	vshll.u32 v13, $0x3  }
0x1e3: {  	s2 =	sadd.s32 $0x10, s26;
	p3 =	slt.s32 s7, $0x800;
	vm3 =	vlt.s32 v7, s6;
	v7 =	vand.u32 $0xFFFFFC00, v16;
	v15 =	vor.u32 v4, v15;
	_, v17, _ =	vpop (xrf1)  }
0x1e4: {  	p2 =	sgt.s32 s1, $0x1;
	s7 =	simm.s32 @!p3 $0x800;
	s4 =	sadd.s32 $0x400, s2;
	v18 =	vnsel vm3, $0x0, v18;
	v7 =	vor.u32 v7, v15;
	v16 =	vsub.s32 v0, v17  }
0x1e5: {  	s4 =	smov.u32 @p2 s9;
	v17 =	vld [tilespmem:s7+$0xD200];
	v19 =	vshll.u32 v18, $0x3;
	v15 =	vshll.u32 v16, $0xB;
	v16 =	vand.u32 $0x7F, v18  }
0x1e6: {  	p3 =	slt.s32 s4, $0x800;
	v19 =	vand.u32 $0xFFFFFC00, v19;
	v16 =	vor.u32 v3, v16  }
0x1e7: {  	s14 =	smov.u32 @p1 s9;
	s6 =	smov.u32 s31;
	s4 =	simm.s32 @!p3 $0x800;
	v15 =	vadd.s32 v12, v15;
	v16 =	vor.u32 v19, v16  }
0x1e8: {  	s6 =	smov.u32 @p1 s30;
	v20 =	vld [tilespmem:s4+$0xB880];
	v15 =	vxor.u32 $0x80000000, v15;
	v19 =	vor.u32 s14, v0  }
0x1e9: {  	s2 =	smov.u32 @p2 s9;
	s4 =	smov.u32 s22;
	(xrf1) =	vsort.ascd.msk.u32 $0xffff, v15, v12;
	vm4 =	vlt.s32 v19, s6;
	v15 =	vld.idx.msk [tilespmem:v7+s3+$0x0], $0xffff  }
0x1ea: {  	v21 =	vor.u32 s2, v0;
	s4 =	smov.u32 @p2 s21;
	v7 =	vmul.u32 $0xFFFFFFFF, v0;
	v12 =	vnsel vm4, $0x0, v17  }
0x1eb: {  	vm5 =	vlt.s32 v21, s4;
	v17 =	vand.u32 $0x7F, v12;
	v19 =	vshll.u32 v12, $0x3  }
0x1ec: {  	v7 =	vadd.s32 $0xF, v7;
	v19 =	vand.u32 $0xFFFFFC00, v19;
	v17 =	vor.u32 v5, v17;
	v16 =	vld.idx.msk [tilespmem:v16+s3+$0x0], $0xffff  }
0x1ed: {  	v10 =	vperm.xlane v10, v7;
	v17 =	vor.u32 v19, v17;
	v19 =	vnsel vm5, $0x0, v20  }
0x1ee: {  	v21 =	vand.u32 $0x7F, v19;
	v22 =	vshll.u32 v19, $0x3;
	v15 =	vnsel vm2, $0x7F800000, v15  }
0x1ef: {  	v8 =	vperm.xlane v8, v7;
	_, v20, _ =	vpop (xrf1);
	v22 =	vand.u32 $0xFFFFFC00, v22;
	v21 =	vor.u32 v6, v21;
	(xrf1) =	vsort.ascd.msk.f32 $0xffff, v15, v13  }
0x1f0: {  	v9 =	vperm.xlane v9, v7;
	v20 =	vsub.s32 v0, v20;
	_, v23, _ =	vpop (xrf1);
	v15 =	vor.u32 v22, v21  }
0x1f1: {  	vm2 =	vlt.f32 v2, v10;
	vm7 =	vlt.f32 v2, v8;
	_, v13, _ =	vpop (xrf1);
	v16 =	vnsel vm3, $0x7F800000, v16  }
0x1f2: {  	v20 =	vshll.u32 v20, $0xB;
	v13 =	vperm.xlane v13, v7;
	v17 =	vld.idx.msk [tilespmem:v17+s3+$0x0], $0xffff;
	(xrf1) =	vsort.ascd.msk.f32 $0xffff, v16, v18  }
0x1f3: {  	vm8 =	vlt.f32 v2, v9;
	v20 =	vadd.s32 v14, v20;
	v21 =	vperm.xlane v23, v7  }
0x1f4: {  	v20 =	vxor.u32 $0x80000000, v20;
	vm3 =	veq.f32 v2, v9;
	vm6 =	vlt.s32 v1, v13  }
0x1f5: {  	vm14 =	veq.f32 v2, v8;
	(xrf1) =	vsort.ascd.msk.u32 $0xffff, v20, v14;
	vm3 =	vmand vm3, vm6;
	v14 =	vld.idx.msk [tilespmem:v15+s3+$0x0], $0xffff  }
0x1f6: {  	vm10 =	veq.f32 v2, v10;
	vm15 =	vlt.s32 v1, v21;
	vm3 =	vmor vm8, vm3  }
0x1f7: {  	vm12 =	vmand vm14, vm15;
	v9 =	vsel vm3, v2, v9;
	_, v15, _ =	vpop (xrf1);
	v16 =	vnsel vm4, $0x7F800000, v17  }
0x1f8: {  	vm13 =	vlt.f32 v2, v9;
	vm4 =	vmor vm7, vm12;
	v17 =	vperm.xlane v15, v7;
	(xrf1) =	vsort.ascd.msk.f32 $0xffff, v16, v12  }
0x1f9: {  	v12 =	vsel vm3, v1, v13;
	v15 =	vsel vm4, v2, v8;
	v16 =	vsel vm4, v1, v21  }
0x1fa: {  	vm3 =	veq.f32 v2, v9;
	vm14 =	veq.f32 v2, v15;
	v8 =	vnsel vm5, $0x7F800000, v14  }
0x1fb: {  	vm15 =	vlt.s32 v1, v16;
	vm8 =	vlt.s32 v1, v12;
	vm9 =	vlt.f32 v2, v15  }
0x1fc: {  	vm4 =	vmand vm14, vm15;
	vm3 =	vmand vm3, vm8;
	vm11 =	vlt.s32 v1, v17  }
0x1fd: {  	vm3 =	vmor vm13, vm3;
	vm4 =	vmor vm9, vm4;
	(xrf1) =	vsort.ascd.msk.f32 $0xffff, v8, v19;
	vm5 =	vmand vm10, vm11;
	v8, v13, _ =	vpop (xrf1)  }
0x1fe: {  	v14 =	vsel vm4, v15, v2;
	v19 =	vsel vm3, v9, v2;
	v20 =	vsel vm3, v12, v1;
	(xrf1) =	vunique.msk.f32 $0xffff, v8  }
0x1ff: {  	v18 =	vsel vm4, v16, v1;
	v22 =	vsel vm3, v2, v9;
	vm2 =	vmor vm2, vm5;
	(xrf1) =	vsort.ascd.msk.f32 $0xffff, v19, v20  }
0x200: {  	v17 =	vsel vm2, v1, v17;
	v19 =	vsel vm4, v2, v15;
	(xrf1) =	vsort.ascd.msk.f32 $0xffff, v14, v18;
	v9, v15, _ =	vpop (xrf1)  }
0x201: {  	v21 =	vsel vm4, v1, v16;
	vm12 =	vlt.s32 v1, v17;
	(xrf1) =	vunique.msk.f32 $0xffff, v9  }
0x202: {  	v20 =	vperm.xlane v11, v7;
	v11 =	vsel vm3, v1, v12;
	v14 =	vsel vm2, v2, v10  }
0x203: {  	p2 =	sne.s32 s8, $0x2;
	v18 =	vimm.f32 $+Inf;
	vm2 =	veq.f32 v2, v14;
	vm13 =	vlt.f32 v2, v14;
	_, v10, _ =	vpop (xrf1);
	(xrf1) =	vsort.ascd.msk.f32 $0xffff, v19, v21  }
.Ltmp12:
0x204: {  	vm3 =	vlt.f32 v2, v20;
	vm2 =	vmand vm2, vm12;
	v16 =	vperm.xlane v10, v7;
	(xrf1) =	vsort.ascd.msk.f32 $0xffff, v22, v11;
	(pc) =	sbr.rel @!p2 .LBB2_16-.Ltmp12, $4  }
0x205: {  	vm14 =	veq.f32 v2, v20;
	vm2 =	vmor vm13, vm2;
	v21 =	vimm.s32 $0x0  }
0x206: {  	v19 =	vsel vm2, v14, v2;
	v11 =	vsel vm2, v17, v1;
	vm15 =	vlt.s32 v1, v16;
	v10, v12, _ =	vpop (xrf1)  }
0x207: {  	v22 =	vsel vm2, v2, v14;
	v23 =	vsel vm2, v1, v17;
	vm4 =	vmand vm14, vm15;
	(xrf1) =	vunique.msk.f32 $0xffff, v10  }
0x208: {  	s20 =	simm.s32 $0x2;
	v14 =	vimm.f32 $+Inf;
	v17 =	vimm.s32 $0x0;
	vm2 =	vmor vm3, vm4;
	(xrf1) =	vsort.ascd.msk.f32 $0xffff, v19, v11  }
.LBB2_17:
0x209: {  	_ = 	snop  }
0x20a: {  	v18 =	vsel vm2, v18, v20;
	v16 =	vsel vm2, v21, v16  }
0x20b: {  	vm2 =	veq.f32 v14, v18;
	vm3 =	vlt.s32 v17, v16;
	v11, v19, _ =	vpop (xrf1)  }
0x20c: {  	vm4 =	vlt.f32 v14, v18;
	vm2 =	vmand vm2, vm3;
	(xrf1) =	vunique.msk.f32 $0xffff, v11;
	_, v20, _ =	vpop (xrf1)  }
0x20d: {  	vm2 =	vmor vm4, vm2;
	v21, v28, _ =	vpop (xrf1);
	(xrf1) =	vsort.ascd.msk.f32 $0xffff, v22, v23  }
0x20e: {  	s4 =	rddreg [dreg:$0x3];
	v22 =	vsub.s32 v0, v20;
	v23 =	vsel vm2, v14, v18;
	v24 =	vsel vm2, v16, v17;
	(xrf1) =	vunique.msk.f32 $0xffff, v21;
	v20, v26, _ =	vpop (xrf1)  }
0x20f: {  	s2 =	smov.u32 s20;
	s6 =	rddreg [dreg:$0x4];
	v29 =	vsel vm2, v17, v16;
	v14 =	vsel vm2, v18, v14;
	v22 =	vshll.u32 v22, $0xB;
	_, v25, _ =	vpop (xrf1);
	(xrf1) =	vunique.msk.f32 $0xffff, v20  }
0x210: {  	s9 =	sadd.s32 $0x10, s9;
	s7 =	rddreg [dreg:$0x5];
	p4 =	slt.s32 s2, s1;
	v22 =	vadd.s32 v13, v22;
	v18 =	vsub.s32 v0, v25;
	(xrf1) =	vsort.ascd.msk.f32 $0xffff, v14, v24  }
0x211: {  	s25 =	sadd.s32 s9, s4;
	s4 =	sadd.s32 s9, s6;
	s6 =	sadd.s32 s9, s7;
	v16, v27, _ =	vpop (xrf1);
	v14 =	vshll.u32 v18, $0xB;
	v18 =	vxor.u32 $0x80000000, v22;
	(xrf1) =	vsort.ascd.msk.f32 $0xffff, v23, v29  }
0x212: {  	p5 =	slt.s32 s2, s0;
	p6 =	slt.s32 s2, s13;
	s15 =	sadd.s32 $0x400, s6;
	v17, v52, _ =	vpop (xrf1);
	(xrf1) =	vsort.ascd.msk.u32 $0xffff, v18, v13  }
0x213: {  	p3 =	slt.s32 s2, s5;
	s7 =	sadd.s32 $0x400, s4;
	s15 =	smov.u32 @p5 s9  }
0x214: {  	s2 =	sadd.s32 $0x400, s25;
	s7 =	smov.u32 @p6 s9;
	p1 =	slt.s32 s15, $0x800;
	v14 =	vadd.s32 v15, v14  }
0x215: {  	s2 =	smov.u32 @p3 s9;
	p0 =	slt.s32 s7, $0x800;
	s15 =	simm.s32 @!p1 $0x800;
	v14 =	vxor.u32 $0x80000000, v14;
	_, v13, _ =	vpop (xrf1);
	(xrf1) =	vunique.msk.f32 $0xffff, v16  }
0x216: {  	s7 =	simm.s32 @!p0 $0x800;
	p1 =	slt.s32 s2, $0x800;
	v13 =	vsub.s32 v0, v13;
	(xrf1) =	vsort.ascd.msk.u32 $0xffff, v14, v15;
	v15 =	vld [tilespmem:s15+$0xC100]  }
0x217: {  	s2 =	simm.s32 @!p1 $0x800;
	v14 =	vld [tilespmem:s7+$0xC980];
	v13 =	vshll.u32 v13, $0xB;
	(xrf1) =	vunique.msk.f32 $0xffff, v17  }
0x218: {  	s6 =	smov.u32 @p5 s9;
	s4 =	smov.u32 @p6 s9;
	v31 =	vld [tilespmem:s2+$0xD200];
	s2 =	smov.u32 s24;
	v22, v53, _ =	vpop (xrf1);
	v13 =	vadd.s32 v12, v13  }
0x219: {  	s14 =	rddreg [dreg:$0x6];
	v33 =	vor.u32 s6, v0;
	s2 =	smov.u32 @p5 s23;
	v18 =	vor.u32 s4, v0;
	s4 =	smov.u32 s29;
	(xrf1) =	vunique.msk.f32 $0xffff, v22;
	v13 =	vxor.u32 $0x80000000, v13  }
0x21a: {  	v9 =	vperm.xlane v9, v7;
	v8 =	vperm.xlane v8, v7;
	s14 =	sadd.s32 s9, s14;
	vm5 =	vlt.s32 v33, s2;
	s4 =	smov.u32 @p6 s28;
	(xrf1) =	vsort.ascd.msk.u32 $0xffff, v13, v12;
	_, v12, _ =	vpop (xrf1)  }
0x21b: {  	s26 =	sadd.s32 $0x400, s14;
	v24 =	vperm.xlane v10, v7;
	vm12 =	vlt.s32 v18, s4;
	v15 =	vnsel vm5, $0x0, v15;
	v23, v10, _ =	vpop (xrf1)  }
0x21c: {  	s14 =	smov.u32 @p4 s9;
	s25 =	smov.u32 @p3 s9;
	s2 =	smov.u32 s31;
	v13 =	vnsel vm12, $0x0, v14;
	v54 =	vsub.s32 v0, v12;
	v14 =	vand.u32 $0x7F, v15;
	_, v12, _ =	vpop (xrf1)  }
0x21d: {  	v37 =	vor.u32 s14, v0;
	v57 =	vor.u32 s25, v0;
	s2 =	smov.u32 @p3 s30;
	v39 =	vsub.s32 v0, v12;
	_, v36, _ =	vpop (xrf1)  }
0x21e: {  	vm13 =	vlt.f32 v21, v9;
	vm7 =	vlt.s32 v57, s2;
	(xrf1) =	vunique.msk.f32 $0xffff, v23;
	v38 =	vshll.u32 v39, $0xB;
	v18, v12, _ =	vpop (xrf1)  }
0x21f: {  	v31 =	vnsel vm7, $0x0, v31;
	v55 =	vor.u32 v3, v14;
	v38 =	vadd.s32 v28, v38;
	v14, v40, _ =	vpop (xrf1);
	(xrf1) =	vunique.msk.f32 $0xffff, v18  }
0x220: {  	v32 =	vand.u32 $0x7F, v13;
	v41 =	vshll.u32 v13, $0x3;
	_, v56, _ =	vpop (xrf1);
	v42 =	vxor.u32 $0x80000000, v38;
	(xrf1) =	vunique.msk.f32 $0xffff, v14  }
0x221: {  	v35 =	vand.u32 $0xFFFFFC00, v41;
	v32 =	vor.u32 v4, v32;
	v36 =	vsub.s32 v0, v36;
	(xrf1) =	vsort.ascd.msk.u32 $0xffff, v42, v28  }
0x222: {  	v34 =	vshll.u32 v15, $0x3;
	v32 =	vor.u32 v35, v32;
	v36 =	vshll.u32 v36, $0xB  }
0x223: {  	s26 =	smov.u32 @p4 s9;
	v43 =	vand.u32 $0x7F, v31;
	v34 =	vand.u32 $0xFFFFFC00, v34;
	v36 =	vadd.s32 v26, v36;
	_, v58, _ =	vpop (xrf1)  }
0x224: {  	p0 =	slt.s32 s26, $0x800;
	v34 =	vor.u32 v34, v55;
	v44 =	vxor.u32 $0x80000000, v36;
	_, v59, _ =	vpop (xrf1);
	v28 =	vsub.s32 v0, v58  }
0x225: {  	vm14 =	veq.f32 v21, v9;
	s26 =	simm.s32 @!p0 $0x800;
	v61 =	vshll.u32 v31, $0x3;
	v28 =	vshll.u32 v28, $0xB;
	_, v60, _ =	vpop (xrf1);
	(xrf1) =	vsort.ascd.msk.u32 $0xffff, v44, v26  }
0x226: {  	vm3 =	vlt.f32 v20, v8;
	v30 =	vld [tilespmem:s26+$0xB880];
	v62 =	vand.u32 $0xFFFFFC00, v61;
	v28 =	vadd.s32 v27, v28  }
0x227: {  	v63 =	vor.u32 v5, v43;
	v32 =	vld.idx.msk [tilespmem:v32+s3+$0x0], $0xffff;
	v38 =	vsub.s32 v0, v60;
	_, v43, _ =	vpop (xrf1);
	v28 =	vxor.u32 $0x80000000, v28  }
0x228: {  	s4 =	smov.u32 s22;
	v26 =	vor.u32 v62, v63;
	v38 =	vshll.u32 v38, $0xB;
	v46 =	vsub.s32 v0, v43;
	_, v44, _ =	vpop (xrf1);
	(xrf1) =	vsort.ascd.msk.u32 $0xffff, v28, v27  }
0x229: {  	vm15 =	veq.f32 v20, v8;
	s4 =	smov.u32 @p4 s21;
	v34 =	vld.idx.msk [tilespmem:v34+s3+$0x0], $0xffff;
	v38 =	vadd.s32 v52, v38;
	v28 =	vshll.u32 v46, $0xB  }
0x22a: {  	vm6 =	vlt.s32 v37, s4;
	v45 =	vxor.u32 $0x80000000, v38;
	v28 =	vadd.s32 v53, v28  }
0x22b: {  	v30 =	vnsel vm6, $0x0, v30;
	vm11 =	veq.f32 v22, v24;
	(xrf1) =	vsort.ascd.msk.u32 $0xffff, v45, v52;
	v28 =	vxor.u32 $0x80000000, v28  }
0x22c: {  	v47 =	vand.u32 $0x7F, v30;
	v48 =	vshll.u32 v30, $0x3;
	v50 =	vnsel vm12, $0x7F800000, v32;
	_, v49, _ =	vpop (xrf1);
	(xrf1) =	vsort.ascd.msk.u32 $0xffff, v28, v53  }
0x22d: {  	v25 =	vor.u32 v6, v47;
	v27 =	vand.u32 $0xFFFFFC00, v48;
	v26 =	vld.idx.msk [tilespmem:v26+s3+$0x0], $0xffff;
	(xrf1) =	vsort.ascd.msk.f32 $0xffff, v50, v13;
	v13 =	vshll.u32 v54, $0xB;
	_, v54, _ =	vpop (xrf1)  }
0x22e: {  	v35 =	vperm.xlane v59, v7;
	v25 =	vor.u32 v27, v25;
	v52 =	vnsel vm5, $0x7F800000, v34;
	_, v55, _ =	vpop (xrf1)  }
0x22f: {  	v53 =	vperm.xlane v56, v7;
	v51 =	vsub.s32 v0, v49;
	v13 =	vadd.s32 v19, v13;
	_, v56, _ =	vpop (xrf1)  }
0x230: {  	v32 =	vshll.u32 v51, $0xB;
	v13 =	vxor.u32 $0x80000000, v13;
	(xrf1) =	vsort.ascd.msk.f32 $0xffff, v52, v15;
	vm8 =	vlt.s32 v56, v35  }
0x231: {  	v29 =	vsub.s32 v0, v54;
	v15 =	vsub.s32 v0, v55;
	(xrf1) =	vsort.ascd.msk.u32 $0xffff, v13, v19;
	vm5 =	vmand vm14, vm8  }
0x232: {  	v26 =	vnsel vm7, $0x7F800000, v26;
	v13 =	vadd.s32 v10, v32;
	vm5 =	vmor vm13, vm5  }
0x233: {  	v19 =	vshll.u32 v29, $0xB;
	_, v57, _ =	vpop (xrf1);
	(xrf1) =	vsort.ascd.msk.f32 $0xffff, v26, v31;
	v21 =	vsel vm5, v21, v9;
	v9 =	vxor.u32 $0x80000000, v13  }
0x234: {  	v36 =	vperm.xlane v44, v7;
	v13 =	vadd.s32 v12, v19;
	(xrf1) =	vsort.ascd.msk.u32 $0xffff, v9, v10  }
0x235: {  	v19 =	vsel vm5, v56, v35;
	vm12 =	vlt.s32 v57, v53;
	v13 =	vxor.u32 $0x80000000, v13  }
0x236: {  	v25 =	vld.idx.msk [tilespmem:v25+s3+$0x0], $0xffff;
	vm13 =	vlt.f32 v17, v21;
	v9 =	vshll.u32 v15, $0xB;
	vm7 =	vmand vm15, vm12;
	_, v15, _ =	vpop (xrf1);
	(xrf1) =	vsort.ascd.msk.u32 $0xffff, v13, v12  }
0x237: {  	vm14 =	veq.f32 v17, v21;
	v9 =	vadd.s32 v40, v9;
	vm3 =	vmor vm3, vm7  }
0x238: {  	v20 =	vsel vm3, v20, v8;
	v58 =	vsel vm3, v57, v53;
	v8 =	vxor.u32 $0x80000000, v9  }
0x239: {  	_, v10, _ =	vpop (xrf1);
	vm3 =	veq.f32 v16, v20;
	vm15 =	vlt.s32 v15, v58;
	(xrf1) =	vsort.ascd.msk.u32 $0xffff, v8, v40  }
0x23a: {  	vm10 =	vlt.f32 v16, v20;
	vm9 =	vlt.s32 v10, v19;
	vm3 =	vmand vm3, vm15  }
0x23b: {  	v9 =	vnsel vm6, $0x7F800000, v25;
	_, v12, _ =	vpop (xrf1);
	vm5 =	vmand vm14, vm9;
	vm3 =	vmor vm10, vm3  }
0x23c: {  	(xrf1) =	vsort.ascd.msk.f32 $0xffff, v9, v30;
	v8, v13, _ =	vpop (xrf1);
	vm12 =	vlt.s32 v12, v36;
	vm4 =	vmor vm13, vm5;
	v59 =	vsel vm3, v20, v16  }
0x23d: {  	v27 =	vsel vm3, v58, v15;
	(xrf1) =	vunique.msk.f32 $0xffff, v8;
	v60 =	vsel vm4, v21, v17;
	v61 =	vsel vm4, v19, v10  }
0x23e: {  	v26 =	vsel vm3, v15, v58;
	v19 =	vsel vm4, v10, v19;
	v9, v15, _ =	vpop (xrf1);
	(xrf1) =	vsort.ascd.msk.f32 $0xffff, v60, v61  }
0x23f: {  	vm2 =	vlt.f32 v22, v24;
	vm5 =	vmand vm11, vm12;
	_, v10, _ =	vpop (xrf1);
	(xrf1) =	vsort.ascd.msk.f32 $0xffff, v59, v27  }
0x240: {  	v20 =	vsel vm3, v16, v20;
	v17 =	vsel vm4, v17, v21;
	vm2 =	vmor vm2, vm5;
	(xrf1) =	vunique.msk.f32 $0xffff, v9  }
0x241: {  	s20 =	sadd.s32 $0x1, s20;
	v62 =	vsel vm2, v12, v36;
	v16 =	vperm.xlane v10, v7;
	v10, v12, _ =	vpop (xrf1);
	(xrf1) =	vsort.ascd.msk.f32 $0xffff, v20, v26  }
0x242: {  	p2 =	sne.s32 s8, s20;
	v22 =	vsel vm2, v22, v24;
	v20 =	vperm.xlane v11, v7;
	(xrf1) =	vsort.ascd.msk.f32 $0xffff, v17, v19;
	_, v19, _ =	vpop (xrf1)  }
.Ltmp13:
0x243: {  	vm2 =	veq.f32 v23, v22;
	vm3 =	vlt.s32 v19, v62;
	(pc) =	sbr.rel @p2 .LBB2_17-.Ltmp13, $4  }
0x244: {  	vm13 =	vlt.f32 v23, v22;
	vm14 =	veq.f32 v18, v20;
	vm2 =	vmand vm2, vm3;
	_, v21, _ =	vpop (xrf1)  }
0x245: {  	vm3 =	vlt.f32 v18, v20;
	vm2 =	vmor vm13, vm2;
	vm15 =	vlt.s32 v21, v16  }
0x246: {  	(xrf1) =	vunique.msk.f32 $0xffff, v10;
	v11 =	vsel vm2, v22, v23;
	v63 =	vsel vm2, v62, v19;
	vm4 =	vmand vm14, vm15  }
0x247: {  	_, v17, _ =	vpop (xrf1);
	v22 =	vsel vm2, v23, v22;
	v23 =	vsel vm2, v19, v62;
	(xrf1) =	vsort.ascd.msk.f32 $0xffff, v11, v63;
	vm2 =	vmor vm3, vm4  }
0x248: {  	s0 =	sld [smem:$0x7FD];
	_ =	sdelay $0x2  }
0x249: {  	p1 =	por $0x1, $0x1;
	p0 =	seq.s32 s0, $0x1  }
.LBB2_19:
0x24a: {  	v4 =	vsel @p1 vm2, v18, v20;
	v5 =	vsel @p1 vm2, v21, v16  }
0x24b: {  	vm2 =	veq.f32 @p1 v14, v4;
	vm3 =	vlt.s32 @p1 v17, v5  }
0x24c: {  	v3, v7, _ =	vpop (xrf1);
	vm4 =	vlt.f32 @p1 v14, v4;
	vm2 =	vmand @p1 vm2, vm3  }
0x24d: {  	(xrf1) =	vunique.msk.f32 $0xffff, v3;
	_, v6, _ =	vpop (xrf1);
	vm2 =	vmor @p1 vm4, vm2  }
0x24e: {  	v11, v16, _ =	vpop @p1 (xrf1);
	(xrf1) =	vsort.ascd.msk.f32 @p1 $0xffff, v22, v23;
	v20 =	vsel @p1 vm2, v5, v17;
	v5 =	vsel @p1 vm2, v17, v5  }
0x24f: {  	(xrf1) =	vunique.msk.f32 @p1 $0xffff, v11;
	v18, v19, _ =	vpop @p1 (xrf1)  }
0x250: {  	v21 =	vsel @p1 vm2, v4, v14;
	(xrf1) =	vunique.msk.f32 @p1 $0xffff, v18  }
0x251: {  	v4 =	vsel @p1 vm2, v14, v4;
	(xrf1) =	vsort.ascd.msk.f32 @p1 $0xffff, v21, v20  }
0x252: {  	v6 =	vsub.s32 v0, v6;
	(xrf1) =	vsort.ascd.msk.f32 @p1 $0xffff, v4, v5;
	_, v5, _ =	vpop (xrf1)  }
0x253: {  	v4 =	vshll.u32 v6, $0xB;
	v5 =	vsub.s32 v0, v5  }
0x254: {  	v4 =	vadd.s32 v13, v4;
	v5 =	vshll.u32 v5, $0xB  }
0x255: {  	v4 =	vxor.u32 $0x80000000, v4;
	v5 =	vadd.s32 v15, v5  }
0x256: {  	(xrf1) =	vsort.ascd.msk.u32 $0xffff, v4, v13;
	v4 =	vxor.u32 $0x80000000, v5;
	_ =	sdelay $0x1  }
0x257: {  	v14, v17, _ =	vpop @p1 (xrf1)  }
0x258: {  	(xrf1) =	vunique.msk.f32 @p1 $0xffff, v14;
	v13, v20, _ =	vpop @p1 (xrf1)  }
0x259: {  	(xrf1) =	vsort.ascd.msk.u32 $0xffff, v4, v15;
	_, v4, _ =	vpop (xrf1)  }
0x25a: {  	(xrf1) =	vunique.msk.f32 @p1 $0xffff, v13;
	v4 =	vsub.s32 v0, v4;
	v15, v21, _ =	vpop @p1 (xrf1)  }
0x25b: {  	v4 =	vshll.u32 v4, $0xB;
	_, v44, _ =	vpop (xrf1)  }
0x25c: {  	v4 =	vadd.s32 v12, v4;
	v5, v23, _ =	vpop @p1 (xrf1)  }
0x25d: {  	(xrf1) =	vunique.msk.f32 @p1 $0xffff, v15;
	v4 =	vxor.u32 $0x80000000, v4;
	_, v6, _ =	vpop @p1 (xrf1)  }
0x25e: {  	(xrf1) =	vsort.ascd.msk.u32 $0xffff, v4, v12;
	v4 =	vsub.s32 @p1 v0, v6  }
0x25f: {  	v4 =	vshll.u32 @p1 v4, $0xB  }
0x260: {  	_, v12, _ =	vpop @p1 (xrf1)  }
0x261: {  	(xrf1) =	vunique.msk.f32 @p1 $0xffff, v5;
	v6, v24, _ =	vpop @p1 (xrf1);
	v25 =	vadd.s32 @p1 v16, v4  }
0x262: {  	(xrf1) =	vunique.msk.f32 @p1 $0xffff, v6;
	v25 =	vxor.u32 @p1 $0x80000000, v25;
	v4, v26, _ =	vpop @p1 (xrf1)  }
0x263: {  	(xrf1) =	vunique.msk.f32 @p1 $0xffff, v4  }
0x264: {  	v12 =	vsub.s32 @p1 v0, v12;
	(xrf1) =	vsort.ascd.msk.u32 @p1 $0xffff, v25, v16  }
0x265: {  	v12 =	vshll.u32 @p1 v12, $0xB;
	_, v45, _ =	vpop (xrf1)  }
0x266: {  	v12 =	vadd.s32 @p1 v19, v12;
	_, v25, _ =	vpop @p1 (xrf1)  }
0x267: {  	v12 =	vxor.u32 @p1 $0x80000000, v12;
	_, v27, _ =	vpop (xrf1)  }
0x268: {  	(xrf1) =	vsort.ascd.msk.u32 @p1 $0xffff, v12, v19;
	v12 =	vsub.s32 @p1 v0, v25;
	_, v19, _ =	vpop @p1 (xrf1)  }
0x269: {  	v12 =	vshll.u32 @p1 v12, $0xB;
	v19 =	vsub.s32 @p1 v0, v19  }
0x26a: {  	v12 =	vadd.s32 @p1 v17, v12;
	v19 =	vshll.u32 @p1 v19, $0xB  }
0x26b: {  	v12 =	vxor.u32 @p1 $0x80000000, v12;
	v19 =	vadd.s32 @p1 v20, v19  }
0x26c: {  	v11 =	vpsel p1, v11, v2;
	_, v28, _ =	vpop @p1 (xrf1);
	(xrf1) =	vsort.ascd.msk.u32 @p1 $0xffff, v12, v17;
	v12 =	vxor.u32 @p1 $0x80000000, v19  }
0x26d: {  	v46 =	vmul.u32 $0xFFFFFFFF, v0;
	v49 =	vpsel p1, v18, v2;
	v14 =	vpsel p1, v14, v2;
	_, v47, _ =	vpop (xrf1);
	(xrf1) =	vsort.ascd.msk.u32 @p1 $0xffff, v12, v20  }
0x26e: {  	v13 =	vpsel p1, v13, v2;
	v48 =	vpsel p1, v15, v2;
	v17 =	vsub.s32 @p1 v0, v28  }
0x26f: {  	v50 =	vsub.s32 v0, v44;
	v25 =	vadd.s32 $0xF, v46;
	v17 =	vshll.u32 @p1 v17, $0xB;
	_, v18, _ =	vpop @p1 (xrf1)  }
0x270: {  	v9 =	vperm.xlane v9, v25;
	v8 =	vperm.xlane v8, v25;
	v17 =	vadd.s32 @p1 v21, v17;
	_, v22, _ =	vpop @p1 (xrf1)  }
0x271: {  	v27 =	vperm.xlane v27, v25;
	v16 =	vperm.xlane v45, v25;
	v17 =	vxor.u32 @p1 $0x80000000, v17;
	_, v20, _ =	vpop @p1 (xrf1)  }
0x272: {  	v51 =	vshll.u32 v50, $0xB;
	vm2 =	vlt.f32 v49, v8;
	vm3 =	vlt.f32 v11, v9;
	(xrf1) =	vsort.ascd.msk.u32 @p1 $0xffff, v17, v21;
	_, v21, _ =	vpop @p1 (xrf1)  }
0x273: {  	vm11 =	veq.f32 v11, v9;
	vm12 =	veq.f32 v49, v8;
	v21 =	vpsel p1, v21, v1  }
0x274: {  	v18 =	vsub.s32 @p1 v0, v18;
	v17 =	vadd.s32 v7, v51;
	vm5 =	vlt.s32 v21, v27  }
0x275: {  	v22 =	vsub.s32 @p1 v0, v22;
	v17 =	vxor.u32 $0x80000000, v17;
	vm4 =	vmand vm11, vm5  }
0x276: {  	v18 =	vshll.u32 @p1 v18, $0xB;
	v20 =	vsub.s32 @p1 v0, v20;
	vm3 =	vmor vm3, vm4  }
0x277: {  	v18 =	vadd.s32 @p1 v23, v18;
	(xrf1) =	vsort.ascd.msk.u32 $0xffff, v17, v7;
	v17 =	vshll.u32 @p1 v22, $0xB;
	_, v28, _ =	vpop @p1 (xrf1);
	v7 =	vsel vm3, v11, v9  }
0x278: {  	v9 =	vpsel p1, v28, v1;
	v11 =	vxor.u32 @p1 $0x80000000, v18;
	v52 =	vsel vm3, v21, v27  }
0x279: {  	vm13 =	vlt.s32 v9, v16;
	(xrf1) =	vsort.ascd.msk.u32 @p1 $0xffff, v11, v23;
	v11 =	vadd.s32 @p1 v24, v17  }
0x27a: {  	vm6 =	vlt.f32 v13, v7;
	v17 =	vshll.u32 @p1 v20, $0xB;
	_, v20, _ =	vpop @p1 (xrf1);
	v11 =	vxor.u32 @p1 $0x80000000, v11  }
0x27b: {  	vm3 =	veq.f32 v13, v7;
	vm4 =	vmand vm12, vm13;
	v17 =	vadd.s32 @p1 v26, v17;
	(xrf1) =	vsort.ascd.msk.u32 @p1 $0xffff, v11, v24;
	_, v15, _ =	vpop @p1 (xrf1)  }
0x27c: {  	v53 =	vpsel p1, v20, v1;
	vm2 =	vmor vm2, vm4;
	v15 =	vpsel p1, v15, v1  }
0x27d: {  	v11 =	vxor.u32 @p1 $0x80000000, v17;
	v8 =	vsel vm2, v49, v8;
	vm15 =	vlt.s32 v15, v52  }
0x27e: {  	v9 =	vsel vm2, v9, v16;
	vm2 =	veq.f32 v14, v8;
	vm3 =	vmand vm3, vm15  }
0x27f: {  	(xrf1) =	vsort.ascd.msk.u32 @p1 $0xffff, v11, v26;
	vm14 =	vlt.s32 v53, v9;
	vm8 =	vlt.f32 v14, v8;
	vm3 =	vmor vm6, vm3  }
0x280: {  	vm2 =	vmand vm2, vm14;
	v54 =	vsel vm3, v7, v13;
	v55 =	vsel vm3, v52, v15  }
0x281: {  	v5 =	vpsel p1, v5, v2;
	v6 =	vpsel p1, v6, v2;
	vm2 =	vmor vm8, vm2;
	(xrf1) =	vsort.ascd.msk.f32 $0xffff, v54, v55  }
0x282: {  	v10 =	vperm.xlane v10, v25;
	v56 =	vsel vm2, v8, v14;
	v57 =	vsel vm2, v9, v53  }
0x283: {  	v3 =	vperm.xlane v3, v25;
	v11 =	vperm.xlane v47, v25;
	_, v17, _ =	vpop @p1 (xrf1);
	(xrf1) =	vsort.ascd.msk.f32 $0xffff, v56, v57  }
0x284: {  	v2 =	vpsel p1, v4, v2;
	vm9 =	veq.f32 v48, v10;
	v17 =	vpsel p1, v17, v1  }
0x285: {  	vm11 =	vlt.f32 v48, v10;
	vm13 =	veq.f32 v6, v3;
	vm10 =	vlt.s32 v17, v11  }
0x286: {  	_, v59, _ =	vpop (xrf1);
	v9 =	vsel vm2, v53, v9;
	v7 =	vsel vm3, v13, v7;
	vm4 =	vmand vm9, vm10  }
0x287: {  	v58 =	vsel vm3, v15, v52;
	v8 =	vsel vm2, v14, v8;
	vm3 =	vmor vm11, vm4;
	_, v15, _ =	vpop @p1 (xrf1)  }
0x288: {  	v11 =	vsel vm3, v17, v11;
	v10 =	vsel vm3, v48, v10;
	v61 =	vpsel p1, v15, v1  }
0x289: {  	v60 =	vperm.xlane v59, v25;
	vm2 =	veq.f32 v5, v10;
	vm3 =	vlt.s32 v61, v11;
	_, v15, _ =	vpop @p1 (xrf1)  }
0x28a: {  	vm12 =	vlt.f32 v5, v10;
	vm2 =	vmand vm2, vm3;
	v15 =	vpsel p1, v15, v1  }
0x28b: {  	(xrf1) =	vsort.ascd.msk.f32 $0xffff, v8, v9;
	vm3 =	vlt.f32 v6, v3;
	vm2 =	vmor vm12, vm2;
	vm14 =	vlt.s32 v15, v60  }
0x28c: {  	(xrf1) =	vsort.ascd.msk.f32 $0xffff, v7, v58;
	v62 =	vsel vm2, v10, v5;
	v8 =	vsel vm2, v11, v61;
	vm4 =	vmand vm13, vm14  }
0x28d: {  	_, v7, _ =	vpop @p1 (xrf1);
	v5 =	vsel vm2, v5, v10;
	v9 =	vsel vm2, v61, v11;
	vm2 =	vmor vm3, vm4;
	(xrf1) =	vsort.ascd.msk.f32 $0xffff, v62, v8  }
0x28e: {  	v1 =	vpsel p1, v7, v1;
	v3 =	vsel vm2, v6, v3;
	v4 =	vsel vm2, v15, v60  }
0x28f: {  	vm2 =	veq.f32 v2, v3;
	vm3 =	vlt.s32 v1, v4;
	v6, v7, _ =	vpop (xrf1)  }
0x290: {  	(xrf1) =	vsort.ascd.msk.f32 $0xffff, v5, v9;
	vm15 =	vlt.f32 v2, v3;
	vm2 =	vmand vm2, vm3  }
0x291: {  	(xrf1) =	vunique.msk.f32 $0xffff, v6;
	vm2 =	vmor vm15, vm2;
	v5, v6, _ =	vpop (xrf1)  }
0x292: {  	v8 =	vsel vm2, v4, v1;
	v9 =	vsel vm2, v3, v2;
	(xrf1) =	vunique.msk.f32 $0xffff, v5  }
0x293: {  	v2 =	vsel vm2, v2, v3;
	v1 =	vsel vm2, v1, v4;
	(xrf1) =	vsort.ascd.msk.f32 $0xffff, v9, v8  }
0x294: {  	(xrf1) =	vsort.ascd.msk.f32 $0xffff, v2, v1;
	_ =	sdelay $0x4  }
0x295: {  	v1, v2, _ =	vpop (xrf1)  }
0x296: {  	v3, v4, _ =	vpop (xrf1);
	(xrf1) =	vunique.msk.f32 $0xffff, v1  }
0x297: {  	(xrf1) =	vunique.msk.f32 $0xffff, v3;
	v1, v5, _ =	vpop (xrf1)  }
0x298: {  	(xrf1) =	vunique.msk.f32 $0xffff, v1;
	_ =	sdelay $0x1  }
0x299: {  	v3, v8, _ =	vpop (xrf1)  }
0x29a: {  	_, v1, _ =	vpop (xrf1)  }
0x29b: {  	_, v9, _ =	vpop (xrf1)  }
0x29c: {  	(xrf1) =	vunique.msk.f32 $0xffff, v3;
	v3, v10, _ =	vpop (xrf1)  }
0x29d: {  	v11, v12, _ =	vpop (xrf1);
	(xrf1) =	vunique.msk.f32 $0xffff, v3  }
0x29e: {  	(xrf1) =	vunique.msk.f32 $0xffff, v11;
	_ =	sdelay $0x2  }
0x29f: {  	v1 =	vsub.s32 v0, v1  }
0x2a0: {  	v1 =	vshll.u32 v1, $0xB  }
0x2a1: {  	v1 =	vadd.s32 v7, v1;
	v3 =	vsub.s32 v0, v9;
	_, v9, _ =	vpop (xrf1)  }
0x2a2: {  	v1 =	vxor.u32 $0x80000000, v1;
	v3 =	vshll.u32 v3, $0xB;
	v9 =	vsub.s32 v0, v9;
	_, v11, _ =	vpop (xrf1)  }
0x2a3: {  	v3 =	vadd.s32 v6, v3;
	v9 =	vshll.u32 v9, $0xB;
	v11 =	vsub.s32 v0, v11;
	_, v63, _ =	vpop (xrf1)  }
0x2a4: {  	v9 =	vadd.s32 v2, v9;
	v11 =	vshll.u32 v11, $0xB;
	v13 =	vsub.s32 v0, v63  }
0x2a5: {  	v3 =	vxor.u32 $0x80000000, v3;
	(xrf1) =	vsort.ascd.msk.u32 $0xffff, v1, v7;
	v1 =	vxor.u32 $0x80000000, v9;
	v9 =	vshll.u32 v13, $0xB  }
0x2a6: {  	(xrf1) =	vsort.ascd.msk.u32 $0xffff, v3, v6;
	v6 =	vadd.s32 v5, v9;
	_ =	sdelay $0x1  }
0x2a7: {  	v7 =	vadd.s32 v4, v11;
	_, v11, _ =	vpop (xrf1)  }
0x2a8: {  	v3 =	vxor.u32 $0x80000000, v7;
	v7 =	vsub.s32 v0, v11;
	_, v9, _ =	vpop (xrf1)  }
0x2a9: {  	(xrf1) =	vsort.ascd.msk.u32 $0xffff, v1, v2;
	v1 =	vxor.u32 $0x80000000, v6;
	v7 =	vshll.u32 v7, $0xB;
	v2 =	vsub.s32 v0, v9;
	_, v6, _ =	vpop (xrf1)  }
0x2aa: {  	(xrf1) =	vsort.ascd.msk.u32 $0xffff, v3, v4;
	v4 =	vadd.s32 v8, v7;
	v3 =	vsub.s32 v0, v6;
	v2 =	vshll.u32 v2, $0xB  }
0x2ab: {  	(xrf1) =	vsort.ascd.msk.u32 $0xffff, v1, v5;
	v1 =	vxor.u32 $0x80000000, v4;
	v2 =	vadd.s32 v10, v2;
	v3 =	vshll.u32 v3, $0xB  }
0x2ac: {  	(xrf1) =	vsort.ascd.msk.u32 $0xffff, v1, v8;
	v1 =	vxor.u32 $0x80000000, v2;
	v2 =	vadd.s32 v12, v3  }
0x2ad: {  	v2 =	vxor.u32 $0x80000000, v2;
	(xrf1) =	vsort.ascd.msk.u32 $0xffff, v1, v10  }
0x2ae: {  	(xrf1) =	vsort.ascd.msk.u32 $0xffff, v2, v12;
	_ =	sdelay $0x6  }
0x2af: {  	_, v1, _ =	vpop (xrf1)  }
0x2b0: {  	_, v2, _ =	vpop (xrf1)  }
0x2b1: {  	_, v3, _ =	vpop (xrf1)  }
.Ltmp14:
0x2b2: {  	_, v4, _ =	vpop (xrf1);
	(pc) =	sbr.rel .LBB2_20-.Ltmp14, $4  }
0x2b3: {  	_, v5, _ =	vpop (xrf1)  }
0x2b4: {  	_, v6, _ =	vpop (xrf1)  }
0x2b5: {  	_, v7, _ =	vpop (xrf1)  }
0x2b6: {  	_, v8, _ =	vpop (xrf1)  }
.LBB2_14:
.Ltmp15:
0x2b7: {  	(pc) =	sbr.rel .LBB2_19-.Ltmp15, $3  }
0x2b8: {  	_ =	sdelay $0x1  }
0x2b9: {  	v18 =	vimm.f32 $+Inf  }
0x2ba: {  	v21 =	vimm.s32 $0x0;
	v14 =	vimm.f32 $+Inf;
	v17 =	vimm.s32 $0x0  }
.LBB2_16:
.Ltmp16:
0x2bb: {  	(pc) =	sbr.rel .LBB2_19-.Ltmp16, $3  }
0x2bc: {  	s0 =	sld [smem:$0x7FD];
	_ =	sdelay $0x1  }
0x2bd: {  	v18 =	vimm.f32 $+Inf  }
0x2be: {  	v21 =	vimm.s32 $0x0;
	v14 =	vimm.f32 $+Inf;
	v17 =	vimm.s32 $0x0;
	p1 =	por $0x1, $0x1;
	p0 =	seq.s32 s0, $0x1  }
.LBB2_21:
0x2bf: {  	s18 =	sshll.u32 s16, $0x1  }
0x2c0: {  	s1 =	rddreg [dreg:$0xd];
	s0 =	smin.u32 s18, $0x57  }
0x2c1: {  	s0 =	sadd.s32 s0, s1  }
0x2c2: {  	s31 =	rddreg [dreg:$0x0];
	s0 =	sshll.u32 s0, $0xB  }
.Ltmp17:
0x2c3: {  	s19 =	simm.s32 $0x0;
	s0 =	sadd.s32 s31, s0;
	(pc) =	sbr.rel .LBB2_22-.Ltmp17, $4  }
0x2c4: {  	[tilespmem:s19], [sflag:$0x1] =	stream.linear.gather [hbm4b:s0+s19], $0x4000, $0x38;
	[tilespmem:$0xDA80] =	vst v63  }
0x2c5: {  	_ =	swait.ge [sflag:s12], $0x4000  }
0x2c6: {  	[sflag:s12] =	ssyncset.done $0x0  }
0x2c7: {  	p1 =	por $0x1, $0x1;
	s0 =	simm.s32 $0x0;
	[sflag:s12] =	ssyncadd.s32 $0xFFFFC000  }
.LBB2_31:
0x2c8: {  	v8 =	vimm.s32 $0x0;
	v7 =	vimm.s32 $0x0  }
0x2c9: {  	v4 =	vimm.s32 $0x0;
	v1 =	vimm.s32 $0x0;
	v3 =	vimm.s32 $0x0  }
0x2ca: {  	v2 =	vimm.s32 $0x0;
	v6 =	vimm.s32 $0x0;
	v5 =	vimm.s32 $0x0  }
.LBB2_39:
0x2cb: {  	s0 =	sor.u32 s17, s20  }
0x2cc: {  	s0 =	smul.u32 $0x50, s0;
	_ =	sdelay $0x1  }
0x2cd: {  	s0 =	sshra.s32 s0, $0x2  }
0x2ce: {  	[tilespmem:s0+$0x80A0] =	vst.msk vm1, v8  }
0x2cf: {  	[tilespmem:s0+$0x80AF] =	vst.msk $0x1f, v7  }
0x2d0: {  	[tilespmem:s0+$0x80B4] =	vst.msk vm1, v4  }
.Ltmp18:
0x2d1: {  	[tilespmem:s0+$0x80C3] =	vst.msk $0x1f, v1;
	(pc) =	sbr.rel @!p0 .LBB2_40-.Ltmp18, $4  }
0x2d2: {  	[tilespmem:s0+$0x80C8] =	vst.msk vm1, v3  }
0x2d3: {  	[tilespmem:s0+$0x80D7] =	vst.msk $0x1f, v2  }
0x2d4: {  	[tilespmem:s0+$0x80DC] =	vst.msk vm1, v6  }
0x2d5: {  	p1 =	por $0x0, $0x0;
	[tilespmem:s0+$0x80EB] =	vst.msk $0x1f, v5;
	s0 =	simm.s32 $0x1  }
.LBB2_22:
0x2d6: {  	s20 =	sshll.u32 s0, $0x2  }
0x2d7: {  	s21 =	sor.u32 $0x1, s20  }
0x2d8: {  	s1 =	sshll.u32 s0, $0xB;
	s29 =	sand.u32 $0x3C00, s19;
	s2 =	sshll.u32 s21, $0x9  }
0x2d9: {  	s5 =	sand.u32 $0x40, s19;
	s4 =	sshrl.u32 s2, $0x2;
	s2 =	sor.u32 $0x4000, s29  }
0x2da: {  	s1 =	sshrl.u32 s1, $0x2;
	s6 =	sor.u32 $0x30, s5;
	s7 =	sadd.s32 s4, s2  }
0x2db: {  	s2 =	sadd.s32 s1, s2;
	s8 =	sadd.s32 s6, s7  }
0x2dc: {  	s9 =	sor.u32 $0x10, s5;
	s13 =	sadd.s32 s5, s2;
	v10 =	vld [tilespmem:s8+$0x0]  }
0x2dd: {  	p0 =	por p1, p1;
	s30 =	sor.u32 $0x20, s5;
	s14 =	sadd.s32 s9, s2;
	v9 =	vld [tilespmem:s13+$0x0]  }
0x2de: {  	v1 =	vimm.f32 $+Inf;
	s15 =	simm.s32 $0x40;
	v2 =	vimm.f32 $+Inf;
	s31 =	sadd.s32 s30, s2;
	s2 =	sadd.s32 s6, s2;
	v11 =	vld [tilespmem:s14+$0x0]  }
0x2df: {  	v3 =	vimm.f32 $+Inf;
	v4 =	vimm.f32 $+Inf;
	v5 =	vimm.f32 $+Inf;
	s9 =	sadd.s32 s9, s7;
	s14 =	sadd.s32 s5, s7;
	v12 =	vld [tilespmem:s31+$0x0];
	s5 =	simm.s32 $0x200  }
0x2e0: {  	v6 =	vimm.f32 $+Inf;
	v7 =	vimm.f32 $+Inf;
	v8 =	vimm.f32 $+Inf;
	s13 =	sadd.s32 s30, s7;
	s8 =	simm.s32 $0x80;
	v13 =	vld [tilespmem:s2+$0x0];
	s22 =	sand.u32 $0x3C00, s5  }
.LBB2_23:
0x2e1: {  	s6 =	sor.u32 $0x4000, s22  }
0x2e2: {  	p1 =	seq.s32 s8, $0x7C0;
	s2 =	sand.u32 $0x40, s15;
	v14 =	vld [tilespmem:s14+$0x0];
	v1 =	vmin.f32 v1, v10;
	s7 =	sadd.s32 s1, s6  }
0x2e3: {  	s14 =	sor.u32 $0x30, s2;
	s6 =	sadd.s32 s4, s6;
	v2 =	vmin.f32 v2, v9;
	v15 =	vld [tilespmem:s9+$0x0];
	s9 =	sor.u32 $0x10, s2  }
0x2e4: {  	s15 =	sor.u32 $0x20, s2;
	s22 =	sadd.s32 s14, s6;
	v3 =	vmin.f32 v3, v11;
	v16 =	vld [tilespmem:s13+$0x0];
	s13 =	sadd.s32 s2, s7  }
.Ltmp19:
0x2e5: {  	s23 =	sadd.s32 s9, s7;
	s24 =	sadd.s32 s15, s7;
	v10 =	vld [tilespmem:s22+$0x0];
	v4 =	vmin.f32 v4, v12;
	(pc) =	sbr.rel @!p1 .LBB2_23-.Ltmp19, $4  }
0x2e6: {  	s7 =	sadd.s32 s14, s7;
	s14 =	sadd.s32 s2, s6;
	s9 =	sadd.s32 s9, s6;
	v9 =	vld [tilespmem:s13+$0x0];
	v5 =	vmin.f32 v5, v13  }
0x2e7: {  	s13 =	sadd.s32 s15, s6;
	s15 =	smov.u32 s8;
	v11 =	vld [tilespmem:s23+$0x0];
	v6 =	vmin.f32 v6, v14  }
0x2e8: {  	s5 =	sadd.s32 $0x200, s5;
	v12 =	vld [tilespmem:s24+$0x0];
	v7 =	vmin.f32 v7, v15  }
0x2e9: {  	s22 =	sand.u32 $0x3C00, s5;
	s8 =	sadd.s32 $0x40, s8;
	v13 =	vld [tilespmem:s7+$0x0];
	v8 =	vmin.f32 v8, v16  }
0x2ea: {  	s2 =	sand.u32 $0x40, s15;
	s5 =	sor.u32 $0x4000, s22;
	v14 =	vld [tilespmem:s14+$0x0]  }
0x2eb: {  	v15 =	vld [tilespmem:s9+$0x0];
	s6 =	sor.u32 $0x30, s2;
	s4 =	sadd.s32 s4, s5  }
0x2ec: {  	v16 =	vld [tilespmem:s13+$0x0];
	s1 =	sadd.s32 s1, s5;
	s25 =	sadd.s32 s6, s4  }
0x2ed: {  	s7 =	sor.u32 $0x10, s2;
	s8 =	sadd.s32 s2, s1;
	v17 =	vld [tilespmem:s25+$0x0]  }
0x2ee: {  	s26 =	sor.u32 $0x20, s2;
	s29 =	sadd.s32 s7, s1;
	v18 =	vld [tilespmem:s8+$0x0]  }
0x2ef: {  	s30 =	sadd.s32 s26, s1;
	v19 =	vld [tilespmem:s29+$0x0]  }
0x2f0: {  	s1 =	sadd.s32 s6, s1;
	v20 =	vld [tilespmem:s30+$0x0]  }
0x2f1: {  	s28 =	sor.u32 $0x2, s20;
	s2 =	sadd.s32 s2, s4;
	s31 =	sadd.s32 s7, s4;
	v21 =	vld [tilespmem:s1+$0x0]  }
0x2f2: {  	s4 =	sadd.s32 s26, s4;
	s26 =	sor.u32 $0x3, s20;
	s7 =	simm.s32 $0x0;
	v23 =	vld [tilespmem:s2+$0x0]  }
0x2f3: {  	s5 =	sshll.u32 s28, $0x9;
	v24 =	vld [tilespmem:s31+$0x0];
	s6 =	sshll.u32 s26, $0x9;
	s9 =	sand.u32 $0x3C00, s7  }
0x2f4: {  	v1 =	vmin.f32 v1, v10;
	v2 =	vmin.f32 v2, v9;
	v3 =	vmin.f32 v3, v11;
	v10 =	vld [tilespmem:s4+$0x0];
	s2 =	sand.u32 $0x40, s7;
	s1 =	sshrl.u32 s6, $0x2;
	s4 =	sor.u32 $0x4000, s9  }
0x2f5: {  	v4 =	vmin.f32 v4, v12;
	s8 =	sshrl.u32 s5, $0x2;
	v5 =	vmin.f32 v5, v13;
	s11 =	sor.u32 $0x30, s2;
	v13 =	vimm.f32 $+Inf;
	s14 =	sadd.s32 s1, s4  }
0x2f6: {  	v6 =	vmin.f32 v6, v14;
	v7 =	vmin.f32 v7, v15;
	v9 =	vmin.f32 v8, v16;
	s22 =	sadd.s32 s8, s4;
	s23 =	sadd.s32 s11, s14  }
0x2f7: {  	s24 =	sor.u32 $0x10, s2;
	v14 =	vimm.f32 $+Inf;
	s25 =	sadd.s32 s2, s22;
	v8 =	vmin.f32 v1, v17;
	v21 =	vmin.f32 v5, v21;
	v5 =	vld [tilespmem:s23+$0x0]  }
0x2f8: {  	s29 =	sor.u32 $0x20, s2;
	s30 =	sadd.s32 s24, s22;
	v12 =	vmin.f32 v2, v18;
	v22 =	vmin.f32 v3, v19;
	v20 =	vmin.f32 v4, v20;
	v4 =	vld [tilespmem:s25+$0x0]  }
0x2f9: {  	s15 =	simm.s32 $0x200;
	s4 =	simm.s32 $0x40;
	s31 =	sadd.s32 s29, s22;
	v15 =	vmin.f32 v6, v23;
	v16 =	vmin.f32 v7, v24;
	v9 =	vmin.f32 v9, v10;
	v17 =	vld [tilespmem:s30+$0x0]  }
0x2fa: {  	s7 =	sadd.s32 s11, s22;
	s5 =	sadd.s32 s2, s14;
	s9 =	sadd.s32 s24, s14;
	v2 =	vimm.f32 $+Inf;
	v1 =	vimm.f32 $+Inf;
	v18 =	vld [tilespmem:s31+$0x0];
	v10 =	vimm.f32 $+Inf  }
0x2fb: {  	s13 =	sadd.s32 s29, s14;
	s14 =	sand.u32 $0x3C00, s15;
	s22 =	simm.s32 $0x80;
	v19 =	vld [tilespmem:s7+$0x0];
	v3 =	vimm.f32 $+Inf;
	v7 =	vimm.f32 $+Inf;
	v6 =	vimm.f32 $+Inf  }
.LBB2_25:
0x2fc: {  	s2 =	sand.u32 $0x40, s4;
	s4 =	sor.u32 $0x4000, s14  }
0x2fd: {  	p1 =	sne.s32 s22, $0x7C0;
	v11 =	vld [tilespmem:s5+$0x0];
	v2 =	vmin.f32 v2, v5;
	s5 =	sadd.s32 s8, s4  }
0x2fe: {  	s6 =	sor.u32 $0x30, s2;
	s4 =	sadd.s32 s1, s4;
	v1 =	vmin.f32 v1, v4;
	v23 =	vld [tilespmem:s9+$0x0];
	s7 =	sor.u32 $0x10, s2  }
0x2ff: {  	s14 =	sor.u32 $0x20, s2;
	s9 =	sadd.s32 s6, s4;
	v14 =	vmin.f32 v14, v17;
	v24 =	vld [tilespmem:s13+$0x0];
	s13 =	sadd.s32 s2, s5  }
.Ltmp20:
0x300: {  	s23 =	sadd.s32 s7, s5;
	s24 =	sadd.s32 s14, s5;
	v5 =	vld [tilespmem:s9+$0x0];
	v13 =	vmin.f32 v13, v18;
	(pc) =	sbr.rel @p1 .LBB2_25-.Ltmp20, $4  }
0x301: {  	s6 =	sadd.s32 s6, s5;
	s5 =	sadd.s32 s2, s4;
	s9 =	sadd.s32 s7, s4;
	v4 =	vld [tilespmem:s13+$0x0];
	v10 =	vmin.f32 v10, v19  }
0x302: {  	s13 =	sadd.s32 s14, s4;
	s4 =	smov.u32 s22;
	v17 =	vld [tilespmem:s23+$0x0];
	v3 =	vmin.f32 v3, v11  }
0x303: {  	s15 =	sadd.s32 $0x200, s15;
	v18 =	vld [tilespmem:s24+$0x0];
	v7 =	vmin.f32 v7, v23  }
0x304: {  	s14 =	sand.u32 $0x3C00, s15;
	s22 =	sadd.s32 $0x40, s22;
	v19 =	vld [tilespmem:s6+$0x0];
	v6 =	vmin.f32 v6, v24  }
0x305: {  	v11 =	vlaneseq.u32  }
0x306: {  	(xrf1) =	vsort.ascd.msk.f32 $0xffff, v12, v11  }
0x307: {  	(xrf1) =	vsort.ascd.msk.f32 $0xffff, v22, v11;
	_ =	sdelay $0xb  }
0x308: {  	v12 =	vmul.u32 $0xFFFFFFFF, v11  }
0x309: {  	v39, _, _ =	vpop (xrf1)  }
0x30a: {  	v12 =	vadd.s32 $0xF, v12;
	v23, _, _ =	vpop (xrf1)  }
0x30b: {  	v23 =	vperm.xlane v23, v12;
	_ =	sdelay $0x1  }
0x30c: {  	v24 =	vmin.f32 v39, v23  }
0x30d: {  	v22 =	vmax.f32 v39, v23;
	(xrf1) =	vsort.ascd.msk.f32 $0xffff, v24, v11  }
0x30e: {  	(xrf1) =	vsort.ascd.msk.f32 $0xffff, v22, v11  }
0x30f: {  	(xrf1) =	vsort.ascd.msk.f32 $0xffff, v20, v11  }
0x310: {  	(xrf1) =	vsort.ascd.msk.f32 $0xffff, v21, v11;
	_ =	sdelay $0xa  }
0x311: {  	v40, _, _ =	vpop (xrf1)  }
0x312: {  	v41, _, _ =	vpop (xrf1)  }
0x313: {  	v42, _, _ =	vpop (xrf1)  }
0x314: {  	v43, _, _ =	vpop (xrf1)  }
0x315: {  	v23 =	vperm.xlane v43, v12;
	_ =	sdelay $0x1  }
0x316: {  	v44 =	vmin.f32 v42, v23  }
0x317: {  	v22 =	vmax.f32 v42, v23;
	(xrf1) =	vsort.ascd.msk.f32 $0xffff, v44, v11  }
0x318: {  	(xrf1) =	vsort.ascd.msk.f32 $0xffff, v22, v11;
	_ =	sdelay $0xc  }
0x319: {  	v45, _, _ =	vpop (xrf1)  }
0x31a: {  	v46, _, _ =	vpop (xrf1)  }
0x31b: {  	v22 =	vperm.xlane v45, v12;
	v23 =	vperm.xlane v46, v12;
	_ =	sdelay $0x1  }
0x31c: {  	v21 =	vmin.f32 v41, v22;
	v20 =	vmin.f32 v40, v23  }
0x31d: {  	v20 =	vmax.f32 v20, v21  }
0x31e: {  	(xrf1) =	vsort.ascd.msk.f32 $0xffff, v20, v11  }
0x31f: {  	(xrf1) =	vsort.ascd.msk.f32 $0xffff, v15, v11  }
0x320: {  	(xrf1) =	vsort.ascd.msk.f32 $0xffff, v16, v11;
	_ =	sdelay $0xb  }
0x321: {  	v15, _, _ =	vpop (xrf1)  }
0x322: {  	v47, _, _ =	vpop (xrf1)  }
0x323: {  	v48, _, _ =	vpop (xrf1)  }
0x324: {  	v20 =	vperm.xlane v48, v12;
	_ =	sdelay $0x1  }
0x325: {  	v49 =	vmin.f32 v47, v20  }
0x326: {  	v16 =	vmax.f32 v47, v20;
	(xrf1) =	vsort.ascd.msk.f32 $0xffff, v49, v11  }
0x327: {  	(xrf1) =	vsort.ascd.msk.f32 $0xffff, v16, v11  }
0x328: {  	(xrf1) =	vsort.ascd.msk.f32 $0xffff, v9, v11  }
0x329: {  	(xrf1) =	vsort.ascd.msk.f32 $0xffff, v8, v11;
	_ =	sdelay $0xa  }
0x32a: {  	v8, _, _ =	vpop (xrf1)  }
0x32b: {  	v9, _, _ =	vpop (xrf1)  }
0x32c: {  	v50, _, _ =	vpop (xrf1)  }
0x32d: {  	v51, _, _ =	vpop (xrf1)  }
0x32e: {  	v20 =	vperm.xlane v51, v12;
	_ =	sdelay $0x1  }
0x32f: {  	v52 =	vmin.f32 v50, v20  }
0x330: {  	v16 =	vmax.f32 v50, v20;
	(xrf1) =	vsort.ascd.msk.f32 $0xffff, v52, v11  }
0x331: {  	(xrf1) =	vsort.ascd.msk.f32 $0xffff, v16, v11;
	_ =	sdelay $0xa  }
0x332: {  	s4 =	sand.u32 $0x40, s4;
	s2 =	sor.u32 $0x4000, s14  }
0x333: {  	s8 =	sadd.s32 s8, s2;
	s6 =	sor.u32 $0x10, s4  }
0x334: {  	s7 =	sor.u32 $0x20, s4;
	s30 =	sadd.s32 s6, s8;
	v53, _, _ =	vpop (xrf1)  }
0x335: {  	s15 =	sor.u32 $0x30, s4;
	s31 =	sadd.s32 s7, s8;
	v54 =	vld [tilespmem:s30+$0x0];
	v55, _, _ =	vpop (xrf1)  }
0x336: {  	s11 =	sadd.s32 s15, s8;
	v56 =	vld [tilespmem:s31+$0x0];
	v16 =	vperm.xlane v53, v12;
	v21 =	vperm.xlane v55, v12  }
0x337: {  	v57 =	vld [tilespmem:s11+$0x0]  }
0x338: {  	v9 =	vmin.f32 v9, v16;
	v8 =	vmin.f32 v8, v21  }
0x339: {  	v14 =	vmin.f32 v14, v17;
	v8 =	vmax.f32 v8, v9  }
0x33a: {  	v9 =	vmin.f32 v13, v18;
	v13 =	vmin.f32 v14, v54;
	(xrf1) =	vsort.ascd.msk.f32 $0xffff, v8, v11  }
0x33b: {  	v8 =	vmin.f32 v10, v19;
	v9 =	vmin.f32 v9, v56;
	(xrf1) =	vsort.ascd.msk.f32 $0xffff, v13, v11  }
0x33c: {  	v8 =	vmin.f32 v8, v57;
	(xrf1) =	vsort.ascd.msk.f32 $0xffff, v9, v11  }
0x33d: {  	(xrf1) =	vsort.ascd.msk.f32 $0xffff, v8, v11;
	_ =	sdelay $0x9  }
0x33e: {  	s1 =	sadd.s32 s1, s2  }
0x33f: {  	s2 =	sadd.s32 s6, s1;
	v8, _, _ =	vpop (xrf1)  }
0x340: {  	v58 =	vld [tilespmem:s2+$0x0];
	v13, _, _ =	vpop (xrf1)  }
0x341: {  	v9 =	vld [tilespmem:s9+$0x0];
	v14, _, _ =	vpop (xrf1)  }
0x342: {  	s14 =	sadd.s32 s7, s1;
	v10 =	vld [tilespmem:s13+$0x0];
	v59, _, _ =	vpop (xrf1)  }
0x343: {  	s22 =	sadd.s32 s15, s1;
	v60 =	vld [tilespmem:s14+$0x0];
	v17 =	vperm.xlane v59, v12  }
0x344: {  	v61 =	vld [tilespmem:s22+$0x0]  }
0x345: {  	v62 =	vmin.f32 v14, v17  }
0x346: {  	v7 =	vmin.f32 v7, v9;
	v9 =	vmax.f32 v14, v17;
	(xrf1) =	vsort.ascd.msk.f32 $0xffff, v62, v11  }
0x347: {  	v6 =	vmin.f32 v6, v10;
	v7 =	vmin.f32 v7, v58;
	(xrf1) =	vsort.ascd.msk.f32 $0xffff, v9, v11  }
0x348: {  	v2 =	vmin.f32 v2, v5;
	v5 =	vmin.f32 v6, v60;
	(xrf1) =	vsort.ascd.msk.f32 $0xffff, v7, v11  }
0x349: {  	v2 =	vmin.f32 v2, v61;
	(xrf1) =	vsort.ascd.msk.f32 $0xffff, v5, v11  }
0x34a: {  	(xrf1) =	vsort.ascd.msk.f32 $0xffff, v2, v11;
	_ =	sdelay $0x9  }
0x34b: {  	v2, _, _ =	vpop (xrf1)  }
0x34c: {  	v5, _, _ =	vpop (xrf1)  }
0x34d: {  	v6, _, _ =	vpop (xrf1)  }
0x34e: {  	v7, _, _ =	vpop (xrf1)  }
0x34f: {  	v9, _, _ =	vpop (xrf1)  }
0x350: {  	v9 =	vperm.xlane v9, v12;
	_ =	sdelay $0x1  }
0x351: {  	v10 =	vmin.f32 v7, v9  }
0x352: {  	v7 =	vmax.f32 v7, v9;
	(xrf1) =	vsort.ascd.msk.f32 $0xffff, v10, v11  }
0x353: {  	(xrf1) =	vsort.ascd.msk.f32 $0xffff, v7, v11;
	_ =	sdelay $0x3  }
0x354: {  	v7 =	vsel vm0, $0x7F800000, v15  }
0x355: {  	(xrf0) =	vmin.scan.msk.f32 $0xffff, v7;
	v7 =	vsel vm0, $0x7F800000, v8  }
0x356: {  	(xrf0) =	vmin.scan.msk.f32 $0xffff, v7  }
0x357: {  	s23 =	sadd.s32 s4, s8  }
0x358: {  	v8 =	vld [tilespmem:s23+$0x0]  }
0x359: {  	v7 =	vld [tilespmem:s5+$0x0]  }
0x35a: {  	s24 =	simm.s32 $0x0  }
0x35b: {  	v1 =	vmin.f32 v1, v4;
	s25 =	sand.u32 $0x1C00, s24;
	s1 =	sadd.s32 s4, s1;
	v9, _, _ =	vpop (xrf0)  }
0x35c: {  	s29 =	sor.u32 $0x4000, s25;
	v14 =	vld [tilespmem:s1+$0x0];
	s1 =	sshll.u32 s0, $0x9;
	v4 =	vperm.xlane v5, v12;
	v5 =	vperm.xlane v2, v12;
	v15, _, _ =	vpop (xrf0)  }
0x35d: {  	s30 =	sand.u32 $0x60, s24;
	s2 =	sor.u32 $0x6000, s25;
	s31 =	sadd.s32 s1, s29;
	v8 =	vmin.f32 v1, v8;
	v10 =	vbroadcast v9, $0xF;
	v9 =	vbroadcast v15, $0xF;
	v15, _, _ =	vpop (xrf1)  }
0x35e: {  	s11 =	sadd.s32 s1, s2;
	s13 =	sadd.s32 s30, s31;
	v63 =	vmin.f32 v3, v7;
	v7 =	vperm.xlane v13, v12;
	v3 =	vperm.xlane v6, v12;
	v1, _, _ =	vpop (xrf1)  }
0x35f: {  	s8 =	sadd.s32 s30, s11;
	v2 =	vperm.xlane v15, v12;
	v1 =	vperm.xlane v1, v12;
	v12 =	vld [tilespmem:s13+$0x0]  }
0x360: {  	v13 =	vld [tilespmem:s8+$0x0];
	_ =	sdelay $0x3  }
0x361: {  	s0 =	sshll.u32 s21, $0x7;
	vm2 =	vle.f32 v12, v10  }
0x362: {  	s5 =	sadd.s32 s0, s29;
	vm3 =	vle.f32 v13, v10;
	v12 =	vadd.s32 $0x400, v11;
	v13 =	vmpcnt.ones.xlane vm2;
	[tilespmem:s24+$0xB880] =	vst.msk vm2, v11  }
0x363: {  	s2 =	sadd.s32 s0, s2;
	s14 =	sadd.s32 s30, s5;
	v6 =	vmin.f32 v63, v14;
	v14 =	vmpcnt.ones.xlane vm3;
	[tilespmem:s24+$0xBC80] =	vst.msk vm3, v12  }
0x364: {  	s2 =	sadd.s32 s30, s2;
	(v2sf) =	vpush v13, $0x0;
	v13 =	vld [tilespmem:s14+$0x0]  }
0x365: {  	(v2sf) =	vpush v14, $0x0;
	v14 =	vld [tilespmem:s2+$0x0];
	_ =	sdelay $0x3  }
0x366: {  	vm2 =	vle.f32 v13, v9  }
0x367: {  	s15 =	simm.s32 $0x2080;
	vm3 =	vle.f32 v14, v9;
	v13 =	vmpcnt.ones.xlane vm2  }
0x368: {  	s2 =	sand.u32 $0x3C00, s15;
	v14 =	vmpcnt.ones.xlane vm3  }
0x369: {  	s22 =	simm.s32 $0x410;
	s6 =	sor.u32 $0x10, s30;
	s2 =	sor.u32 $0x4000, s2;
	[tilespmem:s24+$0xC100] =	vst.msk vm2, v11;
	(v2sf) =	vpush v13, $0x0  }
0x36a: {  	s7 =	sadd.s32 s6, s31;
	s23 =	sadd.s32 s1, s2;
	[tilespmem:s24+$0xC500] =	vst.msk vm3, v12;
	s24 =	sand.u32 $0x70, s22;
	(v2sf) =	vpush v14, $0x0  }
0x36b: {  	v12 =	vld [tilespmem:s7+$0x0];
	s25 =	sadd.s32 s24, s23  }
0x36c: {  	v13 =	vld [tilespmem:s25+$0x0];
	_ =	sdelay $0x3  }
0x36d: {  	vm2 =	vle.f32 v12, v10;
	s29 =	spop (v2sf)  }
0x36e: {  	vm3 =	vle.f32 v13, v10;
	v12 =	vmpcnt.ones.xlane vm2;
	v13 =	vadd.s32 $0x10, v11;
	s7 =	sadd.s32 $0x0, s29;
	s30 =	spop (v2sf)  }
0x36f: {  	v15 =	vadd.s32 $0x410, v11;
	v14 =	vmpcnt.ones.xlane vm3;
	s9 =	sadd.s32 $0x0, s30;
	[tilespmem:s7+$0xB880] =	vst.msk vm2, v13  }
0x370: {  	s5 =	sadd.s32 s6, s5;
	s2 =	sadd.s32 s0, s2;
	(v2sf) =	vpush v12, $0x0;
	[tilespmem:s9+$0xBC80] =	vst.msk vm3, v15  }
0x371: {  	s2 =	sadd.s32 s24, s2;
	(v2sf) =	vpush v14, $0x0;
	v12 =	vld [tilespmem:s5+$0x0]  }
0x372: {  	v14 =	vld [tilespmem:s2+$0x0];
	_ =	sdelay $0x2  }
0x373: {  	s8 =	simm.s32 $0x100;
	s6 =	spop (v2sf)  }
0x374: {  	s31 =	sand.u32 $0x1C00, s8;
	vm2 =	vle.f32 v12, v9;
	s25 =	sadd.s32 $0x0, s6;
	s15 =	spop (v2sf)  }
0x375: {  	s11 =	sor.u32 $0x4000, s31;
	s5 =	simm.s32 $0x20;
	vm3 =	vle.f32 v14, v9;
	s24 =	sadd.s32 $0x0, s15;
	[tilespmem:s25+$0xC100] =	vst.msk vm2, v13;
	v14 =	vmpcnt.ones.xlane vm2  }
0x376: {  	s13 =	sadd.s32 s1, s11;
	s2 =	sor.u32 $0x6000, s31;
	s22 =	sand.u32 $0x60, s5;
	[tilespmem:s24+$0xC500] =	vst.msk vm3, v15;
	v15 =	vmpcnt.ones.xlane vm3  }
0x377: {  	s23 =	sadd.s32 s1, s2;
	s29 =	sadd.s32 s22, s13;
	(v2sf) =	vpush v14, $0x0  }
0x378: {  	s4 =	sadd.s32 s22, s23;
	v12 =	vld [tilespmem:s29+$0x0];
	(v2sf) =	vpush v15, $0x0  }
0x379: {  	v13 =	vld [tilespmem:s4+$0x0];
	_ =	sdelay $0x3  }
0x37a: {  	s30 =	spop (v2sf);
	vm2 =	vle.f32 v12, v10  }
0x37b: {  	v11 =	vadd.s32 $0x20, v11;
	vm3 =	vle.f32 v13, v10;
	s4 =	sadd.s32 s7, s30;
	s31 =	spop (v2sf);
	v13 =	vmpcnt.ones.xlane vm2  }
0x37c: {  	s23 =	sadd.s32 s0, s11;
	v12 =	vadd.s32 $0x400, v11;
	[tilespmem:s4+$0xB880] =	vst.msk vm2, v11;
	v14 =	vmpcnt.ones.xlane vm3;
	s14 =	sadd.s32 s9, s31  }
0x37d: {  	s2 =	sadd.s32 s0, s2;
	s6 =	sadd.s32 s22, s23;
	[tilespmem:s14+$0xBC80] =	vst.msk vm3, v12;
	(v2sf) =	vpush v13, $0x0  }
0x37e: {  	s15 =	sadd.s32 s22, s2;
	s9 =	simm.s32 $0x40;
	v13 =	vld [tilespmem:s6+$0x0];
	(v2sf) =	vpush v14, $0x0  }
.LBB2_27:
0x37f: {  	p1 =	seq.s32 s9, $0x3E0;
	v14 =	vld [tilespmem:s15+$0x0];
	s2 =	smov.u32 s9;
	s9 =	sadd.s32 $0x20, s9  }
0x380: {  	s6 =	sadd.s32 $0x2080, s8  }
0x381: {  	s6 =	sand.u32 $0x3C00, s6  }
0x382: {  	s7 =	sor.u32 $0x10, s22;
	s6 =	sor.u32 $0x4000, s6  }
0x383: {  	s13 =	sadd.s32 s7, s13;
	s7 =	sadd.s32 s7, s23;
	vm2 =	vle.f32 v13, v9;
	s15 =	spop (v2sf)  }
0x384: {  	s22 =	sadd.s32 s1, s6;
	vm3 =	vle.f32 v14, v9;
	v13 =	vmpcnt.ones.xlane vm2;
	s15 =	sadd.s32 s25, s15;
	s23 =	spop (v2sf)  }
0x385: {  	s5 =	sadd.s32 $0x410, s5;
	s6 =	sadd.s32 s0, s6;
	[tilespmem:s15+$0xC100] =	vst.msk vm2, v11;
	v14 =	vmpcnt.ones.xlane vm3;
	s24 =	sadd.s32 s24, s23  }
0x386: {  	s23 =	sand.u32 $0x70, s5;
	s5 =	smov.u32 s2;
	[tilespmem:s24+$0xC500] =	vst.msk vm3, v12;
	(v2sf) =	vpush v13, $0x0  }
0x387: {  	s2 =	sadd.s32 s23, s22;
	v12 =	vld [tilespmem:s13+$0x0];
	(v2sf) =	vpush v14, $0x0  }
0x388: {  	v13 =	vld [tilespmem:s2+$0x0];
	_ =	sdelay $0x3  }
0x389: {  	vm2 =	vle.f32 v12, v10;
	s2 =	spop (v2sf)  }
0x38a: {  	v12 =	vadd.s32 $0x10, v11;
	s4 =	sadd.s32 s4, s2;
	vm3 =	vle.f32 v13, v10;
	v13 =	vmpcnt.ones.xlane vm2;
	s2 =	spop (v2sf)  }
0x38b: {  	v14 =	vadd.s32 $0x410, v11;
	s14 =	sadd.s32 s14, s2;
	[tilespmem:s4+$0xB880] =	vst.msk vm2, v12;
	v15 =	vmpcnt.ones.xlane vm3  }
0x38c: {  	s8 =	sadd.s32 $0x100, s8;
	[tilespmem:s14+$0xBC80] =	vst.msk vm3, v14;
	(v2sf) =	vpush v13, $0x0  }
0x38d: {  	s6 =	sadd.s32 s23, s6;
	s2 =	sand.u32 $0x1C00, s8;
	v13 =	vld [tilespmem:s7+$0x0];
	(v2sf) =	vpush v15, $0x0  }
0x38e: {  	s22 =	sand.u32 $0x60, s5;
	s7 =	sor.u32 $0x4000, s2;
	s2 =	sor.u32 $0x6000, s2;
	v15 =	vld [tilespmem:s6+$0x0]  }
0x38f: {  	s13 =	sadd.s32 s1, s7;
	s6 =	sadd.s32 s1, s2;
	s23 =	sadd.s32 s0, s7  }
0x390: {  	s7 =	sadd.s32 s22, s13;
	s6 =	sadd.s32 s22, s6  }
0x391: {  	s2 =	sadd.s32 s0, s2  }
0x392: {  	vm2 =	vle.f32 v13, v9;
	s25 =	spop (v2sf)  }
0x393: {  	s25 =	sadd.s32 s15, s25;
	vm3 =	vle.f32 v15, v9;
	v13 =	vmpcnt.ones.xlane vm2;
	s15 =	spop (v2sf)  }
0x394: {  	s24 =	sadd.s32 s24, s15;
	[tilespmem:s25+$0xC100] =	vst.msk vm2, v12;
	v12 =	vmpcnt.ones.xlane vm3  }
0x395: {  	[tilespmem:s24+$0xC500] =	vst.msk vm3, v14;
	(v2sf) =	vpush v13, $0x0  }
0x396: {  	v13 =	vld [tilespmem:s7+$0x0];
	(v2sf) =	vpush v12, $0x0  }
0x397: {  	v11 =	vadd.s32 $0x20, v11;
	v14 =	vld [tilespmem:s6+$0x0];
	_ =	sdelay $0x3  }
.Ltmp21:
0x398: {  	v12 =	vadd.s32 $0x400, v11;
	vm2 =	vle.f32 v13, v10;
	s6 =	spop (v2sf);
	(pc) =	sbr.rel @!p1 .LBB2_27-.Ltmp21, $4  }
0x399: {  	s7 =	sadd.s32 s22, s23;
	vm3 =	vle.f32 v14, v10;
	v13 =	vmpcnt.ones.xlane vm2;
	s4 =	sadd.s32 s4, s6;
	s6 =	spop (v2sf)  }
0x39a: {  	s15 =	sadd.s32 s22, s2;
	[tilespmem:s4+$0xB880] =	vst.msk vm2, v11;
	v14 =	vmpcnt.ones.xlane vm3;
	s14 =	sadd.s32 s14, s6  }
0x39b: {  	[tilespmem:s14+$0xBC80] =	vst.msk vm3, v12;
	(v2sf) =	vpush v13, $0x0  }
0x39c: {  	v13 =	vld [tilespmem:s7+$0x0];
	(v2sf) =	vpush v14, $0x0  }
0x39d: {  	v61 =	vlaneseq.u32  }
0x39e: {  	(xrf1) =	vsort.ascd.msk.f32 $0xffff, v8, v61;
	_ =	sdelay $0xd  }
0x39f: {  	v8, _, _ =	vpop (xrf1)  }
0x3a0: {  	v62 =	vmin.f32 v8, v7  }
0x3a1: {  	v7 =	vmax.f32 v8, v7;
	(xrf1) =	vsort.ascd.msk.f32 $0xffff, v62, v61  }
0x3a2: {  	(xrf1) =	vsort.ascd.msk.f32 $0xffff, v7, v61;
	_ =	sdelay $0xc  }
0x3a3: {  	v7, _, _ =	vpop (xrf1)  }
0x3a4: {  	v63, _, _ =	vpop (xrf1)  }
0x3a5: {  	v4 =	vmin.f32 v7, v4;
	v5 =	vmin.f32 v63, v5  }
0x3a6: {  	v4 =	vmax.f32 v4, v5  }
0x3a7: {  	(xrf1) =	vsort.ascd.msk.f32 $0xffff, v4, v61  }
0x3a8: {  	(xrf1) =	vsort.ascd.msk.f32 $0xffff, v6, v61;
	_ =	sdelay $0xc  }
0x3a9: {  	v4, _, _ =	vpop (xrf1)  }
0x3aa: {  	v5, _, _ =	vpop (xrf1)  }
0x3ab: {  	v14 =	vld [tilespmem:s15+$0x0];
	v6 =	vmin.f32 v5, v3  }
0x3ac: {  	v3 =	vmax.f32 v5, v3;
	(xrf1) =	vsort.ascd.msk.f32 $0xffff, v6, v61  }
0x3ad: {  	(xrf1) =	vsort.ascd.msk.f32 $0xffff, v3, v61  }
0x3ae: {  	s2 =	sadd.s32 $0x2080, s8;
	s7 =	sor.u32 $0x10, s22;
	s6 =	spop (v2sf)  }
0x3af: {  	s2 =	sand.u32 $0x3C00, s2;
	vm2 =	vle.f32 v13, v9;
	s6 =	sadd.s32 s25, s6;
	s9 =	spop (v2sf)  }
0x3b0: {  	s5 =	sadd.s32 $0x410, s5;
	s2 =	sor.u32 $0x4000, s2;
	vm3 =	vle.f32 v14, v9;
	[tilespmem:s6+$0xC100] =	vst.msk vm2, v11;
	s8 =	sadd.s32 s24, s9  }
0x3b1: {  	s5 =	sand.u32 $0x70, s5;
	s1 =	sadd.s32 s1, s2;
	s9 =	sadd.s32 s7, s13;
	[tilespmem:s8+$0xC500] =	vst.msk vm3, v12  }
0x3b2: {  	s1 =	sadd.s32 s5, s1;
	v12 =	vld [tilespmem:s9+$0x0]  }
0x3b3: {  	v51 =	vld [tilespmem:s1+$0x0];
	_ =	sdelay $0x2  }
0x3b4: {  	s11 =	spop (v2sf)  }
0x3b5: {  	v52 =	vadd.s32 $0x10, v11;
	vm4 =	vle.f32 v12, v10;
	s1 =	sadd.s32 s4, s11;
	s13 =	spop (v2sf)  }
0x3b6: {  	v53 =	vadd.s32 $0x410, v11;
	vm5 =	vle.f32 v51, v10;
	s4 =	sadd.s32 s14, s13;
	[tilespmem:s1+$0xB880] =	vst.msk vm4, v52  }
0x3b7: {  	s0 =	sadd.s32 s0, s2;
	v56 =	vmpcnt.ones.xlane vm2;
	s7 =	sadd.s32 s7, s23;
	[tilespmem:s4+$0xBC80] =	vst.msk vm5, v53  }
0x3b8: {  	s0 =	sadd.s32 s5, s0;
	v54 =	vld [tilespmem:s7+$0x0];
	v3, _, _ =	vpop (xrf1)  }
0x3b9: {  	v15 =	vmpcnt.ones.xlane vm3;
	(v2sf) =	vpush v56, $0x0;
	v55 =	vld [tilespmem:s0+$0x0];
	v5, _, _ =	vpop (xrf1)  }
0x3ba: {  	v57 =	vmpcnt.ones.xlane vm4;
	v1 =	vmin.f32 v3, v1;
	v2 =	vmin.f32 v5, v2  }
0x3bb: {  	v58 =	vmpcnt.ones.xlane vm5;
	(v2sf) =	vpush v15, $0x0;
	v1 =	vmax.f32 v1, v2  }
0x3bc: {  	(v2sf) =	vpush v57, $0x0;
	(xrf1) =	vsort.ascd.msk.f32 $0xffff, v1, v61  }
0x3bd: {  	(v2sf) =	vpush v58, $0x0;
	vm2 =	vle.f32 v54, v9  }
0x3be: {  	vm3 =	vle.f32 v55, v9;
	v59 =	vmpcnt.ones.xlane vm2  }
0x3bf: {  	v60 =	vmpcnt.ones.xlane vm3  }
0x3c0: {  	(v2sf) =	vpush v59, $0x0  }
0x3c1: {  	(v2sf) =	vpush v60, $0x0;
	_ =	sdelay $0x7  }
0x3c2: {  	s15 =	spop (v2sf)  }
0x3c3: {  	s22 =	spop (v2sf);
	v1 =	vsel vm0, $0x7F800000, v4;
	v2, _, _ =	vpop (xrf1)  }
0x3c4: {  	s23 =	spop (v2sf);
	(xrf0) =	vmin.scan.msk.f32 $0xffff, v1;
	v1 =	vsel vm0, $0x7F800000, v2  }
0x3c5: {  	s2 =	sadd.s32 s8, s22;
	s24 =	spop (v2sf);
	(xrf0) =	vmin.scan.msk.f32 $0xffff, v1  }
0x3c6: {  	s22 =	sadd.s32 s1, s23;
	s23 =	sadd.s32 s4, s24;
	s4 =	simm.s32 $0x0  }
0x3c7: {  	s0 =	sadd.s32 s6, s15;
	s9 =	sand.u32 $0x1C00, s4  }
0x3c8: {  	s1 =	sshll.u32 s28, $0x7;
	s11 =	sor.u32 $0x4000, s9;
	s25 =	spop (v2sf)  }
0x3c9: {  	[tilespmem:s0+$0xC100] =	vst.msk vm2, v52;
	s13 =	sand.u32 $0x60, s4;
	s7 =	sadd.s32 s1, s11;
	s8 =	spop (v2sf)  }
0x3ca: {  	[tilespmem:s2+$0xC500] =	vst.msk vm3, v53;
	s24 =	sadd.s32 s0, s25;
	s25 =	sadd.s32 s2, s8;
	s2 =	sor.u32 $0x6000, s9;
	v1, _, _ =	vpop (xrf0)  }
0x3cb: {  	s15 =	sadd.s32 s13, s7;
	s14 =	sadd.s32 s1, s2;
	v3, _, _ =	vpop (xrf0)  }
0x3cc: {  	s8 =	sadd.s32 s13, s14;
	v2 =	vbroadcast v1, $0xF;
	v1 =	vbroadcast v3, $0xF;
	v3 =	vld [tilespmem:s15+$0x0]  }
0x3cd: {  	v4 =	vld [tilespmem:s8+$0x0];
	_ =	sdelay $0x3  }
0x3ce: {  	s0 =	sshll.u32 s26, $0x7;
	vm2 =	vle.f32 v3, v2  }
0x3cf: {  	s5 =	sadd.s32 s0, s11;
	vm3 =	vle.f32 v4, v2;
	v3 =	vadd.s32 $0x400, v61;
	v4 =	vmpcnt.ones.xlane vm2;
	[tilespmem:s4+$0xC980] =	vst.msk vm2, v61  }
0x3d0: {  	s2 =	sadd.s32 s0, s2;
	s9 =	sadd.s32 s13, s5;
	v5 =	vmpcnt.ones.xlane vm3;
	[tilespmem:s4+$0xCD80] =	vst.msk vm3, v3  }
0x3d1: {  	s2 =	sadd.s32 s13, s2;
	(v2sf) =	vpush v4, $0x0;
	v4 =	vld [tilespmem:s9+$0x0]  }
0x3d2: {  	(v2sf) =	vpush v5, $0x0;
	v5 =	vld [tilespmem:s2+$0x0];
	_ =	sdelay $0x3  }
0x3d3: {  	vm2 =	vle.f32 v4, v1  }
0x3d4: {  	s11 =	simm.s32 $0x2080;
	vm3 =	vle.f32 v5, v1;
	v4 =	vmpcnt.ones.xlane vm2  }
0x3d5: {  	s2 =	sand.u32 $0x3C00, s11;
	v5 =	vmpcnt.ones.xlane vm3  }
0x3d6: {  	s6 =	sor.u32 $0x10, s13;
	s13 =	simm.s32 $0x410;
	s2 =	sor.u32 $0x4000, s2;
	[tilespmem:s4+$0xD200] =	vst.msk vm2, v61;
	(v2sf) =	vpush v4, $0x0  }
0x3d7: {  	s7 =	sadd.s32 s6, s7;
	s15 =	sand.u32 $0x70, s13;
	s14 =	sadd.s32 s1, s2;
	[tilespmem:s4+$0xD600] =	vst.msk vm3, v3;
	(v2sf) =	vpush v5, $0x0  }
0x3d8: {  	s9 =	sadd.s32 s15, s14;
	v3 =	vld [tilespmem:s7+$0x0]  }
0x3d9: {  	v4 =	vld [tilespmem:s9+$0x0];
	_ =	sdelay $0x3  }
0x3da: {  	vm2 =	vle.f32 v3, v2;
	s11 =	spop (v2sf)  }
0x3db: {  	vm3 =	vle.f32 v4, v2;
	v4 =	vadd.s32 $0x10, v61;
	v3 =	vmpcnt.ones.xlane vm2;
	s7 =	sadd.s32 $0x0, s11;
	s13 =	spop (v2sf)  }
0x3dc: {  	v6 =	vadd.s32 $0x410, v61;
	v5 =	vmpcnt.ones.xlane vm3;
	s9 =	sadd.s32 $0x0, s13;
	[tilespmem:s7+$0xC980] =	vst.msk vm2, v4  }
0x3dd: {  	s5 =	sadd.s32 s6, s5;
	s2 =	sadd.s32 s0, s2;
	(v2sf) =	vpush v3, $0x0;
	[tilespmem:s9+$0xCD80] =	vst.msk vm3, v6  }
0x3de: {  	s2 =	sadd.s32 s15, s2;
	(v2sf) =	vpush v5, $0x0;
	v3 =	vld [tilespmem:s5+$0x0]  }
0x3df: {  	v5 =	vld [tilespmem:s2+$0x0];
	_ =	sdelay $0x2  }
0x3e0: {  	s8 =	simm.s32 $0x100;
	s15 =	spop (v2sf)  }
0x3e1: {  	s14 =	sand.u32 $0x1C00, s8;
	vm2 =	vle.f32 v3, v1;
	s4 =	sadd.s32 $0x0, s15;
	s11 =	spop (v2sf)  }
0x3e2: {  	s6 =	sor.u32 $0x4000, s14;
	s5 =	simm.s32 $0x20;
	vm3 =	vle.f32 v5, v1;
	s31 =	sadd.s32 $0x0, s11;
	[tilespmem:s4+$0xD200] =	vst.msk vm2, v4;
	v5 =	vmpcnt.ones.xlane vm2  }
0x3e3: {  	s13 =	sadd.s32 s1, s6;
	s2 =	sor.u32 $0x6000, s14;
	s29 =	sand.u32 $0x60, s5;
	[tilespmem:s31+$0xD600] =	vst.msk vm3, v6;
	v6 =	vmpcnt.ones.xlane vm3  }
0x3e4: {  	s15 =	sadd.s32 s1, s2;
	s11 =	sadd.s32 s29, s13;
	(v2sf) =	vpush v5, $0x0  }
0x3e5: {  	s14 =	sadd.s32 s29, s15;
	v3 =	vld [tilespmem:s11+$0x0];
	(v2sf) =	vpush v6, $0x0  }
0x3e6: {  	v4 =	vld [tilespmem:s14+$0x0];
	_ =	sdelay $0x3  }
0x3e7: {  	s11 =	spop (v2sf);
	vm2 =	vle.f32 v3, v2  }
0x3e8: {  	v3 =	vadd.s32 $0x20, v61;
	vm3 =	vle.f32 v4, v2;
	s14 =	sadd.s32 s7, s11;
	s15 =	spop (v2sf);
	v5 =	vmpcnt.ones.xlane vm2  }
0x3e9: {  	s30 =	sadd.s32 s0, s6;
	v4 =	vadd.s32 $0x400, v3;
	[tilespmem:s14+$0xC980] =	vst.msk vm2, v3;
	v6 =	vmpcnt.ones.xlane vm3;
	s15 =	sadd.s32 s9, s15  }
0x3ea: {  	s6 =	sadd.s32 s29, s30;
	s2 =	sadd.s32 s0, s2;
	[tilespmem:s15+$0xCD80] =	vst.msk vm3, v4;
	(v2sf) =	vpush v5, $0x0  }
0x3eb: {  	s2 =	sadd.s32 s29, s2;
	s9 =	simm.s32 $0x40;
	v5 =	vld [tilespmem:s6+$0x0];
	(v2sf) =	vpush v6, $0x0  }
.LBB2_29:
0x3ec: {  	p1 =	sne.s32 s9, $0x3E0;
	v6 =	vld [tilespmem:s2+$0x0];
	s2 =	smov.u32 s9;
	s9 =	sadd.s32 $0x20, s9  }
0x3ed: {  	s6 =	sadd.s32 $0x2080, s8  }
0x3ee: {  	s6 =	sand.u32 $0x3C00, s6  }
0x3ef: {  	s7 =	sor.u32 $0x10, s29;
	s6 =	sor.u32 $0x4000, s6  }
0x3f0: {  	s13 =	sadd.s32 s7, s13;
	s7 =	sadd.s32 s7, s30;
	vm2 =	vle.f32 v5, v1;
	s29 =	spop (v2sf)  }
0x3f1: {  	s30 =	sadd.s32 s1, s6;
	vm3 =	vle.f32 v6, v1;
	v5 =	vmpcnt.ones.xlane vm2;
	s4 =	sadd.s32 s4, s29;
	s29 =	spop (v2sf)  }
0x3f2: {  	s5 =	sadd.s32 $0x410, s5;
	s6 =	sadd.s32 s0, s6;
	[tilespmem:s4+$0xD200] =	vst.msk vm2, v3;
	v6 =	vmpcnt.ones.xlane vm3;
	s31 =	sadd.s32 s31, s29  }
0x3f3: {  	s29 =	sand.u32 $0x70, s5;
	s5 =	smov.u32 s2;
	[tilespmem:s31+$0xD600] =	vst.msk vm3, v4;
	(v2sf) =	vpush v5, $0x0  }
0x3f4: {  	s2 =	sadd.s32 s29, s30;
	v4 =	vld [tilespmem:s13+$0x0];
	(v2sf) =	vpush v6, $0x0  }
0x3f5: {  	v5 =	vld [tilespmem:s2+$0x0];
	_ =	sdelay $0x3  }
0x3f6: {  	vm2 =	vle.f32 v4, v2;
	s2 =	spop (v2sf)  }
0x3f7: {  	v4 =	vadd.s32 $0x10, v3;
	s14 =	sadd.s32 s14, s2;
	vm3 =	vle.f32 v5, v2;
	v5 =	vmpcnt.ones.xlane vm2;
	s2 =	spop (v2sf)  }
0x3f8: {  	v6 =	vadd.s32 $0x410, v3;
	s15 =	sadd.s32 s15, s2;
	[tilespmem:s14+$0xC980] =	vst.msk vm2, v4;
	v7 =	vmpcnt.ones.xlane vm3  }
0x3f9: {  	s8 =	sadd.s32 $0x100, s8;
	[tilespmem:s15+$0xCD80] =	vst.msk vm3, v6;
	(v2sf) =	vpush v5, $0x0  }
0x3fa: {  	s6 =	sadd.s32 s29, s6;
	s2 =	sand.u32 $0x1C00, s8;
	v5 =	vld [tilespmem:s7+$0x0];
	(v2sf) =	vpush v7, $0x0  }
0x3fb: {  	s29 =	sand.u32 $0x60, s5;
	s7 =	sor.u32 $0x4000, s2;
	s2 =	sor.u32 $0x6000, s2;
	v7 =	vld [tilespmem:s6+$0x0]  }
0x3fc: {  	s13 =	sadd.s32 s1, s7;
	s6 =	sadd.s32 s1, s2;
	s30 =	sadd.s32 s0, s7  }
0x3fd: {  	s7 =	sadd.s32 s29, s13;
	s6 =	sadd.s32 s29, s6  }
0x3fe: {  	s2 =	sadd.s32 s0, s2  }
0x3ff: {  	vm2 =	vle.f32 v5, v1;
	s11 =	spop (v2sf)  }
0x400: {  	s4 =	sadd.s32 s4, s11;
	vm3 =	vle.f32 v7, v1;
	v5 =	vmpcnt.ones.xlane vm2;
	s11 =	spop (v2sf)  }
0x401: {  	s31 =	sadd.s32 s31, s11;
	[tilespmem:s4+$0xD200] =	vst.msk vm2, v4;
	v4 =	vmpcnt.ones.xlane vm3  }
0x402: {  	[tilespmem:s31+$0xD600] =	vst.msk vm3, v6;
	(v2sf) =	vpush v5, $0x0  }
0x403: {  	v5 =	vld [tilespmem:s7+$0x0];
	(v2sf) =	vpush v4, $0x0  }
0x404: {  	v3 =	vadd.s32 $0x20, v3;
	v6 =	vld [tilespmem:s6+$0x0];
	_ =	sdelay $0x3  }
.Ltmp22:
0x405: {  	v4 =	vadd.s32 $0x400, v3;
	vm2 =	vle.f32 v5, v2;
	s6 =	spop (v2sf);
	(pc) =	sbr.rel @p1 .LBB2_29-.Ltmp22, $4  }
0x406: {  	s7 =	sadd.s32 s29, s30;
	vm3 =	vle.f32 v6, v2;
	v5 =	vmpcnt.ones.xlane vm2;
	s14 =	sadd.s32 s14, s6;
	s6 =	spop (v2sf)  }
0x407: {  	s2 =	sadd.s32 s29, s2;
	[tilespmem:s14+$0xC980] =	vst.msk vm2, v3;
	v6 =	vmpcnt.ones.xlane vm3;
	s15 =	sadd.s32 s15, s6  }
0x408: {  	[tilespmem:s15+$0xCD80] =	vst.msk vm3, v4;
	(v2sf) =	vpush v5, $0x0  }
0x409: {  	v5 =	vld [tilespmem:s7+$0x0];
	(v2sf) =	vpush v6, $0x0  }
0x40a: {  	_ =	sdelay $0x1  }
0x40b: {  	v6 =	vld [tilespmem:s2+$0x0];
	_ =	sdelay $0x2  }
0x40c: {  	s8 =	sadd.s32 $0x2080, s8;
	s7 =	sor.u32 $0x10, s29;
	s6 =	spop (v2sf)  }
0x40d: {  	s2 =	sand.u32 $0x3C00, s8;
	vm2 =	vle.f32 v5, v1;
	s4 =	sadd.s32 s4, s6;
	s9 =	spop (v2sf)  }
0x40e: {  	s5 =	sadd.s32 $0x410, s5;
	s2 =	sor.u32 $0x4000, s2;
	vm3 =	vle.f32 v6, v1;
	[tilespmem:s4+$0xD200] =	vst.msk vm2, v3;
	s6 =	sadd.s32 s31, s9  }
0x40f: {  	s11 =	sadd.s32 s7, s13;
	s5 =	sand.u32 $0x70, s5;
	s1 =	sadd.s32 s1, s2;
	[tilespmem:s6+$0xD600] =	vst.msk vm3, v4  }
0x410: {  	s1 =	sadd.s32 s5, s1;
	v4 =	vld [tilespmem:s11+$0x0]  }
0x411: {  	v58 =	vld [tilespmem:s1+$0x0];
	_ =	sdelay $0x2  }
0x412: {  	s13 =	spop (v2sf)  }
0x413: {  	v59 =	vadd.s32 $0x10, v3;
	vm4 =	vle.f32 v4, v2;
	s1 =	sadd.s32 s14, s13;
	s14 =	spop (v2sf)  }
0x414: {  	vm5 =	vle.f32 v58, v2;
	v2 =	vadd.s32 $0x410, v3;
	s8 =	sadd.s32 s15, s14;
	[tilespmem:s1+$0xC980] =	vst.msk vm4, v59  }
0x415: {  	s7 =	sadd.s32 s7, s30;
	[tilespmem:s8+$0xCD80] =	vst.msk vm5, v2  }
0x416: {  	s0 =	sadd.s32 s0, s2;
	v3 =	vld [tilespmem:s7+$0x0]  }
0x417: {  	s0 =	sadd.s32 s5, s0;
	v60 =	vmpcnt.ones.xlane vm2  }
0x418: {  	v7 =	vmpcnt.ones.xlane vm3;
	v61 =	vld [tilespmem:s0+$0x0]  }
0x419: {  	(v2sf) =	vpush v60, $0x0;
	v62 =	vmpcnt.ones.xlane vm4  }
0x41a: {  	(v2sf) =	vpush v7, $0x0  }
0x41b: {  	(v2sf) =	vpush v62, $0x0;
	vm2 =	vle.f32 v3, v1;
	v3 =	vmpcnt.ones.xlane vm5  }
0x41c: {  	v63 =	vmpcnt.ones.xlane vm2  }
0x41d: {  	vm3 =	vle.f32 v61, v1;
	(v2sf) =	vpush v3, $0x0  }
0x41e: {  	v1 =	vmpcnt.ones.xlane vm3;
	(v2sf) =	vpush v63, $0x0;
	_ =	sdelay $0x1  }
0x41f: {  	(v2sf) =	vpush v1, $0x0;
	_ =	sdelay $0x7  }
0x420: {  	s9 =	spop (v2sf)  }
0x421: {  	s11 =	spop (v2sf)  }
0x422: {  	s7 =	sadd.s32 $0xF, s22;
	s13 =	spop (v2sf)  }
0x423: {  	s0 =	sshra.s32 s7, $0x4;
	s4 =	sadd.s32 s4, s9;
	s29 =	sadd.s32 s1, s13  }
0x424: {  	s2 =	sadd.s32 s6, s11;
	s9 =	sadd.s32 $0xF, s29;
	s14 =	spop (v2sf)  }
0x425: {  	s11 =	sadd.s32 $0xF, s23;
	s5 =	sshra.s32 s9, $0x4;
	s15 =	spop (v2sf)  }
0x426: {  	s30 =	sadd.s32 s8, s14;
	s8 =	sadd.s32 $0xF, s24;
	s14 =	sadd.s32 $0xF, s25  }
0x427: {  	s31 =	sadd.s32 s4, s15;
	s6 =	spop (v2sf);
	s13 =	sshra.s32 s8, $0x4  }
0x428: {  	s7 =	sshra.s32 s14, $0x4;
	s1 =	sadd.s32 s2, s6;
	s6 =	sshra.s32 s11, $0x4  }
0x429: {  	s8 =	sadd.s32 $0xF, s30;
	s7 =	sadd.s32 s13, s7;
	s6 =	sadd.s32 s0, s6  }
0x42a: {  	s9 =	sadd.s32 $0xF, s31;
	s8 =	sshra.s32 s8, $0x4;
	p1 =	sgt.s32 s6, s7  }
0x42b: {  	s15 =	sadd.s32 $0xF, s1;
	s11 =	sadd.s32 s5, s8;
	s7 =	smov.u32 @p1 s6  }
0x42c: {  	s8 =	sshra.s32 s9, $0x4;
	s6 =	sshra.s32 s15, $0x4;
	p1 =	sgt.s32 s7, s11  }
0x42d: {  	s9 =	sadd.s32 s8, s6;
	s11 =	smov.u32 @p1 s7  }
0x42e: {  	p1 =	sgt.s32 s11, s9  }
0x42f: {  	s9 =	smov.u32 @p1 s11  }
0x430: {  	p1 =	slt.s32 s9, $0x1  }
.Ltmp23:
0x431: {  	_ = 	snop;
	(pc) =	sbr.rel @p1 .LBB2_31-.Ltmp23, $3  }
0x432: {  	_ =	sdelay $0x1  }
0x433: {  	[tilespmem:s4+$0xD200] =	vst.msk vm2, v59  }
0x434: {  	[tilespmem:s2+$0xD600] =	vst.msk vm3, v2  }
0x435: {  	s2 =	sshll.u32 s8, $0x4  }
0x436: {  	s4 =	sshll.u32 s5, $0x4;
	s2 =	ssub.s32 $0x0, s2  }
0x437: {  	s11 =	sshll.u32 s13, $0x4;
	s7 =	ssub.s32 $0x0, s4;
	[dreg:$0x7] =	wrdreg s2  }
0x438: {  	s14 =	ssub.s32 $0x0, s11;
	[dreg:$0x8] =	wrdreg s7  }
0x439: {  	[dreg:$0x9] =	wrdreg s14  }
0x43a: {  	p2 =	sgt.s32 s13, $0x0;
	p3 =	sgt.s32 s5, $0x0;
	s15 =	rddreg [dreg:$0x8]  }
0x43b: {  	p1 =	sgt.s32 s8, $0x0;
	s6 =	rddreg [dreg:$0x9];
	s2 =	sadd.s32 $0x0, s15  }
0x43c: {  	s4 =	simm.s32 $0x0;
	s6 =	sadd.s32 $0x0, s6;
	s11 =	sadd.s32 $0x400, s2  }
0x43d: {  	s7 =	rddreg [dreg:$0x7];
	s14 =	sadd.s32 $0x400, s6;
	s11 =	smov.u32 @p3 s4  }
0x43e: {  	s7 =	sadd.s32 $0x0, s7;
	s14 =	smov.u32 @p2 s4;
	p4 =	slt.s32 s11, $0x800  }
0x43f: {  	v1 =	vmov s21;
	s15 =	sadd.s32 $0x400, s7;
	p5 =	slt.s32 s14, $0x800;
	s11 =	simm.s32 @!p4 $0x800  }
0x440: {  	v2 =	vmov s28;
	v1 =	vshll.u32 v1, $0x7;
	s15 =	smov.u32 @p1 s4;
	s14 =	simm.s32 @!p5 $0x800;
	v5 =	vld [tilespmem:s11+$0xC980]  }
0x441: {  	v2 =	vshll.u32 v2, $0x7;
	v1 =	vand.u32 $0x280, v1;
	s6 =	smov.u32 @p2 s4;
	p4 =	slt.s32 s15, $0x800;
	v6 =	vld [tilespmem:s14+$0xC100]  }
0x442: {  	v2 =	vand.u32 $0x300, v2;
	v3 =	vbroadcast v1, $0x0;
	v1 =	vmov s26;
	s2 =	smov.u32 @p3 s4;
	s7 =	smov.u32 @p1 s4;
	s15 =	simm.s32 @!p4 $0x800  }
0x443: {  	v4 =	vbroadcast v2, $0x0;
	v1 =	vshll.u32 v1, $0x7;
	v7 =	vor.u32 s6, v0;
	s6 =	smov.u32 s1;
	s11 =	smov.u32 s30;
	s14 =	smov.u32 s25;
	v8 =	vld [tilespmem:s15+$0xD200]  }
0x444: {  	v1 =	vand.u32 $0x380, v1;
	v2 =	vor.u32 s2, v0;
	v11 =	vor.u32 s7, v0;
	s6 =	smov.u32 @p1 s31;
	s11 =	smov.u32 @p3 s29;
	s14 =	smov.u32 @p2 s24  }
0x445: {  	s26 =	sshll.u32 s0, $0x4;
	vm4 =	vlt.s32 v11, s6;
	vm3 =	vlt.s32 v2, s11;
	vm2 =	vlt.s32 v7, s14  }
0x446: {  	s28 =	ssub.s32 $0x0, s26;
	v2 =	vnsel vm3, $0x0, v5;
	v7 =	vnsel vm2, $0x0, v6;
	v5 =	vbroadcast v1, $0x0  }
0x447: {  	[dreg:$0xa] =	wrdreg s28;
	v1 =	vand.u32 $0x7F, v2;
	v6 =	vand.u32 $0x7F, v7;
	v9 =	vshll.u32 v2, $0x3  }
0x448: {  	s2 =	rddreg [dreg:$0xa];
	v10 =	vshll.u32 v7, $0x3;
	v8 =	vnsel vm4, $0x0, v8;
	v9 =	vand.u32 $0xFFFFFC00, v9  }
0x449: {  	s2 =	sadd.s32 $0x0, s2;
	v10 =	vand.u32 $0xFFFFFC00, v10;
	v6 =	vor.u32 v3, v6;
	v1 =	vor.u32 v4, v1  }
0x44a: {  	p1 =	sgt.s32 s0, $0x0;
	s6 =	sadd.s32 $0x400, s2;
	v11 =	vshll.u32 v8, $0x3;
	v1 =	vor.u32 v9, v1;
	v9 =	vand.u32 $0x7F, v8  }
0x44b: {  	s6 =	smov.u32 @p1 s4;
	v6 =	vor.u32 v10, v6;
	v10 =	vand.u32 $0xFFFFFC00, v11;
	v9 =	vor.u32 v5, v9  }
0x44c: {  	p2 =	slt.s32 s6, $0x800;
	v9 =	vor.u32 v10, v9  }
0x44d: {  	s6 =	simm.s32 @!p2 $0x800  }
0x44e: {  	v10 =	vld [tilespmem:s6+$0xB880]  }
0x44f: {  	v1 =	vld.idx.msk [tilespmem:v1+s10+$0x0], $0xffff  }
0x450: {  	v11 =	vld.idx.msk [tilespmem:v6+s10+$0x0], $0xffff  }
0x451: {  	v9 =	vld.idx.msk [tilespmem:v9+s10+$0x0], $0xffff  }
0x452: {  	s2 =	smov.u32 @p1 s4;
	s4 =	smov.u32 s23;
	v6 =	vmov s20  }
0x453: {  	v12 =	vor.u32 s2, v0;
	s4 =	smov.u32 @p1 s22;
	v6 =	vshll.u32 v6, $0x7  }
0x454: {  	vm5 =	vlt.s32 v12, s4;
	v6 =	vand.u32 $0x200, v6;
	v1 =	vnsel vm3, $0x7F800000, v1  }
0x455: {  	v10 =	vnsel vm5, $0x0, v10;
	v6 =	vbroadcast v6, $0x0;
	v11 =	vnsel vm2, $0x7F800000, v11;
	(xrf1) =	vsort.ascd.msk.f32 $0xffff, v1, v2  }
0x456: {  	v1 =	vand.u32 $0x7F, v10;
	v2 =	vshll.u32 v10, $0x3;
	(xrf1) =	vsort.ascd.msk.f32 $0xffff, v11, v7;
	v7 =	vnsel vm4, $0x7F800000, v9  }
0x457: {  	v2 =	vand.u32 $0xFFFFFC00, v2;
	v1 =	vor.u32 v6, v1;
	(xrf1) =	vsort.ascd.msk.f32 $0xffff, v7, v8  }
0x458: {  	v1 =	vor.u32 v2, v1;
	_ =	sdelay $0x4  }
0x459: {  	v1 =	vld.idx.msk [tilespmem:v1+s10+$0x0], $0xffff;
	_ =	sdelay $0x3  }
0x45a: {  	p2 =	sne.s32 s9, $0x1  }
.Ltmp24:
0x45b: {  	v1 =	vnsel vm5, $0x7F800000, v1;
	(pc) =	sbr.rel @!p2 .LBB2_33-.Ltmp24, $4  }
0x45c: {  	(xrf1) =	vsort.ascd.msk.f32 $0xffff, v1, v10;
	v8, v13, _ =	vpop (xrf1)  }
0x45d: {  	(xrf1) =	vunique.msk.f32 $0xffff, v8;
	v9, v15, _ =	vpop (xrf1)  }
0x45e: {  	(xrf1) =	vunique.msk.f32 $0xffff, v9;
	v10, v12, _ =	vpop (xrf1)  }
0x45f: {  	p1 =	por $0x0, $0x0;
	v2 =	vimm.f32 $+Inf;
	v1 =	vimm.s32 $0x0;
	(xrf1) =	vunique.msk.f32 $0xffff, v10  }
0x460: {  	_ =	sdelay $0x4  }
0x461: {  	s2 =	simm.s32 @!p0 $0x0  }
0x462: {  	s26 =	rddreg [dreg:$0x8];
	s2 =	simm.s32 @p0 $0x1  }
0x463: {  	[smem:$0x7FC] =	sst s2;
	s2 =	sadd.s32 $0x10, s26  }
0x464: {  	s21 =	simm.s32 $0x10;
	p1 =	sgt.s32 s5, $0x1;
	s6 =	sadd.s32 $0x400, s2  }
0x465: {  	s4 =	rddreg [dreg:$0x9];
	s6 =	smov.u32 @p1 s21  }
0x466: {  	s4 =	sadd.s32 $0x10, s4;
	p3 =	slt.s32 s6, $0x800;
	v11, v14, _ =	vpop (xrf1)  }
0x467: {  	p2 =	sgt.s32 s13, $0x1;
	s7 =	sadd.s32 $0x400, s4;
	s6 =	simm.s32 @!p3 $0x800;
	_, v7, _ =	vpop (xrf1)  }
0x468: {  	s7 =	smov.u32 @p2 s21;
	v16 =	vld [tilespmem:s6+$0xC980];
	_, v17, _ =	vpop (xrf1)  }
0x469: {  	p3 =	slt.s32 s7, $0x800;
	v7 =	vsub.s32 v0, v7;
	v17 =	vsub.s32 v0, v17  }
0x46a: {  	s2 =	smov.u32 @p1 s21;
	s7 =	simm.s32 @!p3 $0x800;
	s6 =	smov.u32 s30;
	v7 =	vshll.u32 v7, $0xB;
	v17 =	vshll.u32 v17, $0xB  }
0x46b: {  	s11 =	rddreg [dreg:$0x7];
	v19 =	vor.u32 s2, v0;
	v18 =	vld [tilespmem:s7+$0xC100];
	s6 =	smov.u32 @p1 s29;
	v7 =	vadd.s32 v13, v7;
	v17 =	vadd.s32 v15, v17  }
0x46c: {  	s11 =	sadd.s32 $0x10, s11;
	s4 =	smov.u32 @p2 s21;
	vm2 =	vlt.s32 v19, s6;
	(xrf1) =	vunique.msk.f32 $0xffff, v11;
	v7 =	vxor.u32 $0x80000000, v7  }
0x46d: {  	p1 =	sgt.s32 s8, $0x1;
	s7 =	sadd.s32 $0x400, s11;
	s6 =	smov.u32 s25;
	(xrf1) =	vsort.ascd.msk.u32 $0xffff, v7, v13;
	v7 =	vxor.u32 $0x80000000, v17;
	v13 =	vnsel vm2, $0x0, v16  }
0x46e: {  	s28 =	rddreg [dreg:$0xa];
	s7 =	smov.u32 @p1 s21;
	s6 =	smov.u32 @p2 s24;
	(xrf1) =	vsort.ascd.msk.u32 $0xffff, v7, v15;
	v7 =	vor.u32 s4, v0;
	v15 =	vand.u32 $0x7F, v13;
	v16 =	vshll.u32 v13, $0x3  }
0x46f: {  	s2 =	sadd.s32 $0x10, s28;
	p3 =	slt.s32 s7, $0x800;
	vm3 =	vlt.s32 v7, s6;
	v7 =	vand.u32 $0xFFFFFC00, v16;
	v15 =	vor.u32 v4, v15;
	_, v17, _ =	vpop (xrf1)  }
0x470: {  	p2 =	sgt.s32 s0, $0x1;
	s7 =	simm.s32 @!p3 $0x800;
	s4 =	sadd.s32 $0x400, s2;
	v18 =	vnsel vm3, $0x0, v18;
	v7 =	vor.u32 v7, v15;
	v16 =	vsub.s32 v0, v17  }
0x471: {  	s4 =	smov.u32 @p2 s21;
	v17 =	vld [tilespmem:s7+$0xD200];
	v19 =	vshll.u32 v18, $0x3;
	v15 =	vshll.u32 v16, $0xB;
	v16 =	vand.u32 $0x7F, v18  }
0x472: {  	p3 =	slt.s32 s4, $0x800;
	v19 =	vand.u32 $0xFFFFFC00, v19;
	v16 =	vor.u32 v3, v16  }
0x473: {  	s11 =	smov.u32 @p1 s21;
	s6 =	smov.u32 s1;
	s4 =	simm.s32 @!p3 $0x800;
	v15 =	vadd.s32 v12, v15;
	v16 =	vor.u32 v19, v16  }
0x474: {  	s6 =	smov.u32 @p1 s31;
	v20 =	vld [tilespmem:s4+$0xB880];
	v15 =	vxor.u32 $0x80000000, v15;
	v19 =	vor.u32 s11, v0  }
0x475: {  	s2 =	smov.u32 @p2 s21;
	s4 =	smov.u32 s23;
	(xrf1) =	vsort.ascd.msk.u32 $0xffff, v15, v12;
	vm4 =	vlt.s32 v19, s6;
	v15 =	vld.idx.msk [tilespmem:v7+s10+$0x0], $0xffff  }
0x476: {  	v21 =	vor.u32 s2, v0;
	s4 =	smov.u32 @p2 s22;
	v7 =	vmul.u32 $0xFFFFFFFF, v0;
	v12 =	vnsel vm4, $0x0, v17  }
0x477: {  	vm5 =	vlt.s32 v21, s4;
	v17 =	vand.u32 $0x7F, v12;
	v19 =	vshll.u32 v12, $0x3  }
0x478: {  	v7 =	vadd.s32 $0xF, v7;
	v19 =	vand.u32 $0xFFFFFC00, v19;
	v17 =	vor.u32 v5, v17;
	v16 =	vld.idx.msk [tilespmem:v16+s10+$0x0], $0xffff  }
0x479: {  	v10 =	vperm.xlane v10, v7;
	v17 =	vor.u32 v19, v17;
	v19 =	vnsel vm5, $0x0, v20  }
0x47a: {  	v21 =	vand.u32 $0x7F, v19;
	v22 =	vshll.u32 v19, $0x3;
	v15 =	vnsel vm2, $0x7F800000, v15  }
0x47b: {  	v8 =	vperm.xlane v8, v7;
	_, v20, _ =	vpop (xrf1);
	v22 =	vand.u32 $0xFFFFFC00, v22;
	v21 =	vor.u32 v6, v21;
	(xrf1) =	vsort.ascd.msk.f32 $0xffff, v15, v13  }
0x47c: {  	v9 =	vperm.xlane v9, v7;
	v20 =	vsub.s32 v0, v20;
	_, v23, _ =	vpop (xrf1);
	v15 =	vor.u32 v22, v21  }
0x47d: {  	vm2 =	vlt.f32 v2, v10;
	vm7 =	vlt.f32 v2, v8;
	_, v13, _ =	vpop (xrf1);
	v16 =	vnsel vm3, $0x7F800000, v16  }
0x47e: {  	v20 =	vshll.u32 v20, $0xB;
	v13 =	vperm.xlane v13, v7;
	v17 =	vld.idx.msk [tilespmem:v17+s10+$0x0], $0xffff;
	(xrf1) =	vsort.ascd.msk.f32 $0xffff, v16, v18  }
0x47f: {  	vm8 =	vlt.f32 v2, v9;
	v20 =	vadd.s32 v14, v20;
	v21 =	vperm.xlane v23, v7  }
0x480: {  	v20 =	vxor.u32 $0x80000000, v20;
	vm3 =	veq.f32 v2, v9;
	vm6 =	vlt.s32 v1, v13  }
0x481: {  	vm14 =	veq.f32 v2, v8;
	(xrf1) =	vsort.ascd.msk.u32 $0xffff, v20, v14;
	vm3 =	vmand vm3, vm6;
	v14 =	vld.idx.msk [tilespmem:v15+s10+$0x0], $0xffff  }
0x482: {  	vm10 =	veq.f32 v2, v10;
	vm15 =	vlt.s32 v1, v21;
	vm3 =	vmor vm8, vm3  }
0x483: {  	vm12 =	vmand vm14, vm15;
	v9 =	vsel vm3, v2, v9;
	_, v15, _ =	vpop (xrf1);
	v16 =	vnsel vm4, $0x7F800000, v17  }
0x484: {  	vm13 =	vlt.f32 v2, v9;
	vm4 =	vmor vm7, vm12;
	v17 =	vperm.xlane v15, v7;
	(xrf1) =	vsort.ascd.msk.f32 $0xffff, v16, v12  }
0x485: {  	v12 =	vsel vm3, v1, v13;
	v15 =	vsel vm4, v2, v8;
	v16 =	vsel vm4, v1, v21  }
0x486: {  	vm3 =	veq.f32 v2, v9;
	vm14 =	veq.f32 v2, v15;
	v8 =	vnsel vm5, $0x7F800000, v14  }
0x487: {  	vm15 =	vlt.s32 v1, v16;
	vm8 =	vlt.s32 v1, v12;
	vm9 =	vlt.f32 v2, v15  }
0x488: {  	vm4 =	vmand vm14, vm15;
	vm3 =	vmand vm3, vm8;
	vm11 =	vlt.s32 v1, v17  }
0x489: {  	vm3 =	vmor vm13, vm3;
	vm4 =	vmor vm9, vm4;
	(xrf1) =	vsort.ascd.msk.f32 $0xffff, v8, v19;
	vm5 =	vmand vm10, vm11;
	v8, v13, _ =	vpop (xrf1)  }
0x48a: {  	v14 =	vsel vm4, v15, v2;
	v19 =	vsel vm3, v9, v2;
	v20 =	vsel vm3, v12, v1;
	(xrf1) =	vunique.msk.f32 $0xffff, v8  }
0x48b: {  	v18 =	vsel vm4, v16, v1;
	v22 =	vsel vm3, v2, v9;
	vm2 =	vmor vm2, vm5;
	(xrf1) =	vsort.ascd.msk.f32 $0xffff, v19, v20  }
0x48c: {  	v17 =	vsel vm2, v1, v17;
	v19 =	vsel vm4, v2, v15;
	(xrf1) =	vsort.ascd.msk.f32 $0xffff, v14, v18;
	v9, v15, _ =	vpop (xrf1)  }
0x48d: {  	v21 =	vsel vm4, v1, v16;
	vm12 =	vlt.s32 v1, v17;
	(xrf1) =	vunique.msk.f32 $0xffff, v9  }
0x48e: {  	v20 =	vperm.xlane v11, v7;
	v11 =	vsel vm3, v1, v12;
	v14 =	vsel vm2, v2, v10  }
0x48f: {  	p2 =	sne.s32 s9, $0x2;
	v18 =	vimm.f32 $+Inf;
	vm2 =	veq.f32 v2, v14;
	vm13 =	vlt.f32 v2, v14;
	_, v10, _ =	vpop (xrf1);
	(xrf1) =	vsort.ascd.msk.f32 $0xffff, v19, v21  }
.Ltmp25:
0x490: {  	vm3 =	vlt.f32 v2, v20;
	vm2 =	vmand vm2, vm12;
	v16 =	vperm.xlane v10, v7;
	(xrf1) =	vsort.ascd.msk.f32 $0xffff, v22, v11;
	(pc) =	sbr.rel @!p2 .LBB2_35-.Ltmp25, $4  }
0x491: {  	vm14 =	veq.f32 v2, v20;
	vm2 =	vmor vm13, vm2;
	v21 =	vimm.s32 $0x0  }
0x492: {  	v19 =	vsel vm2, v14, v2;
	v11 =	vsel vm2, v17, v1;
	vm15 =	vlt.s32 v1, v16;
	v10, v12, _ =	vpop (xrf1)  }
0x493: {  	v22 =	vsel vm2, v2, v14;
	v23 =	vsel vm2, v1, v17;
	vm4 =	vmand vm14, vm15;
	(xrf1) =	vunique.msk.f32 $0xffff, v10  }
0x494: {  	s26 =	simm.s32 $0x2;
	v14 =	vimm.f32 $+Inf;
	v17 =	vimm.s32 $0x0;
	vm2 =	vmor vm3, vm4;
	(xrf1) =	vsort.ascd.msk.f32 $0xffff, v19, v11  }
.LBB2_36:
0x495: {  	_ = 	snop  }
0x496: {  	v18 =	vsel vm2, v18, v20;
	v16 =	vsel vm2, v21, v16  }
0x497: {  	vm2 =	veq.f32 v14, v18;
	vm3 =	vlt.s32 v17, v16;
	v11, v19, _ =	vpop (xrf1)  }
0x498: {  	vm4 =	vlt.f32 v14, v18;
	vm2 =	vmand vm2, vm3;
	(xrf1) =	vunique.msk.f32 $0xffff, v11;
	_, v20, _ =	vpop (xrf1)  }
0x499: {  	s4 =	rddreg [dreg:$0x7];
	vm2 =	vmor vm4, vm2;
	v21, v28, _ =	vpop (xrf1);
	(xrf1) =	vsort.ascd.msk.f32 $0xffff, v22, v23  }
0x49a: {  	s6 =	rddreg [dreg:$0x8];
	v22 =	vsub.s32 v0, v20;
	v23 =	vsel vm2, v14, v18;
	v24 =	vsel vm2, v16, v17;
	(xrf1) =	vunique.msk.f32 $0xffff, v21;
	v20, v26, _ =	vpop (xrf1)  }
0x49b: {  	s2 =	smov.u32 s26;
	s21 =	sadd.s32 $0x10, s21;
	s7 =	rddreg [dreg:$0x9];
	v29 =	vsel vm2, v17, v16;
	v14 =	vsel vm2, v18, v14;
	v22 =	vshll.u32 v22, $0xB;
	_, v25, _ =	vpop (xrf1);
	(xrf1) =	vunique.msk.f32 $0xffff, v20  }
0x49c: {  	s11 =	rddreg [dreg:$0xa];
	p4 =	slt.s32 s2, s0;
	p5 =	slt.s32 s2, s13;
	v22 =	vadd.s32 v13, v22;
	v18 =	vsub.s32 v0, v25;
	(xrf1) =	vsort.ascd.msk.f32 $0xffff, v14, v24  }
0x49d: {  	s28 =	sadd.s32 s21, s4;
	s4 =	sadd.s32 s21, s6;
	s6 =	sadd.s32 s21, s7;
	v16, v27, _ =	vpop (xrf1);
	v14 =	vshll.u32 v18, $0xB;
	v18 =	vxor.u32 $0x80000000, v22;
	(xrf1) =	vsort.ascd.msk.f32 $0xffff, v23, v29  }
0x49e: {  	p6 =	slt.s32 s2, s5;
	s14 =	sadd.s32 s21, s11;
	s11 =	sadd.s32 $0x400, s6;
	v17, v52, _ =	vpop (xrf1);
	(xrf1) =	vsort.ascd.msk.u32 $0xffff, v18, v13  }
0x49f: {  	p3 =	slt.s32 s2, s8;
	s7 =	sadd.s32 $0x400, s4;
	s11 =	smov.u32 @p5 s21  }
0x4a0: {  	s2 =	sadd.s32 $0x400, s28;
	s7 =	smov.u32 @p6 s21;
	p1 =	slt.s32 s11, $0x800;
	v14 =	vadd.s32 v15, v14  }
0x4a1: {  	s2 =	smov.u32 @p3 s21;
	p0 =	slt.s32 s7, $0x800;
	s11 =	simm.s32 @!p1 $0x800;
	v14 =	vxor.u32 $0x80000000, v14;
	_, v13, _ =	vpop (xrf1);
	(xrf1) =	vunique.msk.f32 $0xffff, v16  }
0x4a2: {  	s7 =	simm.s32 @!p0 $0x800;
	p1 =	slt.s32 s2, $0x800;
	v13 =	vsub.s32 v0, v13;
	(xrf1) =	vsort.ascd.msk.u32 $0xffff, v14, v15;
	v15 =	vld [tilespmem:s11+$0xC100]  }
0x4a3: {  	s2 =	simm.s32 @!p1 $0x800;
	v14 =	vld [tilespmem:s7+$0xC980];
	v13 =	vshll.u32 v13, $0xB;
	(xrf1) =	vunique.msk.f32 $0xffff, v17  }
0x4a4: {  	s6 =	smov.u32 @p5 s21;
	s4 =	smov.u32 @p6 s21;
	v31 =	vld [tilespmem:s2+$0xD200];
	s2 =	smov.u32 s25;
	v22, v53, _ =	vpop (xrf1);
	v13 =	vadd.s32 v12, v13  }
0x4a5: {  	v33 =	vor.u32 s6, v0;
	s2 =	smov.u32 @p5 s24;
	v18 =	vor.u32 s4, v0;
	s4 =	smov.u32 s30;
	(xrf1) =	vunique.msk.f32 $0xffff, v22;
	v13 =	vxor.u32 $0x80000000, v13  }
0x4a6: {  	v9 =	vperm.xlane v9, v7;
	v8 =	vperm.xlane v8, v7;
	vm5 =	vlt.s32 v33, s2;
	s4 =	smov.u32 @p6 s29;
	(xrf1) =	vsort.ascd.msk.u32 $0xffff, v13, v12;
	_, v12, _ =	vpop (xrf1)  }
0x4a7: {  	s15 =	sadd.s32 $0x400, s14;
	v24 =	vperm.xlane v10, v7;
	vm12 =	vlt.s32 v18, s4;
	v15 =	vnsel vm5, $0x0, v15;
	v23, v10, _ =	vpop (xrf1)  }
0x4a8: {  	s14 =	smov.u32 @p4 s21;
	s28 =	smov.u32 @p3 s21;
	s2 =	smov.u32 s1;
	v13 =	vnsel vm12, $0x0, v14;
	v54 =	vsub.s32 v0, v12;
	v14 =	vand.u32 $0x7F, v15;
	_, v12, _ =	vpop (xrf1)  }
0x4a9: {  	v37 =	vor.u32 s14, v0;
	v57 =	vor.u32 s28, v0;
	s2 =	smov.u32 @p3 s31;
	v39 =	vsub.s32 v0, v12;
	_, v36, _ =	vpop (xrf1)  }
0x4aa: {  	vm13 =	vlt.f32 v21, v9;
	vm7 =	vlt.s32 v57, s2;
	(xrf1) =	vunique.msk.f32 $0xffff, v23;
	v38 =	vshll.u32 v39, $0xB;
	v18, v12, _ =	vpop (xrf1)  }
0x4ab: {  	v31 =	vnsel vm7, $0x0, v31;
	v55 =	vor.u32 v3, v14;
	v38 =	vadd.s32 v28, v38;
	v14, v40, _ =	vpop (xrf1);
	(xrf1) =	vunique.msk.f32 $0xffff, v18  }
0x4ac: {  	v32 =	vand.u32 $0x7F, v13;
	v41 =	vshll.u32 v13, $0x3;
	_, v56, _ =	vpop (xrf1);
	v42 =	vxor.u32 $0x80000000, v38;
	(xrf1) =	vunique.msk.f32 $0xffff, v14  }
0x4ad: {  	v35 =	vand.u32 $0xFFFFFC00, v41;
	v32 =	vor.u32 v4, v32;
	v36 =	vsub.s32 v0, v36;
	(xrf1) =	vsort.ascd.msk.u32 $0xffff, v42, v28  }
0x4ae: {  	v34 =	vshll.u32 v15, $0x3;
	v32 =	vor.u32 v35, v32;
	v36 =	vshll.u32 v36, $0xB  }
0x4af: {  	s15 =	smov.u32 @p4 s21;
	v43 =	vand.u32 $0x7F, v31;
	v34 =	vand.u32 $0xFFFFFC00, v34;
	v36 =	vadd.s32 v26, v36;
	_, v58, _ =	vpop (xrf1)  }
0x4b0: {  	p0 =	slt.s32 s15, $0x800;
	v34 =	vor.u32 v34, v55;
	v44 =	vxor.u32 $0x80000000, v36;
	_, v59, _ =	vpop (xrf1);
	v28 =	vsub.s32 v0, v58  }
0x4b1: {  	vm14 =	veq.f32 v21, v9;
	s15 =	simm.s32 @!p0 $0x800;
	v61 =	vshll.u32 v31, $0x3;
	v28 =	vshll.u32 v28, $0xB;
	_, v60, _ =	vpop (xrf1);
	(xrf1) =	vsort.ascd.msk.u32 $0xffff, v44, v26  }
0x4b2: {  	vm3 =	vlt.f32 v20, v8;
	v30 =	vld [tilespmem:s15+$0xB880];
	v62 =	vand.u32 $0xFFFFFC00, v61;
	v28 =	vadd.s32 v27, v28  }
0x4b3: {  	v63 =	vor.u32 v5, v43;
	v32 =	vld.idx.msk [tilespmem:v32+s10+$0x0], $0xffff;
	v38 =	vsub.s32 v0, v60;
	_, v43, _ =	vpop (xrf1);
	v28 =	vxor.u32 $0x80000000, v28  }
0x4b4: {  	s4 =	smov.u32 s23;
	v26 =	vor.u32 v62, v63;
	v38 =	vshll.u32 v38, $0xB;
	v46 =	vsub.s32 v0, v43;
	_, v44, _ =	vpop (xrf1);
	(xrf1) =	vsort.ascd.msk.u32 $0xffff, v28, v27  }
0x4b5: {  	vm15 =	veq.f32 v20, v8;
	s4 =	smov.u32 @p4 s22;
	v34 =	vld.idx.msk [tilespmem:v34+s10+$0x0], $0xffff;
	v38 =	vadd.s32 v52, v38;
	v28 =	vshll.u32 v46, $0xB  }
0x4b6: {  	vm6 =	vlt.s32 v37, s4;
	v45 =	vxor.u32 $0x80000000, v38;
	v28 =	vadd.s32 v53, v28  }
0x4b7: {  	v30 =	vnsel vm6, $0x0, v30;
	vm11 =	veq.f32 v22, v24;
	(xrf1) =	vsort.ascd.msk.u32 $0xffff, v45, v52;
	v28 =	vxor.u32 $0x80000000, v28  }
0x4b8: {  	v47 =	vand.u32 $0x7F, v30;
	v48 =	vshll.u32 v30, $0x3;
	v50 =	vnsel vm12, $0x7F800000, v32;
	_, v49, _ =	vpop (xrf1);
	(xrf1) =	vsort.ascd.msk.u32 $0xffff, v28, v53  }
0x4b9: {  	v25 =	vor.u32 v6, v47;
	v27 =	vand.u32 $0xFFFFFC00, v48;
	v26 =	vld.idx.msk [tilespmem:v26+s10+$0x0], $0xffff;
	(xrf1) =	vsort.ascd.msk.f32 $0xffff, v50, v13;
	v13 =	vshll.u32 v54, $0xB;
	_, v54, _ =	vpop (xrf1)  }
0x4ba: {  	v35 =	vperm.xlane v59, v7;
	v25 =	vor.u32 v27, v25;
	v52 =	vnsel vm5, $0x7F800000, v34;
	_, v55, _ =	vpop (xrf1)  }
0x4bb: {  	v53 =	vperm.xlane v56, v7;
	v51 =	vsub.s32 v0, v49;
	v13 =	vadd.s32 v19, v13;
	_, v56, _ =	vpop (xrf1)  }
0x4bc: {  	v32 =	vshll.u32 v51, $0xB;
	v13 =	vxor.u32 $0x80000000, v13;
	(xrf1) =	vsort.ascd.msk.f32 $0xffff, v52, v15;
	vm8 =	vlt.s32 v56, v35  }
0x4bd: {  	v29 =	vsub.s32 v0, v54;
	v15 =	vsub.s32 v0, v55;
	(xrf1) =	vsort.ascd.msk.u32 $0xffff, v13, v19;
	vm5 =	vmand vm14, vm8  }
0x4be: {  	v26 =	vnsel vm7, $0x7F800000, v26;
	v13 =	vadd.s32 v10, v32;
	vm5 =	vmor vm13, vm5  }
0x4bf: {  	v19 =	vshll.u32 v29, $0xB;
	_, v57, _ =	vpop (xrf1);
	(xrf1) =	vsort.ascd.msk.f32 $0xffff, v26, v31;
	v21 =	vsel vm5, v21, v9;
	v9 =	vxor.u32 $0x80000000, v13  }
0x4c0: {  	v36 =	vperm.xlane v44, v7;
	v13 =	vadd.s32 v12, v19;
	(xrf1) =	vsort.ascd.msk.u32 $0xffff, v9, v10  }
0x4c1: {  	v19 =	vsel vm5, v56, v35;
	vm12 =	vlt.s32 v57, v53;
	v13 =	vxor.u32 $0x80000000, v13  }
0x4c2: {  	v25 =	vld.idx.msk [tilespmem:v25+s10+$0x0], $0xffff;
	vm13 =	vlt.f32 v17, v21;
	v9 =	vshll.u32 v15, $0xB;
	vm7 =	vmand vm15, vm12;
	_, v15, _ =	vpop (xrf1);
	(xrf1) =	vsort.ascd.msk.u32 $0xffff, v13, v12  }
0x4c3: {  	vm14 =	veq.f32 v17, v21;
	v9 =	vadd.s32 v40, v9;
	vm3 =	vmor vm3, vm7  }
0x4c4: {  	v20 =	vsel vm3, v20, v8;
	v58 =	vsel vm3, v57, v53;
	v8 =	vxor.u32 $0x80000000, v9  }
0x4c5: {  	_, v10, _ =	vpop (xrf1);
	vm3 =	veq.f32 v16, v20;
	vm15 =	vlt.s32 v15, v58;
	(xrf1) =	vsort.ascd.msk.u32 $0xffff, v8, v40  }
0x4c6: {  	vm10 =	vlt.f32 v16, v20;
	vm9 =	vlt.s32 v10, v19;
	vm3 =	vmand vm3, vm15  }
0x4c7: {  	v9 =	vnsel vm6, $0x7F800000, v25;
	_, v12, _ =	vpop (xrf1);
	vm5 =	vmand vm14, vm9;
	vm3 =	vmor vm10, vm3  }
0x4c8: {  	(xrf1) =	vsort.ascd.msk.f32 $0xffff, v9, v30;
	v8, v13, _ =	vpop (xrf1);
	vm12 =	vlt.s32 v12, v36;
	vm4 =	vmor vm13, vm5;
	v59 =	vsel vm3, v20, v16  }
0x4c9: {  	v27 =	vsel vm3, v58, v15;
	(xrf1) =	vunique.msk.f32 $0xffff, v8;
	v60 =	vsel vm4, v21, v17;
	v61 =	vsel vm4, v19, v10  }
0x4ca: {  	v26 =	vsel vm3, v15, v58;
	v19 =	vsel vm4, v10, v19;
	v9, v15, _ =	vpop (xrf1);
	(xrf1) =	vsort.ascd.msk.f32 $0xffff, v60, v61  }
0x4cb: {  	vm2 =	vlt.f32 v22, v24;
	vm5 =	vmand vm11, vm12;
	_, v10, _ =	vpop (xrf1);
	(xrf1) =	vsort.ascd.msk.f32 $0xffff, v59, v27  }
0x4cc: {  	v20 =	vsel vm3, v16, v20;
	v17 =	vsel vm4, v17, v21;
	vm2 =	vmor vm2, vm5;
	(xrf1) =	vunique.msk.f32 $0xffff, v9  }
0x4cd: {  	s26 =	sadd.s32 $0x1, s26;
	v62 =	vsel vm2, v12, v36;
	v16 =	vperm.xlane v10, v7;
	v10, v12, _ =	vpop (xrf1);
	(xrf1) =	vsort.ascd.msk.f32 $0xffff, v20, v26  }
0x4ce: {  	p2 =	sne.s32 s9, s26;
	v22 =	vsel vm2, v22, v24;
	v20 =	vperm.xlane v11, v7;
	(xrf1) =	vsort.ascd.msk.f32 $0xffff, v17, v19;
	_, v19, _ =	vpop (xrf1)  }
.Ltmp26:
0x4cf: {  	vm2 =	veq.f32 v23, v22;
	vm3 =	vlt.s32 v19, v62;
	(pc) =	sbr.rel @p2 .LBB2_36-.Ltmp26, $4  }
0x4d0: {  	vm13 =	vlt.f32 v23, v22;
	vm14 =	veq.f32 v18, v20;
	vm2 =	vmand vm2, vm3;
	_, v21, _ =	vpop (xrf1)  }
0x4d1: {  	vm3 =	vlt.f32 v18, v20;
	vm2 =	vmor vm13, vm2;
	vm15 =	vlt.s32 v21, v16  }
0x4d2: {  	(xrf1) =	vunique.msk.f32 $0xffff, v10;
	v11 =	vsel vm2, v22, v23;
	v63 =	vsel vm2, v62, v19;
	vm4 =	vmand vm14, vm15  }
0x4d3: {  	_, v17, _ =	vpop (xrf1);
	v22 =	vsel vm2, v23, v22;
	v23 =	vsel vm2, v19, v62;
	(xrf1) =	vsort.ascd.msk.f32 $0xffff, v11, v63;
	vm2 =	vmor vm3, vm4  }
0x4d4: {  	s0 =	sld [smem:$0x7FC];
	_ =	sdelay $0x2  }
0x4d5: {  	p1 =	por $0x1, $0x1;
	p0 =	seq.s32 s0, $0x1  }
.LBB2_38:
0x4d6: {  	v4 =	vsel @p1 vm2, v18, v20;
	v5 =	vsel @p1 vm2, v21, v16  }
0x4d7: {  	vm2 =	veq.f32 @p1 v14, v4;
	vm3 =	vlt.s32 @p1 v17, v5  }
0x4d8: {  	v3, v7, _ =	vpop (xrf1);
	vm4 =	vlt.f32 @p1 v14, v4;
	vm2 =	vmand @p1 vm2, vm3  }
0x4d9: {  	(xrf1) =	vunique.msk.f32 $0xffff, v3;
	_, v6, _ =	vpop (xrf1);
	vm2 =	vmor @p1 vm4, vm2  }
0x4da: {  	v11, v16, _ =	vpop @p1 (xrf1);
	(xrf1) =	vsort.ascd.msk.f32 @p1 $0xffff, v22, v23;
	v20 =	vsel @p1 vm2, v5, v17;
	v5 =	vsel @p1 vm2, v17, v5  }
0x4db: {  	(xrf1) =	vunique.msk.f32 @p1 $0xffff, v11;
	v18, v19, _ =	vpop @p1 (xrf1)  }
0x4dc: {  	v21 =	vsel @p1 vm2, v4, v14;
	(xrf1) =	vunique.msk.f32 @p1 $0xffff, v18  }
0x4dd: {  	v4 =	vsel @p1 vm2, v14, v4;
	(xrf1) =	vsort.ascd.msk.f32 @p1 $0xffff, v21, v20  }
0x4de: {  	v6 =	vsub.s32 v0, v6;
	(xrf1) =	vsort.ascd.msk.f32 @p1 $0xffff, v4, v5;
	_, v5, _ =	vpop (xrf1)  }
0x4df: {  	v4 =	vshll.u32 v6, $0xB;
	v5 =	vsub.s32 v0, v5  }
0x4e0: {  	v4 =	vadd.s32 v13, v4;
	v5 =	vshll.u32 v5, $0xB  }
0x4e1: {  	v4 =	vxor.u32 $0x80000000, v4;
	v5 =	vadd.s32 v15, v5  }
0x4e2: {  	(xrf1) =	vsort.ascd.msk.u32 $0xffff, v4, v13;
	v4 =	vxor.u32 $0x80000000, v5;
	_ =	sdelay $0x1  }
0x4e3: {  	v14, v17, _ =	vpop @p1 (xrf1)  }
0x4e4: {  	(xrf1) =	vunique.msk.f32 @p1 $0xffff, v14;
	v13, v20, _ =	vpop @p1 (xrf1)  }
0x4e5: {  	(xrf1) =	vsort.ascd.msk.u32 $0xffff, v4, v15;
	_, v4, _ =	vpop (xrf1)  }
0x4e6: {  	(xrf1) =	vunique.msk.f32 @p1 $0xffff, v13;
	v4 =	vsub.s32 v0, v4;
	v15, v21, _ =	vpop @p1 (xrf1)  }
0x4e7: {  	v4 =	vshll.u32 v4, $0xB;
	_, v44, _ =	vpop (xrf1)  }
0x4e8: {  	v4 =	vadd.s32 v12, v4;
	v5, v23, _ =	vpop @p1 (xrf1)  }
0x4e9: {  	(xrf1) =	vunique.msk.f32 @p1 $0xffff, v15;
	v4 =	vxor.u32 $0x80000000, v4;
	_, v6, _ =	vpop @p1 (xrf1)  }
0x4ea: {  	(xrf1) =	vsort.ascd.msk.u32 $0xffff, v4, v12;
	v4 =	vsub.s32 @p1 v0, v6  }
0x4eb: {  	v4 =	vshll.u32 @p1 v4, $0xB  }
0x4ec: {  	_, v12, _ =	vpop @p1 (xrf1)  }
0x4ed: {  	(xrf1) =	vunique.msk.f32 @p1 $0xffff, v5;
	v6, v24, _ =	vpop @p1 (xrf1);
	v25 =	vadd.s32 @p1 v16, v4  }
0x4ee: {  	(xrf1) =	vunique.msk.f32 @p1 $0xffff, v6;
	v25 =	vxor.u32 @p1 $0x80000000, v25;
	v4, v26, _ =	vpop @p1 (xrf1)  }
0x4ef: {  	(xrf1) =	vunique.msk.f32 @p1 $0xffff, v4  }
0x4f0: {  	v12 =	vsub.s32 @p1 v0, v12;
	(xrf1) =	vsort.ascd.msk.u32 @p1 $0xffff, v25, v16  }
0x4f1: {  	v12 =	vshll.u32 @p1 v12, $0xB;
	_, v45, _ =	vpop (xrf1)  }
0x4f2: {  	v12 =	vadd.s32 @p1 v19, v12;
	_, v25, _ =	vpop @p1 (xrf1)  }
0x4f3: {  	v12 =	vxor.u32 @p1 $0x80000000, v12;
	_, v27, _ =	vpop (xrf1)  }
0x4f4: {  	(xrf1) =	vsort.ascd.msk.u32 @p1 $0xffff, v12, v19;
	v12 =	vsub.s32 @p1 v0, v25;
	_, v19, _ =	vpop @p1 (xrf1)  }
0x4f5: {  	v12 =	vshll.u32 @p1 v12, $0xB;
	v19 =	vsub.s32 @p1 v0, v19  }
0x4f6: {  	v12 =	vadd.s32 @p1 v17, v12;
	v19 =	vshll.u32 @p1 v19, $0xB  }
0x4f7: {  	v12 =	vxor.u32 @p1 $0x80000000, v12;
	v19 =	vadd.s32 @p1 v20, v19  }
0x4f8: {  	v11 =	vpsel p1, v11, v2;
	_, v28, _ =	vpop @p1 (xrf1);
	(xrf1) =	vsort.ascd.msk.u32 @p1 $0xffff, v12, v17;
	v12 =	vxor.u32 @p1 $0x80000000, v19  }
0x4f9: {  	v46 =	vmul.u32 $0xFFFFFFFF, v0;
	v49 =	vpsel p1, v18, v2;
	v14 =	vpsel p1, v14, v2;
	_, v47, _ =	vpop (xrf1);
	(xrf1) =	vsort.ascd.msk.u32 @p1 $0xffff, v12, v20  }
0x4fa: {  	v13 =	vpsel p1, v13, v2;
	v48 =	vpsel p1, v15, v2;
	v17 =	vsub.s32 @p1 v0, v28  }
0x4fb: {  	v50 =	vsub.s32 v0, v44;
	v25 =	vadd.s32 $0xF, v46;
	v17 =	vshll.u32 @p1 v17, $0xB;
	_, v18, _ =	vpop @p1 (xrf1)  }
0x4fc: {  	v9 =	vperm.xlane v9, v25;
	v8 =	vperm.xlane v8, v25;
	v17 =	vadd.s32 @p1 v21, v17;
	_, v22, _ =	vpop @p1 (xrf1)  }
0x4fd: {  	v27 =	vperm.xlane v27, v25;
	v16 =	vperm.xlane v45, v25;
	v17 =	vxor.u32 @p1 $0x80000000, v17;
	_, v20, _ =	vpop @p1 (xrf1)  }
0x4fe: {  	v51 =	vshll.u32 v50, $0xB;
	vm2 =	vlt.f32 v49, v8;
	vm3 =	vlt.f32 v11, v9;
	(xrf1) =	vsort.ascd.msk.u32 @p1 $0xffff, v17, v21;
	_, v21, _ =	vpop @p1 (xrf1)  }
0x4ff: {  	vm11 =	veq.f32 v11, v9;
	vm12 =	veq.f32 v49, v8;
	v21 =	vpsel p1, v21, v1  }
0x500: {  	v18 =	vsub.s32 @p1 v0, v18;
	v17 =	vadd.s32 v7, v51;
	vm5 =	vlt.s32 v21, v27  }
0x501: {  	v22 =	vsub.s32 @p1 v0, v22;
	v17 =	vxor.u32 $0x80000000, v17;
	vm4 =	vmand vm11, vm5  }
0x502: {  	v18 =	vshll.u32 @p1 v18, $0xB;
	v20 =	vsub.s32 @p1 v0, v20;
	vm3 =	vmor vm3, vm4  }
0x503: {  	v18 =	vadd.s32 @p1 v23, v18;
	(xrf1) =	vsort.ascd.msk.u32 $0xffff, v17, v7;
	v17 =	vshll.u32 @p1 v22, $0xB;
	_, v28, _ =	vpop @p1 (xrf1);
	v7 =	vsel vm3, v11, v9  }
0x504: {  	v9 =	vpsel p1, v28, v1;
	v11 =	vxor.u32 @p1 $0x80000000, v18;
	v52 =	vsel vm3, v21, v27  }
0x505: {  	vm13 =	vlt.s32 v9, v16;
	(xrf1) =	vsort.ascd.msk.u32 @p1 $0xffff, v11, v23;
	v11 =	vadd.s32 @p1 v24, v17  }
0x506: {  	vm6 =	vlt.f32 v13, v7;
	v17 =	vshll.u32 @p1 v20, $0xB;
	_, v20, _ =	vpop @p1 (xrf1);
	v11 =	vxor.u32 @p1 $0x80000000, v11  }
0x507: {  	vm3 =	veq.f32 v13, v7;
	vm4 =	vmand vm12, vm13;
	v17 =	vadd.s32 @p1 v26, v17;
	(xrf1) =	vsort.ascd.msk.u32 @p1 $0xffff, v11, v24;
	_, v15, _ =	vpop @p1 (xrf1)  }
0x508: {  	v53 =	vpsel p1, v20, v1;
	vm2 =	vmor vm2, vm4;
	v15 =	vpsel p1, v15, v1  }
0x509: {  	v11 =	vxor.u32 @p1 $0x80000000, v17;
	v8 =	vsel vm2, v49, v8;
	vm15 =	vlt.s32 v15, v52  }
0x50a: {  	v9 =	vsel vm2, v9, v16;
	vm2 =	veq.f32 v14, v8;
	vm3 =	vmand vm3, vm15  }
0x50b: {  	(xrf1) =	vsort.ascd.msk.u32 @p1 $0xffff, v11, v26;
	vm14 =	vlt.s32 v53, v9;
	vm8 =	vlt.f32 v14, v8;
	vm3 =	vmor vm6, vm3  }
0x50c: {  	vm2 =	vmand vm2, vm14;
	v54 =	vsel vm3, v7, v13;
	v55 =	vsel vm3, v52, v15  }
0x50d: {  	v5 =	vpsel p1, v5, v2;
	v6 =	vpsel p1, v6, v2;
	vm2 =	vmor vm8, vm2;
	(xrf1) =	vsort.ascd.msk.f32 $0xffff, v54, v55  }
0x50e: {  	v10 =	vperm.xlane v10, v25;
	v56 =	vsel vm2, v8, v14;
	v57 =	vsel vm2, v9, v53  }
0x50f: {  	v3 =	vperm.xlane v3, v25;
	v11 =	vperm.xlane v47, v25;
	_, v17, _ =	vpop @p1 (xrf1);
	(xrf1) =	vsort.ascd.msk.f32 $0xffff, v56, v57  }
0x510: {  	v2 =	vpsel p1, v4, v2;
	vm9 =	veq.f32 v48, v10;
	v17 =	vpsel p1, v17, v1  }
0x511: {  	vm11 =	vlt.f32 v48, v10;
	vm13 =	veq.f32 v6, v3;
	vm10 =	vlt.s32 v17, v11  }
0x512: {  	_, v59, _ =	vpop (xrf1);
	v9 =	vsel vm2, v53, v9;
	v7 =	vsel vm3, v13, v7;
	vm4 =	vmand vm9, vm10  }
0x513: {  	v58 =	vsel vm3, v15, v52;
	v8 =	vsel vm2, v14, v8;
	vm3 =	vmor vm11, vm4;
	_, v15, _ =	vpop @p1 (xrf1)  }
0x514: {  	v11 =	vsel vm3, v17, v11;
	v10 =	vsel vm3, v48, v10;
	v61 =	vpsel p1, v15, v1  }
0x515: {  	v60 =	vperm.xlane v59, v25;
	vm2 =	veq.f32 v5, v10;
	vm3 =	vlt.s32 v61, v11;
	_, v15, _ =	vpop @p1 (xrf1)  }
0x516: {  	vm12 =	vlt.f32 v5, v10;
	vm2 =	vmand vm2, vm3;
	v15 =	vpsel p1, v15, v1  }
0x517: {  	(xrf1) =	vsort.ascd.msk.f32 $0xffff, v8, v9;
	vm3 =	vlt.f32 v6, v3;
	vm2 =	vmor vm12, vm2;
	vm14 =	vlt.s32 v15, v60  }
0x518: {  	(xrf1) =	vsort.ascd.msk.f32 $0xffff, v7, v58;
	v62 =	vsel vm2, v10, v5;
	v8 =	vsel vm2, v11, v61;
	vm4 =	vmand vm13, vm14  }
0x519: {  	_, v7, _ =	vpop @p1 (xrf1);
	v5 =	vsel vm2, v5, v10;
	v9 =	vsel vm2, v61, v11;
	vm2 =	vmor vm3, vm4;
	(xrf1) =	vsort.ascd.msk.f32 $0xffff, v62, v8  }
0x51a: {  	v1 =	vpsel p1, v7, v1;
	v3 =	vsel vm2, v6, v3;
	v4 =	vsel vm2, v15, v60  }
0x51b: {  	vm2 =	veq.f32 v2, v3;
	vm3 =	vlt.s32 v1, v4;
	v6, v7, _ =	vpop (xrf1)  }
0x51c: {  	(xrf1) =	vsort.ascd.msk.f32 $0xffff, v5, v9;
	vm15 =	vlt.f32 v2, v3;
	vm2 =	vmand vm2, vm3  }
0x51d: {  	(xrf1) =	vunique.msk.f32 $0xffff, v6;
	vm2 =	vmor vm15, vm2;
	v5, v6, _ =	vpop (xrf1)  }
0x51e: {  	v8 =	vsel vm2, v4, v1;
	v9 =	vsel vm2, v3, v2;
	(xrf1) =	vunique.msk.f32 $0xffff, v5  }
0x51f: {  	v2 =	vsel vm2, v2, v3;
	v1 =	vsel vm2, v1, v4;
	(xrf1) =	vsort.ascd.msk.f32 $0xffff, v9, v8  }
0x520: {  	(xrf1) =	vsort.ascd.msk.f32 $0xffff, v2, v1;
	_ =	sdelay $0x4  }
0x521: {  	v1, v2, _ =	vpop (xrf1)  }
0x522: {  	v3, v4, _ =	vpop (xrf1);
	(xrf1) =	vunique.msk.f32 $0xffff, v1  }
0x523: {  	(xrf1) =	vunique.msk.f32 $0xffff, v3;
	v1, v5, _ =	vpop (xrf1)  }
0x524: {  	(xrf1) =	vunique.msk.f32 $0xffff, v1;
	_ =	sdelay $0x1  }
0x525: {  	v3, v8, _ =	vpop (xrf1)  }
0x526: {  	_, v1, _ =	vpop (xrf1)  }
0x527: {  	_, v9, _ =	vpop (xrf1)  }
0x528: {  	(xrf1) =	vunique.msk.f32 $0xffff, v3;
	v3, v10, _ =	vpop (xrf1)  }
0x529: {  	v11, v12, _ =	vpop (xrf1);
	(xrf1) =	vunique.msk.f32 $0xffff, v3  }
0x52a: {  	(xrf1) =	vunique.msk.f32 $0xffff, v11;
	_ =	sdelay $0x2  }
0x52b: {  	v1 =	vsub.s32 v0, v1  }
0x52c: {  	v1 =	vshll.u32 v1, $0xB  }
0x52d: {  	v1 =	vadd.s32 v7, v1;
	v3 =	vsub.s32 v0, v9;
	_, v9, _ =	vpop (xrf1)  }
0x52e: {  	v1 =	vxor.u32 $0x80000000, v1;
	v3 =	vshll.u32 v3, $0xB;
	v9 =	vsub.s32 v0, v9;
	_, v11, _ =	vpop (xrf1)  }
0x52f: {  	v3 =	vadd.s32 v6, v3;
	v9 =	vshll.u32 v9, $0xB;
	v11 =	vsub.s32 v0, v11;
	_, v63, _ =	vpop (xrf1)  }
0x530: {  	v9 =	vadd.s32 v2, v9;
	v11 =	vshll.u32 v11, $0xB;
	v13 =	vsub.s32 v0, v63  }
0x531: {  	v3 =	vxor.u32 $0x80000000, v3;
	(xrf1) =	vsort.ascd.msk.u32 $0xffff, v1, v7;
	v1 =	vxor.u32 $0x80000000, v9;
	v9 =	vshll.u32 v13, $0xB  }
0x532: {  	(xrf1) =	vsort.ascd.msk.u32 $0xffff, v3, v6;
	v6 =	vadd.s32 v5, v9;
	_ =	sdelay $0x1  }
0x533: {  	v7 =	vadd.s32 v4, v11;
	_, v11, _ =	vpop (xrf1)  }
0x534: {  	v3 =	vxor.u32 $0x80000000, v7;
	v7 =	vsub.s32 v0, v11;
	_, v9, _ =	vpop (xrf1)  }
0x535: {  	(xrf1) =	vsort.ascd.msk.u32 $0xffff, v1, v2;
	v1 =	vxor.u32 $0x80000000, v6;
	v7 =	vshll.u32 v7, $0xB;
	v2 =	vsub.s32 v0, v9;
	_, v6, _ =	vpop (xrf1)  }
0x536: {  	(xrf1) =	vsort.ascd.msk.u32 $0xffff, v3, v4;
	v4 =	vadd.s32 v8, v7;
	v3 =	vsub.s32 v0, v6;
	v2 =	vshll.u32 v2, $0xB  }
0x537: {  	(xrf1) =	vsort.ascd.msk.u32 $0xffff, v1, v5;
	v1 =	vxor.u32 $0x80000000, v4;
	v2 =	vadd.s32 v10, v2;
	v3 =	vshll.u32 v3, $0xB  }
0x538: {  	(xrf1) =	vsort.ascd.msk.u32 $0xffff, v1, v8;
	v1 =	vxor.u32 $0x80000000, v2;
	v2 =	vadd.s32 v12, v3  }
0x539: {  	v2 =	vxor.u32 $0x80000000, v2;
	(xrf1) =	vsort.ascd.msk.u32 $0xffff, v1, v10  }
0x53a: {  	(xrf1) =	vsort.ascd.msk.u32 $0xffff, v2, v12;
	_ =	sdelay $0x6  }
0x53b: {  	_, v1, _ =	vpop (xrf1)  }
0x53c: {  	_, v2, _ =	vpop (xrf1)  }
0x53d: {  	_, v3, _ =	vpop (xrf1)  }
.Ltmp27:
0x53e: {  	_, v4, _ =	vpop (xrf1);
	(pc) =	sbr.rel .LBB2_39-.Ltmp27, $4  }
0x53f: {  	_, v5, _ =	vpop (xrf1)  }
0x540: {  	_, v6, _ =	vpop (xrf1)  }
0x541: {  	_, v7, _ =	vpop (xrf1)  }
0x542: {  	_, v8, _ =	vpop (xrf1)  }
.LBB2_33:
.Ltmp28:
0x543: {  	(pc) =	sbr.rel .LBB2_38-.Ltmp28, $3  }
0x544: {  	_ =	sdelay $0x1  }
0x545: {  	v18 =	vimm.f32 $+Inf  }
0x546: {  	v21 =	vimm.s32 $0x0;
	v14 =	vimm.f32 $+Inf;
	v17 =	vimm.s32 $0x0  }
.LBB2_35:
.Ltmp29:
0x547: {  	(pc) =	sbr.rel .LBB2_38-.Ltmp29, $3  }
0x548: {  	s0 =	sld [smem:$0x7FC];
	_ =	sdelay $0x1  }
0x549: {  	v18 =	vimm.f32 $+Inf  }
0x54a: {  	v21 =	vimm.s32 $0x0;
	v14 =	vimm.f32 $+Inf;
	v17 =	vimm.s32 $0x0;
	p1 =	por $0x1, $0x1;
	p0 =	seq.s32 s0, $0x1  }
.LBB2_42:
0x54b: {  	_ =	sfence.sel $0x180000  }
0x54c: {  	[bflag:$0x0] =	sbarrier.arrive $0xFFFF  }
0x54d: {  	_ =	strace $0x90000047  }
0x54e: {  	s0 =	stileid.u32;
	[bflag:$0x2] =	sbarrier.arrive $0xFFFF  }
0x54f: {  	p0 =	sne.s32 s0, $0x0;
	s0 =	rddreg [dreg:$0x2]  }
0x550: {  	s0 =	sadd.s32 @!p0 $0x100000, s0  }
0x551: {  	[sflag:s0] =	ssyncadd.tile.s32 @!p0 $0x1;
	_ =	shalt  }
.Lfunc_end2:
_tile_overlayer_lowered:
.L_overlay_start_2:
0x552: {  	(tag) =	ssettag $0x2  }
0x553: {  	s0 =	rddreg [dreg:$0x0];
	s2 =	stileid.u32  }
0x554: {  	s1 =	rddreg [dreg:$0x1];
	p0 =	sne.s32 s2, $0x0  }
0x555: {  	s3 =	rddreg [dreg:$0x2];
	[bflag:$0x3] =	sbarrier.arrive $0xFFFF;
	s2 =	simm.s32 @!p0 $0x1C03  }
0x556: {  	[timem:s3], [sflag:s2] =	dma.local @!p0 [hbm:s0], s1  }
0x557: {  	s0 =	simm.s32 @!p0 $0x3  }
0x558: {  	_ =	swait.ge @!p0 [sflag:s0], s1  }
0x559: {  	s1 =	ssub.s32 @!p0 $0x0, s1;
	[sflag:s0] =	ssyncset.done @!p0 $0x0  }
0x55a: {  	[sflag:s0] =	ssyncadd.s32 @!p0 s1  }
0x55b: {  	[bflag:$0x3] =	sbarrier.arrive $0xFFFF  }
0x55c: {  	_ =	shalt  }

</sc_bundles>
